<compile_context>
chip_gen: v7x
topology: tpu7x:2x2x1
jax: 0.10.2.dev20260603
libtpu: 0.0.44.dev20260713+nightly
codegen_flags: <defaults>
</compile_context>

<pallas_src>
import functools

import jax
import jax.numpy as jnp
from jax import lax
from jax.experimental import pallas as pl
from jax.experimental.pallas import tpu as pltpu, tpu_sc as plsc


def _build_sc_kernel(B, C, Tp, Hp, Wp, Tout, CP):
    info = plsc.get_sparse_core_info()
    NC, NS, LANES = info.num_cores, info.num_subcores, info.num_lanes
    NW = NC * NS
    L = Hp * Wp
    Wout = 2 * Wp
    n_tasks = B * Tp * Hp
    assert n_tasks % (2 * NW) == 0 and C % LANES == 0
    per_tile = n_tasks // NW
    blk = Wp * C
    row_out = Wout * CP
    slab = 2 * row_out

    mesh = plsc.VectorSubcoreMesh(core_axis_name="c", subcore_axis_name="s")

    @functools.partial(
        pl.kernel,
        mesh=mesh,
        out_type=jax.ShapeDtypeStruct((B * Tout * 2 * Hp * row_out,), jnp.float32),
        compiler_params=pltpu.CompilerParams(needs_layout_passes=False),
        scratch_types=[
            pltpu.VMEM((2 * blk,), jnp.float32),
            pltpu.VMEM((2 * blk,), jnp.int32),
            pltpu.VMEM((4 * blk,), jnp.int32),
            pltpu.VMEM((4 * slab,), jnp.float32),
            pltpu.SemaphoreType.DMA,
            pltpu.SemaphoreType.DMA,
            pltpu.SemaphoreType.DMA,
            pltpu.SemaphoreType.DMA,
        ],
    )
    def k(x_hbm, ot_hbm, is_hbm, out_hbm, xv, otv, isv, outv, siA, siB, soA, soB):
        wid = lax.axis_index("s") * NC + lax.axis_index("c")
        zero16 = jnp.zeros((LANES,), jnp.float32)
        si = (siA, siB)
        so = (soA, soB)

        def decomp(task):
            bp = task // Hp
            hp = task - bp * Hp
            b = bp // Tp
            p = bp - b * Tp
            return b, p, hp

        def in_srcs(task):
            task = jnp.minimum(task, n_tasks - 1)
            b, p, hp = decomp(task)
            xs = x_hbm.at[pl.ds(((b * Hp + hp) * Tp + p) * blk, blk)]
            os_ = ot_hbm.at[pl.ds(((b * Tp + p) * L + hp * Wp) * C, blk)]
            r0 = (((2 * p) * B + b) * Hp + hp) * blk
            bstep = B * Hp * blk
            is0 = is_hbm.at[pl.ds(r0, blk)]
            is1 = is_hbm.at[pl.ds(r0 + bstep, blk)]
            return xs, os_, is0, is1

        def in_dsts(ph):
            return (xv.at[pl.ds(ph * blk, blk)],
                    otv.at[pl.ds(ph * blk, blk)],
                    isv.at[pl.ds(2 * ph * blk, blk)],
                    isv.at[pl.ds((2 * ph + 1) * blk, blk)])

        def in_start(task, ph):
            for s, d in zip(in_srcs(task), in_dsts(ph)):
                pltpu.async_copy(s, d, si[ph])

        def in_wait(ph):
            for s, d in zip(in_srcs(0), in_dsts(ph)):
                pltpu.make_async_copy(s, d, si[ph]).wait()

        def out_parts(task, ph):
            b, p, hp = decomp(task)
            base = ((b * Tout + 2 * p) * Hp + hp) * slab
            hstep = Hp * slab
            return ((outv.at[pl.ds(2 * ph * slab, slab)],
                     out_hbm.at[pl.ds(base, slab)]),
                    (outv.at[pl.ds((2 * ph + 1) * slab, slab)],
                     out_hbm.at[pl.ds(base + hstep, slab)]))

        def out_start(task, ph):
            for s, d in out_parts(task, ph):
                pltpu.async_copy(s, d, so[ph])

        def out_wait(ph):
            for s, d in out_parts(0, ph):
                pltpu.make_async_copy(s, d, so[ph]).wait()

        def compute(task, ph):
            b, p, hp = decomp(task)

            def make_body(tt):
                obase = (2 * ph + tt) * slab

                def body(wp, _):
                    ubase = 2 * hp * Wout + 2 * wp
                    for cb in range(0, C, LANES):
                        val = xv[pl.ds(ph * blk + wp * C + cb, LANES)]
                        o = otv[pl.ds(ph * blk + wp * C + cb, LANES)]
                        s = isv[pl.ds((2 * ph + tt) * blk + wp * C + cb, LANES)]
                        u = s - ubase
                        mt = o == (2 * p + tt)
                        for oh in (0, 1):
                            for ow in (0, 1):
                                m = jnp.logical_and(u == (oh * Wout + ow), mt)
                                res = jnp.where(m, val, zero16)
                                pos = obase + oh * row_out + (2 * wp + ow) * CP + cb
                                outv[pl.ds(pos, LANES)] = res
                    return 0
                return body

            lax.fori_loop(0, Wp, make_body(0), 0)
            lax.fori_loop(0, Wp, make_body(1), 0)

        first = wid * per_tile
        in_start(first, 0)

        def step(kk, _):
            t0 = first + 2 * kk
            in_start(t0 + 1, 1)
            in_wait(0)

            @pl.when(kk > 0)
            def _():
                out_wait(0)

            compute(t0, 0)
            out_start(t0, 0)
            in_start(t0 + 2, 0)
            in_wait(1)

            @pl.when(kk > 0)
            def _():
                out_wait(1)

            compute(t0 + 1, 1)
            out_start(t0 + 1, 1)
            return 0

        lax.fori_loop(0, per_tile // 2, step, 0)
        out_wait(0)
        out_wait(1)
        in_wait(0)

    return k


def kernel(x, inds_spatial, inds_temporal, siz):
    B, C, Tp, Hp, Wp = x.shape
    Tout = inds_spatial.shape[0]
    Hout, Wout = 2 * Hp, 2 * Wp
    CP = 128

    xP = jnp.transpose(x, (0, 3, 2, 4, 1)).reshape(-1)
    otP = jnp.transpose(inds_temporal, (1, 3, 0, 2)).reshape(-1)
    isP = jnp.transpose(inds_spatial, (0, 1, 3, 4, 2)).reshape(-1)

    k = _build_sc_kernel(B, C, Tp, Hp, Wp, Tout, CP)
    out_flat = k(xP, otP, isP)
    out5 = out_flat.reshape(B, Tout, Hout, Wout, CP)
    return jnp.transpose(out5, (0, 4, 1, 2, 3))[:, :C]

# --- scband reference (transcript-rebuilt; emitter-appended) ---
"""Pipeline reference for scband-max-unpool-11991548690485 (READ-ONLY COPY).

The authoritative reference and input builder live on the scoring server;
editing this copy changes nothing except your own understanding.
"""

import jax, jax.numpy as jnp
import numpy as np


def _unpool1d(xl, ind, Lout):
    B, C, P = xl.shape
    b = jnp.arange(B)[:, None, None]
    c = jnp.arange(C)[None, :, None]
    return jnp.zeros((B, C, Lout), xl.dtype).at[b, c, ind].set(xl)


def _unpool2d(xt, ind, Hout, Wout):
    B, C, Hp, Wp = xt.shape
    xf = xt.reshape(B, C, Hp * Wp)
    indf = ind.reshape(B, C, Hp * Wp)
    b = jnp.arange(B)[:, None, None]
    c = jnp.arange(C)[None, :, None]
    outf = jnp.zeros((B, C, Hout * Wout), xt.dtype).at[b, c, indf].set(xf)
    return outf.reshape(B, C, Hout, Wout)


def setup_inputs(seed: int = 0) -> dict:
    key = jax.random.key(seed)
    k1, k2, k3, k4 = jax.random.split(key, 4)
    B, C, Tp, Hp, Wp = 2, 96, 8, 28, 28
    Tout, Hout, Wout = 16, 56, 56
    x = jax.random.normal(k1, (B, C, Tp, Hp, Wp), dtype=jnp.float32)
    # valid MaxUnpool1d indices: each pooled temporal position p maps into window [2p, 2p+1]
    off_t = jax.random.randint(k2, (Hp * Wp, B, C, Tp), 0, 2)
    inds_temporal = (2 * jnp.arange(Tp)[None, None, None, :] + off_t).astype(jnp.int32)
    # valid MaxUnpool2d indices: pooled (h, w) maps into 2x2 window, flattened over (Hout, Wout)
    off_h = jax.random.randint(k3, (Tout, B, C, Hp, Wp), 0, 2)
    off_w = jax.random.randint(k4, (Tout, B, C, Hp, Wp), 0, 2)
    rows = 2 * jnp.arange(Hp)[None, None, None, :, None] + off_h
    cols = 2 * jnp.arange(Wp)[None, None, None, None, :] + off_w
    inds_spatial = (rows * Wout + cols).astype(jnp.int32)
    siz = np.array([B, C, Tout, Hout, Wout], dtype=np.int64)
    return {"x": x, "inds_spatial": inds_spatial, "inds_temporal": inds_temporal, "siz": siz}


def reference(x, inds_spatial, inds_temporal, siz):
    T = 2
    B, C, Tp = x.shape[0], x.shape[1], x.shape[2]
    spatial_shape = x.shape[T + 1:]
    L = int(np.prod(spatial_shape))
    Tout = inds_spatial.shape[0]
    Hout = 2 * spatial_shape[0]
    Wout = 2 * spatial_shape[1]
    # temporal unpool: reshape to [B, C, Tp, L], unpool each spatial location L along time
    x_1d = x.reshape(B, C, Tp, L)
    xl = jnp.moveaxis(x_1d, -1, 0)  # [L, B, C, Tp]
    unp_t = jax.vmap(lambda xx, ii: _unpool1d(xx, ii, Tout))(xl, inds_temporal)  # [L, B, C, Tout]
    x_unpool_temporal = jnp.moveaxis(unp_t, 0, -1).reshape(B, C, Tout, *spatial_shape)
    # spatial unpool: per time step t
    xt = jnp.moveaxis(x_unpool_temporal, T, 0)  # [Tout, B, C, Hp, Wp]
    unp_s = jax.vmap(lambda xx, ii: _unpool2d(xx, ii, Hout, Wout))(xt, inds_spatial)  # [Tout, B, C, Hout, Wout]
    out = jnp.moveaxis(unp_s, 0, T)  # [B, C, Tout, Hout, Wout]
    return out + (siz[0] * 0).astype(out.dtype)

if __name__ == "__main__":
    import jax
    _d = setup_inputs()
    print(jax.jit(kernel)(*tuple(_d.values())))

</pallas_src>

<mosaic_0001>
#map = affine_map<(d0, d1) -> (0)>
module attributes {stable_mosaic.version = 14 : i64} {
  func.func @k(%arg0: i32, %arg1: i32, %arg2: memref<1204224xf32, #tpu.memory_space<hbm>>, %arg3: memref<1204224xi32, #tpu.memory_space<hbm>>, %arg4: memref<2408448xi32, #tpu.memory_space<hbm>>, %arg5: memref<12845056xf32, #tpu.memory_space<hbm>>, %arg6: memref<5376xf32, #tpu.memory_space<vmem>>, %arg7: memref<5376xi32, #tpu.memory_space<vmem>>, %arg8: memref<10752xi32, #tpu.memory_space<vmem>>, %arg9: memref<57344xf32, #tpu.memory_space<vmem>>, %arg10: memref<!tpu.dma_semaphore, #tpu.memory_space<semaphore_mem>>, %arg11: memref<!tpu.dma_semaphore, #tpu.memory_space<semaphore_mem>>, %arg12: memref<!tpu.dma_semaphore, #tpu.memory_space<semaphore_mem>>, %arg13: memref<!tpu.dma_semaphore, #tpu.memory_space<semaphore_mem>>) attributes {dimension_semantics = [#tpu.dimension_semantics<core_parallel>, #tpu.dimension_semantics<subcore_parallel>], iteration_bounds = array<i64: 2, 16>, scalar_prefetch = 0 : i64, scratch_operands = 8 : i64, tpu.core_type = #tpu.core_type<sc_vector_subcore>, window_params = [{transform_indices = #map}, {transform_indices = #map}, {transform_indices = #map}, {transform_indices = #map}]} {
    %mul3A = arith.constant 2 : i32
    %mul3A_0 = arith.muli %arg1, %mul3A : i32
    %add3A = arith.addi %mul3A_0, %arg0 : i32
    %broadcast_in_dim3A = arith.constant 0.000000e+00 : f32
    %broadcast_in_dim3A_1 = vector.broadcast %broadcast_in_dim3A : f32 to vector<16xf32>
    %mul3A_2 = arith.constant 14 : i32
    %mul3A_3 = arith.muli %add3A, %mul3A_2 : i32
    %min3A = arith.constant 447 : i32
    %min3A_4 = arith.minsi %mul3A_3, %min3A : i32
    %jit3A = arith.constant 28 : i32
    %div3A = arith.divsi %min3A_4, %jit3A : i32
    %sign3A = arith.constant 0 : i32
    %sign3A_5 = arith.cmpi sgt, %min3A_4, %sign3A : i32
    %sign3A_6 = arith.extui %sign3A_5 : i1 to i32
    %sign3A_7 = arith.constant 0 : i32
    %sign3A_8 = arith.cmpi slt, %min3A_4, %sign3A_7 : i32
    %sign3A_9 = arith.extui %sign3A_8 : i1 to i32
    %sign3A_10 = arith.subi %sign3A_6, %sign3A_9 : i32
    %sign3A_11 = arith.constant 0 : i32
    %sign3A_12 = arith.cmpi sgt, %jit3A, %sign3A_11 : i32
    %sign3A_13 = arith.extui %sign3A_12 : i1 to i32
    %sign3A_14 = arith.constant 0 : i32
    %sign3A_15 = arith.cmpi slt, %jit3A, %sign3A_14 : i32
    %sign3A_16 = arith.extui %sign3A_15 : i1 to i32
    %sign3A_17 = arith.subi %sign3A_13, %sign3A_16 : i32
    %ne3A = arith.cmpi ne, %sign3A_10, %sign3A_17 : i32
    %rem3A = arith.remsi %min3A_4, %jit3A : i32
    %ne3A_18 = arith.constant 0 : i32
    %ne3A_19 = arith.cmpi ne, %rem3A, %ne3A_18 : i32
    %and3A = arith.andi %ne3A, %ne3A_19 : i1
    %sub3A = arith.constant 1 : i32
    %sub3A_20 = arith.subi %div3A, %sub3A : i32
    %select_n3A = arith.select %and3A, %sub3A_20, %div3A : i32
    %mul3A_21 = arith.constant 28 : i32
    %mul3A_22 = arith.muli %select_n3A, %mul3A_21 : i32
    %sub3A_23 = arith.subi %min3A_4, %mul3A_22 : i32
    %jit3A_24 = arith.constant 8 : i32
    %div3A_25 = arith.divsi %select_n3A, %jit3A_24 : i32
    %sign3A_26 = arith.constant 0 : i32
    %sign3A_27 = arith.cmpi sgt, %select_n3A, %sign3A_26 : i32
    %sign3A_28 = arith.extui %sign3A_27 : i1 to i32
    %sign3A_29 = arith.constant 0 : i32
    %sign3A_30 = arith.cmpi slt, %select_n3A, %sign3A_29 : i32
    %sign3A_31 = arith.extui %sign3A_30 : i1 to i32
    %sign3A_32 = arith.subi %sign3A_28, %sign3A_31 : i32
    %sign3A_33 = arith.constant 0 : i32
    %sign3A_34 = arith.cmpi sgt, %jit3A_24, %sign3A_33 : i32
    %sign3A_35 = arith.extui %sign3A_34 : i1 to i32
    %sign3A_36 = arith.constant 0 : i32
    %sign3A_37 = arith.cmpi slt, %jit3A_24, %sign3A_36 : i32
    %sign3A_38 = arith.extui %sign3A_37 : i1 to i32
    %sign3A_39 = arith.subi %sign3A_35, %sign3A_38 : i32
    %ne3A_40 = arith.cmpi ne, %sign3A_32, %sign3A_39 : i32
    %rem3A_41 = arith.remsi %select_n3A, %jit3A_24 : i32
    %ne3A_42 = arith.constant 0 : i32
    %ne3A_43 = arith.cmpi ne, %rem3A_41, %ne3A_42 : i32
    %and3A_44 = arith.andi %ne3A_40, %ne3A_43 : i1
    %sub3A_45 = arith.constant 1 : i32
    %sub3A_46 = arith.subi %div3A_25, %sub3A_45 : i32
    %select_n3A_47 = arith.select %and3A_44, %sub3A_46, %div3A_25 : i32
    %mul3A_48 = arith.constant 8 : i32
    %mul3A_49 = arith.muli %select_n3A_47, %mul3A_48 : i32
    %sub3A_50 = arith.subi %select_n3A, %mul3A_49 : i32
    %mul3A_51 = arith.constant 28 : i32
    %mul3A_52 = arith.muli %select_n3A_47, %mul3A_51 : i32
    %add3A_53 = arith.addi %mul3A_52, %sub3A_23 : i32
    %mul3A_54 = arith.constant 8 : i32
    %mul3A_55 = arith.muli %add3A_53, %mul3A_54 : i32
    %add3A_56 = arith.addi %mul3A_55, %sub3A_50 : i32
    %mul3A_57 = arith.constant 2688 : i32
    %mul3A_58 = arith.muli %add3A_56, %mul3A_57 : i32
    %mul3A_59 = arith.constant 8 : i32
    %mul3A_60 = arith.muli %select_n3A_47, %mul3A_59 : i32
    %add3A_61 = arith.addi %mul3A_60, %sub3A_50 : i32
    %mul3A_62 = arith.constant 784 : i32
    %mul3A_63 = arith.muli %add3A_61, %mul3A_62 : i32
    %mul3A_64 = arith.constant 28 : i32
    %mul3A_65 = arith.muli %sub3A_23, %mul3A_64 : i32
    %add3A_66 = arith.addi %mul3A_63, %mul3A_65 : i32
    %mul3A_67 = arith.constant 96 : i32
    %mul3A_68 = arith.muli %add3A_66, %mul3A_67 : i32
    %mul3A_69 = arith.constant 2 : i32
    %mul3A_70 = arith.muli %mul3A_69, %sub3A_50 : i32
    %mul3A_71 = arith.constant 2 : i32
    %mul3A_72 = arith.muli %mul3A_70, %mul3A_71 : i32
    %add3A_73 = arith.addi %mul3A_72, %select_n3A_47 : i32
    %mul3A_74 = arith.constant 28 : i32
    %mul3A_75 = arith.muli %add3A_73, %mul3A_74 : i32
    %add3A_76 = arith.addi %mul3A_75, %sub3A_23 : i32
    %mul3A_77 = arith.constant 2688 : i32
    %mul3A_78 = arith.muli %add3A_76, %mul3A_77 : i32
    %add3A_79 = arith.constant 150528 : i32
    %add3A_80 = arith.addi %mul3A_78, %add3A_79 : i32
    %dma_start3A = arith.constant 0 : i32
    %dma_start3A_81 = tpu.memref_slice %arg6[%dma_start3A] : memref<5376xf32, #tpu.memory_space<vmem>> -> memref<2688xf32, #tpu.memory_space<vmem>>
    %dma_start3A_82 = tpu.memref_slice %arg2[%mul3A_58] : memref<1204224xf32, #tpu.memory_space<hbm>> -> memref<2688xf32, #tpu.memory_space<hbm>>
    %dma_start3A_83 = arith.constant 0 : i32
    %dma_start3A_84 = tpu.memref_slice %arg6[%dma_start3A_83] : memref<5376xf32, #tpu.memory_space<vmem>> -> memref<2688xf32, #tpu.memory_space<vmem>>
    %dma_start3A_85 = tpu.memref_slice %arg2[%mul3A_58] : memref<1204224xf32, #tpu.memory_space<hbm>> -> memref<2688xf32, #tpu.memory_space<hbm>>
    tpu.enqueue_dma source(%dma_start3A_85 : memref<2688xf32, #tpu.memory_space<hbm>>) target(%dma_start3A_84 : memref<2688xf32, #tpu.memory_space<vmem>>) target_semaphore(%arg10 : memref<!tpu.dma_semaphore, #tpu.memory_space<semaphore_mem>>)
    %dma_start3A_86 = arith.constant 0 : i32
    %dma_start3A_87 = tpu.memref_slice %arg7[%dma_start3A_86] : memref<5376xi32, #tpu.memory_space<vmem>> -> memref<2688xi32, #tpu.memory_space<vmem>>
    %dma_start3A_88 = tpu.memref_slice %arg3[%mul3A_68] : memref<1204224xi32, #tpu.memory_space<hbm>> -> memref<2688xi32, #tpu.memory_space<hbm>>
    %dma_start3A_89 = arith.constant 0 : i32
    %dma_start3A_90 = tpu.memref_slice %arg7[%dma_start3A_89] : memref<5376xi32, #tpu.memory_space<vmem>> -> memref<2688xi32, #tpu.memory_space<vmem>>
    %dma_start3A_91 = tpu.memref_slice %arg3[%mul3A_68] : memref<1204224xi32, #tpu.memory_space<hbm>> -> memref<2688xi32, #tpu.memory_space<hbm>>
    tpu.enqueue_dma source(%dma_start3A_91 : memref<2688xi32, #tpu.memory_space<hbm>>) target(%dma_start3A_90 : memref<2688xi32, #tpu.memory_space<vmem>>) target_semaphore(%arg10 : memref<!tpu.dma_semaphore, #tpu.memory_space<semaphore_mem>>)
    %dma_start3A_92 = arith.constant 0 : i32
    %dma_start3A_93 = tpu.memref_slice %arg8[%dma_start3A_92] : memref<10752xi32, #tpu.memory_space<vmem>> -> memref<2688xi32, #tpu.memory_space<vmem>>
    %dma_start3A_94 = tpu.memref_slice %arg4[%mul3A_78] : memref<2408448xi32, #tpu.memory_space<hbm>> -> memref<2688xi32, #tpu.memory_space<hbm>>
    %dma_start3A_95 = arith.constant 0 : i32
    %dma_start3A_96 = tpu.memref_slice %arg8[%dma_start3A_95] : memref<10752xi32, #tpu.memory_space<vmem>> -> memref<2688xi32, #tpu.memory_space<vmem>>
    %dma_start3A_97 = tpu.memref_slice %arg4[%mul3A_78] : memref<2408448xi32, #tpu.memory_space<hbm>> -> memref<2688xi32, #tpu.memory_space<hbm>>
    tpu.enqueue_dma source(%dma_start3A_97 : memref<2688xi32, #tpu.memory_space<hbm>>) target(%dma_start3A_96 : memref<2688xi32, #tpu.memory_space<vmem>>) target_semaphore(%arg10 : memref<!tpu.dma_semaphore, #tpu.memory_space<semaphore_mem>>)
    %dma_start3A_98 = arith.constant 2688 : i32
    %dma_start3A_99 = tpu.memref_slice %arg8[%dma_start3A_98] : memref<10752xi32, #tpu.memory_space<vmem>> -> memref<2688xi32, #tpu.memory_space<vmem>>
    %dma_start3A_100 = tpu.memref_slice %arg4[%add3A_80] : memref<2408448xi32, #tpu.memory_space<hbm>> -> memref<2688xi32, #tpu.memory_space<hbm>>
    %dma_start3A_101 = arith.constant 2688 : i32
    %dma_start3A_102 = tpu.memref_slice %arg8[%dma_start3A_101] : memref<10752xi32, #tpu.memory_space<vmem>> -> memref<2688xi32, #tpu.memory_space<vmem>>
    %dma_start3A_103 = tpu.memref_slice %arg4[%add3A_80] : memref<2408448xi32, #tpu.memory_space<hbm>> -> memref<2688xi32, #tpu.memory_space<hbm>>
    tpu.enqueue_dma source(%dma_start3A_103 : memref<2688xi32, #tpu.memory_space<hbm>>) target(%dma_start3A_102 : memref<2688xi32, #tpu.memory_space<vmem>>) target_semaphore(%arg10 : memref<!tpu.dma_semaphore, #tpu.memory_space<semaphore_mem>>)
    %scan3A = arith.constant 0 : i32
    %scan3A_104 = arith.constant 0 : i32
    %scan3A_105 = arith.constant 7 : i32
    %scan3A_106 = arith.addi %scan3A_104, %scan3A_105 : i32
    %scan3A_107 = arith.constant 1 : i32
    %scan3A_108 = scf.for %scan3A_252 = %scan3A_104 to %scan3A_106 step %scan3A_107 iter_args(%scan3A_253 = %scan3A) -> (i32)  : i32 {
      %mul3A_254 = arith.constant 2 : i32
      %mul3A_255 = arith.muli %mul3A_254, %scan3A_252 : i32
      %add3A_256 = arith.addi %mul3A_3, %mul3A_255 : i32
      %add3A_257 = arith.constant 1 : i32
      %add3A_258 = arith.addi %add3A_256, %add3A_257 : i32
      %min3A_259 = arith.constant 447 : i32
      %min3A_260 = arith.minsi %add3A_258, %min3A_259 : i32
      %jit3A_261 = arith.constant 28 : i32
      %div3A_262 = arith.divsi %min3A_260, %jit3A_261 : i32
      %sign3A_263 = arith.constant 0 : i32
      %sign3A_264 = arith.cmpi sgt, %min3A_260, %sign3A_263 : i32
      %sign3A_265 = arith.extui %sign3A_264 : i1 to i32
      %sign3A_266 = arith.constant 0 : i32
      %sign3A_267 = arith.cmpi slt, %min3A_260, %sign3A_266 : i32
      %sign3A_268 = arith.extui %sign3A_267 : i1 to i32
      %sign3A_269 = arith.subi %sign3A_265, %sign3A_268 : i32
      %sign3A_270 = arith.constant 0 : i32
      %sign3A_271 = arith.cmpi sgt, %jit3A_261, %sign3A_270 : i32
      %sign3A_272 = arith.extui %sign3A_271 : i1 to i32
      %sign3A_273 = arith.constant 0 : i32
      %sign3A_274 = arith.cmpi slt, %jit3A_261, %sign3A_273 : i32
      %sign3A_275 = arith.extui %sign3A_274 : i1 to i32
      %sign3A_276 = arith.subi %sign3A_272, %sign3A_275 : i32
      %ne3A_277 = arith.cmpi ne, %sign3A_269, %sign3A_276 : i32
      %rem3A_278 = arith.remsi %min3A_260, %jit3A_261 : i32
      %ne3A_279 = arith.constant 0 : i32
      %ne3A_280 = arith.cmpi ne, %rem3A_278, %ne3A_279 : i32
      %and3A_281 = arith.andi %ne3A_277, %ne3A_280 : i1
      %sub3A_282 = arith.constant 1 : i32
      %sub3A_283 = arith.subi %div3A_262, %sub3A_282 : i32
      %select_n3A_284 = arith.select %and3A_281, %sub3A_283, %div3A_262 : i32
      %mul3A_285 = arith.constant 28 : i32
      %mul3A_286 = arith.muli %select_n3A_284, %mul3A_285 : i32
      %sub3A_287 = arith.subi %min3A_260, %mul3A_286 : i32
      %jit3A_288 = arith.constant 8 : i32
      %div3A_289 = arith.divsi %select_n3A_284, %jit3A_288 : i32
      %sign3A_290 = arith.constant 0 : i32
      %sign3A_291 = arith.cmpi sgt, %select_n3A_284, %sign3A_290 : i32
      %sign3A_292 = arith.extui %sign3A_291 : i1 to i32
      %sign3A_293 = arith.constant 0 : i32
      %sign3A_294 = arith.cmpi slt, %select_n3A_284, %sign3A_293 : i32
      %sign3A_295 = arith.extui %sign3A_294 : i1 to i32
      %sign3A_296 = arith.subi %sign3A_292, %sign3A_295 : i32
      %sign3A_297 = arith.constant 0 : i32
      %sign3A_298 = arith.cmpi sgt, %jit3A_288, %sign3A_297 : i32
      %sign3A_299 = arith.extui %sign3A_298 : i1 to i32
      %sign3A_300 = arith.constant 0 : i32
      %sign3A_301 = arith.cmpi slt, %jit3A_288, %sign3A_300 : i32
      %sign3A_302 = arith.extui %sign3A_301 : i1 to i32
      %sign3A_303 = arith.subi %sign3A_299, %sign3A_302 : i32
      %ne3A_304 = arith.cmpi ne, %sign3A_296, %sign3A_303 : i32
      %rem3A_305 = arith.remsi %select_n3A_284, %jit3A_288 : i32
      %ne3A_306 = arith.constant 0 : i32
      %ne3A_307 = arith.cmpi ne, %rem3A_305, %ne3A_306 : i32
      %and3A_308 = arith.andi %ne3A_304, %ne3A_307 : i1
      %sub3A_309 = arith.constant 1 : i32
      %sub3A_310 = arith.subi %div3A_289, %sub3A_309 : i32
      %select_n3A_311 = arith.select %and3A_308, %sub3A_310, %div3A_289 : i32
      %mul3A_312 = arith.constant 8 : i32
      %mul3A_313 = arith.muli %select_n3A_311, %mul3A_312 : i32
      %sub3A_314 = arith.subi %select_n3A_284, %mul3A_313 : i32
      %mul3A_315 = arith.constant 28 : i32
      %mul3A_316 = arith.muli %select_n3A_311, %mul3A_315 : i32
      %add3A_317 = arith.addi %mul3A_316, %sub3A_287 : i32
      %mul3A_318 = arith.constant 8 : i32
      %mul3A_319 = arith.muli %add3A_317, %mul3A_318 : i32
      %add3A_320 = arith.addi %mul3A_319, %sub3A_314 : i32
      %mul3A_321 = arith.constant 2688 : i32
      %mul3A_322 = arith.muli %add3A_320, %mul3A_321 : i32
      %mul3A_323 = arith.constant 8 : i32
      %mul3A_324 = arith.muli %select_n3A_311, %mul3A_323 : i32
      %add3A_325 = arith.addi %mul3A_324, %sub3A_314 : i32
      %mul3A_326 = arith.constant 784 : i32
      %mul3A_327 = arith.muli %add3A_325, %mul3A_326 : i32
      %mul3A_328 = arith.constant 28 : i32
      %mul3A_329 = arith.muli %sub3A_287, %mul3A_328 : i32
      %add3A_330 = arith.addi %mul3A_327, %mul3A_329 : i32
      %mul3A_331 = arith.constant 96 : i32
      %mul3A_332 = arith.muli %add3A_330, %mul3A_331 : i32
      %mul3A_333 = arith.constant 2 : i32
      %mul3A_334 = arith.muli %mul3A_333, %sub3A_314 : i32
      %mul3A_335 = arith.constant 2 : i32
      %mul3A_336 = arith.muli %mul3A_334, %mul3A_335 : i32
      %add3A_337 = arith.addi %mul3A_336, %select_n3A_311 : i32
      %mul3A_338 = arith.constant 28 : i32
      %mul3A_339 = arith.muli %add3A_337, %mul3A_338 : i32
      %add3A_340 = arith.addi %mul3A_339, %sub3A_287 : i32
      %mul3A_341 = arith.constant 2688 : i32
      %mul3A_342 = arith.muli %add3A_340, %mul3A_341 : i32
      %add3A_343 = arith.constant 150528 : i32
      %add3A_344 = arith.addi %mul3A_342, %add3A_343 : i32
      %dma_start3A_345 = arith.constant 2688 : i32
      %dma_start3A_346 = tpu.memref_slice %arg6[%dma_start3A_345] : memref<5376xf32, #tpu.memory_space<vmem>> -> memref<2688xf32, #tpu.memory_space<vmem>>
      %dma_start3A_347 = tpu.memref_slice %arg2[%mul3A_322] : memref<1204224xf32, #tpu.memory_space<hbm>> -> memref<2688xf32, #tpu.memory_space<hbm>>
      %dma_start3A_348 = arith.constant 2688 : i32
      %dma_start3A_349 = tpu.memref_slice %arg6[%dma_start3A_348] : memref<5376xf32, #tpu.memory_space<vmem>> -> memref<2688xf32, #tpu.memory_space<vmem>>
      %dma_start3A_350 = tpu.memref_slice %arg2[%mul3A_322] : memref<1204224xf32, #tpu.memory_space<hbm>> -> memref<2688xf32, #tpu.memory_space<hbm>>
      tpu.enqueue_dma source(%dma_start3A_350 : memref<2688xf32, #tpu.memory_space<hbm>>) target(%dma_start3A_349 : memref<2688xf32, #tpu.memory_space<vmem>>) target_semaphore(%arg11 : memref<!tpu.dma_semaphore, #tpu.memory_space<semaphore_mem>>)
      %dma_start3A_351 = arith.constant 2688 : i32
      %dma_start3A_352 = tpu.memref_slice %arg7[%dma_start3A_351] : memref<5376xi32, #tpu.memory_space<vmem>> -> memref<2688xi32, #tpu.memory_space<vmem>>
      %dma_start3A_353 = tpu.memref_slice %arg3[%mul3A_332] : memref<1204224xi32, #tpu.memory_space<hbm>> -> memref<2688xi32, #tpu.memory_space<hbm>>
      %dma_start3A_354 = arith.constant 2688 : i32
      %dma_start3A_355 = tpu.memref_slice %arg7[%dma_start3A_354] : memref<5376xi32, #tpu.memory_space<vmem>> -> memref<2688xi32, #tpu.memory_space<vmem>>
      %dma_start3A_356 = tpu.memref_slice %arg3[%mul3A_332] : memref<1204224xi32, #tpu.memory_space<hbm>> -> memref<2688xi32, #tpu.memory_space<hbm>>
      tpu.enqueue_dma source(%dma_start3A_356 : memref<2688xi32, #tpu.memory_space<hbm>>) target(%dma_start3A_355 : memref<2688xi32, #tpu.memory_space<vmem>>) target_semaphore(%arg11 : memref<!tpu.dma_semaphore, #tpu.memory_space<semaphore_mem>>)
      %dma_start3A_357 = arith.constant 5376 : i32
      %dma_start3A_358 = tpu.memref_slice %arg8[%dma_start3A_357] : memref<10752xi32, #tpu.memory_space<vmem>> -> memref<2688xi32, #tpu.memory_space<vmem>>
      %dma_start3A_359 = tpu.memref_slice %arg4[%mul3A_342] : memref<2408448xi32, #tpu.memory_space<hbm>> -> memref<2688xi32, #tpu.memory_space<hbm>>
      %dma_start3A_360 = arith.constant 5376 : i32
      %dma_start3A_361 = tpu.memref_slice %arg8[%dma_start3A_360] : memref<10752xi32, #tpu.memory_space<vmem>> -> memref<2688xi32, #tpu.memory_space<vmem>>
      %dma_start3A_362 = tpu.memref_slice %arg4[%mul3A_342] : memref<2408448xi32, #tpu.memory_space<hbm>> -> memref<2688xi32, #tpu.memory_space<hbm>>
      tpu.enqueue_dma source(%dma_start3A_362 : memref<2688xi32, #tpu.memory_space<hbm>>) target(%dma_start3A_361 : memref<2688xi32, #tpu.memory_space<vmem>>) target_semaphore(%arg11 : memref<!tpu.dma_semaphore, #tpu.memory_space<semaphore_mem>>)
      %dma_start3A_363 = arith.constant 8064 : i32
      %dma_start3A_364 = tpu.memref_slice %arg8[%dma_start3A_363] : memref<10752xi32, #tpu.memory_space<vmem>> -> memref<2688xi32, #tpu.memory_space<vmem>>
      %dma_start3A_365 = tpu.memref_slice %arg4[%add3A_344] : memref<2408448xi32, #tpu.memory_space<hbm>> -> memref<2688xi32, #tpu.memory_space<hbm>>
      %dma_start3A_366 = arith.constant 8064 : i32
      %dma_start3A_367 = tpu.memref_slice %arg8[%dma_start3A_366] : memref<10752xi32, #tpu.memory_space<vmem>> -> memref<2688xi32, #tpu.memory_space<vmem>>
      %dma_start3A_368 = tpu.memref_slice %arg4[%add3A_344] : memref<2408448xi32, #tpu.memory_space<hbm>> -> memref<2688xi32, #tpu.memory_space<hbm>>
      tpu.enqueue_dma source(%dma_start3A_368 : memref<2688xi32, #tpu.memory_space<hbm>>) target(%dma_start3A_367 : memref<2688xi32, #tpu.memory_space<vmem>>) target_semaphore(%arg11 : memref<!tpu.dma_semaphore, #tpu.memory_space<semaphore_mem>>)
      %min3A_369 = arith.constant 0 : i32
      %min3A_370 = arith.constant 447 : i32
      %min3A_371 = arith.minsi %min3A_369, %min3A_370 : i32
      %jit3A_372 = arith.constant 28 : i32
      %div3A_373 = arith.divsi %min3A_371, %jit3A_372 : i32
      %sign3A_374 = arith.constant 0 : i32
      %sign3A_375 = arith.cmpi sgt, %min3A_371, %sign3A_374 : i32
      %sign3A_376 = arith.extui %sign3A_375 : i1 to i32
      %sign3A_377 = arith.constant 0 : i32
      %sign3A_378 = arith.cmpi slt, %min3A_371, %sign3A_377 : i32
      %sign3A_379 = arith.extui %sign3A_378 : i1 to i32
      %sign3A_380 = arith.subi %sign3A_376, %sign3A_379 : i32
      %sign3A_381 = arith.constant 0 : i32
      %sign3A_382 = arith.cmpi sgt, %jit3A_372, %sign3A_381 : i32
      %sign3A_383 = arith.extui %sign3A_382 : i1 to i32
      %sign3A_384 = arith.constant 0 : i32
      %sign3A_385 = arith.cmpi slt, %jit3A_372, %sign3A_384 : i32
      %sign3A_386 = arith.extui %sign3A_385 : i1 to i32
      %sign3A_387 = arith.subi %sign3A_383, %sign3A_386 : i32
      %ne3A_388 = arith.cmpi ne, %sign3A_380, %sign3A_387 : i32
      %rem3A_389 = arith.remsi %min3A_371, %jit3A_372 : i32
      %ne3A_390 = arith.constant 0 : i32
      %ne3A_391 = arith.cmpi ne, %rem3A_389, %ne3A_390 : i32
      %and3A_392 = arith.andi %ne3A_388, %ne3A_391 : i1
      %sub3A_393 = arith.constant 1 : i32
      %sub3A_394 = arith.subi %div3A_373, %sub3A_393 : i32
      %select_n3A_395 = arith.select %and3A_392, %sub3A_394, %div3A_373 : i32
      %mul3A_396 = arith.constant 28 : i32
      %mul3A_397 = arith.muli %select_n3A_395, %mul3A_396 : i32
      %sub3A_398 = arith.subi %min3A_371, %mul3A_397 : i32
      %jit3A_399 = arith.constant 8 : i32
      %div3A_400 = arith.divsi %select_n3A_395, %jit3A_399 : i32
      %sign3A_401 = arith.constant 0 : i32
      %sign3A_402 = arith.cmpi sgt, %select_n3A_395, %sign3A_401 : i32
      %sign3A_403 = arith.extui %sign3A_402 : i1 to i32
      %sign3A_404 = arith.constant 0 : i32
      %sign3A_405 = arith.cmpi slt, %select_n3A_395, %sign3A_404 : i32
      %sign3A_406 = arith.extui %sign3A_405 : i1 to i32
      %sign3A_407 = arith.subi %sign3A_403, %sign3A_406 : i32
      %sign3A_408 = arith.constant 0 : i32
      %sign3A_409 = arith.cmpi sgt, %jit3A_399, %sign3A_408 : i32
      %sign3A_410 = arith.extui %sign3A_409 : i1 to i32
      %sign3A_411 = arith.constant 0 : i32
      %sign3A_412 = arith.cmpi slt, %jit3A_399, %sign3A_411 : i32
      %sign3A_413 = arith.extui %sign3A_412 : i1 to i32
      %sign3A_414 = arith.subi %sign3A_410, %sign3A_413 : i32
      %ne3A_415 = arith.cmpi ne, %sign3A_407, %sign3A_414 : i32
      %rem3A_416 = arith.remsi %select_n3A_395, %jit3A_399 : i32
      %ne3A_417 = arith.constant 0 : i32
      %ne3A_418 = arith.cmpi ne, %rem3A_416, %ne3A_417 : i32
      %and3A_419 = arith.andi %ne3A_415, %ne3A_418 : i1
      %sub3A_420 = arith.constant 1 : i32
      %sub3A_421 = arith.subi %div3A_400, %sub3A_420 : i32
      %select_n3A_422 = arith.select %and3A_419, %sub3A_421, %div3A_400 : i32
      %mul3A_423 = arith.constant 8 : i32
      %mul3A_424 = arith.muli %select_n3A_422, %mul3A_423 : i32
      %sub3A_425 = arith.subi %select_n3A_395, %mul3A_424 : i32
      %mul3A_426 = arith.constant 28 : i32
      %mul3A_427 = arith.muli %select_n3A_422, %mul3A_426 : i32
      %add3A_428 = arith.addi %mul3A_427, %sub3A_398 : i32
      %mul3A_429 = arith.constant 8 : i32
      %mul3A_430 = arith.muli %add3A_428, %mul3A_429 : i32
      %add3A_431 = arith.addi %mul3A_430, %sub3A_425 : i32
      %mul3A_432 = arith.constant 2688 : i32
      %mul3A_433 = arith.muli %add3A_431, %mul3A_432 : i32
      %mul3A_434 = arith.constant 8 : i32
      %mul3A_435 = arith.muli %select_n3A_422, %mul3A_434 : i32
      %add3A_436 = arith.addi %mul3A_435, %sub3A_425 : i32
      %mul3A_437 = arith.constant 784 : i32
      %mul3A_438 = arith.muli %add3A_436, %mul3A_437 : i32
      %mul3A_439 = arith.constant 28 : i32
      %mul3A_440 = arith.muli %sub3A_398, %mul3A_439 : i32
      %add3A_441 = arith.addi %mul3A_438, %mul3A_440 : i32
      %mul3A_442 = arith.constant 96 : i32
      %mul3A_443 = arith.muli %add3A_441, %mul3A_442 : i32
      %mul3A_444 = arith.constant 2 : i32
      %mul3A_445 = arith.muli %mul3A_444, %sub3A_425 : i32
      %mul3A_446 = arith.constant 2 : i32
      %mul3A_447 = arith.muli %mul3A_445, %mul3A_446 : i32
      %add3A_448 = arith.addi %mul3A_447, %select_n3A_422 : i32
      %mul3A_449 = arith.constant 28 : i32
      %mul3A_450 = arith.muli %add3A_448, %mul3A_449 : i32
      %add3A_451 = arith.addi %mul3A_450, %sub3A_398 : i32
      %mul3A_452 = arith.constant 2688 : i32
      %mul3A_453 = arith.muli %add3A_451, %mul3A_452 : i32
      %add3A_454 = arith.constant 150528 : i32
      %add3A_455 = arith.addi %mul3A_453, %add3A_454 : i32
      %dma_wait3A_456 = arith.constant 0 : i32
      %dma_wait3A_457 = tpu.memref_slice %arg6[%dma_wait3A_456] : memref<5376xf32, #tpu.memory_space<vmem>> -> memref<2688xf32, #tpu.memory_space<vmem>>
      %dma_wait3A_458 = tpu.memref_slice %arg2[%mul3A_433] : memref<1204224xf32, #tpu.memory_space<hbm>> -> memref<2688xf32, #tpu.memory_space<hbm>>
      %dma_wait3A_459 = arith.constant 0 : i32
      %dma_wait3A_460 = tpu.memref_slice %arg6[%dma_wait3A_459] : memref<5376xf32, #tpu.memory_space<vmem>> -> memref<2688xf32, #tpu.memory_space<vmem>>
      %dma_wait3A_461 = tpu.memref_slice %arg2[%mul3A_433] : memref<1204224xf32, #tpu.memory_space<hbm>> -> memref<2688xf32, #tpu.memory_space<hbm>>
      tpu.wait_dma2 semaphore(%arg10 : memref<!tpu.dma_semaphore, #tpu.memory_space<semaphore_mem>>) src(%dma_wait3A_461 : memref<2688xf32, #tpu.memory_space<hbm>>) dst(%dma_wait3A_460 : memref<2688xf32, #tpu.memory_space<vmem>>)
      %dma_wait3A_462 = arith.constant 0 : i32
      %dma_wait3A_463 = tpu.memref_slice %arg7[%dma_wait3A_462] : memref<5376xi32, #tpu.memory_space<vmem>> -> memref<2688xi32, #tpu.memory_space<vmem>>
      %dma_wait3A_464 = tpu.memref_slice %arg3[%mul3A_443] : memref<1204224xi32, #tpu.memory_space<hbm>> -> memref<2688xi32, #tpu.memory_space<hbm>>
      %dma_wait3A_465 = arith.constant 0 : i32
      %dma_wait3A_466 = tpu.memref_slice %arg7[%dma_wait3A_465] : memref<5376xi32, #tpu.memory_space<vmem>> -> memref<2688xi32, #tpu.memory_space<vmem>>
      %dma_wait3A_467 = tpu.memref_slice %arg3[%mul3A_443] : memref<1204224xi32, #tpu.memory_space<hbm>> -> memref<2688xi32, #tpu.memory_space<hbm>>
      tpu.wait_dma2 semaphore(%arg10 : memref<!tpu.dma_semaphore, #tpu.memory_space<semaphore_mem>>) src(%dma_wait3A_467 : memref<2688xi32, #tpu.memory_space<hbm>>) dst(%dma_wait3A_466 : memref<2688xi32, #tpu.memory_space<vmem>>)
      %dma_wait3A_468 = arith.constant 0 : i32
      %dma_wait3A_469 = tpu.memref_slice %arg8[%dma_wait3A_468] : memref<10752xi32, #tpu.memory_space<vmem>> -> memref<2688xi32, #tpu.memory_space<vmem>>
      %dma_wait3A_470 = tpu.memref_slice %arg4[%mul3A_453] : memref<2408448xi32, #tpu.memory_space<hbm>> -> memref<2688xi32, #tpu.memory_space<hbm>>
      %dma_wait3A_471 = arith.constant 0 : i32
      %dma_wait3A_472 = tpu.memref_slice %arg8[%dma_wait3A_471] : memref<10752xi32, #tpu.memory_space<vmem>> -> memref<2688xi32, #tpu.memory_space<vmem>>
      %dma_wait3A_473 = tpu.memref_slice %arg4[%mul3A_453] : memref<2408448xi32, #tpu.memory_space<hbm>> -> memref<2688xi32, #tpu.memory_space<hbm>>
      tpu.wait_dma2 semaphore(%arg10 : memref<!tpu.dma_semaphore, #tpu.memory_space<semaphore_mem>>) src(%dma_wait3A_473 : memref<2688xi32, #tpu.memory_space<hbm>>) dst(%dma_wait3A_472 : memref<2688xi32, #tpu.memory_space<vmem>>)
      %dma_wait3A_474 = arith.constant 2688 : i32
      %dma_wait3A_475 = tpu.memref_slice %arg8[%dma_wait3A_474] : memref<10752xi32, #tpu.memory_space<vmem>> -> memref<2688xi32, #tpu.memory_space<vmem>>
      %dma_wait3A_476 = tpu.memref_slice %arg4[%add3A_455] : memref<2408448xi32, #tpu.memory_space<hbm>> -> memref<2688xi32, #tpu.memory_space<hbm>>
      %dma_wait3A_477 = arith.constant 2688 : i32
      %dma_wait3A_478 = tpu.memref_slice %arg8[%dma_wait3A_477] : memref<10752xi32, #tpu.memory_space<vmem>> -> memref<2688xi32, #tpu.memory_space<vmem>>
      %dma_wait3A_479 = tpu.memref_slice %arg4[%add3A_455] : memref<2408448xi32, #tpu.memory_space<hbm>> -> memref<2688xi32, #tpu.memory_space<hbm>>
      tpu.wait_dma2 semaphore(%arg10 : memref<!tpu.dma_semaphore, #tpu.memory_space<semaphore_mem>>) src(%dma_wait3A_479 : memref<2688xi32, #tpu.memory_space<hbm>>) dst(%dma_wait3A_478 : memref<2688xi32, #tpu.memory_space<vmem>>)
      %gt3A = arith.constant 0 : i32
      %gt3A_480 = arith.cmpi sgt, %scan3A_252, %gt3A : i32
      %convert_element_type3A = arith.extui %gt3A_480 : i1 to i32
      %cond3A = arith.constant 0 : i32
      %cond3A_481 = arith.cmpi ne, %convert_element_type3A, %cond3A : i32
      scf.if %cond3A_481 {
        %dma_wait3A_1007 = arith.constant 0 : i32
        %dma_wait3A_1008 = tpu.memref_slice %arg9[%dma_wait3A_1007] : memref<57344xf32, #tpu.memory_space<vmem>> -> memref<14336xf32, #tpu.memory_space<vmem>>
        %dma_wait3A_1009 = arith.constant 0 : i32
        %dma_wait3A_1010 = tpu.memref_slice %arg5[%dma_wait3A_1009] : memref<12845056xf32, #tpu.memory_space<hbm>> -> memref<14336xf32, #tpu.memory_space<hbm>>
        %dma_wait3A_1011 = arith.constant 0 : i32
        %dma_wait3A_1012 = tpu.memref_slice %arg5[%dma_wait3A_1011] : memref<12845056xf32, #tpu.memory_space<hbm>> -> memref<14336xf32, #tpu.memory_space<hbm>>
        %dma_wait3A_1013 = arith.constant 0 : i32
        %dma_wait3A_1014 = tpu.memref_slice %arg9[%dma_wait3A_1013] : memref<57344xf32, #tpu.memory_space<vmem>> -> memref<14336xf32, #tpu.memory_space<vmem>>
        tpu.wait_dma2 semaphore(%arg12 : memref<!tpu.dma_semaphore, #tpu.memory_space<semaphore_mem>>) src(%dma_wait3A_1014 : memref<14336xf32, #tpu.memory_space<vmem>>) dst(%dma_wait3A_1012 : memref<14336xf32, #tpu.memory_space<hbm>>)
        %dma_wait3A_1015 = arith.constant 14336 : i32
        %dma_wait3A_1016 = tpu.memref_slice %arg9[%dma_wait3A_1015] : memref<57344xf32, #tpu.memory_space<vmem>> -> memref<14336xf32, #tpu.memory_space<vmem>>
        %dma_wait3A_1017 = arith.constant 401408 : i32
        %dma_wait3A_1018 = tpu.memref_slice %arg5[%dma_wait3A_1017] : memref<12845056xf32, #tpu.memory_space<hbm>> -> memref<14336xf32, #tpu.memory_space<hbm>>
        %dma_wait3A_1019 = arith.constant 401408 : i32
        %dma_wait3A_1020 = tpu.memref_slice %arg5[%dma_wait3A_1019] : memref<12845056xf32, #tpu.memory_space<hbm>> -> memref<14336xf32, #tpu.memory_space<hbm>>
        %dma_wait3A_1021 = arith.constant 14336 : i32
        %dma_wait3A_1022 = tpu.memref_slice %arg9[%dma_wait3A_1021] : memref<57344xf32, #tpu.memory_space<vmem>> -> memref<14336xf32, #tpu.memory_space<vmem>>
        tpu.wait_dma2 semaphore(%arg12 : memref<!tpu.dma_semaphore, #tpu.memory_space<semaphore_mem>>) src(%dma_wait3A_1022 : memref<14336xf32, #tpu.memory_space<vmem>>) dst(%dma_wait3A_1020 : memref<14336xf32, #tpu.memory_space<hbm>>)
      } else {
      }
      %jit3A_482 = arith.constant 28 : i32
      %div3A_483 = arith.divsi %add3A_256, %jit3A_482 : i32
      %sign3A_484 = arith.constant 0 : i32
      %sign3A_485 = arith.cmpi sgt, %add3A_256, %sign3A_484 : i32
      %sign3A_486 = arith.extui %sign3A_485 : i1 to i32
      %sign3A_487 = arith.constant 0 : i32
      %sign3A_488 = arith.cmpi slt, %add3A_256, %sign3A_487 : i32
      %sign3A_489 = arith.extui %sign3A_488 : i1 to i32
      %sign3A_490 = arith.subi %sign3A_486, %sign3A_489 : i32
      %sign3A_491 = arith.constant 0 : i32
      %sign3A_492 = arith.cmpi sgt, %jit3A_482, %sign3A_491 : i32
      %sign3A_493 = arith.extui %sign3A_492 : i1 to i32
      %sign3A_494 = arith.constant 0 : i32
      %sign3A_495 = arith.cmpi slt, %jit3A_482, %sign3A_494 : i32
      %sign3A_496 = arith.extui %sign3A_495 : i1 to i32
      %sign3A_497 = arith.subi %sign3A_493, %sign3A_496 : i32
      %ne3A_498 = arith.cmpi ne, %sign3A_490, %sign3A_497 : i32
      %rem3A_499 = arith.remsi %add3A_256, %jit3A_482 : i32
      %ne3A_500 = arith.constant 0 : i32
      %ne3A_501 = arith.cmpi ne, %rem3A_499, %ne3A_500 : i32
      %and3A_502 = arith.andi %ne3A_498, %ne3A_501 : i1
      %sub3A_503 = arith.constant 1 : i32
      %sub3A_504 = arith.subi %div3A_483, %sub3A_503 : i32
      %select_n3A_505 = arith.select %and3A_502, %sub3A_504, %div3A_483 : i32
      %mul3A_506 = arith.constant 28 : i32
      %mul3A_507 = arith.muli %select_n3A_505, %mul3A_506 : i32
      %sub3A_508 = arith.subi %add3A_256, %mul3A_507 : i32
      %jit3A_509 = arith.constant 8 : i32
      %div3A_510 = arith.divsi %select_n3A_505, %jit3A_509 : i32
      %sign3A_511 = arith.constant 0 : i32
      %sign3A_512 = arith.cmpi sgt, %select_n3A_505, %sign3A_511 : i32
      %sign3A_513 = arith.extui %sign3A_512 : i1 to i32
      %sign3A_514 = arith.constant 0 : i32
      %sign3A_515 = arith.cmpi slt, %select_n3A_505, %sign3A_514 : i32
      %sign3A_516 = arith.extui %sign3A_515 : i1 to i32
      %sign3A_517 = arith.subi %sign3A_513, %sign3A_516 : i32
      %sign3A_518 = arith.constant 0 : i32
      %sign3A_519 = arith.cmpi sgt, %jit3A_509, %sign3A_518 : i32
      %sign3A_520 = arith.extui %sign3A_519 : i1 to i32
      %sign3A_521 = arith.constant 0 : i32
      %sign3A_522 = arith.cmpi slt, %jit3A_509, %sign3A_521 : i32
      %sign3A_523 = arith.extui %sign3A_522 : i1 to i32
      %sign3A_524 = arith.subi %sign3A_520, %sign3A_523 : i32
      %ne3A_525 = arith.cmpi ne, %sign3A_517, %sign3A_524 : i32
      %rem3A_526 = arith.remsi %select_n3A_505, %jit3A_509 : i32
      %ne3A_527 = arith.constant 0 : i32
      %ne3A_528 = arith.cmpi ne, %rem3A_526, %ne3A_527 : i32
      %and3A_529 = arith.andi %ne3A_525, %ne3A_528 : i1
      %sub3A_530 = arith.constant 1 : i32
      %sub3A_531 = arith.subi %div3A_510, %sub3A_530 : i32
      %select_n3A_532 = arith.select %and3A_529, %sub3A_531, %div3A_510 : i32
      %mul3A_533 = arith.constant 8 : i32
      %mul3A_534 = arith.muli %select_n3A_532, %mul3A_533 : i32
      %sub3A_535 = arith.subi %select_n3A_505, %mul3A_534 : i32
      %scan3A_536 = arith.constant 0 : i32
      %scan3A_537 = arith.constant 0 : i32
      %scan3A_538 = arith.constant 28 : i32
      %scan3A_539 = arith.addi %scan3A_537, %scan3A_538 : i32
      %scan3A_540 = arith.constant 1 : i32
      %scan3A_541 = scf.for %scan3A_1007 = %scan3A_537 to %scan3A_539 step %scan3A_540 iter_args(%scan3A_1008 = %scan3A_536) -> (i32)  : i32 {
        %mul3A_1009 = arith.constant 2 : i32
        %mul3A_1010 = arith.muli %mul3A_1009, %sub3A_508 : i32
        %mul3A_1011 = arith.constant 56 : i32
        %mul3A_1012 = arith.muli %mul3A_1010, %mul3A_1011 : i32
        %mul3A_1013 = arith.constant 2 : i32
        %mul3A_1014 = arith.muli %mul3A_1013, %scan3A_1007 : i32
        %add3A_1015 = arith.addi %mul3A_1012, %mul3A_1014 : i32
        %mul3A_1016 = arith.constant 96 : i32
        %mul3A_1017 = arith.muli %scan3A_1007, %mul3A_1016 : i32
        %add3A_1018 = arith.constant 0 : i32
        %add3A_1019 = arith.addi %add3A_1018, %mul3A_1017 : i32
        %add3A_1020 = arith.constant 0 : i32
        %add3A_1021 = arith.addi %add3A_1019, %add3A_1020 : i32
        %get3A = arith.index_cast %add3A_1021 : i32 to index
        %get3A_1022 = tpu.vector_load %arg6[%get3A] {strides = array<i32>} : memref<5376xf32, #tpu.memory_space<vmem>>, vector<16xf32>,
        %mul3A_1023 = arith.constant 96 : i32
        %mul3A_1024 = arith.muli %scan3A_1007, %mul3A_1023 : i32
        %add3A_1025 = arith.constant 0 : i32
        %add3A_1026 = arith.addi %add3A_1025, %mul3A_1024 : i32
        %add3A_1027 = arith.constant 0 : i32
        %add3A_1028 = arith.addi %add3A_1026, %add3A_1027 : i32
        %get3A_1029 = arith.index_cast %add3A_1028 : i32 to index
        %get3A_1030 = tpu.vector_load %arg7[%get3A_1029] {strides = array<i32>} : memref<5376xi32, #tpu.memory_space<vmem>>, vector<16xi32>,
        %mul3A_1031 = arith.constant 96 : i32
        %mul3A_1032 = arith.muli %scan3A_1007, %mul3A_1031 : i32
        %add3A_1033 = arith.constant 0 : i32
        %add3A_1034 = arith.addi %add3A_1033, %mul3A_1032 : i32
        %add3A_1035 = arith.constant 0 : i32
        %add3A_1036 = arith.addi %add3A_1034, %add3A_1035 : i32
        %get3A_1037 = arith.index_cast %add3A_1036 : i32 to index
        %get3A_1038 = tpu.vector_load %arg8[%get3A_1037] {strides = array<i32>} : memref<10752xi32, #tpu.memory_space<vmem>>, vector<16xi32>,
        %sub3A_1039 = vector.broadcast %add3A_1015 : i32 to vector<16xi32>
        %sub3A_1040 = arith.subi %get3A_1038, %sub3A_1039 : vector<16xi32>
        %mul3A_1041 = arith.constant 2 : i32
        %mul3A_1042 = arith.muli %mul3A_1041, %sub3A_535 : i32
        %add3A_1043 = arith.constant 0 : i32
        %add3A_1044 = arith.addi %mul3A_1042, %add3A_1043 : i32
        %eq3A = vector.broadcast %add3A_1044 : i32 to vector<16xi32>
        %eq3A_1045 = arith.cmpi eq, %get3A_1030, %eq3A : vector<16xi32>
        %eq3A_1046 = arith.constant 0 : i32
        %eq3A_1047 = vector.broadcast %eq3A_1046 : i32 to vector<16xi32>
        %eq3A_1048 = arith.cmpi eq, %sub3A_1040, %eq3A_1047 : vector<16xi32>
        %and3A_1049 = arith.andi %eq3A_1048, %eq3A_1045 : vector<16xi1>
        %select_n3A_1050 = arith.select %and3A_1049, %get3A_1022, %broadcast_in_dim3A_1 : vector<16xi1>, vector<16xf32>
        %mul3A_1051 = arith.constant 2 : i32
        %mul3A_1052 = arith.muli %mul3A_1051, %scan3A_1007 : i32
        %add3A_1053 = arith.constant 0 : i32
        %add3A_1054 = arith.addi %mul3A_1052, %add3A_1053 : i32
        %mul3A_1055 = arith.constant 128 : i32
        %mul3A_1056 = arith.muli %add3A_1054, %mul3A_1055 : i32
        %add3A_1057 = arith.constant 0 : i32
        %add3A_1058 = arith.addi %add3A_1057, %mul3A_1056 : i32
        %add3A_1059 = arith.constant 0 : i32
        %add3A_1060 = arith.addi %add3A_1058, %add3A_1059 : i32
        %swap3A = arith.index_cast %add3A_1060 : i32 to index
        %swap3A_1061 = tpu.vector_load %arg9[%swap3A] {strides = array<i32>} : memref<57344xf32, #tpu.memory_space<vmem>>, vector<16xf32>,
        tpu.vector_store %arg9[%swap3A], %select_n3A_1050 {strides = array<i32>} : memref<57344xf32, #tpu.memory_space<vmem>>, vector<16xf32>,
        %eq3A_1062 = arith.constant 1 : i32
        %eq3A_1063 = vector.broadcast %eq3A_1062 : i32 to vector<16xi32>
        %eq3A_1064 = arith.cmpi eq, %sub3A_1040, %eq3A_1063 : vector<16xi32>
        %and3A_1065 = arith.andi %eq3A_1064, %eq3A_1045 : vector<16xi1>
        %select_n3A_1066 = arith.select %and3A_1065, %get3A_1022, %broadcast_in_dim3A_1 : vector<16xi1>, vector<16xf32>
        %mul3A_1067 = arith.constant 2 : i32
        %mul3A_1068 = arith.muli %mul3A_1067, %scan3A_1007 : i32
        %add3A_1069 = arith.constant 1 : i32
        %add3A_1070 = arith.addi %mul3A_1068, %add3A_1069 : i32
        %mul3A_1071 = arith.constant 128 : i32
        %mul3A_1072 = arith.muli %add3A_1070, %mul3A_1071 : i32
        %add3A_1073 = arith.constant 0 : i32
        %add3A_1074 = arith.addi %add3A_1073, %mul3A_1072 : i32
        %add3A_1075 = arith.constant 0 : i32
        %add3A_1076 = arith.addi %add3A_1074, %add3A_1075 : i32
        %swap3A_1077 = arith.index_cast %add3A_1076 : i32 to index
        %swap3A_1078 = tpu.vector_load %arg9[%swap3A_1077] {strides = array<i32>} : memref<57344xf32, #tpu.memory_space<vmem>>, vector<16xf32>,
        tpu.vector_store %arg9[%swap3A_1077], %select_n3A_1066 {strides = array<i32>} : memref<57344xf32, #tpu.memory_space<vmem>>, vector<16xf32>,
        %eq3A_1079 = arith.constant 56 : i32
        %eq3A_1080 = vector.broadcast %eq3A_1079 : i32 to vector<16xi32>
        %eq3A_1081 = arith.cmpi eq, %sub3A_1040, %eq3A_1080 : vector<16xi32>
        %and3A_1082 = arith.andi %eq3A_1081, %eq3A_1045 : vector<16xi1>
        %select_n3A_1083 = arith.select %and3A_1082, %get3A_1022, %broadcast_in_dim3A_1 : vector<16xi1>, vector<16xf32>
        %mul3A_1084 = arith.constant 2 : i32
        %mul3A_1085 = arith.muli %mul3A_1084, %scan3A_1007 : i32
        %add3A_1086 = arith.constant 0 : i32
        %add3A_1087 = arith.addi %mul3A_1085, %add3A_1086 : i32
        %mul3A_1088 = arith.constant 128 : i32
        %mul3A_1089 = arith.muli %add3A_1087, %mul3A_1088 : i32
        %add3A_1090 = arith.constant 7168 : i32
        %add3A_1091 = arith.addi %add3A_1090, %mul3A_1089 : i32
        %add3A_1092 = arith.constant 0 : i32
        %add3A_1093 = arith.addi %add3A_1091, %add3A_1092 : i32
        %swap3A_1094 = arith.index_cast %add3A_1093 : i32 to index
        %swap3A_1095 = tpu.vector_load %arg9[%swap3A_1094] {strides = array<i32>} : memref<57344xf32, #tpu.memory_space<vmem>>, vector<16xf32>,
        tpu.vector_store %arg9[%swap3A_1094], %select_n3A_1083 {strides = array<i32>} : memref<57344xf32, #tpu.memory_space<vmem>>, vector<16xf32>,
        %eq3A_1096 = arith.constant 57 : i32
        %eq3A_1097 = vector.broadcast %eq3A_1096 : i32 to vector<16xi32>
        %eq3A_1098 = arith.cmpi eq, %sub3A_1040, %eq3A_1097 : vector<16xi32>
        %and3A_1099 = arith.andi %eq3A_1098, %eq3A_1045 : vector<16xi1>
        %select_n3A_1100 = arith.select %and3A_1099, %get3A_1022, %broadcast_in_dim3A_1 : vector<16xi1>, vector<16xf32>
        %mul3A_1101 = arith.constant 2 : i32
        %mul3A_1102 = arith.muli %mul3A_1101, %scan3A_1007 : i32
        %add3A_1103 = arith.constant 1 : i32
        %add3A_1104 = arith.addi %mul3A_1102, %add3A_1103 : i32
        %mul3A_1105 = arith.constant 128 : i32
        %mul3A_1106 = arith.muli %add3A_1104, %mul3A_1105 : i32
        %add3A_1107 = arith.constant 7168 : i32
        %add3A_1108 = arith.addi %add3A_1107, %mul3A_1106 : i32
        %add3A_1109 = arith.constant 0 : i32
        %add3A_1110 = arith.addi %add3A_1108, %add3A_1109 : i32
        %swap3A_1111 = arith.index_cast %add3A_1110 : i32 to index
        %swap3A_1112 = tpu.vector_load %arg9[%swap3A_1111] {strides = array<i32>} : memref<57344xf32, #tpu.memory_space<vmem>>, vector<16xf32>,
        tpu.vector_store %arg9[%swap3A_1111], %select_n3A_1100 {strides = array<i32>} : memref<57344xf32, #tpu.memory_space<vmem>>, vector<16xf32>,
        %mul3A_1113 = arith.constant 96 : i32
        %mul3A_1114 = arith.muli %scan3A_1007, %mul3A_1113 : i32
        %add3A_1115 = arith.constant 0 : i32
        %add3A_1116 = arith.addi %add3A_1115, %mul3A_1114 : i32
        %add3A_1117 = arith.constant 16 : i32
        %add3A_1118 = arith.addi %add3A_1116, %add3A_1117 : i32
        %get3A_1119 = arith.index_cast %add3A_1118 : i32 to index
        %get3A_1120 = tpu.vector_load %arg6[%get3A_1119] {strides = array<i32>} : memref<5376xf32, #tpu.memory_space<vmem>>, vector<16xf32>,
        %mul3A_1121 = arith.constant 96 : i32
        %mul3A_1122 = arith.muli %scan3A_1007, %mul3A_1121 : i32
        %add3A_1123 = arith.constant 0 : i32
        %add3A_1124 = arith.addi %add3A_1123, %mul3A_1122 : i32
        %add3A_1125 = arith.constant 16 : i32
        %add3A_1126 = arith.addi %add3A_1124, %add3A_1125 : i32
        %get3A_1127 = arith.index_cast %add3A_1126 : i32 to index
        %get3A_1128 = tpu.vector_load %arg7[%get3A_1127] {strides = array<i32>} : memref<5376xi32, #tpu.memory_space<vmem>>, vector<16xi32>,
        %mul3A_1129 = arith.constant 96 : i32
        %mul3A_1130 = arith.muli %scan3A_1007, %mul3A_1129 : i32
        %add3A_1131 = arith.constant 0 : i32
        %add3A_1132 = arith.addi %add3A_1131, %mul3A_1130 : i32
        %add3A_1133 = arith.constant 16 : i32
        %add3A_1134 = arith.addi %add3A_1132, %add3A_1133 : i32
        %get3A_1135 = arith.index_cast %add3A_1134 : i32 to index
        %get3A_1136 = tpu.vector_load %arg8[%get3A_1135] {strides = array<i32>} : memref<10752xi32, #tpu.memory_space<vmem>>, vector<16xi32>,
        %sub3A_1137 = vector.broadcast %add3A_1015 : i32 to vector<16xi32>
        %sub3A_1138 = arith.subi %get3A_1136, %sub3A_1137 : vector<16xi32>
        %mul3A_1139 = arith.constant 2 : i32
        %mul3A_1140 = arith.muli %mul3A_1139, %sub3A_535 : i32
        %add3A_1141 = arith.constant 0 : i32
        %add3A_1142 = arith.addi %mul3A_1140, %add3A_1141 : i32
        %eq3A_1143 = vector.broadcast %add3A_1142 : i32 to vector<16xi32>
        %eq3A_1144 = arith.cmpi eq, %get3A_1128, %eq3A_1143 : vector<16xi32>
        %eq3A_1145 = arith.constant 0 : i32
        %eq3A_1146 = vector.broadcast %eq3A_1145 : i32 to vector<16xi32>
        %eq3A_1147 = arith.cmpi eq, %sub3A_1138, %eq3A_1146 : vector<16xi32>
        %and3A_1148 = arith.andi %eq3A_1147, %eq3A_1144 : vector<16xi1>
        %select_n3A_1149 = arith.select %and3A_1148, %get3A_1120, %broadcast_in_dim3A_1 : vector<16xi1>, vector<16xf32>
        %mul3A_1150 = arith.constant 2 : i32
        %mul3A_1151 = arith.muli %mul3A_1150, %scan3A_1007 : i32
        %add3A_1152 = arith.constant 0 : i32
        %add3A_1153 = arith.addi %mul3A_1151, %add3A_1152 : i32
        %mul3A_1154 = arith.constant 128 : i32
        %mul3A_1155 = arith.muli %add3A_1153, %mul3A_1154 : i32
        %add3A_1156 = arith.constant 0 : i32
        %add3A_1157 = arith.addi %add3A_1156, %mul3A_1155 : i32
        %add3A_1158 = arith.constant 16 : i32
        %add3A_1159 = arith.addi %add3A_1157, %add3A_1158 : i32
        %swap3A_1160 = arith.index_cast %add3A_1159 : i32 to index
        %swap3A_1161 = tpu.vector_load %arg9[%swap3A_1160] {strides = array<i32>} : memref<57344xf32, #tpu.memory_space<vmem>>, vector<16xf32>,
        tpu.vector_store %arg9[%swap3A_1160], %select_n3A_1149 {strides = array<i32>} : memref<57344xf32, #tpu.memory_space<vmem>>, vector<16xf32>,
        %eq3A_1162 = arith.constant 1 : i32
        %eq3A_1163 = vector.broadcast %eq3A_1162 : i32 to vector<16xi32>
        %eq3A_1164 = arith.cmpi eq, %sub3A_1138, %eq3A_1163 : vector<16xi32>
        %and3A_1165 = arith.andi %eq3A_1164, %eq3A_1144 : vector<16xi1>
        %select_n3A_1166 = arith.select %and3A_1165, %get3A_1120, %broadcast_in_dim3A_1 : vector<16xi1>, vector<16xf32>
        %mul3A_1167 = arith.constant 2 : i32
        %mul3A_1168 = arith.muli %mul3A_1167, %scan3A_1007 : i32
        %add3A_1169 = arith.constant 1 : i32
        %add3A_1170 = arith.addi %mul3A_1168, %add3A_1169 : i32
        %mul3A_1171 = arith.constant 128 : i32
        %mul3A_1172 = arith.muli %add3A_1170, %mul3A_1171 : i32
        %add3A_1173 = arith.constant 0 : i32
        %add3A_1174 = arith.addi %add3A_1173, %mul3A_1172 : i32
        %add3A_1175 = arith.constant 16 : i32
        %add3A_1176 = arith.addi %add3A_1174, %add3A_1175 : i32
        %swap3A_1177 = arith.index_cast %add3A_1176 : i32 to index
        %swap3A_1178 = tpu.vector_load %arg9[%swap3A_1177] {strides = array<i32>} : memref<57344xf32, #tpu.memory_space<vmem>>, vector<16xf32>,
        tpu.vector_store %arg9[%swap3A_1177], %select_n3A_1166 {strides = array<i32>} : memref<57344xf32, #tpu.memory_space<vmem>>, vector<16xf32>,
        %eq3A_1179 = arith.constant 56 : i32
        %eq3A_1180 = vector.broadcast %eq3A_1179 : i32 to vector<16xi32>
        %eq3A_1181 = arith.cmpi eq, %sub3A_1138, %eq3A_1180 : vector<16xi32>
        %and3A_1182 = arith.andi %eq3A_1181, %eq3A_1144 : vector<16xi1>
        %select_n3A_1183 = arith.select %and3A_1182, %get3A_1120, %broadcast_in_dim3A_1 : vector<16xi1>, vector<16xf32>
        %mul3A_1184 = arith.constant 2 : i32
        %mul3A_1185 = arith.muli %mul3A_1184, %scan3A_1007 : i32
        %add3A_1186 = arith.constant 0 : i32
        %add3A_1187 = arith.addi %mul3A_1185, %add3A_1186 : i32
        %mul3A_1188 = arith.constant 128 : i32
        %mul3A_1189 = arith.muli %add3A_1187, %mul3A_1188 : i32
        %add3A_1190 = arith.constant 7168 : i32
        %add3A_1191 = arith.addi %add3A_1190, %mul3A_1189 : i32
        %add3A_1192 = arith.constant 16 : i32
        %add3A_1193 = arith.addi %add3A_1191, %add3A_1192 : i32
        %swap3A_1194 = arith.index_cast %add3A_1193 : i32 to index
        %swap3A_1195 = tpu.vector_load %arg9[%swap3A_1194] {strides = array<i32>} : memref<57344xf32, #tpu.memory_space<vmem>>, vector<16xf32>,
        tpu.vector_store %arg9[%swap3A_1194], %select_n3A_1183 {strides = array<i32>} : memref<57344xf32, #tpu.memory_space<vmem>>, vector<16xf32>,
        %eq3A_1196 = arith.constant 57 : i32
        %eq3A_1197 = vector.broadcast %eq3A_1196 : i32 to vector<16xi32>
        %eq3A_1198 = arith.cmpi eq, %sub3A_1138, %eq3A_1197 : vector<16xi32>
        %and3A_1199 = arith.andi %eq3A_1198, %eq3A_1144 : vector<16xi1>
        %select_n3A_1200 = arith.select %and3A_1199, %get3A_1120, %broadcast_in_dim3A_1 : vector<16xi1>, vector<16xf32>
        %mul3A_1201 = arith.constant 2 : i32
        %mul3A_1202 = arith.muli %mul3A_1201, %scan3A_1007 : i32
        %add3A_1203 = arith.constant 1 : i32
        %add3A_1204 = arith.addi %mul3A_1202, %add3A_1203 : i32
        %mul3A_1205 = arith.constant 128 : i32
        %mul3A_1206 = arith.muli %add3A_1204, %mul3A_1205 : i32
        %add3A_1207 = arith.constant 7168 : i32
        %add3A_1208 = arith.addi %add3A_1207, %mul3A_1206 : i32
        %add3A_1209 = arith.constant 16 : i32
        %add3A_1210 = arith.addi %add3A_1208, %add3A_1209 : i32
        %swap3A_1211 = arith.index_cast %add3A_1210 : i32 to index
        %swap3A_1212 = tpu.vector_load %arg9[%swap3A_1211] {strides = array<i32>} : memref<57344xf32, #tpu.memory_space<vmem>>, vector<16xf32>,
        tpu.vector_store %arg9[%swap3A_1211], %select_n3A_1200 {strides = array<i32>} : memref<57344xf32, #tpu.memory_space<vmem>>, vector<16xf32>,
        %mul3A_1213 = arith.constant 96 : i32
        %mul3A_1214 = arith.muli %scan3A_1007, %mul3A_1213 : i32
        %add3A_1215 = arith.constant 0 : i32
        %add3A_1216 = arith.addi %add3A_1215, %mul3A_1214 : i32
        %add3A_1217 = arith.constant 32 : i32
        %add3A_1218 = arith.addi %add3A_1216, %add3A_1217 : i32
        %get3A_1219 = arith.index_cast %add3A_1218 : i32 to index
        %get3A_1220 = tpu.vector_load %arg6[%get3A_1219] {strides = array<i32>} : memref<5376xf32, #tpu.memory_space<vmem>>, vector<16xf32>,
        %mul3A_1221 = arith.constant 96 : i32
        %mul3A_1222 = arith.muli %scan3A_1007, %mul3A_1221 : i32
        %add3A_1223 = arith.constant 0 : i32
        %add3A_1224 = arith.addi %add3A_1223, %mul3A_1222 : i32
        %add3A_1225 = arith.constant 32 : i32
        %add3A_1226 = arith.addi %add3A_1224, %add3A_1225 : i32
        %get3A_1227 = arith.index_cast %add3A_1226 : i32 to index
        %get3A_1228 = tpu.vector_load %arg7[%get3A_1227] {strides = array<i32>} : memref<5376xi32, #tpu.memory_space<vmem>>, vector<16xi32>,
        %mul3A_1229 = arith.constant 96 : i32
        %mul3A_1230 = arith.muli %scan3A_1007, %mul3A_1229 : i32
        %add3A_1231 = arith.constant 0 : i32
        %add3A_1232 = arith.addi %add3A_1231, %mul3A_1230 : i32
        %add3A_1233 = arith.constant 32 : i32
        %add3A_1234 = arith.addi %add3A_1232, %add3A_1233 : i32
        %get3A_1235 = arith.index_cast %add3A_1234 : i32 to index
        %get3A_1236 = tpu.vector_load %arg8[%get3A_1235] {strides = array<i32>} : memref<10752xi32, #tpu.memory_space<vmem>>, vector<16xi32>,
        %sub3A_1237 = vector.broadcast %add3A_1015 : i32 to vector<16xi32>
        %sub3A_1238 = arith.subi %get3A_1236, %sub3A_1237 : vector<16xi32>
        %mul3A_1239 = arith.constant 2 : i32
        %mul3A_1240 = arith.muli %mul3A_1239, %sub3A_535 : i32
        %add3A_1241 = arith.constant 0 : i32
        %add3A_1242 = arith.addi %mul3A_1240, %add3A_1241 : i32
        %eq3A_1243 = vector.broadcast %add3A_1242 : i32 to vector<16xi32>
        %eq3A_1244 = arith.cmpi eq, %get3A_1228, %eq3A_1243 : vector<16xi32>
        %eq3A_1245 = arith.constant 0 : i32
        %eq3A_1246 = vector.broadcast %eq3A_1245 : i32 to vector<16xi32>
        %eq3A_1247 = arith.cmpi eq, %sub3A_1238, %eq3A_1246 : vector<16xi32>
        %and3A_1248 = arith.andi %eq3A_1247, %eq3A_1244 : vector<16xi1>
        %select_n3A_1249 = arith.select %and3A_1248, %get3A_1220, %broadcast_in_dim3A_1 : vector<16xi1>, vector<16xf32>
        %mul3A_1250 = arith.constant 2 : i32
        %mul3A_1251 = arith.muli %mul3A_1250, %scan3A_1007 : i32
        %add3A_1252 = arith.constant 0 : i32
        %add3A_1253 = arith.addi %mul3A_1251, %add3A_1252 : i32
        %mul3A_1254 = arith.constant 128 : i32
        %mul3A_1255 = arith.muli %add3A_1253, %mul3A_1254 : i32
        %add3A_1256 = arith.constant 0 : i32
        %add3A_1257 = arith.addi %add3A_1256, %mul3A_1255 : i32
        %add3A_1258 = arith.constant 32 : i32
        %add3A_1259 = arith.addi %add3A_1257, %add3A_1258 : i32
        %swap3A_1260 = arith.index_cast %add3A_1259 : i32 to index
        %swap3A_1261 = tpu.vector_load %arg9[%swap3A_1260] {strides = array<i32>} : memref<57344xf32, #tpu.memory_space<vmem>>, vector<16xf32>,
        tpu.vector_store %arg9[%swap3A_1260], %select_n3A_1249 {strides = array<i32>} : memref<57344xf32, #tpu.memory_space<vmem>>, vector<16xf32>,
        %eq3A_1262 = arith.constant 1 : i32
        %eq3A_1263 = vector.broadcast %eq3A_1262 : i32 to vector<16xi32>
        %eq3A_1264 = arith.cmpi eq, %sub3A_1238, %eq3A_1263 : vector<16xi32>
        %and3A_1265 = arith.andi %eq3A_1264, %eq3A_1244 : vector<16xi1>
        %select_n3A_1266 = arith.select %and3A_1265, %get3A_1220, %broadcast_in_dim3A_1 : vector<16xi1>, vector<16xf32>
        %mul3A_1267 = arith.constant 2 : i32
        %mul3A_1268 = arith.muli %mul3A_1267, %scan3A_1007 : i32
        %add3A_1269 = arith.constant 1 : i32
        %add3A_1270 = arith.addi %mul3A_1268, %add3A_1269 : i32
        %mul3A_1271 = arith.constant 128 : i32
        %mul3A_1272 = arith.muli %add3A_1270, %mul3A_1271 : i32
        %add3A_1273 = arith.constant 0 : i32
        %add3A_1274 = arith.addi %add3A_1273, %mul3A_1272 : i32
        %add3A_1275 = arith.constant 32 : i32
        %add3A_1276 = arith.addi %add3A_1274, %add3A_1275 : i32
        %swap3A_1277 = arith.index_cast %add3A_1276 : i32 to index
        %swap3A_1278 = tpu.vector_load %arg9[%swap3A_1277] {strides = array<i32>} : memref<57344xf32, #tpu.memory_space<vmem>>, vector<16xf32>,
        tpu.vector_store %arg9[%swap3A_1277], %select_n3A_1266 {strides = array<i32>} : memref<57344xf32, #tpu.memory_space<vmem>>, vector<16xf32>,
        %eq3A_1279 = arith.constant 56 : i32
        %eq3A_1280 = vector.broadcast %eq3A_1279 : i32 to vector<16xi32>
        %eq3A_1281 = arith.cmpi eq, %sub3A_1238, %eq3A_1280 : vector<16xi32>
        %and3A_1282 = arith.andi %eq3A_1281, %eq3A_1244 : vector<16xi1>
        %select_n3A_1283 = arith.select %and3A_1282, %get3A_1220, %broadcast_in_dim3A_1 : vector<16xi1>, vector<16xf32>
        %mul3A_1284 = arith.constant 2 : i32
        %mul3A_1285 = arith.muli %mul3A_1284, %scan3A_1007 : i32
        %add3A_1286 = arith.constant 0 : i32
        %add3A_1287 = arith.addi %mul3A_1285, %add3A_1286 : i32
        %mul3A_1288 = arith.constant 128 : i32
        %mul3A_1289 = arith.muli %add3A_1287, %mul3A_1288 : i32
        %add3A_1290 = arith.constant 7168 : i32
        %add3A_1291 = arith.addi %add3A_1290, %mul3A_1289 : i32
        %add3A_1292 = arith.constant 32 : i32
        %add3A_1293 = arith.addi %add3A_1291, %add3A_1292 : i32
        %swap3A_1294 = arith.index_cast %add3A_1293 : i32 to index
        %swap3A_1295 = tpu.vector_load %arg9[%swap3A_1294] {strides = array<i32>} : memref<57344xf32, #tpu.memory_space<vmem>>, vector<16xf32>,
        tpu.vector_store %arg9[%swap3A_1294], %select_n3A_1283 {strides = array<i32>} : memref<57344xf32, #tpu.memory_space<vmem>>, vector<16xf32>,
        %eq3A_1296 = arith.constant 57 : i32
        %eq3A_1297 = vector.broadcast %eq3A_1296 : i32 to vector<16xi32>
        %eq3A_1298 = arith.cmpi eq, %sub3A_1238, %eq3A_1297 : vector<16xi32>
        %and3A_1299 = arith.andi %eq3A_1298, %eq3A_1244 : vector<16xi1>
        %select_n3A_1300 = arith.select %and3A_1299, %get3A_1220, %broadcast_in_dim3A_1 : vector<16xi1>, vector<16xf32>
        %mul3A_1301 = arith.constant 2 : i32
        %mul3A_1302 = arith.muli %mul3A_1301, %scan3A_1007 : i32
        %add3A_1303 = arith.constant 1 : i32
        %add3A_1304 = arith.addi %mul3A_1302, %add3A_1303 : i32
        %mul3A_1305 = arith.constant 128 : i32
        %mul3A_1306 = arith.muli %add3A_1304, %mul3A_1305 : i32
        %add3A_1307 = arith.constant 7168 : i32
        %add3A_1308 = arith.addi %add3A_1307, %mul3A_1306 : i32
        %add3A_1309 = arith.constant 32 : i32
        %add3A_1310 = arith.addi %add3A_1308, %add3A_1309 : i32
        %swap3A_1311 = arith.index_cast %add3A_1310 : i32 to index
        %swap3A_1312 = tpu.vector_load %arg9[%swap3A_1311] {strides = array<i32>} : memref<57344xf32, #tpu.memory_space<vmem>>, vector<16xf32>,
        tpu.vector_store %arg9[%swap3A_1311], %select_n3A_1300 {strides = array<i32>} : memref<57344xf32, #tpu.memory_space<vmem>>, vector<16xf32>,
        %mul3A_1313 = arith.constant 96 : i32
        %mul3A_1314 = arith.muli %scan3A_1007, %mul3A_1313 : i32
        %add3A_1315 = arith.constant 0 : i32
        %add3A_1316 = arith.addi %add3A_1315, %mul3A_1314 : i32
        %add3A_1317 = arith.constant 48 : i32
        %add3A_1318 = arith.addi %add3A_1316, %add3A_1317 : i32
        %get3A_1319 = arith.index_cast %add3A_1318 : i32 to index
        %get3A_1320 = tpu.vector_load %arg6[%get3A_1319] {strides = array<i32>} : memref<5376xf32, #tpu.memory_space<vmem>>, vector<16xf32>,
        %mul3A_1321 = arith.constant 96 : i32
        %mul3A_1322 = arith.muli %scan3A_1007, %mul3A_1321 : i32
        %add3A_1323 = arith.constant 0 : i32
        %add3A_1324 = arith.addi %add3A_1323, %mul3A_1322 : i32
        %add3A_1325 = arith.constant 48 : i32
        %add3A_1326 = arith.addi %add3A_1324, %add3A_1325 : i32
        %get3A_1327 = arith.index_cast %add3A_1326 : i32 to index
        %get3A_1328 = tpu.vector_load %arg7[%get3A_1327] {strides = array<i32>} : memref<5376xi32, #tpu.memory_space<vmem>>, vector<16xi32>,
        %mul3A_1329 = arith.constant 96 : i32
        %mul3A_1330 = arith.muli %scan3A_1007, %mul3A_1329 : i32
        %add3A_1331 = arith.constant 0 : i32
        %add3A_1332 = arith.addi %add3A_1331, %mul3A_1330 : i32
        %add3A_1333 = arith.constant 48 : i32
        %add3A_1334 = arith.addi %add3A_1332, %add3A_1333 : i32
        %get3A_1335 = arith.index_cast %add3A_1334 : i32 to index
        %get3A_1336 = tpu.vector_load %arg8[%get3A_1335] {strides = array<i32>} : memref<10752xi32, #tpu.memory_space<vmem>>, vector<16xi32>,
        %sub3A_1337 = vector.broadcast %add3A_1015 : i32 to vector<16xi32>
        %sub3A_1338 = arith.subi %get3A_1336, %sub3A_1337 : vector<16xi32>
        %mul3A_1339 = arith.constant 2 : i32
        %mul3A_1340 = arith.muli %mul3A_1339, %sub3A_535 : i32
        %add3A_1341 = arith.constant 0 : i32
        %add3A_1342 = arith.addi %mul3A_1340, %add3A_1341 : i32
        %eq3A_1343 = vector.broadcast %add3A_1342 : i32 to vector<16xi32>
        %eq3A_1344 = arith.cmpi eq, %get3A_1328, %eq3A_1343 : vector<16xi32>
        %eq3A_1345 = arith.constant 0 : i32
        %eq3A_1346 = vector.broadcast %eq3A_1345 : i32 to vector<16xi32>
        %eq3A_1347 = arith.cmpi eq, %sub3A_1338, %eq3A_1346 : vector<16xi32>
        %and3A_1348 = arith.andi %eq3A_1347, %eq3A_1344 : vector<16xi1>
        %select_n3A_1349 = arith.select %and3A_1348, %get3A_1320, %broadcast_in_dim3A_1 : vector<16xi1>, vector<16xf32>
        %mul3A_1350 = arith.constant 2 : i32
        %mul3A_1351 = arith.muli %mul3A_1350, %scan3A_1007 : i32
        %add3A_1352 = arith.constant 0 : i32
        %add3A_1353 = arith.addi %mul3A_1351, %add3A_1352 : i32
        %mul3A_1354 = arith.constant 128 : i32
        %mul3A_1355 = arith.muli %add3A_1353, %mul3A_1354 : i32
        %add3A_1356 = arith.constant 0 : i32
        %add3A_1357 = arith.addi %add3A_1356, %mul3A_1355 : i32
        %add3A_1358 = arith.constant 48 : i32
        %add3A_1359 = arith.addi %add3A_1357, %add3A_1358 : i32
        %swap3A_1360 = arith.index_cast %add3A_1359 : i32 to index
        %swap3A_1361 = tpu.vector_load %arg9[%swap3A_1360] {strides = array<i32>} : memref<57344xf32, #tpu.memory_space<vmem>>, vector<16xf32>,
        tpu.vector_store %arg9[%swap3A_1360], %select_n3A_1349 {strides = array<i32>} : memref<57344xf32, #tpu.memory_space<vmem>>, vector<16xf32>,
        %eq3A_1362 = arith.constant 1 : i32
        %eq3A_1363 = vector.broadcast %eq3A_1362 : i32 to vector<16xi32>
        %eq3A_1364 = arith.cmpi eq, %sub3A_1338, %eq3A_1363 : vector<16xi32>
        %and3A_1365 = arith.andi %eq3A_1364, %eq3A_1344 : vector<16xi1>
        %select_n3A_1366 = arith.select %and3A_1365, %get3A_1320, %broadcast_in_dim3A_1 : vector<16xi1>, vector<16xf32>
        %mul3A_1367 = arith.constant 2 : i32
        %mul3A_1368 = arith.muli %mul3A_1367, %scan3A_1007 : i32
        %add3A_1369 = arith.constant 1 : i32
        %add3A_1370 = arith.addi %mul3A_1368, %add3A_1369 : i32
        %mul3A_1371 = arith.constant 128 : i32
        %mul3A_1372 = arith.muli %add3A_1370, %mul3A_1371 : i32
        %add3A_1373 = arith.constant 0 : i32
        %add3A_1374 = arith.addi %add3A_1373, %mul3A_1372 : i32
        %add3A_1375 = arith.constant 48 : i32
        %add3A_1376 = arith.addi %add3A_1374, %add3A_1375 : i32
        %swap3A_1377 = arith.index_cast %add3A_1376 : i32 to index
        %swap3A_1378 = tpu.vector_load %arg9[%swap3A_1377] {strides = array<i32>} : memref<57344xf32, #tpu.memory_space<vmem>>, vector<16xf32>,
        tpu.vector_store %arg9[%swap3A_1377], %select_n3A_1366 {strides = array<i32>} : memref<57344xf32, #tpu.memory_space<vmem>>, vector<16xf32>,
        %eq3A_1379 = arith.constant 56 : i32
        %eq3A_1380 = vector.broadcast %eq3A_1379 : i32 to vector<16xi32>
        %eq3A_1381 = arith.cmpi eq, %sub3A_1338, %eq3A_1380 : vector<16xi32>
        %and3A_1382 = arith.andi %eq3A_1381, %eq3A_1344 : vector<16xi1>
        %select_n3A_1383 = arith.select %and3A_1382, %get3A_1320, %broadcast_in_dim3A_1 : vector<16xi1>, vector<16xf32>
        %mul3A_1384 = arith.constant 2 : i32
        %mul3A_1385 = arith.muli %mul3A_1384, %scan3A_1007 : i32
        %add3A_1386 = arith.constant 0 : i32
        %add3A_1387 = arith.addi %mul3A_1385, %add3A_1386 : i32
        %mul3A_1388 = arith.constant 128 : i32
        %mul3A_1389 = arith.muli %add3A_1387, %mul3A_1388 : i32
        %add3A_1390 = arith.constant 7168 : i32
        %add3A_1391 = arith.addi %add3A_1390, %mul3A_1389 : i32
        %add3A_1392 = arith.constant 48 : i32
        %add3A_1393 = arith.addi %add3A_1391, %add3A_1392 : i32
        %swap3A_1394 = arith.index_cast %add3A_1393 : i32 to index
        %swap3A_1395 = tpu.vector_load %arg9[%swap3A_1394] {strides = array<i32>} : memref<57344xf32, #tpu.memory_space<vmem>>, vector<16xf32>,
        tpu.vector_store %arg9[%swap3A_1394], %select_n3A_1383 {strides = array<i32>} : memref<57344xf32, #tpu.memory_space<vmem>>, vector<16xf32>,
        %eq3A_1396 = arith.constant 57 : i32
        %eq3A_1397 = vector.broadcast %eq3A_1396 : i32 to vector<16xi32>
        %eq3A_1398 = arith.cmpi eq, %sub3A_1338, %eq3A_1397 : vector<16xi32>
        %and3A_1399 = arith.andi %eq3A_1398, %eq3A_1344 : vector<16xi1>
        %select_n3A_1400 = arith.select %and3A_1399, %get3A_1320, %broadcast_in_dim3A_1 : vector<16xi1>, vector<16xf32>
        %mul3A_1401 = arith.constant 2 : i32
        %mul3A_1402 = arith.muli %mul3A_1401, %scan3A_1007 : i32
        %add3A_1403 = arith.constant 1 : i32
        %add3A_1404 = arith.addi %mul3A_1402, %add3A_1403 : i32
        %mul3A_1405 = arith.constant 128 : i32
        %mul3A_1406 = arith.muli %add3A_1404, %mul3A_1405 : i32
        %add3A_1407 = arith.constant 7168 : i32
        %add3A_1408 = arith.addi %add3A_1407, %mul3A_1406 : i32
        %add3A_1409 = arith.constant 48 : i32
        %add3A_1410 = arith.addi %add3A_1408, %add3A_1409 : i32
        %swap3A_1411 = arith.index_cast %add3A_1410 : i32 to index
        %swap3A_1412 = tpu.vector_load %arg9[%swap3A_1411] {strides = array<i32>} : memref<57344xf32, #tpu.memory_space<vmem>>, vector<16xf32>,
        tpu.vector_store %arg9[%swap3A_1411], %select_n3A_1400 {strides = array<i32>} : memref<57344xf32, #tpu.memory_space<vmem>>, vector<16xf32>,
        %mul3A_1413 = arith.constant 96 : i32
        %mul3A_1414 = arith.muli %scan3A_1007, %mul3A_1413 : i32
        %add3A_1415 = arith.constant 0 : i32
        %add3A_1416 = arith.addi %add3A_1415, %mul3A_1414 : i32
        %add3A_1417 = arith.constant 64 : i32
        %add3A_1418 = arith.addi %add3A_1416, %add3A_1417 : i32
        %get3A_1419 = arith.index_cast %add3A_1418 : i32 to index
        %get3A_1420 = tpu.vector_load %arg6[%get3A_1419] {strides = array<i32>} : memref<5376xf32, #tpu.memory_space<vmem>>, vector<16xf32>,
        %mul3A_1421 = arith.constant 96 : i32
        %mul3A_1422 = arith.muli %scan3A_1007, %mul3A_1421 : i32
        %add3A_1423 = arith.constant 0 : i32
        %add3A_1424 = arith.addi %add3A_1423, %mul3A_1422 : i32
        %add3A_1425 = arith.constant 64 : i32
        %add3A_1426 = arith.addi %add3A_1424, %add3A_1425 : i32
        %get3A_1427 = arith.index_cast %add3A_1426 : i32 to index
        %get3A_1428 = tpu.vector_load %arg7[%get3A_1427] {strides = array<i32>} : memref<5376xi32, #tpu.memory_space<vmem>>, vector<16xi32>,
        %mul3A_1429 = arith.constant 96 : i32
        %mul3A_1430 = arith.muli %scan3A_1007, %mul3A_1429 : i32
        %add3A_1431 = arith.constant 0 : i32
        %add3A_1432 = arith.addi %add3A_1431, %mul3A_1430 : i32
        %add3A_1433 = arith.constant 64 : i32
        %add3A_1434 = arith.addi %add3A_1432, %add3A_1433 : i32
        %get3A_1435 = arith.index_cast %add3A_1434 : i32 to index
        %get3A_1436 = tpu.vector_load %arg8[%get3A_1435] {strides = array<i32>} : memref<10752xi32, #tpu.memory_space<vmem>>, vector<16xi32>,
        %sub3A_1437 = vector.broadcast %add3A_1015 : i32 to vector<16xi32>
        %sub3A_1438 = arith.subi %get3A_1436, %sub3A_1437 : vector<16xi32>
        %mul3A_1439 = arith.constant 2 : i32
        %mul3A_1440 = arith.muli %mul3A_1439, %sub3A_535 : i32
        %add3A_1441 = arith.constant 0 : i32
        %add3A_1442 = arith.addi %mul3A_1440, %add3A_1441 : i32
        %eq3A_1443 = vector.broadcast %add3A_1442 : i32 to vector<16xi32>
        %eq3A_1444 = arith.cmpi eq, %get3A_1428, %eq3A_1443 : vector<16xi32>
        %eq3A_1445 = arith.constant 0 : i32
        %eq3A_1446 = vector.broadcast %eq3A_1445 : i32 to vector<16xi32>
        %eq3A_1447 = arith.cmpi eq, %sub3A_1438, %eq3A_1446 : vector<16xi32>
        %and3A_1448 = arith.andi %eq3A_1447, %eq3A_1444 : vector<16xi1>
        %select_n3A_1449 = arith.select %and3A_1448, %get3A_1420, %broadcast_in_dim3A_1 : vector<16xi1>, vector<16xf32>
        %mul3A_1450 = arith.constant 2 : i32
        %mul3A_1451 = arith.muli %mul3A_1450, %scan3A_1007 : i32
        %add3A_1452 = arith.constant 0 : i32
        %add3A_1453 = arith.addi %mul3A_1451, %add3A_1452 : i32
        %mul3A_1454 = arith.constant 128 : i32
        %mul3A_1455 = arith.muli %add3A_1453, %mul3A_1454 : i32
        %add3A_1456 = arith.constant 0 : i32
        %add3A_1457 = arith.addi %add3A_1456, %mul3A_1455 : i32
        %add3A_1458 = arith.constant 64 : i32
        %add3A_1459 = arith.addi %add3A_1457, %add3A_1458 : i32
        %swap3A_1460 = arith.index_cast %add3A_1459 : i32 to index
        %swap3A_1461 = tpu.vector_load %arg9[%swap3A_1460] {strides = array<i32>} : memref<57344xf32, #tpu.memory_space<vmem>>, vector<16xf32>,
        tpu.vector_store %arg9[%swap3A_1460], %select_n3A_1449 {strides = array<i32>} : memref<57344xf32, #tpu.memory_space<vmem>>, vector<16xf32>,
        %eq3A_1462 = arith.constant 1 : i32
        %eq3A_1463 = vector.broadcast %eq3A_1462 : i32 to vector<16xi32>
        %eq3A_1464 = arith.cmpi eq, %sub3A_1438, %eq3A_1463 : vector<16xi32>
        %and3A_1465 = arith.andi %eq3A_1464, %eq3A_1444 : vector<16xi1>
        %select_n3A_1466 = arith.select %and3A_1465, %get3A_1420, %broadcast_in_dim3A_1 : vector<16xi1>, vector<16xf32>
        %mul3A_1467 = arith.constant 2 : i32
        %mul3A_1468 = arith.muli %mul3A_1467, %scan3A_1007 : i32
        %add3A_1469 = arith.constant 1 : i32
        %add3A_1470 = arith.addi %mul3A_1468, %add3A_1469 : i32
        %mul3A_1471 = arith.constant 128 : i32
        %mul3A_1472 = arith.muli %add3A_1470, %mul3A_1471 : i32
        %add3A_1473 = arith.constant 0 : i32
        %add3A_1474 = arith.addi %add3A_1473, %mul3A_1472 : i32
        %add3A_1475 = arith.constant 64 : i32
        %add3A_1476 = arith.addi %add3A_1474, %add3A_1475 : i32
        %swap3A_1477 = arith.index_cast %add3A_1476 : i32 to index
        %swap3A_1478 = tpu.vector_load %arg9[%swap3A_1477] {strides = array<i32>} : memref<57344xf32, #tpu.memory_space<vmem>>, vector<16xf32>,
        tpu.vector_store %arg9[%swap3A_1477], %select_n3A_1466 {strides = array<i32>} : memref<57344xf32, #tpu.memory_space<vmem>>, vector<16xf32>,
        %eq3A_1479 = arith.constant 56 : i32
        %eq3A_1480 = vector.broadcast %eq3A_1479 : i32 to vector<16xi32>
        %eq3A_1481 = arith.cmpi eq, %sub3A_1438, %eq3A_1480 : vector<16xi32>
        %and3A_1482 = arith.andi %eq3A_1481, %eq3A_1444 : vector<16xi1>
        %select_n3A_1483 = arith.select %and3A_1482, %get3A_1420, %broadcast_in_dim3A_1 : vector<16xi1>, vector<16xf32>
        %mul3A_1484 = arith.constant 2 : i32
        %mul3A_1485 = arith.muli %mul3A_1484, %scan3A_1007 : i32
        %add3A_1486 = arith.constant 0 : i32
        %add3A_1487 = arith.addi %mul3A_1485, %add3A_1486 : i32
        %mul3A_1488 = arith.constant 128 : i32
        %mul3A_1489 = arith.muli %add3A_1487, %mul3A_1488 : i32
        %add3A_1490 = arith.constant 7168 : i32
        %add3A_1491 = arith.addi %add3A_1490, %mul3A_1489 : i32
        %add3A_1492 = arith.constant 64 : i32
        %add3A_1493 = arith.addi %add3A_1491, %add3A_1492 : i32
        %swap3A_1494 = arith.index_cast %add3A_1493 : i32 to index
        %swap3A_1495 = tpu.vector_load %arg9[%swap3A_1494] {strides = array<i32>} : memref<57344xf32, #tpu.memory_space<vmem>>, vector<16xf32>,
        tpu.vector_store %arg9[%swap3A_1494], %select_n3A_1483 {strides = array<i32>} : memref<57344xf32, #tpu.memory_space<vmem>>, vector<16xf32>,
        %eq3A_1496 = arith.constant 57 : i32
        %eq3A_1497 = vector.broadcast %eq3A_1496 : i32 to vector<16xi32>
        %eq3A_1498 = arith.cmpi eq, %sub3A_1438, %eq3A_1497 : vector<16xi32>
        %and3A_1499 = arith.andi %eq3A_1498, %eq3A_1444 : vector<16xi1>
        %select_n3A_1500 = arith.select %and3A_1499, %get3A_1420, %broadcast_in_dim3A_1 : vector<16xi1>, vector<16xf32>
        %mul3A_1501 = arith.constant 2 : i32
        %mul3A_1502 = arith.muli %mul3A_1501, %scan3A_1007 : i32
        %add3A_1503 = arith.constant 1 : i32
        %add3A_1504 = arith.addi %mul3A_1502, %add3A_1503 : i32
        %mul3A_1505 = arith.constant 128 : i32
        %mul3A_1506 = arith.muli %add3A_1504, %mul3A_1505 : i32
        %add3A_1507 = arith.constant 7168 : i32
        %add3A_1508 = arith.addi %add3A_1507, %mul3A_1506 : i32
        %add3A_1509 = arith.constant 64 : i32
        %add3A_1510 = arith.addi %add3A_1508, %add3A_1509 : i32
        %swap3A_1511 = arith.index_cast %add3A_1510 : i32 to index
        %swap3A_1512 = tpu.vector_load %arg9[%swap3A_1511] {strides = array<i32>} : memref<57344xf32, #tpu.memory_space<vmem>>, vector<16xf32>,
        tpu.vector_store %arg9[%swap3A_1511], %select_n3A_1500 {strides = array<i32>} : memref<57344xf32, #tpu.memory_space<vmem>>, vector<16xf32>,
        %mul3A_1513 = arith.constant 96 : i32
        %mul3A_1514 = arith.muli %scan3A_1007, %mul3A_1513 : i32
        %add3A_1515 = arith.constant 0 : i32
        %add3A_1516 = arith.addi %add3A_1515, %mul3A_1514 : i32
        %add3A_1517 = arith.constant 80 : i32
        %add3A_1518 = arith.addi %add3A_1516, %add3A_1517 : i32
        %get3A_1519 = arith.index_cast %add3A_1518 : i32 to index
        %get3A_1520 = tpu.vector_load %arg6[%get3A_1519] {strides = array<i32>} : memref<5376xf32, #tpu.memory_space<vmem>>, vector<16xf32>,
        %mul3A_1521 = arith.constant 96 : i32
        %mul3A_1522 = arith.muli %scan3A_1007, %mul3A_1521 : i32
        %add3A_1523 = arith.constant 0 : i32
        %add3A_1524 = arith.addi %add3A_1523, %mul3A_1522 : i32
        %add3A_1525 = arith.constant 80 : i32
        %add3A_1526 = arith.addi %add3A_1524, %add3A_1525 : i32
        %get3A_1527 = arith.index_cast %add3A_1526 : i32 to index
        %get3A_1528 = tpu.vector_load %arg7[%get3A_1527] {strides = array<i32>} : memref<5376xi32, #tpu.memory_space<vmem>>, vector<16xi32>,
        %mul3A_1529 = arith.constant 96 : i32
        %mul3A_1530 = arith.muli %scan3A_1007, %mul3A_1529 : i32
        %add3A_1531 = arith.constant 0 : i32
        %add3A_1532 = arith.addi %add3A_1531, %mul3A_1530 : i32
        %add3A_1533 = arith.constant 80 : i32
        %add3A_1534 = arith.addi %add3A_1532, %add3A_1533 : i32
        %get3A_1535 = arith.index_cast %add3A_1534 : i32 to index
        %get3A_1536 = tpu.vector_load %arg8[%get3A_1535] {strides = array<i32>} : memref<10752xi32, #tpu.memory_space<vmem>>, vector<16xi32>,
        %sub3A_1537 = vector.broadcast %add3A_1015 : i32 to vector<16xi32>
        %sub3A_1538 = arith.subi %get3A_1536, %sub3A_1537 : vector<16xi32>
        %mul3A_1539 = arith.constant 2 : i32
        %mul3A_1540 = arith.muli %mul3A_1539, %sub3A_535 : i32
        %add3A_1541 = arith.constant 0 : i32
        %add3A_1542 = arith.addi %mul3A_1540, %add3A_1541 : i32
        %eq3A_1543 = vector.broadcast %add3A_1542 : i32 to vector<16xi32>
        %eq3A_1544 = arith.cmpi eq, %get3A_1528, %eq3A_1543 : vector<16xi32>
        %eq3A_1545 = arith.constant 0 : i32
        %eq3A_1546 = vector.broadcast %eq3A_1545 : i32 to vector<16xi32>
        %eq3A_1547 = arith.cmpi eq, %sub3A_1538, %eq3A_1546 : vector<16xi32>
        %and3A_1548 = arith.andi %eq3A_1547, %eq3A_1544 : vector<16xi1>
        %select_n3A_1549 = arith.select %and3A_1548, %get3A_1520, %broadcast_in_dim3A_1 : vector<16xi1>, vector<16xf32>
        %mul3A_1550 = arith.constant 2 : i32
        %mul3A_1551 = arith.muli %mul3A_1550, %scan3A_1007 : i32
        %add3A_1552 = arith.constant 0 : i32
        %add3A_1553 = arith.addi %mul3A_1551, %add3A_1552 : i32
        %mul3A_1554 = arith.constant 128 : i32
        %mul3A_1555 = arith.muli %add3A_1553, %mul3A_1554 : i32
        %add3A_1556 = arith.constant 0 : i32
        %add3A_1557 = arith.addi %add3A_1556, %mul3A_1555 : i32
        %add3A_1558 = arith.constant 80 : i32
        %add3A_1559 = arith.addi %add3A_1557, %add3A_1558 : i32
        %swap3A_1560 = arith.index_cast %add3A_1559 : i32 to index
        %swap3A_1561 = tpu.vector_load %arg9[%swap3A_1560] {strides = array<i32>} : memref<57344xf32, #tpu.memory_space<vmem>>, vector<16xf32>,
        tpu.vector_store %arg9[%swap3A_1560], %select_n3A_1549 {strides = array<i32>} : memref<57344xf32, #tpu.memory_space<vmem>>, vector<16xf32>,
        %eq3A_1562 = arith.constant 1 : i32
        %eq3A_1563 = vector.broadcast %eq3A_1562 : i32 to vector<16xi32>
        %eq3A_1564 = arith.cmpi eq, %sub3A_1538, %eq3A_1563 : vector<16xi32>
        %and3A_1565 = arith.andi %eq3A_1564, %eq3A_1544 : vector<16xi1>
        %select_n3A_1566 = arith.select %and3A_1565, %get3A_1520, %broadcast_in_dim3A_1 : vector<16xi1>, vector<16xf32>
        %mul3A_1567 = arith.constant 2 : i32
        %mul3A_1568 = arith.muli %mul3A_1567, %scan3A_1007 : i32
        %add3A_1569 = arith.constant 1 : i32
        %add3A_1570 = arith.addi %mul3A_1568, %add3A_1569 : i32
        %mul3A_1571 = arith.constant 128 : i32
        %mul3A_1572 = arith.muli %add3A_1570, %mul3A_1571 : i32
        %add3A_1573 = arith.constant 0 : i32
        %add3A_1574 = arith.addi %add3A_1573, %mul3A_1572 : i32
        %add3A_1575 = arith.constant 80 : i32
        %add3A_1576 = arith.addi %add3A_1574, %add3A_1575 : i32
        %swap3A_1577 = arith.index_cast %add3A_1576 : i32 to index
        %swap3A_1578 = tpu.vector_load %arg9[%swap3A_1577] {strides = array<i32>} : memref<57344xf32, #tpu.memory_space<vmem>>, vector<16xf32>,
        tpu.vector_store %arg9[%swap3A_1577], %select_n3A_1566 {strides = array<i32>} : memref<57344xf32, #tpu.memory_space<vmem>>, vector<16xf32>,
        %eq3A_1579 = arith.constant 56 : i32
        %eq3A_1580 = vector.broadcast %eq3A_1579 : i32 to vector<16xi32>
        %eq3A_1581 = arith.cmpi eq, %sub3A_1538, %eq3A_1580 : vector<16xi32>
        %and3A_1582 = arith.andi %eq3A_1581, %eq3A_1544 : vector<16xi1>
        %select_n3A_1583 = arith.select %and3A_1582, %get3A_1520, %broadcast_in_dim3A_1 : vector<16xi1>, vector<16xf32>
        %mul3A_1584 = arith.constant 2 : i32
        %mul3A_1585 = arith.muli %mul3A_1584, %scan3A_1007 : i32
        %add3A_1586 = arith.constant 0 : i32
        %add3A_1587 = arith.addi %mul3A_1585, %add3A_1586 : i32
        %mul3A_1588 = arith.constant 128 : i32
        %mul3A_1589 = arith.muli %add3A_1587, %mul3A_1588 : i32
        %add3A_1590 = arith.constant 7168 : i32
        %add3A_1591 = arith.addi %add3A_1590, %mul3A_1589 : i32
        %add3A_1592 = arith.constant 80 : i32
        %add3A_1593 = arith.addi %add3A_1591, %add3A_1592 : i32
        %swap3A_1594 = arith.index_cast %add3A_1593 : i32 to index
        %swap3A_1595 = tpu.vector_load %arg9[%swap3A_1594] {strides = array<i32>} : memref<57344xf32, #tpu.memory_space<vmem>>, vector<16xf32>,
        tpu.vector_store %arg9[%swap3A_1594], %select_n3A_1583 {strides = array<i32>} : memref<57344xf32, #tpu.memory_space<vmem>>, vector<16xf32>,
        %eq3A_1596 = arith.constant 57 : i32
        %eq3A_1597 = vector.broadcast %eq3A_1596 : i32 to vector<16xi32>
        %eq3A_1598 = arith.cmpi eq, %sub3A_1538, %eq3A_1597 : vector<16xi32>
        %and3A_1599 = arith.andi %eq3A_1598, %eq3A_1544 : vector<16xi1>
        %select_n3A_1600 = arith.select %and3A_1599, %get3A_1520, %broadcast_in_dim3A_1 : vector<16xi1>, vector<16xf32>
        %mul3A_1601 = arith.constant 2 : i32
        %mul3A_1602 = arith.muli %mul3A_1601, %scan3A_1007 : i32
        %add3A_1603 = arith.constant 1 : i32
        %add3A_1604 = arith.addi %mul3A_1602, %add3A_1603 : i32
        %mul3A_1605 = arith.constant 128 : i32
        %mul3A_1606 = arith.muli %add3A_1604, %mul3A_1605 : i32
        %add3A_1607 = arith.constant 7168 : i32
        %add3A_1608 = arith.addi %add3A_1607, %mul3A_1606 : i32
        %add3A_1609 = arith.constant 80 : i32
        %add3A_1610 = arith.addi %add3A_1608, %add3A_1609 : i32
        %swap3A_1611 = arith.index_cast %add3A_1610 : i32 to index
        %swap3A_1612 = tpu.vector_load %arg9[%swap3A_1611] {strides = array<i32>} : memref<57344xf32, #tpu.memory_space<vmem>>, vector<16xf32>,
        tpu.vector_store %arg9[%swap3A_1611], %select_n3A_1600 {strides = array<i32>} : memref<57344xf32, #tpu.memory_space<vmem>>, vector<16xf32>,
        %scan3A_1613 = arith.constant 0 : i32
        scf.yield %scan3A_1613 : i32
      }
      %scan3A_542 = arith.constant 28 : i32
      %scan3A_543 = arith.constant 0 : i32
      %scan3A_544 = arith.constant 0 : i32
      %scan3A_545 = arith.constant 28 : i32
      %scan3A_546 = arith.addi %scan3A_544, %scan3A_545 : i32
      %scan3A_547 = arith.constant 1 : i32
      %scan3A_548 = scf.for %scan3A_1007 = %scan3A_544 to %scan3A_546 step %scan3A_547 iter_args(%scan3A_1008 = %scan3A_543) -> (i32)  : i32 {
        %mul3A_1009 = arith.constant 2 : i32
        %mul3A_1010 = arith.muli %mul3A_1009, %sub3A_508 : i32
        %mul3A_1011 = arith.constant 56 : i32
        %mul3A_1012 = arith.muli %mul3A_1010, %mul3A_1011 : i32
        %mul3A_1013 = arith.constant 2 : i32
        %mul3A_1014 = arith.muli %mul3A_1013, %scan3A_1007 : i32
        %add3A_1015 = arith.addi %mul3A_1012, %mul3A_1014 : i32
        %mul3A_1016 = arith.constant 96 : i32
        %mul3A_1017 = arith.muli %scan3A_1007, %mul3A_1016 : i32
        %add3A_1018 = arith.constant 0 : i32
        %add3A_1019 = arith.addi %add3A_1018, %mul3A_1017 : i32
        %add3A_1020 = arith.constant 0 : i32
        %add3A_1021 = arith.addi %add3A_1019, %add3A_1020 : i32
        %get3A = arith.index_cast %add3A_1021 : i32 to index
        %get3A_1022 = tpu.vector_load %arg6[%get3A] {strides = array<i32>} : memref<5376xf32, #tpu.memory_space<vmem>>, vector<16xf32>,
        %mul3A_1023 = arith.constant 96 : i32
        %mul3A_1024 = arith.muli %scan3A_1007, %mul3A_1023 : i32
        %add3A_1025 = arith.constant 0 : i32
        %add3A_1026 = arith.addi %add3A_1025, %mul3A_1024 : i32
        %add3A_1027 = arith.constant 0 : i32
        %add3A_1028 = arith.addi %add3A_1026, %add3A_1027 : i32
        %get3A_1029 = arith.index_cast %add3A_1028 : i32 to index
        %get3A_1030 = tpu.vector_load %arg7[%get3A_1029] {strides = array<i32>} : memref<5376xi32, #tpu.memory_space<vmem>>, vector<16xi32>,
        %mul3A_1031 = arith.constant 96 : i32
        %mul3A_1032 = arith.muli %scan3A_1007, %mul3A_1031 : i32
        %add3A_1033 = arith.constant 2688 : i32
        %add3A_1034 = arith.addi %add3A_1033, %mul3A_1032 : i32
        %add3A_1035 = arith.constant 0 : i32
        %add3A_1036 = arith.addi %add3A_1034, %add3A_1035 : i32
        %get3A_1037 = arith.index_cast %add3A_1036 : i32 to index
        %get3A_1038 = tpu.vector_load %arg8[%get3A_1037] {strides = array<i32>} : memref<10752xi32, #tpu.memory_space<vmem>>, vector<16xi32>,
        %sub3A_1039 = vector.broadcast %add3A_1015 : i32 to vector<16xi32>
        %sub3A_1040 = arith.subi %get3A_1038, %sub3A_1039 : vector<16xi32>
        %mul3A_1041 = arith.constant 2 : i32
        %mul3A_1042 = arith.muli %mul3A_1041, %sub3A_535 : i32
        %add3A_1043 = arith.constant 1 : i32
        %add3A_1044 = arith.addi %mul3A_1042, %add3A_1043 : i32
        %eq3A = vector.broadcast %add3A_1044 : i32 to vector<16xi32>
        %eq3A_1045 = arith.cmpi eq, %get3A_1030, %eq3A : vector<16xi32>
        %eq3A_1046 = arith.constant 0 : i32
        %eq3A_1047 = vector.broadcast %eq3A_1046 : i32 to vector<16xi32>
        %eq3A_1048 = arith.cmpi eq, %sub3A_1040, %eq3A_1047 : vector<16xi32>
        %and3A_1049 = arith.andi %eq3A_1048, %eq3A_1045 : vector<16xi1>
        %select_n3A_1050 = arith.select %and3A_1049, %get3A_1022, %broadcast_in_dim3A_1 : vector<16xi1>, vector<16xf32>
        %mul3A_1051 = arith.constant 2 : i32
        %mul3A_1052 = arith.muli %mul3A_1051, %scan3A_1007 : i32
        %add3A_1053 = arith.constant 0 : i32
        %add3A_1054 = arith.addi %mul3A_1052, %add3A_1053 : i32
        %mul3A_1055 = arith.constant 128 : i32
        %mul3A_1056 = arith.muli %add3A_1054, %mul3A_1055 : i32
        %add3A_1057 = arith.constant 14336 : i32
        %add3A_1058 = arith.addi %add3A_1057, %mul3A_1056 : i32
        %add3A_1059 = arith.constant 0 : i32
        %add3A_1060 = arith.addi %add3A_1058, %add3A_1059 : i32
        %swap3A = arith.index_cast %add3A_1060 : i32 to index
        %swap3A_1061 = tpu.vector_load %arg9[%swap3A] {strides = array<i32>} : memref<57344xf32, #tpu.memory_space<vmem>>, vector<16xf32>,
        tpu.vector_store %arg9[%swap3A], %select_n3A_1050 {strides = array<i32>} : memref<57344xf32, #tpu.memory_space<vmem>>, vector<16xf32>,
        %eq3A_1062 = arith.constant 1 : i32
        %eq3A_1063 = vector.broadcast %eq3A_1062 : i32 to vector<16xi32>
        %eq3A_1064 = arith.cmpi eq, %sub3A_1040, %eq3A_1063 : vector<16xi32>
        %and3A_1065 = arith.andi %eq3A_1064, %eq3A_1045 : vector<16xi1>
        %select_n3A_1066 = arith.select %and3A_1065, %get3A_1022, %broadcast_in_dim3A_1 : vector<16xi1>, vector<16xf32>
        %mul3A_1067 = arith.constant 2 : i32
        %mul3A_1068 = arith.muli %mul3A_1067, %scan3A_1007 : i32
        %add3A_1069 = arith.constant 1 : i32
        %add3A_1070 = arith.addi %mul3A_1068, %add3A_1069 : i32
        %mul3A_1071 = arith.constant 128 : i32
        %mul3A_1072 = arith.muli %add3A_1070, %mul3A_1071 : i32
        %add3A_1073 = arith.constant 14336 : i32
        %add3A_1074 = arith.addi %add3A_1073, %mul3A_1072 : i32
        %add3A_1075 = arith.constant 0 : i32
        %add3A_1076 = arith.addi %add3A_1074, %add3A_1075 : i32
        %swap3A_1077 = arith.index_cast %add3A_1076 : i32 to index
        %swap3A_1078 = tpu.vector_load %arg9[%swap3A_1077] {strides = array<i32>} : memref<57344xf32, #tpu.memory_space<vmem>>, vector<16xf32>,
        tpu.vector_store %arg9[%swap3A_1077], %select_n3A_1066 {strides = array<i32>} : memref<57344xf32, #tpu.memory_space<vmem>>, vector<16xf32>,
        %eq3A_1079 = arith.constant 56 : i32
        %eq3A_1080 = vector.broadcast %eq3A_1079 : i32 to vector<16xi32>
        %eq3A_1081 = arith.cmpi eq, %sub3A_1040, %eq3A_1080 : vector<16xi32>
        %and3A_1082 = arith.andi %eq3A_1081, %eq3A_1045 : vector<16xi1>
        %select_n3A_1083 = arith.select %and3A_1082, %get3A_1022, %broadcast_in_dim3A_1 : vector<16xi1>, vector<16xf32>
        %mul3A_1084 = arith.constant 2 : i32
        %mul3A_1085 = arith.muli %mul3A_1084, %scan3A_1007 : i32
        %add3A_1086 = arith.constant 0 : i32
        %add3A_1087 = arith.addi %mul3A_1085, %add3A_1086 : i32
        %mul3A_1088 = arith.constant 128 : i32
        %mul3A_1089 = arith.muli %add3A_1087, %mul3A_1088 : i32
        %add3A_1090 = arith.constant 21504 : i32
        %add3A_1091 = arith.addi %add3A_1090, %mul3A_1089 : i32
        %add3A_1092 = arith.constant 0 : i32
        %add3A_1093 = arith.addi %add3A_1091, %add3A_1092 : i32
        %swap3A_1094 = arith.index_cast %add3A_1093 : i32 to index
        %swap3A_1095 = tpu.vector_load %arg9[%swap3A_1094] {strides = array<i32>} : memref<57344xf32, #tpu.memory_space<vmem>>, vector<16xf32>,
        tpu.vector_store %arg9[%swap3A_1094], %select_n3A_1083 {strides = array<i32>} : memref<57344xf32, #tpu.memory_space<vmem>>, vector<16xf32>,
        %eq3A_1096 = arith.constant 57 : i32
        %eq3A_1097 = vector.broadcast %eq3A_1096 : i32 to vector<16xi32>
        %eq3A_1098 = arith.cmpi eq, %sub3A_1040, %eq3A_1097 : vector<16xi32>
        %and3A_1099 = arith.andi %eq3A_1098, %eq3A_1045 : vector<16xi1>
        %select_n3A_1100 = arith.select %and3A_1099, %get3A_1022, %broadcast_in_dim3A_1 : vector<16xi1>, vector<16xf32>
        %mul3A_1101 = arith.constant 2 : i32
        %mul3A_1102 = arith.muli %mul3A_1101, %scan3A_1007 : i32
        %add3A_1103 = arith.constant 1 : i32
        %add3A_1104 = arith.addi %mul3A_1102, %add3A_1103 : i32
        %mul3A_1105 = arith.constant 128 : i32
        %mul3A_1106 = arith.muli %add3A_1104, %mul3A_1105 : i32
        %add3A_1107 = arith.constant 21504 : i32
        %add3A_1108 = arith.addi %add3A_1107, %mul3A_1106 : i32
        %add3A_1109 = arith.constant 0 : i32
        %add3A_1110 = arith.addi %add3A_1108, %add3A_1109 : i32
        %swap3A_1111 = arith.index_cast %add3A_1110 : i32 to index
        %swap3A_1112 = tpu.vector_load %arg9[%swap3A_1111] {strides = array<i32>} : memref<57344xf32, #tpu.memory_space<vmem>>, vector<16xf32>,
        tpu.vector_store %arg9[%swap3A_1111], %select_n3A_1100 {strides = array<i32>} : memref<57344xf32, #tpu.memory_space<vmem>>, vector<16xf32>,
        %mul3A_1113 = arith.constant 96 : i32
        %mul3A_1114 = arith.muli %scan3A_1007, %mul3A_1113 : i32
        %add3A_1115 = arith.constant 0 : i32
        %add3A_1116 = arith.addi %add3A_1115, %mul3A_1114 : i32
        %add3A_1117 = arith.constant 16 : i32
        %add3A_1118 = arith.addi %add3A_1116, %add3A_1117 : i32
        %get3A_1119 = arith.index_cast %add3A_1118 : i32 to index
        %get3A_1120 = tpu.vector_load %arg6[%get3A_1119] {strides = array<i32>} : memref<5376xf32, #tpu.memory_space<vmem>>, vector<16xf32>,
        %mul3A_1121 = arith.constant 96 : i32
        %mul3A_1122 = arith.muli %scan3A_1007, %mul3A_1121 : i32
        %add3A_1123 = arith.constant 0 : i32
        %add3A_1124 = arith.addi %add3A_1123, %mul3A_1122 : i32
        %add3A_1125 = arith.constant 16 : i32
        %add3A_1126 = arith.addi %add3A_1124, %add3A_1125 : i32
        %get3A_1127 = arith.index_cast %add3A_1126 : i32 to index
        %get3A_1128 = tpu.vector_load %arg7[%get3A_1127] {strides = array<i32>} : memref<5376xi32, #tpu.memory_space<vmem>>, vector<16xi32>,
        %mul3A_1129 = arith.constant 96 : i32
        %mul3A_1130 = arith.muli %scan3A_1007, %mul3A_1129 : i32
        %add3A_1131 = arith.constant 2688 : i32
        %add3A_1132 = arith.addi %add3A_1131, %mul3A_1130 : i32
        %add3A_1133 = arith.constant 16 : i32
        %add3A_1134 = arith.addi %add3A_1132, %add3A_1133 : i32
        %get3A_1135 = arith.index_cast %add3A_1134 : i32 to index
        %get3A_1136 = tpu.vector_load %arg8[%get3A_1135] {strides = array<i32>} : memref<10752xi32, #tpu.memory_space<vmem>>, vector<16xi32>,
        %sub3A_1137 = vector.broadcast %add3A_1015 : i32 to vector<16xi32>
        %sub3A_1138 = arith.subi %get3A_1136, %sub3A_1137 : vector<16xi32>
        %mul3A_1139 = arith.constant 2 : i32
        %mul3A_1140 = arith.muli %mul3A_1139, %sub3A_535 : i32
        %add3A_1141 = arith.constant 1 : i32
        %add3A_1142 = arith.addi %mul3A_1140, %add3A_1141 : i32
        %eq3A_1143 = vector.broadcast %add3A_1142 : i32 to vector<16xi32>
        %eq3A_1144 = arith.cmpi eq, %get3A_1128, %eq3A_1143 : vector<16xi32>
        %eq3A_1145 = arith.constant 0 : i32
        %eq3A_1146 = vector.broadcast %eq3A_1145 : i32 to vector<16xi32>
        %eq3A_1147 = arith.cmpi eq, %sub3A_1138, %eq3A_1146 : vector<16xi32>
        %and3A_1148 = arith.andi %eq3A_1147, %eq3A_1144 : vector<16xi1>
        %select_n3A_1149 = arith.select %and3A_1148, %get3A_1120, %broadcast_in_dim3A_1 : vector<16xi1>, vector<16xf32>
        %mul3A_1150 = arith.constant 2 : i32
        %mul3A_1151 = arith.muli %mul3A_1150, %scan3A_1007 : i32
        %add3A_1152 = arith.constant 0 : i32
        %add3A_1153 = arith.addi %mul3A_1151, %add3A_1152 : i32
        %mul3A_1154 = arith.constant 128 : i32
        %mul3A_1155 = arith.muli %add3A_1153, %mul3A_1154 : i32
        %add3A_1156 = arith.constant 14336 : i32
        %add3A_1157 = arith.addi %add3A_1156, %mul3A_1155 : i32
        %add3A_1158 = arith.constant 16 : i32
        %add3A_1159 = arith.addi %add3A_1157, %add3A_1158 : i32
        %swap3A_1160 = arith.index_cast %add3A_1159 : i32 to index
        %swap3A_1161 = tpu.vector_load %arg9[%swap3A_1160] {strides = array<i32>} : memref<57344xf32, #tpu.memory_space<vmem>>, vector<16xf32>,
        tpu.vector_store %arg9[%swap3A_1160], %select_n3A_1149 {strides = array<i32>} : memref<57344xf32, #tpu.memory_space<vmem>>, vector<16xf32>,
        %eq3A_1162 = arith.constant 1 : i32
        %eq3A_1163 = vector.broadcast %eq3A_1162 : i32 to vector<16xi32>
        %eq3A_1164 = arith.cmpi eq, %sub3A_1138, %eq3A_1163 : vector<16xi32>
        %and3A_1165 = arith.andi %eq3A_1164, %eq3A_1144 : vector<16xi1>
        %select_n3A_1166 = arith.select %and3A_1165, %get3A_1120, %broadcast_in_dim3A_1 : vector<16xi1>, vector<16xf32>
        %mul3A_1167 = arith.constant 2 : i32
        %mul3A_1168 = arith.muli %mul3A_1167, %scan3A_1007 : i32
        %add3A_1169 = arith.constant 1 : i32
        %add3A_1170 = arith.addi %mul3A_1168, %add3A_1169 : i32
        %mul3A_1171 = arith.constant 128 : i32
        %mul3A_1172 = arith.muli %add3A_1170, %mul3A_1171 : i32
        %add3A_1173 = arith.constant 14336 : i32
        %add3A_1174 = arith.addi %add3A_1173, %mul3A_1172 : i32
        %add3A_1175 = arith.constant 16 : i32
        %add3A_1176 = arith.addi %add3A_1174, %add3A_1175 : i32
        %swap3A_1177 = arith.index_cast %add3A_1176 : i32 to index
        %swap3A_1178 = tpu.vector_load %arg9[%swap3A_1177] {strides = array<i32>} : memref<57344xf32, #tpu.memory_space<vmem>>, vector<16xf32>,
        tpu.vector_store %arg9[%swap3A_1177], %select_n3A_1166 {strides = array<i32>} : memref<57344xf32, #tpu.memory_space<vmem>>, vector<16xf32>,
        %eq3A_1179 = arith.constant 56 : i32
        %eq3A_1180 = vector.broadcast %eq3A_1179 : i32 to vector<16xi32>
        %eq3A_1181 = arith.cmpi eq, %sub3A_1138, %eq3A_1180 : vector<16xi32>
        %and3A_1182 = arith.andi %eq3A_1181, %eq3A_1144 : vector<16xi1>
        %select_n3A_1183 = arith.select %and3A_1182, %get3A_1120, %broadcast_in_dim3A_1 : vector<16xi1>, vector<16xf32>
        %mul3A_1184 = arith.constant 2 : i32
        %mul3A_1185 = arith.muli %mul3A_1184, %scan3A_1007 : i32
        %add3A_1186 = arith.constant 0 : i32
        %add3A_1187 = arith.addi %mul3A_1185, %add3A_1186 : i32
        %mul3A_1188 = arith.constant 128 : i32
        %mul3A_1189 = arith.muli %add3A_1187, %mul3A_1188 : i32
        %add3A_1190 = arith.constant 21504 : i32
        %add3A_1191 = arith.addi %add3A_1190, %mul3A_1189 : i32
        %add3A_1192 = arith.constant 16 : i32
        %add3A_1193 = arith.addi %add3A_1191, %add3A_1192 : i32
        %swap3A_1194 = arith.index_cast %add3A_1193 : i32 to index
        %swap3A_1195 = tpu.vector_load %arg9[%swap3A_1194] {strides = array<i32>} : memref<57344xf32, #tpu.memory_space<vmem>>, vector<16xf32>,
        tpu.vector_store %arg9[%swap3A_1194], %select_n3A_1183 {strides = array<i32>} : memref<57344xf32, #tpu.memory_space<vmem>>, vector<16xf32>,
        %eq3A_1196 = arith.constant 57 : i32
        %eq3A_1197 = vector.broadcast %eq3A_1196 : i32 to vector<16xi32>
        %eq3A_1198 = arith.cmpi eq, %sub3A_1138, %eq3A_1197 : vector<16xi32>
        %and3A_1199 = arith.andi %eq3A_1198, %eq3A_1144 : vector<16xi1>
        %select_n3A_1200 = arith.select %and3A_1199, %get3A_1120, %broadcast_in_dim3A_1 : vector<16xi1>, vector<16xf32>
        %mul3A_1201 = arith.constant 2 : i32
        %mul3A_1202 = arith.muli %mul3A_1201, %scan3A_1007 : i32
        %add3A_1203 = arith.constant 1 : i32
        %add3A_1204 = arith.addi %mul3A_1202, %add3A_1203 : i32
        %mul3A_1205 = arith.constant 128 : i32
        %mul3A_1206 = arith.muli %add3A_1204, %mul3A_1205 : i32
        %add3A_1207 = arith.constant 21504 : i32
        %add3A_1208 = arith.addi %add3A_1207, %mul3A_1206 : i32
        %add3A_1209 = arith.constant 16 : i32
        %add3A_1210 = arith.addi %add3A_1208, %add3A_1209 : i32
        %swap3A_1211 = arith.index_cast %add3A_1210 : i32 to index
        %swap3A_1212 = tpu.vector_load %arg9[%swap3A_1211] {strides = array<i32>} : memref<57344xf32, #tpu.memory_space<vmem>>, vector<16xf32>,
        tpu.vector_store %arg9[%swap3A_1211], %select_n3A_1200 {strides = array<i32>} : memref<57344xf32, #tpu.memory_space<vmem>>, vector<16xf32>,
        %mul3A_1213 = arith.constant 96 : i32
        %mul3A_1214 = arith.muli %scan3A_1007, %mul3A_1213 : i32
        %add3A_1215 = arith.constant 0 : i32
        %add3A_1216 = arith.addi %add3A_1215, %mul3A_1214 : i32
        %add3A_1217 = arith.constant 32 : i32
        %add3A_1218 = arith.addi %add3A_1216, %add3A_1217 : i32
        %get3A_1219 = arith.index_cast %add3A_1218 : i32 to index
        %get3A_1220 = tpu.vector_load %arg6[%get3A_1219] {strides = array<i32>} : memref<5376xf32, #tpu.memory_space<vmem>>, vector<16xf32>,
        %mul3A_1221 = arith.constant 96 : i32
        %mul3A_1222 = arith.muli %scan3A_1007, %mul3A_1221 : i32
        %add3A_1223 = arith.constant 0 : i32
        %add3A_1224 = arith.addi %add3A_1223, %mul3A_1222 : i32
        %add3A_1225 = arith.constant 32 : i32
        %add3A_1226 = arith.addi %add3A_1224, %add3A_1225 : i32
        %get3A_1227 = arith.index_cast %add3A_1226 : i32 to index
        %get3A_1228 = tpu.vector_load %arg7[%get3A_1227] {strides = array<i32>} : memref<5376xi32, #tpu.memory_space<vmem>>, vector<16xi32>,
        %mul3A_1229 = arith.constant 96 : i32
        %mul3A_1230 = arith.muli %scan3A_1007, %mul3A_1229 : i32
        %add3A_1231 = arith.constant 2688 : i32
        %add3A_1232 = arith.addi %add3A_1231, %mul3A_1230 : i32
        %add3A_1233 = arith.constant 32 : i32
        %add3A_1234 = arith.addi %add3A_1232, %add3A_1233 : i32
        %get3A_1235 = arith.index_cast %add3A_1234 : i32 to index
        %get3A_1236 = tpu.vector_load %arg8[%get3A_1235] {strides = array<i32>} : memref<10752xi32, #tpu.memory_space<vmem>>, vector<16xi32>,
        %sub3A_1237 = vector.broadcast %add3A_1015 : i32 to vector<16xi32>
        %sub3A_1238 = arith.subi %get3A_1236, %sub3A_1237 : vector<16xi32>
        %mul3A_1239 = arith.constant 2 : i32
        %mul3A_1240 = arith.muli %mul3A_1239, %sub3A_535 : i32
        %add3A_1241 = arith.constant 1 : i32
        %add3A_1242 = arith.addi %mul3A_1240, %add3A_1241 : i32
        %eq3A_1243 = vector.broadcast %add3A_1242 : i32 to vector<16xi32>
        %eq3A_1244 = arith.cmpi eq, %get3A_1228, %eq3A_1243 : vector<16xi32>
        %eq3A_1245 = arith.constant 0 : i32
        %eq3A_1246 = vector.broadcast %eq3A_1245 : i32 to vector<16xi32>
        %eq3A_1247 = arith.cmpi eq, %sub3A_1238, %eq3A_1246 : vector<16xi32>
        %and3A_1248 = arith.andi %eq3A_1247, %eq3A_1244 : vector<16xi1>
        %select_n3A_1249 = arith.select %and3A_1248, %get3A_1220, %broadcast_in_dim3A_1 : vector<16xi1>, vector<16xf32>
        %mul3A_1250 = arith.constant 2 : i32
        %mul3A_1251 = arith.muli %mul3A_1250, %scan3A_1007 : i32
        %add3A_1252 = arith.constant 0 : i32
        %add3A_1253 = arith.addi %mul3A_1251, %add3A_1252 : i32
        %mul3A_1254 = arith.constant 128 : i32
        %mul3A_1255 = arith.muli %add3A_1253, %mul3A_1254 : i32
        %add3A_1256 = arith.constant 14336 : i32
        %add3A_1257 = arith.addi %add3A_1256, %mul3A_1255 : i32
        %add3A_1258 = arith.constant 32 : i32
        %add3A_1259 = arith.addi %add3A_1257, %add3A_1258 : i32
        %swap3A_1260 = arith.index_cast %add3A_1259 : i32 to index
        %swap3A_1261 = tpu.vector_load %arg9[%swap3A_1260] {strides = array<i32>} : memref<57344xf32, #tpu.memory_space<vmem>>, vector<16xf32>,
        tpu.vector_store %arg9[%swap3A_1260], %select_n3A_1249 {strides = array<i32>} : memref<57344xf32, #tpu.memory_space<vmem>>, vector<16xf32>,
        %eq3A_1262 = arith.constant 1 : i32
        %eq3A_1263 = vector.broadcast %eq3A_1262 : i32 to vector<16xi32>
        %eq3A_1264 = arith.cmpi eq, %sub3A_1238, %eq3A_1263 : vector<16xi32>
        %and3A_1265 = arith.andi %eq3A_1264, %eq3A_1244 : vector<16xi1>
        %select_n3A_1266 = arith.select %and3A_1265, %get3A_1220, %broadcast_in_dim3A_1 : vector<16xi1>, vector<16xf32>
        %mul3A_1267 = arith.constant 2 : i32
        %mul3A_1268 = arith.muli %mul3A_1267, %scan3A_1007 : i32
        %add3A_1269 = arith.constant 1 : i32
        %add3A_1270 = arith.addi %mul3A_1268, %add3A_1269 : i32
        %mul3A_1271 = arith.constant 128 : i32
        %mul3A_1272 = arith.muli %add3A_1270, %mul3A_1271 : i32
        %add3A_1273 = arith.constant 14336 : i32
        %add3A_1274 = arith.addi %add3A_1273, %mul3A_1272 : i32
        %add3A_1275 = arith.constant 32 : i32
        %add3A_1276 = arith.addi %add3A_1274, %add3A_1275 : i32
        %swap3A_1277 = arith.index_cast %add3A_1276 : i32 to index
        %swap3A_1278 = tpu.vector_load %arg9[%swap3A_1277] {strides = array<i32>} : memref<57344xf32, #tpu.memory_space<vmem>>, vector<16xf32>,
        tpu.vector_store %arg9[%swap3A_1277], %select_n3A_1266 {strides = array<i32>} : memref<57344xf32, #tpu.memory_space<vmem>>, vector<16xf32>,
        %eq3A_1279 = arith.constant 56 : i32
        %eq3A_1280 = vector.broadcast %eq3A_1279 : i32 to vector<16xi32>
        %eq3A_1281 = arith.cmpi eq, %sub3A_1238, %eq3A_1280 : vector<16xi32>
        %and3A_1282 = arith.andi %eq3A_1281, %eq3A_1244 : vector<16xi1>
        %select_n3A_1283 = arith.select %and3A_1282, %get3A_1220, %broadcast_in_dim3A_1 : vector<16xi1>, vector<16xf32>
        %mul3A_1284 = arith.constant 2 : i32
        %mul3A_1285 = arith.muli %mul3A_1284, %scan3A_1007 : i32
        %add3A_1286 = arith.constant 0 : i32
        %add3A_1287 = arith.addi %mul3A_1285, %add3A_1286 : i32
        %mul3A_1288 = arith.constant 128 : i32
        %mul3A_1289 = arith.muli %add3A_1287, %mul3A_1288 : i32
        %add3A_1290 = arith.constant 21504 : i32
        %add3A_1291 = arith.addi %add3A_1290, %mul3A_1289 : i32
        %add3A_1292 = arith.constant 32 : i32
        %add3A_1293 = arith.addi %add3A_1291, %add3A_1292 : i32
        %swap3A_1294 = arith.index_cast %add3A_1293 : i32 to index
        %swap3A_1295 = tpu.vector_load %arg9[%swap3A_1294] {strides = array<i32>} : memref<57344xf32, #tpu.memory_space<vmem>>, vector<16xf32>,
        tpu.vector_store %arg9[%swap3A_1294], %select_n3A_1283 {strides = array<i32>} : memref<57344xf32, #tpu.memory_space<vmem>>, vector<16xf32>,
        %eq3A_1296 = arith.constant 57 : i32
        %eq3A_1297 = vector.broadcast %eq3A_1296 : i32 to vector<16xi32>
        %eq3A_1298 = arith.cmpi eq, %sub3A_1238, %eq3A_1297 : vector<16xi32>
        %and3A_1299 = arith.andi %eq3A_1298, %eq3A_1244 : vector<16xi1>
        %select_n3A_1300 = arith.select %and3A_1299, %get3A_1220, %broadcast_in_dim3A_1 : vector<16xi1>, vector<16xf32>
        %mul3A_1301 = arith.constant 2 : i32
        %mul3A_1302 = arith.muli %mul3A_1301, %scan3A_1007 : i32
        %add3A_1303 = arith.constant 1 : i32
        %add3A_1304 = arith.addi %mul3A_1302, %add3A_1303 : i32
        %mul3A_1305 = arith.constant 128 : i32
        %mul3A_1306 = arith.muli %add3A_1304, %mul3A_1305 : i32
        %add3A_1307 = arith.constant 21504 : i32
        %add3A_1308 = arith.addi %add3A_1307, %mul3A_1306 : i32
        %add3A_1309 = arith.constant 32 : i32
        %add3A_1310 = arith.addi %add3A_1308, %add3A_1309 : i32
        %swap3A_1311 = arith.index_cast %add3A_1310 : i32 to index
        %swap3A_1312 = tpu.vector_load %arg9[%swap3A_1311] {strides = array<i32>} : memref<57344xf32, #tpu.memory_space<vmem>>, vector<16xf32>,
        tpu.vector_store %arg9[%swap3A_1311], %select_n3A_1300 {strides = array<i32>} : memref<57344xf32, #tpu.memory_space<vmem>>, vector<16xf32>,
        %mul3A_1313 = arith.constant 96 : i32
        %mul3A_1314 = arith.muli %scan3A_1007, %mul3A_1313 : i32
        %add3A_1315 = arith.constant 0 : i32
        %add3A_1316 = arith.addi %add3A_1315, %mul3A_1314 : i32
        %add3A_1317 = arith.constant 48 : i32
        %add3A_1318 = arith.addi %add3A_1316, %add3A_1317 : i32
        %get3A_1319 = arith.index_cast %add3A_1318 : i32 to index
        %get3A_1320 = tpu.vector_load %arg6[%get3A_1319] {strides = array<i32>} : memref<5376xf32, #tpu.memory_space<vmem>>, vector<16xf32>,
        %mul3A_1321 = arith.constant 96 : i32
        %mul3A_1322 = arith.muli %scan3A_1007, %mul3A_1321 : i32
        %add3A_1323 = arith.constant 0 : i32
        %add3A_1324 = arith.addi %add3A_1323, %mul3A_1322 : i32
        %add3A_1325 = arith.constant 48 : i32
        %add3A_1326 = arith.addi %add3A_1324, %add3A_1325 : i32
        %get3A_1327 = arith.index_cast %add3A_1326 : i32 to index
        %get3A_1328 = tpu.vector_load %arg7[%get3A_1327] {strides = array<i32>} : memref<5376xi32, #tpu.memory_space<vmem>>, vector<16xi32>,
        %mul3A_1329 = arith.constant 96 : i32
        %mul3A_1330 = arith.muli %scan3A_1007, %mul3A_1329 : i32
        %add3A_1331 = arith.constant 2688 : i32
        %add3A_1332 = arith.addi %add3A_1331, %mul3A_1330 : i32
        %add3A_1333 = arith.constant 48 : i32
        %add3A_1334 = arith.addi %add3A_1332, %add3A_1333 : i32
        %get3A_1335 = arith.index_cast %add3A_1334 : i32 to index
        %get3A_1336 = tpu.vector_load %arg8[%get3A_1335] {strides = array<i32>} : memref<10752xi32, #tpu.memory_space<vmem>>, vector<16xi32>,
        %sub3A_1337 = vector.broadcast %add3A_1015 : i32 to vector<16xi32>
        %sub3A_1338 = arith.subi %get3A_1336, %sub3A_1337 : vector<16xi32>
        %mul3A_1339 = arith.constant 2 : i32
        %mul3A_1340 = arith.muli %mul3A_1339, %sub3A_535 : i32
        %add3A_1341 = arith.constant 1 : i32
        %add3A_1342 = arith.addi %mul3A_1340, %add3A_1341 : i32
        %eq3A_1343 = vector.broadcast %add3A_1342 : i32 to vector<16xi32>
        %eq3A_1344 = arith.cmpi eq, %get3A_1328, %eq3A_1343 : vector<16xi32>
        %eq3A_1345 = arith.constant 0 : i32
        %eq3A_1346 = vector.broadcast %eq3A_1345 : i32 to vector<16xi32>
        %eq3A_1347 = arith.cmpi eq, %sub3A_1338, %eq3A_1346 : vector<16xi32>
        %and3A_1348 = arith.andi %eq3A_1347, %eq3A_1344 : vector<16xi1>
        %select_n3A_1349 = arith.select %and3A_1348, %get3A_1320, %broadcast_in_dim3A_1 : vector<16xi1>, vector<16xf32>
        %mul3A_1350 = arith.constant 2 : i32
        %mul3A_1351 = arith.muli %mul3A_1350, %scan3A_1007 : i32
        %add3A_1352 = arith.constant 0 : i32
        %add3A_1353 = arith.addi %mul3A_1351, %add3A_1352 : i32
        %mul3A_1354 = arith.constant 128 : i32
        %mul3A_1355 = arith.muli %add3A_1353, %mul3A_1354 : i32
        %add3A_1356 = arith.constant 14336 : i32
        %add3A_1357 = arith.addi %add3A_1356, %mul3A_1355 : i32
        %add3A_1358 = arith.constant 48 : i32
        %add3A_1359 = arith.addi %add3A_1357, %add3A_1358 : i32
        %swap3A_1360 = arith.index_cast %add3A_1359 : i32 to index
        %swap3A_1361 = tpu.vector_load %arg9[%swap3A_1360] {strides = array<i32>} : memref<57344xf32, #tpu.memory_space<vmem>>, vector<16xf32>,
        tpu.vector_store %arg9[%swap3A_1360], %select_n3A_1349 {strides = array<i32>} : memref<57344xf32, #tpu.memory_space<vmem>>, vector<16xf32>,
        %eq3A_1362 = arith.constant 1 : i32
        %eq3A_1363 = vector.broadcast %eq3A_1362 : i32 to vector<16xi32>
        %eq3A_1364 = arith.cmpi eq, %sub3A_1338, %eq3A_1363 : vector<16xi32>
        %and3A_1365 = arith.andi %eq3A_1364, %eq3A_1344 : vector<16xi1>
        %select_n3A_1366 = arith.select %and3A_1365, %get3A_1320, %broadcast_in_dim3A_1 : vector<16xi1>, vector<16xf32>
        %mul3A_1367 = arith.constant 2 : i32
        %mul3A_1368 = arith.muli %mul3A_1367, %scan3A_1007 : i32
        %add3A_1369 = arith.constant 1 : i32
        %add3A_1370 = arith.addi %mul3A_1368, %add3A_1369 : i32
        %mul3A_1371 = arith.constant 128 : i32
        %mul3A_1372 = arith.muli %add3A_1370, %mul3A_1371 : i32
        %add3A_1373 = arith.constant 14336 : i32
        %add3A_1374 = arith.addi %add3A_1373, %mul3A_1372 : i32
        %add3A_1375 = arith.constant 48 : i32
        %add3A_1376 = arith.addi %add3A_1374, %add3A_1375 : i32
        %swap3A_1377 = arith.index_cast %add3A_1376 : i32 to index
        %swap3A_1378 = tpu.vector_load %arg9[%swap3A_1377] {strides = array<i32>} : memref<57344xf32, #tpu.memory_space<vmem>>, vector<16xf32>,
        tpu.vector_store %arg9[%swap3A_1377], %select_n3A_1366 {strides = array<i32>} : memref<57344xf32, #tpu.memory_space<vmem>>, vector<16xf32>,
        %eq3A_1379 = arith.constant 56 : i32
        %eq3A_1380 = vector.broadcast %eq3A_1379 : i32 to vector<16xi32>
        %eq3A_1381 = arith.cmpi eq, %sub3A_1338, %eq3A_1380 : vector<16xi32>
        %and3A_1382 = arith.andi %eq3A_1381, %eq3A_1344 : vector<16xi1>
        %select_n3A_1383 = arith.select %and3A_1382, %get3A_1320, %broadcast_in_dim3A_1 : vector<16xi1>, vector<16xf32>
        %mul3A_1384 = arith.constant 2 : i32
        %mul3A_1385 = arith.muli %mul3A_1384, %scan3A_1007 : i32
        %add3A_1386 = arith.constant 0 : i32
        %add3A_1387 = arith.addi %mul3A_1385, %add3A_1386 : i32
        %mul3A_1388 = arith.constant 128 : i32
        %mul3A_1389 = arith.muli %add3A_1387, %mul3A_1388 : i32
        %add3A_1390 = arith.constant 21504 : i32
        %add3A_1391 = arith.addi %add3A_1390, %mul3A_1389 : i32
        %add3A_1392 = arith.constant 48 : i32
        %add3A_1393 = arith.addi %add3A_1391, %add3A_1392 : i32
        %swap3A_1394 = arith.index_cast %add3A_1393 : i32 to index
        %swap3A_1395 = tpu.vector_load %arg9[%swap3A_1394] {strides = array<i32>} : memref<57344xf32, #tpu.memory_space<vmem>>, vector<16xf32>,
        tpu.vector_store %arg9[%swap3A_1394], %select_n3A_1383 {strides = array<i32>} : memref<57344xf32, #tpu.memory_space<vmem>>, vector<16xf32>,
        %eq3A_1396 = arith.constant 57 : i32
        %eq3A_1397 = vector.broadcast %eq3A_1396 : i32 to vector<16xi32>
        %eq3A_1398 = arith.cmpi eq, %sub3A_1338, %eq3A_1397 : vector<16xi32>
        %and3A_1399 = arith.andi %eq3A_1398, %eq3A_1344 : vector<16xi1>
        %select_n3A_1400 = arith.select %and3A_1399, %get3A_1320, %broadcast_in_dim3A_1 : vector<16xi1>, vector<16xf32>
        %mul3A_1401 = arith.constant 2 : i32
        %mul3A_1402 = arith.muli %mul3A_1401, %scan3A_1007 : i32
        %add3A_1403 = arith.constant 1 : i32
        %add3A_1404 = arith.addi %mul3A_1402, %add3A_1403 : i32
        %mul3A_1405 = arith.constant 128 : i32
        %mul3A_1406 = arith.muli %add3A_1404, %mul3A_1405 : i32
        %add3A_1407 = arith.constant 21504 : i32
        %add3A_1408 = arith.addi %add3A_1407, %mul3A_1406 : i32
        %add3A_1409 = arith.constant 48 : i32
        %add3A_1410 = arith.addi %add3A_1408, %add3A_1409 : i32
        %swap3A_1411 = arith.index_cast %add3A_1410 : i32 to index
        %swap3A_1412 = tpu.vector_load %arg9[%swap3A_1411] {strides = array<i32>} : memref<57344xf32, #tpu.memory_space<vmem>>, vector<16xf32>,
        tpu.vector_store %arg9[%swap3A_1411], %select_n3A_1400 {strides = array<i32>} : memref<57344xf32, #tpu.memory_space<vmem>>, vector<16xf32>,
        %mul3A_1413 = arith.constant 96 : i32
        %mul3A_1414 = arith.muli %scan3A_1007, %mul3A_1413 : i32
        %add3A_1415 = arith.constant 0 : i32
        %add3A_1416 = arith.addi %add3A_1415, %mul3A_1414 : i32
        %add3A_1417 = arith.constant 64 : i32
        %add3A_1418 = arith.addi %add3A_1416, %add3A_1417 : i32
        %get3A_1419 = arith.index_cast %add3A_1418 : i32 to index
        %get3A_1420 = tpu.vector_load %arg6[%get3A_1419] {strides = array<i32>} : memref<5376xf32, #tpu.memory_space<vmem>>, vector<16xf32>,
        %mul3A_1421 = arith.constant 96 : i32
        %mul3A_1422 = arith.muli %scan3A_1007, %mul3A_1421 : i32
        %add3A_1423 = arith.constant 0 : i32
        %add3A_1424 = arith.addi %add3A_1423, %mul3A_1422 : i32
        %add3A_1425 = arith.constant 64 : i32
        %add3A_1426 = arith.addi %add3A_1424, %add3A_1425 : i32
        %get3A_1427 = arith.index_cast %add3A_1426 : i32 to index
        %get3A_1428 = tpu.vector_load %arg7[%get3A_1427] {strides = array<i32>} : memref<5376xi32, #tpu.memory_space<vmem>>, vector<16xi32>,
        %mul3A_1429 = arith.constant 96 : i32
        %mul3A_1430 = arith.muli %scan3A_1007, %mul3A_1429 : i32
        %add3A_1431 = arith.constant 2688 : i32
        %add3A_1432 = arith.addi %add3A_1431, %mul3A_1430 : i32
        %add3A_1433 = arith.constant 64 : i32
        %add3A_1434 = arith.addi %add3A_1432, %add3A_1433 : i32
        %get3A_1435 = arith.index_cast %add3A_1434 : i32 to index
        %get3A_1436 = tpu.vector_load %arg8[%get3A_1435] {strides = array<i32>} : memref<10752xi32, #tpu.memory_space<vmem>>, vector<16xi32>,
        %sub3A_1437 = vector.broadcast %add3A_1015 : i32 to vector<16xi32>
        %sub3A_1438 = arith.subi %get3A_1436, %sub3A_1437 : vector<16xi32>
        %mul3A_1439 = arith.constant 2 : i32
        %mul3A_1440 = arith.muli %mul3A_1439, %sub3A_535 : i32
        %add3A_1441 = arith.constant 1 : i32
        %add3A_1442 = arith.addi %mul3A_1440, %add3A_1441 : i32
        %eq3A_1443 = vector.broadcast %add3A_1442 : i32 to vector<16xi32>
        %eq3A_1444 = arith.cmpi eq, %get3A_1428, %eq3A_1443 : vector<16xi32>
        %eq3A_1445 = arith.constant 0 : i32
        %eq3A_1446 = vector.broadcast %eq3A_1445 : i32 to vector<16xi32>
        %eq3A_1447 = arith.cmpi eq, %sub3A_1438, %eq3A_1446 : vector<16xi32>
        %and3A_1448 = arith.andi %eq3A_1447, %eq3A_1444 : vector<16xi1>
        %select_n3A_1449 = arith.select %and3A_1448, %get3A_1420, %broadcast_in_dim3A_1 : vector<16xi1>, vector<16xf32>
        %mul3A_1450 = arith.constant 2 : i32
        %mul3A_1451 = arith.muli %mul3A_1450, %scan3A_1007 : i32
        %add3A_1452 = arith.constant 0 : i32
        %add3A_1453 = arith.addi %mul3A_1451, %add3A_1452 : i32
        %mul3A_1454 = arith.constant 128 : i32
        %mul3A_1455 = arith.muli %add3A_1453, %mul3A_1454 : i32
        %add3A_1456 = arith.constant 14336 : i32
        %add3A_1457 = arith.addi %add3A_1456, %mul3A_1455 : i32
        %add3A_1458 = arith.constant 64 : i32
        %add3A_1459 = arith.addi %add3A_1457, %add3A_1458 : i32
        %swap3A_1460 = arith.index_cast %add3A_1459 : i32 to index
        %swap3A_1461 = tpu.vector_load %arg9[%swap3A_1460] {strides = array<i32>} : memref<57344xf32, #tpu.memory_space<vmem>>, vector<16xf32>,
        tpu.vector_store %arg9[%swap3A_1460], %select_n3A_1449 {strides = array<i32>} : memref<57344xf32, #tpu.memory_space<vmem>>, vector<16xf32>,
        %eq3A_1462 = arith.constant 1 : i32
        %eq3A_1463 = vector.broadcast %eq3A_1462 : i32 to vector<16xi32>
        %eq3A_1464 = arith.cmpi eq, %sub3A_1438, %eq3A_1463 : vector<16xi32>
        %and3A_1465 = arith.andi %eq3A_1464, %eq3A_1444 : vector<16xi1>
        %select_n3A_1466 = arith.select %and3A_1465, %get3A_1420, %broadcast_in_dim3A_1 : vector<16xi1>, vector<16xf32>
        %mul3A_1467 = arith.constant 2 : i32
        %mul3A_1468 = arith.muli %mul3A_1467, %scan3A_1007 : i32
        %add3A_1469 = arith.constant 1 : i32
        %add3A_1470 = arith.addi %mul3A_1468, %add3A_1469 : i32
        %mul3A_1471 = arith.constant 128 : i32
        %mul3A_1472 = arith.muli %add3A_1470, %mul3A_1471 : i32
        %add3A_1473 = arith.constant 14336 : i32
        %add3A_1474 = arith.addi %add3A_1473, %mul3A_1472 : i32
        %add3A_1475 = arith.constant 64 : i32
        %add3A_1476 = arith.addi %add3A_1474, %add3A_1475 : i32
        %swap3A_1477 = arith.index_cast %add3A_1476 : i32 to index
        %swap3A_1478 = tpu.vector_load %arg9[%swap3A_1477] {strides = array<i32>} : memref<57344xf32, #tpu.memory_space<vmem>>, vector<16xf32>,
        tpu.vector_store %arg9[%swap3A_1477], %select_n3A_1466 {strides = array<i32>} : memref<57344xf32, #tpu.memory_space<vmem>>, vector<16xf32>,
        %eq3A_1479 = arith.constant 56 : i32
        %eq3A_1480 = vector.broadcast %eq3A_1479 : i32 to vector<16xi32>
        %eq3A_1481 = arith.cmpi eq, %sub3A_1438, %eq3A_1480 : vector<16xi32>
        %and3A_1482 = arith.andi %eq3A_1481, %eq3A_1444 : vector<16xi1>
        %select_n3A_1483 = arith.select %and3A_1482, %get3A_1420, %broadcast_in_dim3A_1 : vector<16xi1>, vector<16xf32>
        %mul3A_1484 = arith.constant 2 : i32
        %mul3A_1485 = arith.muli %mul3A_1484, %scan3A_1007 : i32
        %add3A_1486 = arith.constant 0 : i32
        %add3A_1487 = arith.addi %mul3A_1485, %add3A_1486 : i32
        %mul3A_1488 = arith.constant 128 : i32
        %mul3A_1489 = arith.muli %add3A_1487, %mul3A_1488 : i32
        %add3A_1490 = arith.constant 21504 : i32
        %add3A_1491 = arith.addi %add3A_1490, %mul3A_1489 : i32
        %add3A_1492 = arith.constant 64 : i32
        %add3A_1493 = arith.addi %add3A_1491, %add3A_1492 : i32
        %swap3A_1494 = arith.index_cast %add3A_1493 : i32 to index
        %swap3A_1495 = tpu.vector_load %arg9[%swap3A_1494] {strides = array<i32>} : memref<57344xf32, #tpu.memory_space<vmem>>, vector<16xf32>,
        tpu.vector_store %arg9[%swap3A_1494], %select_n3A_1483 {strides = array<i32>} : memref<57344xf32, #tpu.memory_space<vmem>>, vector<16xf32>,
        %eq3A_1496 = arith.constant 57 : i32
        %eq3A_1497 = vector.broadcast %eq3A_1496 : i32 to vector<16xi32>
        %eq3A_1498 = arith.cmpi eq, %sub3A_1438, %eq3A_1497 : vector<16xi32>
        %and3A_1499 = arith.andi %eq3A_1498, %eq3A_1444 : vector<16xi1>
        %select_n3A_1500 = arith.select %and3A_1499, %get3A_1420, %broadcast_in_dim3A_1 : vector<16xi1>, vector<16xf32>
        %mul3A_1501 = arith.constant 2 : i32
        %mul3A_1502 = arith.muli %mul3A_1501, %scan3A_1007 : i32
        %add3A_1503 = arith.constant 1 : i32
        %add3A_1504 = arith.addi %mul3A_1502, %add3A_1503 : i32
        %mul3A_1505 = arith.constant 128 : i32
        %mul3A_1506 = arith.muli %add3A_1504, %mul3A_1505 : i32
        %add3A_1507 = arith.constant 21504 : i32
        %add3A_1508 = arith.addi %add3A_1507, %mul3A_1506 : i32
        %add3A_1509 = arith.constant 64 : i32
        %add3A_1510 = arith.addi %add3A_1508, %add3A_1509 : i32
        %swap3A_1511 = arith.index_cast %add3A_1510 : i32 to index
        %swap3A_1512 = tpu.vector_load %arg9[%swap3A_1511] {strides = array<i32>} : memref<57344xf32, #tpu.memory_space<vmem>>, vector<16xf32>,
        tpu.vector_store %arg9[%swap3A_1511], %select_n3A_1500 {strides = array<i32>} : memref<57344xf32, #tpu.memory_space<vmem>>, vector<16xf32>,
        %mul3A_1513 = arith.constant 96 : i32
        %mul3A_1514 = arith.muli %scan3A_1007, %mul3A_1513 : i32
        %add3A_1515 = arith.constant 0 : i32
        %add3A_1516 = arith.addi %add3A_1515, %mul3A_1514 : i32
        %add3A_1517 = arith.constant 80 : i32
        %add3A_1518 = arith.addi %add3A_1516, %add3A_1517 : i32
        %get3A_1519 = arith.index_cast %add3A_1518 : i32 to index
        %get3A_1520 = tpu.vector_load %arg6[%get3A_1519] {strides = array<i32>} : memref<5376xf32, #tpu.memory_space<vmem>>, vector<16xf32>,
        %mul3A_1521 = arith.constant 96 : i32
        %mul3A_1522 = arith.muli %scan3A_1007, %mul3A_1521 : i32
        %add3A_1523 = arith.constant 0 : i32
        %add3A_1524 = arith.addi %add3A_1523, %mul3A_1522 : i32
        %add3A_1525 = arith.constant 80 : i32
        %add3A_1526 = arith.addi %add3A_1524, %add3A_1525 : i32
        %get3A_1527 = arith.index_cast %add3A_1526 : i32 to index
        %get3A_1528 = tpu.vector_load %arg7[%get3A_1527] {strides = array<i32>} : memref<5376xi32, #tpu.memory_space<vmem>>, vector<16xi32>,
        %mul3A_1529 = arith.constant 96 : i32
        %mul3A_1530 = arith.muli %scan3A_1007, %mul3A_1529 : i32
        %add3A_1531 = arith.constant 2688 : i32
        %add3A_1532 = arith.addi %add3A_1531, %mul3A_1530 : i32
        %add3A_1533 = arith.constant 80 : i32
        %add3A_1534 = arith.addi %add3A_1532, %add3A_1533 : i32
        %get3A_1535 = arith.index_cast %add3A_1534 : i32 to index
        %get3A_1536 = tpu.vector_load %arg8[%get3A_1535] {strides = array<i32>} : memref<10752xi32, #tpu.memory_space<vmem>>, vector<16xi32>,
        %sub3A_1537 = vector.broadcast %add3A_1015 : i32 to vector<16xi32>
        %sub3A_1538 = arith.subi %get3A_1536, %sub3A_1537 : vector<16xi32>
        %mul3A_1539 = arith.constant 2 : i32
        %mul3A_1540 = arith.muli %mul3A_1539, %sub3A_535 : i32
        %add3A_1541 = arith.constant 1 : i32
        %add3A_1542 = arith.addi %mul3A_1540, %add3A_1541 : i32
        %eq3A_1543 = vector.broadcast %add3A_1542 : i32 to vector<16xi32>
        %eq3A_1544 = arith.cmpi eq, %get3A_1528, %eq3A_1543 : vector<16xi32>
        %eq3A_1545 = arith.constant 0 : i32
        %eq3A_1546 = vector.broadcast %eq3A_1545 : i32 to vector<16xi32>
        %eq3A_1547 = arith.cmpi eq, %sub3A_1538, %eq3A_1546 : vector<16xi32>
        %and3A_1548 = arith.andi %eq3A_1547, %eq3A_1544 : vector<16xi1>
        %select_n3A_1549 = arith.select %and3A_1548, %get3A_1520, %broadcast_in_dim3A_1 : vector<16xi1>, vector<16xf32>
        %mul3A_1550 = arith.constant 2 : i32
        %mul3A_1551 = arith.muli %mul3A_1550, %scan3A_1007 : i32
        %add3A_1552 = arith.constant 0 : i32
        %add3A_1553 = arith.addi %mul3A_1551, %add3A_1552 : i32
        %mul3A_1554 = arith.constant 128 : i32
        %mul3A_1555 = arith.muli %add3A_1553, %mul3A_1554 : i32
        %add3A_1556 = arith.constant 14336 : i32
        %add3A_1557 = arith.addi %add3A_1556, %mul3A_1555 : i32
        %add3A_1558 = arith.constant 80 : i32
        %add3A_1559 = arith.addi %add3A_1557, %add3A_1558 : i32
        %swap3A_1560 = arith.index_cast %add3A_1559 : i32 to index
        %swap3A_1561 = tpu.vector_load %arg9[%swap3A_1560] {strides = array<i32>} : memref<57344xf32, #tpu.memory_space<vmem>>, vector<16xf32>,
        tpu.vector_store %arg9[%swap3A_1560], %select_n3A_1549 {strides = array<i32>} : memref<57344xf32, #tpu.memory_space<vmem>>, vector<16xf32>,
        %eq3A_1562 = arith.constant 1 : i32
        %eq3A_1563 = vector.broadcast %eq3A_1562 : i32 to vector<16xi32>
        %eq3A_1564 = arith.cmpi eq, %sub3A_1538, %eq3A_1563 : vector<16xi32>
        %and3A_1565 = arith.andi %eq3A_1564, %eq3A_1544 : vector<16xi1>
        %select_n3A_1566 = arith.select %and3A_1565, %get3A_1520, %broadcast_in_dim3A_1 : vector<16xi1>, vector<16xf32>
        %mul3A_1567 = arith.constant 2 : i32
        %mul3A_1568 = arith.muli %mul3A_1567, %scan3A_1007 : i32
        %add3A_1569 = arith.constant 1 : i32
        %add3A_1570 = arith.addi %mul3A_1568, %add3A_1569 : i32
        %mul3A_1571 = arith.constant 128 : i32
        %mul3A_1572 = arith.muli %add3A_1570, %mul3A_1571 : i32
        %add3A_1573 = arith.constant 14336 : i32
        %add3A_1574 = arith.addi %add3A_1573, %mul3A_1572 : i32
        %add3A_1575 = arith.constant 80 : i32
        %add3A_1576 = arith.addi %add3A_1574, %add3A_1575 : i32
        %swap3A_1577 = arith.index_cast %add3A_1576 : i32 to index
        %swap3A_1578 = tpu.vector_load %arg9[%swap3A_1577] {strides = array<i32>} : memref<57344xf32, #tpu.memory_space<vmem>>, vector<16xf32>,
        tpu.vector_store %arg9[%swap3A_1577], %select_n3A_1566 {strides = array<i32>} : memref<57344xf32, #tpu.memory_space<vmem>>, vector<16xf32>,
        %eq3A_1579 = arith.constant 56 : i32
        %eq3A_1580 = vector.broadcast %eq3A_1579 : i32 to vector<16xi32>
        %eq3A_1581 = arith.cmpi eq, %sub3A_1538, %eq3A_1580 : vector<16xi32>
        %and3A_1582 = arith.andi %eq3A_1581, %eq3A_1544 : vector<16xi1>
        %select_n3A_1583 = arith.select %and3A_1582, %get3A_1520, %broadcast_in_dim3A_1 : vector<16xi1>, vector<16xf32>
        %mul3A_1584 = arith.constant 2 : i32
        %mul3A_1585 = arith.muli %mul3A_1584, %scan3A_1007 : i32
        %add3A_1586 = arith.constant 0 : i32
        %add3A_1587 = arith.addi %mul3A_1585, %add3A_1586 : i32
        %mul3A_1588 = arith.constant 128 : i32
        %mul3A_1589 = arith.muli %add3A_1587, %mul3A_1588 : i32
        %add3A_1590 = arith.constant 21504 : i32
        %add3A_1591 = arith.addi %add3A_1590, %mul3A_1589 : i32
        %add3A_1592 = arith.constant 80 : i32
        %add3A_1593 = arith.addi %add3A_1591, %add3A_1592 : i32
        %swap3A_1594 = arith.index_cast %add3A_1593 : i32 to index
        %swap3A_1595 = tpu.vector_load %arg9[%swap3A_1594] {strides = array<i32>} : memref<57344xf32, #tpu.memory_space<vmem>>, vector<16xf32>,
        tpu.vector_store %arg9[%swap3A_1594], %select_n3A_1583 {strides = array<i32>} : memref<57344xf32, #tpu.memory_space<vmem>>, vector<16xf32>,
        %eq3A_1596 = arith.constant 57 : i32
        %eq3A_1597 = vector.broadcast %eq3A_1596 : i32 to vector<16xi32>
        %eq3A_1598 = arith.cmpi eq, %sub3A_1538, %eq3A_1597 : vector<16xi32>
        %and3A_1599 = arith.andi %eq3A_1598, %eq3A_1544 : vector<16xi1>
        %select_n3A_1600 = arith.select %and3A_1599, %get3A_1520, %broadcast_in_dim3A_1 : vector<16xi1>, vector<16xf32>
        %mul3A_1601 = arith.constant 2 : i32
        %mul3A_1602 = arith.muli %mul3A_1601, %scan3A_1007 : i32
        %add3A_1603 = arith.constant 1 : i32
        %add3A_1604 = arith.addi %mul3A_1602, %add3A_1603 : i32
        %mul3A_1605 = arith.constant 128 : i32
        %mul3A_1606 = arith.muli %add3A_1604, %mul3A_1605 : i32
        %add3A_1607 = arith.constant 21504 : i32
        %add3A_1608 = arith.addi %add3A_1607, %mul3A_1606 : i32
        %add3A_1609 = arith.constant 80 : i32
        %add3A_1610 = arith.addi %add3A_1608, %add3A_1609 : i32
        %swap3A_1611 = arith.index_cast %add3A_1610 : i32 to index
        %swap3A_1612 = tpu.vector_load %arg9[%swap3A_1611] {strides = array<i32>} : memref<57344xf32, #tpu.memory_space<vmem>>, vector<16xf32>,
        tpu.vector_store %arg9[%swap3A_1611], %select_n3A_1600 {strides = array<i32>} : memref<57344xf32, #tpu.memory_space<vmem>>, vector<16xf32>,
        %scan3A_1613 = arith.constant 0 : i32
        scf.yield %scan3A_1613 : i32
      }
      %scan3A_549 = arith.constant 28 : i32
      %jit3A_550 = arith.constant 28 : i32
      %div3A_551 = arith.divsi %add3A_256, %jit3A_550 : i32
      %sign3A_552 = arith.constant 0 : i32
      %sign3A_553 = arith.cmpi sgt, %add3A_256, %sign3A_552 : i32
      %sign3A_554 = arith.extui %sign3A_553 : i1 to i32
      %sign3A_555 = arith.constant 0 : i32
      %sign3A_556 = arith.cmpi slt, %add3A_256, %sign3A_555 : i32
      %sign3A_557 = arith.extui %sign3A_556 : i1 to i32
      %sign3A_558 = arith.subi %sign3A_554, %sign3A_557 : i32
      %sign3A_559 = arith.constant 0 : i32
      %sign3A_560 = arith.cmpi sgt, %jit3A_550, %sign3A_559 : i32
      %sign3A_561 = arith.extui %sign3A_560 : i1 to i32
      %sign3A_562 = arith.constant 0 : i32
      %sign3A_563 = arith.cmpi slt, %jit3A_550, %sign3A_562 : i32
      %sign3A_564 = arith.extui %sign3A_563 : i1 to i32
      %sign3A_565 = arith.subi %sign3A_561, %sign3A_564 : i32
      %ne3A_566 = arith.cmpi ne, %sign3A_558, %sign3A_565 : i32
      %rem3A_567 = arith.remsi %add3A_256, %jit3A_550 : i32
      %ne3A_568 = arith.constant 0 : i32
      %ne3A_569 = arith.cmpi ne, %rem3A_567, %ne3A_568 : i32
      %and3A_570 = arith.andi %ne3A_566, %ne3A_569 : i1
      %sub3A_571 = arith.constant 1 : i32
      %sub3A_572 = arith.subi %div3A_551, %sub3A_571 : i32
      %select_n3A_573 = arith.select %and3A_570, %sub3A_572, %div3A_551 : i32
      %mul3A_574 = arith.constant 28 : i32
      %mul3A_575 = arith.muli %select_n3A_573, %mul3A_574 : i32
      %sub3A_576 = arith.subi %add3A_256, %mul3A_575 : i32
      %jit3A_577 = arith.constant 8 : i32
      %div3A_578 = arith.divsi %select_n3A_573, %jit3A_577 : i32
      %sign3A_579 = arith.constant 0 : i32
      %sign3A_580 = arith.cmpi sgt, %select_n3A_573, %sign3A_579 : i32
      %sign3A_581 = arith.extui %sign3A_580 : i1 to i32
      %sign3A_582 = arith.constant 0 : i32
      %sign3A_583 = arith.cmpi slt, %select_n3A_573, %sign3A_582 : i32
      %sign3A_584 = arith.extui %sign3A_583 : i1 to i32
      %sign3A_585 = arith.subi %sign3A_581, %sign3A_584 : i32
      %sign3A_586 = arith.constant 0 : i32
      %sign3A_587 = arith.cmpi sgt, %jit3A_577, %sign3A_586 : i32
      %sign3A_588 = arith.extui %sign3A_587 : i1 to i32
      %sign3A_589 = arith.constant 0 : i32
      %sign3A_590 = arith.cmpi slt, %jit3A_577, %sign3A_589 : i32
      %sign3A_591 = arith.extui %sign3A_590 : i1 to i32
      %sign3A_592 = arith.subi %sign3A_588, %sign3A_591 : i32
      %ne3A_593 = arith.cmpi ne, %sign3A_585, %sign3A_592 : i32
      %rem3A_594 = arith.remsi %select_n3A_573, %jit3A_577 : i32
      %ne3A_595 = arith.constant 0 : i32
      %ne3A_596 = arith.cmpi ne, %rem3A_594, %ne3A_595 : i32
      %and3A_597 = arith.andi %ne3A_593, %ne3A_596 : i1
      %sub3A_598 = arith.constant 1 : i32
      %sub3A_599 = arith.subi %div3A_578, %sub3A_598 : i32
      %select_n3A_600 = arith.select %and3A_597, %sub3A_599, %div3A_578 : i32
      %mul3A_601 = arith.constant 8 : i32
      %mul3A_602 = arith.muli %select_n3A_600, %mul3A_601 : i32
      %sub3A_603 = arith.subi %select_n3A_573, %mul3A_602 : i32
      %mul3A_604 = arith.constant 16 : i32
      %mul3A_605 = arith.muli %select_n3A_600, %mul3A_604 : i32
      %mul3A_606 = arith.constant 2 : i32
      %mul3A_607 = arith.muli %mul3A_606, %sub3A_603 : i32
      %add3A_608 = arith.addi %mul3A_605, %mul3A_607 : i32
      %mul3A_609 = arith.constant 28 : i32
      %mul3A_610 = arith.muli %add3A_608, %mul3A_609 : i32
      %add3A_611 = arith.addi %mul3A_610, %sub3A_576 : i32
      %mul3A_612 = arith.constant 14336 : i32
      %mul3A_613 = arith.muli %add3A_611, %mul3A_612 : i32
      %add3A_614 = arith.constant 401408 : i32
      %add3A_615 = arith.addi %mul3A_613, %add3A_614 : i32
      %dma_start3A_616 = arith.constant 0 : i32
      %dma_start3A_617 = tpu.memref_slice %arg9[%dma_start3A_616] : memref<57344xf32, #tpu.memory_space<vmem>> -> memref<14336xf32, #tpu.memory_space<vmem>>
      %dma_start3A_618 = tpu.memref_slice %arg5[%mul3A_613] : memref<12845056xf32, #tpu.memory_space<hbm>> -> memref<14336xf32, #tpu.memory_space<hbm>>
      %dma_start3A_619 = tpu.memref_slice %arg5[%mul3A_613] : memref<12845056xf32, #tpu.memory_space<hbm>> -> memref<14336xf32, #tpu.memory_space<hbm>>
      %dma_start3A_620 = arith.constant 0 : i32
      %dma_start3A_621 = tpu.memref_slice %arg9[%dma_start3A_620] : memref<57344xf32, #tpu.memory_space<vmem>> -> memref<14336xf32, #tpu.memory_space<vmem>>
      tpu.enqueue_dma source(%dma_start3A_621 : memref<14336xf32, #tpu.memory_space<vmem>>) target(%dma_start3A_619 : memref<14336xf32, #tpu.memory_space<hbm>>) target_semaphore(%arg12 : memref<!tpu.dma_semaphore, #tpu.memory_space<semaphore_mem>>)
      %dma_start3A_622 = arith.constant 14336 : i32
      %dma_start3A_623 = tpu.memref_slice %arg9[%dma_start3A_622] : memref<57344xf32, #tpu.memory_space<vmem>> -> memref<14336xf32, #tpu.memory_space<vmem>>
      %dma_start3A_624 = tpu.memref_slice %arg5[%add3A_615] : memref<12845056xf32, #tpu.memory_space<hbm>> -> memref<14336xf32, #tpu.memory_space<hbm>>
      %dma_start3A_625 = tpu.memref_slice %arg5[%add3A_615] : memref<12845056xf32, #tpu.memory_space<hbm>> -> memref<14336xf32, #tpu.memory_space<hbm>>
      %dma_start3A_626 = arith.constant 14336 : i32
      %dma_start3A_627 = tpu.memref_slice %arg9[%dma_start3A_626] : memref<57344xf32, #tpu.memory_space<vmem>> -> memref<14336xf32, #tpu.memory_space<vmem>>
      tpu.enqueue_dma source(%dma_start3A_627 : memref<14336xf32, #tpu.memory_space<vmem>>) target(%dma_start3A_625 : memref<14336xf32, #tpu.memory_space<hbm>>) target_semaphore(%arg12 : memref<!tpu.dma_semaphore, #tpu.memory_space<semaphore_mem>>)
      %add3A_628 = arith.constant 2 : i32
      %add3A_629 = arith.addi %add3A_256, %add3A_628 : i32
      %min3A_630 = arith.constant 447 : i32
      %min3A_631 = arith.minsi %add3A_629, %min3A_630 : i32
      %jit3A_632 = arith.constant 28 : i32
      %div3A_633 = arith.divsi %min3A_631, %jit3A_632 : i32
      %sign3A_634 = arith.constant 0 : i32
      %sign3A_635 = arith.cmpi sgt, %min3A_631, %sign3A_634 : i32
      %sign3A_636 = arith.extui %sign3A_635 : i1 to i32
      %sign3A_637 = arith.constant 0 : i32
      %sign3A_638 = arith.cmpi slt, %min3A_631, %sign3A_637 : i32
      %sign3A_639 = arith.extui %sign3A_638 : i1 to i32
      %sign3A_640 = arith.subi %sign3A_636, %sign3A_639 : i32
      %sign3A_641 = arith.constant 0 : i32
      %sign3A_642 = arith.cmpi sgt, %jit3A_632, %sign3A_641 : i32
      %sign3A_643 = arith.extui %sign3A_642 : i1 to i32
      %sign3A_644 = arith.constant 0 : i32
      %sign3A_645 = arith.cmpi slt, %jit3A_632, %sign3A_644 : i32
      %sign3A_646 = arith.extui %sign3A_645 : i1 to i32
      %sign3A_647 = arith.subi %sign3A_643, %sign3A_646 : i32
      %ne3A_648 = arith.cmpi ne, %sign3A_640, %sign3A_647 : i32
      %rem3A_649 = arith.remsi %min3A_631, %jit3A_632 : i32
      %ne3A_650 = arith.constant 0 : i32
      %ne3A_651 = arith.cmpi ne, %rem3A_649, %ne3A_650 : i32
      %and3A_652 = arith.andi %ne3A_648, %ne3A_651 : i1
      %sub3A_653 = arith.constant 1 : i32
      %sub3A_654 = arith.subi %div3A_633, %sub3A_653 : i32
      %select_n3A_655 = arith.select %and3A_652, %sub3A_654, %div3A_633 : i32
      %mul3A_656 = arith.constant 28 : i32
      %mul3A_657 = arith.muli %select_n3A_655, %mul3A_656 : i32
      %sub3A_658 = arith.subi %min3A_631, %mul3A_657 : i32
      %jit3A_659 = arith.constant 8 : i32
      %div3A_660 = arith.divsi %select_n3A_655, %jit3A_659 : i32
      %sign3A_661 = arith.constant 0 : i32
      %sign3A_662 = arith.cmpi sgt, %select_n3A_655, %sign3A_661 : i32
      %sign3A_663 = arith.extui %sign3A_662 : i1 to i32
      %sign3A_664 = arith.constant 0 : i32
      %sign3A_665 = arith.cmpi slt, %select_n3A_655, %sign3A_664 : i32
      %sign3A_666 = arith.extui %sign3A_665 : i1 to i32
      %sign3A_667 = arith.subi %sign3A_663, %sign3A_666 : i32
      %sign3A_668 = arith.constant 0 : i32
      %sign3A_669 = arith.cmpi sgt, %jit3A_659, %sign3A_668 : i32
      %sign3A_670 = arith.extui %sign3A_669 : i1 to i32
      %sign3A_671 = arith.constant 0 : i32
      %sign3A_672 = arith.cmpi slt, %jit3A_659, %sign3A_671 : i32
      %sign3A_673 = arith.extui %sign3A_672 : i1 to i32
      %sign3A_674 = arith.subi %sign3A_670, %sign3A_673 : i32
      %ne3A_675 = arith.cmpi ne, %sign3A_667, %sign3A_674 : i32
      %rem3A_676 = arith.remsi %select_n3A_655, %jit3A_659 : i32
      %ne3A_677 = arith.constant 0 : i32
      %ne3A_678 = arith.cmpi ne, %rem3A_676, %ne3A_677 : i32
      %and3A_679 = arith.andi %ne3A_675, %ne3A_678 : i1
      %sub3A_680 = arith.constant 1 : i32
      %sub3A_681 = arith.subi %div3A_660, %sub3A_680 : i32
      %select_n3A_682 = arith.select %and3A_679, %sub3A_681, %div3A_660 : i32
      %mul3A_683 = arith.constant 8 : i32
      %mul3A_684 = arith.muli %select_n3A_682, %mul3A_683 : i32
      %sub3A_685 = arith.subi %select_n3A_655, %mul3A_684 : i32
      %mul3A_686 = arith.constant 28 : i32
      %mul3A_687 = arith.muli %select_n3A_682, %mul3A_686 : i32
      %add3A_688 = arith.addi %mul3A_687, %sub3A_658 : i32
      %mul3A_689 = arith.constant 8 : i32
      %mul3A_690 = arith.muli %add3A_688, %mul3A_689 : i32
      %add3A_691 = arith.addi %mul3A_690, %sub3A_685 : i32
      %mul3A_692 = arith.constant 2688 : i32
      %mul3A_693 = arith.muli %add3A_691, %mul3A_692 : i32
      %mul3A_694 = arith.constant 8 : i32
      %mul3A_695 = arith.muli %select_n3A_682, %mul3A_694 : i32
      %add3A_696 = arith.addi %mul3A_695, %sub3A_685 : i32
      %mul3A_697 = arith.constant 784 : i32
      %mul3A_698 = arith.muli %add3A_696, %mul3A_697 : i32
      %mul3A_699 = arith.constant 28 : i32
      %mul3A_700 = arith.muli %sub3A_658, %mul3A_699 : i32
      %add3A_701 = arith.addi %mul3A_698, %mul3A_700 : i32
      %mul3A_702 = arith.constant 96 : i32
      %mul3A_703 = arith.muli %add3A_701, %mul3A_702 : i32
      %mul3A_704 = arith.constant 2 : i32
      %mul3A_705 = arith.muli %mul3A_704, %sub3A_685 : i32
      %mul3A_706 = arith.constant 2 : i32
      %mul3A_707 = arith.muli %mul3A_705, %mul3A_706 : i32
      %add3A_708 = arith.addi %mul3A_707, %select_n3A_682 : i32
      %mul3A_709 = arith.constant 28 : i32
      %mul3A_710 = arith.muli %add3A_708, %mul3A_709 : i32
      %add3A_711 = arith.addi %mul3A_710, %sub3A_658 : i32
      %mul3A_712 = arith.constant 2688 : i32
      %mul3A_713 = arith.muli %add3A_711, %mul3A_712 : i32
      %add3A_714 = arith.constant 150528 : i32
      %add3A_715 = arith.addi %mul3A_713, %add3A_714 : i32
      %dma_start3A_716 = arith.constant 0 : i32
      %dma_start3A_717 = tpu.memref_slice %arg6[%dma_start3A_716] : memref<5376xf32, #tpu.memory_space<vmem>> -> memref<2688xf32, #tpu.memory_space<vmem>>
      %dma_start3A_718 = tpu.memref_slice %arg2[%mul3A_693] : memref<1204224xf32, #tpu.memory_space<hbm>> -> memref<2688xf32, #tpu.memory_space<hbm>>
      %dma_start3A_719 = arith.constant 0 : i32
      %dma_start3A_720 = tpu.memref_slice %arg6[%dma_start3A_719] : memref<5376xf32, #tpu.memory_space<vmem>> -> memref<2688xf32, #tpu.memory_space<vmem>>
      %dma_start3A_721 = tpu.memref_slice %arg2[%mul3A_693] : memref<1204224xf32, #tpu.memory_space<hbm>> -> memref<2688xf32, #tpu.memory_space<hbm>>
      tpu.enqueue_dma source(%dma_start3A_721 : memref<2688xf32, #tpu.memory_space<hbm>>) target(%dma_start3A_720 : memref<2688xf32, #tpu.memory_space<vmem>>) target_semaphore(%arg10 : memref<!tpu.dma_semaphore, #tpu.memory_space<semaphore_mem>>)
      %dma_start3A_722 = arith.constant 0 : i32
      %dma_start3A_723 = tpu.memref_slice %arg7[%dma_start3A_722] : memref<5376xi32, #tpu.memory_space<vmem>> -> memref<2688xi32, #tpu.memory_space<vmem>>
      %dma_start3A_724 = tpu.memref_slice %arg3[%mul3A_703] : memref<1204224xi32, #tpu.memory_space<hbm>> -> memref<2688xi32, #tpu.memory_space<hbm>>
      %dma_start3A_725 = arith.constant 0 : i32
      %dma_start3A_726 = tpu.memref_slice %arg7[%dma_start3A_725] : memref<5376xi32, #tpu.memory_space<vmem>> -> memref<2688xi32, #tpu.memory_space<vmem>>
      %dma_start3A_727 = tpu.memref_slice %arg3[%mul3A_703] : memref<1204224xi32, #tpu.memory_space<hbm>> -> memref<2688xi32, #tpu.memory_space<hbm>>
      tpu.enqueue_dma source(%dma_start3A_727 : memref<2688xi32, #tpu.memory_space<hbm>>) target(%dma_start3A_726 : memref<2688xi32, #tpu.memory_space<vmem>>) target_semaphore(%arg10 : memref<!tpu.dma_semaphore, #tpu.memory_space<semaphore_mem>>)
      %dma_start3A_728 = arith.constant 0 : i32
      %dma_start3A_729 = tpu.memref_slice %arg8[%dma_start3A_728] : memref<10752xi32, #tpu.memory_space<vmem>> -> memref<2688xi32, #tpu.memory_space<vmem>>
      %dma_start3A_730 = tpu.memref_slice %arg4[%mul3A_713] : memref<2408448xi32, #tpu.memory_space<hbm>> -> memref<2688xi32, #tpu.memory_space<hbm>>
      %dma_start3A_731 = arith.constant 0 : i32
      %dma_start3A_732 = tpu.memref_slice %arg8[%dma_start3A_731] : memref<10752xi32, #tpu.memory_space<vmem>> -> memref<2688xi32, #tpu.memory_space<vmem>>
      %dma_start3A_733 = tpu.memref_slice %arg4[%mul3A_713] : memref<2408448xi32, #tpu.memory_space<hbm>> -> memref<2688xi32, #tpu.memory_space<hbm>>
      tpu.enqueue_dma source(%dma_start3A_733 : memref<2688xi32, #tpu.memory_space<hbm>>) target(%dma_start3A_732 : memref<2688xi32, #tpu.memory_space<vmem>>) target_semaphore(%arg10 : memref<!tpu.dma_semaphore, #tpu.memory_space<semaphore_mem>>)
      %dma_start3A_734 = arith.constant 2688 : i32
      %dma_start3A_735 = tpu.memref_slice %arg8[%dma_start3A_734] : memref<10752xi32, #tpu.memory_space<vmem>> -> memref<2688xi32, #tpu.memory_space<vmem>>
      %dma_start3A_736 = tpu.memref_slice %arg4[%add3A_715] : memref<2408448xi32, #tpu.memory_space<hbm>> -> memref<2688xi32, #tpu.memory_space<hbm>>
      %dma_start3A_737 = arith.constant 2688 : i32
      %dma_start3A_738 = tpu.memref_slice %arg8[%dma_start3A_737] : memref<10752xi32, #tpu.memory_space<vmem>> -> memref<2688xi32, #tpu.memory_space<vmem>>
      %dma_start3A_739 = tpu.memref_slice %arg4[%add3A_715] : memref<2408448xi32, #tpu.memory_space<hbm>> -> memref<2688xi32, #tpu.memory_space<hbm>>
      tpu.enqueue_dma source(%dma_start3A_739 : memref<2688xi32, #tpu.memory_space<hbm>>) target(%dma_start3A_738 : memref<2688xi32, #tpu.memory_space<vmem>>) target_semaphore(%arg10 : memref<!tpu.dma_semaphore, #tpu.memory_space<semaphore_mem>>)
      %min3A_740 = arith.constant 0 : i32
      %min3A_741 = arith.constant 447 : i32
      %min3A_742 = arith.minsi %min3A_740, %min3A_741 : i32
      %jit3A_743 = arith.constant 28 : i32
      %div3A_744 = arith.divsi %min3A_742, %jit3A_743 : i32
      %sign3A_745 = arith.constant 0 : i32
      %sign3A_746 = arith.cmpi sgt, %min3A_742, %sign3A_745 : i32
      %sign3A_747 = arith.extui %sign3A_746 : i1 to i32
      %sign3A_748 = arith.constant 0 : i32
      %sign3A_749 = arith.cmpi slt, %min3A_742, %sign3A_748 : i32
      %sign3A_750 = arith.extui %sign3A_749 : i1 to i32
      %sign3A_751 = arith.subi %sign3A_747, %sign3A_750 : i32
      %sign3A_752 = arith.constant 0 : i32
      %sign3A_753 = arith.cmpi sgt, %jit3A_743, %sign3A_752 : i32
      %sign3A_754 = arith.extui %sign3A_753 : i1 to i32
      %sign3A_755 = arith.constant 0 : i32
      %sign3A_756 = arith.cmpi slt, %jit3A_743, %sign3A_755 : i32
      %sign3A_757 = arith.extui %sign3A_756 : i1 to i32
      %sign3A_758 = arith.subi %sign3A_754, %sign3A_757 : i32
      %ne3A_759 = arith.cmpi ne, %sign3A_751, %sign3A_758 : i32
      %rem3A_760 = arith.remsi %min3A_742, %jit3A_743 : i32
      %ne3A_761 = arith.constant 0 : i32
      %ne3A_762 = arith.cmpi ne, %rem3A_760, %ne3A_761 : i32
      %and3A_763 = arith.andi %ne3A_759, %ne3A_762 : i1
      %sub3A_764 = arith.constant 1 : i32
      %sub3A_765 = arith.subi %div3A_744, %sub3A_764 : i32
      %select_n3A_766 = arith.select %and3A_763, %sub3A_765, %div3A_744 : i32
      %mul3A_767 = arith.constant 28 : i32
      %mul3A_768 = arith.muli %select_n3A_766, %mul3A_767 : i32
      %sub3A_769 = arith.subi %min3A_742, %mul3A_768 : i32
      %jit3A_770 = arith.constant 8 : i32
      %div3A_771 = arith.divsi %select_n3A_766, %jit3A_770 : i32
      %sign3A_772 = arith.constant 0 : i32
      %sign3A_773 = arith.cmpi sgt, %select_n3A_766, %sign3A_772 : i32
      %sign3A_774 = arith.extui %sign3A_773 : i1 to i32
      %sign3A_775 = arith.constant 0 : i32
      %sign3A_776 = arith.cmpi slt, %select_n3A_766, %sign3A_775 : i32
      %sign3A_777 = arith.extui %sign3A_776 : i1 to i32
      %sign3A_778 = arith.subi %sign3A_774, %sign3A_777 : i32
      %sign3A_779 = arith.constant 0 : i32
      %sign3A_780 = arith.cmpi sgt, %jit3A_770, %sign3A_779 : i32
      %sign3A_781 = arith.extui %sign3A_780 : i1 to i32
      %sign3A_782 = arith.constant 0 : i32
      %sign3A_783 = arith.cmpi slt, %jit3A_770, %sign3A_782 : i32
      %sign3A_784 = arith.extui %sign3A_783 : i1 to i32
      %sign3A_785 = arith.subi %sign3A_781, %sign3A_784 : i32
      %ne3A_786 = arith.cmpi ne, %sign3A_778, %sign3A_785 : i32
      %rem3A_787 = arith.remsi %select_n3A_766, %jit3A_770 : i32
      %ne3A_788 = arith.constant 0 : i32
      %ne3A_789 = arith.cmpi ne, %rem3A_787, %ne3A_788 : i32
      %and3A_790 = arith.andi %ne3A_786, %ne3A_789 : i1
      %sub3A_791 = arith.constant 1 : i32
      %sub3A_792 = arith.subi %div3A_771, %sub3A_791 : i32
      %select_n3A_793 = arith.select %and3A_790, %sub3A_792, %div3A_771 : i32
      %mul3A_794 = arith.constant 8 : i32
      %mul3A_795 = arith.muli %select_n3A_793, %mul3A_794 : i32
      %sub3A_796 = arith.subi %select_n3A_766, %mul3A_795 : i32
      %mul3A_797 = arith.constant 28 : i32
      %mul3A_798 = arith.muli %select_n3A_793, %mul3A_797 : i32
      %add3A_799 = arith.addi %mul3A_798, %sub3A_769 : i32
      %mul3A_800 = arith.constant 8 : i32
      %mul3A_801 = arith.muli %add3A_799, %mul3A_800 : i32
      %add3A_802 = arith.addi %mul3A_801, %sub3A_796 : i32
      %mul3A_803 = arith.constant 2688 : i32
      %mul3A_804 = arith.muli %add3A_802, %mul3A_803 : i32
      %mul3A_805 = arith.constant 8 : i32
      %mul3A_806 = arith.muli %select_n3A_793, %mul3A_805 : i32
      %add3A_807 = arith.addi %mul3A_806, %sub3A_796 : i32
      %mul3A_808 = arith.constant 784 : i32
      %mul3A_809 = arith.muli %add3A_807, %mul3A_808 : i32
      %mul3A_810 = arith.constant 28 : i32
      %mul3A_811 = arith.muli %sub3A_769, %mul3A_810 : i32
      %add3A_812 = arith.addi %mul3A_809, %mul3A_811 : i32
      %mul3A_813 = arith.constant 96 : i32
      %mul3A_814 = arith.muli %add3A_812, %mul3A_813 : i32
      %mul3A_815 = arith.constant 2 : i32
      %mul3A_816 = arith.muli %mul3A_815, %sub3A_796 : i32
      %mul3A_817 = arith.constant 2 : i32
      %mul3A_818 = arith.muli %mul3A_816, %mul3A_817 : i32
      %add3A_819 = arith.addi %mul3A_818, %select_n3A_793 : i32
      %mul3A_820 = arith.constant 28 : i32
      %mul3A_821 = arith.muli %add3A_819, %mul3A_820 : i32
      %add3A_822 = arith.addi %mul3A_821, %sub3A_769 : i32
      %mul3A_823 = arith.constant 2688 : i32
      %mul3A_824 = arith.muli %add3A_822, %mul3A_823 : i32
      %add3A_825 = arith.constant 150528 : i32
      %add3A_826 = arith.addi %mul3A_824, %add3A_825 : i32
      %dma_wait3A_827 = arith.constant 2688 : i32
      %dma_wait3A_828 = tpu.memref_slice %arg6[%dma_wait3A_827] : memref<5376xf32, #tpu.memory_space<vmem>> -> memref<2688xf32, #tpu.memory_space<vmem>>
      %dma_wait3A_829 = tpu.memref_slice %arg2[%mul3A_804] : memref<1204224xf32, #tpu.memory_space<hbm>> -> memref<2688xf32, #tpu.memory_space<hbm>>
      %dma_wait3A_830 = arith.constant 2688 : i32
      %dma_wait3A_831 = tpu.memref_slice %arg6[%dma_wait3A_830] : memref<5376xf32, #tpu.memory_space<vmem>> -> memref<2688xf32, #tpu.memory_space<vmem>>
      %dma_wait3A_832 = tpu.memref_slice %arg2[%mul3A_804] : memref<1204224xf32, #tpu.memory_space<hbm>> -> memref<2688xf32, #tpu.memory_space<hbm>>
      tpu.wait_dma2 semaphore(%arg11 : memref<!tpu.dma_semaphore, #tpu.memory_space<semaphore_mem>>) src(%dma_wait3A_832 : memref<2688xf32, #tpu.memory_space<hbm>>) dst(%dma_wait3A_831 : memref<2688xf32, #tpu.memory_space<vmem>>)
      %dma_wait3A_833 = arith.constant 2688 : i32
      %dma_wait3A_834 = tpu.memref_slice %arg7[%dma_wait3A_833] : memref<5376xi32, #tpu.memory_space<vmem>> -> memref<2688xi32, #tpu.memory_space<vmem>>
      %dma_wait3A_835 = tpu.memref_slice %arg3[%mul3A_814] : memref<1204224xi32, #tpu.memory_space<hbm>> -> memref<2688xi32, #tpu.memory_space<hbm>>
      %dma_wait3A_836 = arith.constant 2688 : i32
      %dma_wait3A_837 = tpu.memref_slice %arg7[%dma_wait3A_836] : memref<5376xi32, #tpu.memory_space<vmem>> -> memref<2688xi32, #tpu.memory_space<vmem>>
      %dma_wait3A_838 = tpu.memref_slice %arg3[%mul3A_814] : memref<1204224xi32, #tpu.memory_space<hbm>> -> memref<2688xi32, #tpu.memory_space<hbm>>
      tpu.wait_dma2 semaphore(%arg11 : memref<!tpu.dma_semaphore, #tpu.memory_space<semaphore_mem>>) src(%dma_wait3A_838 : memref<2688xi32, #tpu.memory_space<hbm>>) dst(%dma_wait3A_837 : memref<2688xi32, #tpu.memory_space<vmem>>)
      %dma_wait3A_839 = arith.constant 5376 : i32
      %dma_wait3A_840 = tpu.memref_slice %arg8[%dma_wait3A_839] : memref<10752xi32, #tpu.memory_space<vmem>> -> memref<2688xi32, #tpu.memory_space<vmem>>
      %dma_wait3A_841 = tpu.memref_slice %arg4[%mul3A_824] : memref<2408448xi32, #tpu.memory_space<hbm>> -> memref<2688xi32, #tpu.memory_space<hbm>>
      %dma_wait3A_842 = arith.constant 5376 : i32
      %dma_wait3A_843 = tpu.memref_slice %arg8[%dma_wait3A_842] : memref<10752xi32, #tpu.memory_space<vmem>> -> memref<2688xi32, #tpu.memory_space<vmem>>
      %dma_wait3A_844 = tpu.memref_slice %arg4[%mul3A_824] : memref<2408448xi32, #tpu.memory_space<hbm>> -> memref<2688xi32, #tpu.memory_space<hbm>>
      tpu.wait_dma2 semaphore(%arg11 : memref<!tpu.dma_semaphore, #tpu.memory_space<semaphore_mem>>) src(%dma_wait3A_844 : memref<2688xi32, #tpu.memory_space<hbm>>) dst(%dma_wait3A_843 : memref<2688xi32, #tpu.memory_space<vmem>>)
      %dma_wait3A_845 = arith.constant 8064 : i32
      %dma_wait3A_846 = tpu.memref_slice %arg8[%dma_wait3A_845] : memref<10752xi32, #tpu.memory_space<vmem>> -> memref<2688xi32, #tpu.memory_space<vmem>>
      %dma_wait3A_847 = tpu.memref_slice %arg4[%add3A_826] : memref<2408448xi32, #tpu.memory_space<hbm>> -> memref<2688xi32, #tpu.memory_space<hbm>>
      %dma_wait3A_848 = arith.constant 8064 : i32
      %dma_wait3A_849 = tpu.memref_slice %arg8[%dma_wait3A_848] : memref<10752xi32, #tpu.memory_space<vmem>> -> memref<2688xi32, #tpu.memory_space<vmem>>
      %dma_wait3A_850 = tpu.memref_slice %arg4[%add3A_826] : memref<2408448xi32, #tpu.memory_space<hbm>> -> memref<2688xi32, #tpu.memory_space<hbm>>
      tpu.wait_dma2 semaphore(%arg11 : memref<!tpu.dma_semaphore, #tpu.memory_space<semaphore_mem>>) src(%dma_wait3A_850 : memref<2688xi32, #tpu.memory_space<hbm>>) dst(%dma_wait3A_849 : memref<2688xi32, #tpu.memory_space<vmem>>)
      %gt3A_851 = arith.constant 0 : i32
      %gt3A_852 = arith.cmpi sgt, %scan3A_252, %gt3A_851 : i32
      %convert_element_type3A_853 = arith.extui %gt3A_852 : i1 to i32
      %cond3A_854 = arith.constant 0 : i32
      %cond3A_855 = arith.cmpi ne, %convert_element_type3A_853, %cond3A_854 : i32
      scf.if %cond3A_855 {
        %dma_wait3A_1007 = arith.constant 28672 : i32
        %dma_wait3A_1008 = tpu.memref_slice %arg9[%dma_wait3A_1007] : memref<57344xf32, #tpu.memory_space<vmem>> -> memref<14336xf32, #tpu.memory_space<vmem>>
        %dma_wait3A_1009 = arith.constant 0 : i32
        %dma_wait3A_1010 = tpu.memref_slice %arg5[%dma_wait3A_1009] : memref<12845056xf32, #tpu.memory_space<hbm>> -> memref<14336xf32, #tpu.memory_space<hbm>>
        %dma_wait3A_1011 = arith.constant 0 : i32
        %dma_wait3A_1012 = tpu.memref_slice %arg5[%dma_wait3A_1011] : memref<12845056xf32, #tpu.memory_space<hbm>> -> memref<14336xf32, #tpu.memory_space<hbm>>
        %dma_wait3A_1013 = arith.constant 28672 : i32
        %dma_wait3A_1014 = tpu.memref_slice %arg9[%dma_wait3A_1013] : memref<57344xf32, #tpu.memory_space<vmem>> -> memref<14336xf32, #tpu.memory_space<vmem>>
        tpu.wait_dma2 semaphore(%arg13 : memref<!tpu.dma_semaphore, #tpu.memory_space<semaphore_mem>>) src(%dma_wait3A_1014 : memref<14336xf32, #tpu.memory_space<vmem>>) dst(%dma_wait3A_1012 : memref<14336xf32, #tpu.memory_space<hbm>>)
        %dma_wait3A_1015 = arith.constant 43008 : i32
        %dma_wait3A_1016 = tpu.memref_slice %arg9[%dma_wait3A_1015] : memref<57344xf32, #tpu.memory_space<vmem>> -> memref<14336xf32, #tpu.memory_space<vmem>>
        %dma_wait3A_1017 = arith.constant 401408 : i32
        %dma_wait3A_1018 = tpu.memref_slice %arg5[%dma_wait3A_1017] : memref<12845056xf32, #tpu.memory_space<hbm>> -> memref<14336xf32, #tpu.memory_space<hbm>>
        %dma_wait3A_1019 = arith.constant 401408 : i32
        %dma_wait3A_1020 = tpu.memref_slice %arg5[%dma_wait3A_1019] : memref<12845056xf32, #tpu.memory_space<hbm>> -> memref<14336xf32, #tpu.memory_space<hbm>>
        %dma_wait3A_1021 = arith.constant 43008 : i32
        %dma_wait3A_1022 = tpu.memref_slice %arg9[%dma_wait3A_1021] : memref<57344xf32, #tpu.memory_space<vmem>> -> memref<14336xf32, #tpu.memory_space<vmem>>
        tpu.wait_dma2 semaphore(%arg13 : memref<!tpu.dma_semaphore, #tpu.memory_space<semaphore_mem>>) src(%dma_wait3A_1022 : memref<14336xf32, #tpu.memory_space<vmem>>) dst(%dma_wait3A_1020 : memref<14336xf32, #tpu.memory_space<hbm>>)
      } else {
      }
      %add3A_856 = arith.constant 1 : i32
      %add3A_857 = arith.addi %add3A_256, %add3A_856 : i32
      %jit3A_858 = arith.constant 28 : i32
      %div3A_859 = arith.divsi %add3A_857, %jit3A_858 : i32
      %sign3A_860 = arith.constant 0 : i32
      %sign3A_861 = arith.cmpi sgt, %add3A_857, %sign3A_860 : i32
      %sign3A_862 = arith.extui %sign3A_861 : i1 to i32
      %sign3A_863 = arith.constant 0 : i32
      %sign3A_864 = arith.cmpi slt, %add3A_857, %sign3A_863 : i32
      %sign3A_865 = arith.extui %sign3A_864 : i1 to i32
      %sign3A_866 = arith.subi %sign3A_862, %sign3A_865 : i32
      %sign3A_867 = arith.constant 0 : i32
      %sign3A_868 = arith.cmpi sgt, %jit3A_858, %sign3A_867 : i32
      %sign3A_869 = arith.extui %sign3A_868 : i1 to i32
      %sign3A_870 = arith.constant 0 : i32
      %sign3A_871 = arith.cmpi slt, %jit3A_858, %sign3A_870 : i32
      %sign3A_872 = arith.extui %sign3A_871 : i1 to i32
      %sign3A_873 = arith.subi %sign3A_869, %sign3A_872 : i32
      %ne3A_874 = arith.cmpi ne, %sign3A_866, %sign3A_873 : i32
      %rem3A_875 = arith.remsi %add3A_857, %jit3A_858 : i32
      %ne3A_876 = arith.constant 0 : i32
      %ne3A_877 = arith.cmpi ne, %rem3A_875, %ne3A_876 : i32
      %and3A_878 = arith.andi %ne3A_874, %ne3A_877 : i1
      %sub3A_879 = arith.constant 1 : i32
      %sub3A_880 = arith.subi %div3A_859, %sub3A_879 : i32
      %select_n3A_881 = arith.select %and3A_878, %sub3A_880, %div3A_859 : i32
      %mul3A_882 = arith.constant 28 : i32
      %mul3A_883 = arith.muli %select_n3A_881, %mul3A_882 : i32
      %sub3A_884 = arith.subi %add3A_857, %mul3A_883 : i32
      %jit3A_885 = arith.constant 8 : i32
      %div3A_886 = arith.divsi %select_n3A_881, %jit3A_885 : i32
      %sign3A_887 = arith.constant 0 : i32
      %sign3A_888 = arith.cmpi sgt, %select_n3A_881, %sign3A_887 : i32
      %sign3A_889 = arith.extui %sign3A_888 : i1 to i32
      %sign3A_890 = arith.constant 0 : i32
      %sign3A_891 = arith.cmpi slt, %select_n3A_881, %sign3A_890 : i32
      %sign3A_892 = arith.extui %sign3A_891 : i1 to i32
      %sign3A_893 = arith.subi %sign3A_889, %sign3A_892 : i32
      %sign3A_894 = arith.constant 0 : i32
      %sign3A_895 = arith.cmpi sgt, %jit3A_885, %sign3A_894 : i32
      %sign3A_896 = arith.extui %sign3A_895 : i1 to i32
      %sign3A_897 = arith.constant 0 : i32
      %sign3A_898 = arith.cmpi slt, %jit3A_885, %sign3A_897 : i32
      %sign3A_899 = arith.extui %sign3A_898 : i1 to i32
      %sign3A_900 = arith.subi %sign3A_896, %sign3A_899 : i32
      %ne3A_901 = arith.cmpi ne, %sign3A_893, %sign3A_900 : i32
      %rem3A_902 = arith.remsi %select_n3A_881, %jit3A_885 : i32
      %ne3A_903 = arith.constant 0 : i32
      %ne3A_904 = arith.cmpi ne, %rem3A_902, %ne3A_903 : i32
      %and3A_905 = arith.andi %ne3A_901, %ne3A_904 : i1
      %sub3A_906 = arith.constant 1 : i32
      %sub3A_907 = arith.subi %div3A_886, %sub3A_906 : i32
      %select_n3A_908 = arith.select %and3A_905, %sub3A_907, %div3A_886 : i32
      %mul3A_909 = arith.constant 8 : i32
      %mul3A_910 = arith.muli %select_n3A_908, %mul3A_909 : i32
      %sub3A_911 = arith.subi %select_n3A_881, %mul3A_910 : i32
      %scan3A_912 = arith.constant 0 : i32
      %scan3A_913 = arith.constant 0 : i32
      %scan3A_914 = arith.constant 28 : i32
      %scan3A_915 = arith.addi %scan3A_913, %scan3A_914 : i32
      %scan3A_916 = arith.constant 1 : i32
      %scan3A_917 = scf.for %scan3A_1007 = %scan3A_913 to %scan3A_915 step %scan3A_916 iter_args(%scan3A_1008 = %scan3A_912) -> (i32)  : i32 {
        %mul3A_1009 = arith.constant 2 : i32
        %mul3A_1010 = arith.muli %mul3A_1009, %sub3A_884 : i32
        %mul3A_1011 = arith.constant 56 : i32
        %mul3A_1012 = arith.muli %mul3A_1010, %mul3A_1011 : i32
        %mul3A_1013 = arith.constant 2 : i32
        %mul3A_1014 = arith.muli %mul3A_1013, %scan3A_1007 : i32
        %add3A_1015 = arith.addi %mul3A_1012, %mul3A_1014 : i32
        %mul3A_1016 = arith.constant 96 : i32
        %mul3A_1017 = arith.muli %scan3A_1007, %mul3A_1016 : i32
        %add3A_1018 = arith.constant 2688 : i32
        %add3A_1019 = arith.addi %add3A_1018, %mul3A_1017 : i32
        %add3A_1020 = arith.constant 0 : i32
        %add3A_1021 = arith.addi %add3A_1019, %add3A_1020 : i32
        %get3A = arith.index_cast %add3A_1021 : i32 to index
        %get3A_1022 = tpu.vector_load %arg6[%get3A] {strides = array<i32>} : memref<5376xf32, #tpu.memory_space<vmem>>, vector<16xf32>,
        %mul3A_1023 = arith.constant 96 : i32
        %mul3A_1024 = arith.muli %scan3A_1007, %mul3A_1023 : i32
        %add3A_1025 = arith.constant 2688 : i32
        %add3A_1026 = arith.addi %add3A_1025, %mul3A_1024 : i32
        %add3A_1027 = arith.constant 0 : i32
        %add3A_1028 = arith.addi %add3A_1026, %add3A_1027 : i32
        %get3A_1029 = arith.index_cast %add3A_1028 : i32 to index
        %get3A_1030 = tpu.vector_load %arg7[%get3A_1029] {strides = array<i32>} : memref<5376xi32, #tpu.memory_space<vmem>>, vector<16xi32>,
        %mul3A_1031 = arith.constant 96 : i32
        %mul3A_1032 = arith.muli %scan3A_1007, %mul3A_1031 : i32
        %add3A_1033 = arith.constant 5376 : i32
        %add3A_1034 = arith.addi %add3A_1033, %mul3A_1032 : i32
        %add3A_1035 = arith.constant 0 : i32
        %add3A_1036 = arith.addi %add3A_1034, %add3A_1035 : i32
        %get3A_1037 = arith.index_cast %add3A_1036 : i32 to index
        %get3A_1038 = tpu.vector_load %arg8[%get3A_1037] {strides = array<i32>} : memref<10752xi32, #tpu.memory_space<vmem>>, vector<16xi32>,
        %sub3A_1039 = vector.broadcast %add3A_1015 : i32 to vector<16xi32>
        %sub3A_1040 = arith.subi %get3A_1038, %sub3A_1039 : vector<16xi32>
        %mul3A_1041 = arith.constant 2 : i32
        %mul3A_1042 = arith.muli %mul3A_1041, %sub3A_911 : i32
        %add3A_1043 = arith.constant 0 : i32
        %add3A_1044 = arith.addi %mul3A_1042, %add3A_1043 : i32
        %eq3A = vector.broadcast %add3A_1044 : i32 to vector<16xi32>
        %eq3A_1045 = arith.cmpi eq, %get3A_1030, %eq3A : vector<16xi32>
        %eq3A_1046 = arith.constant 0 : i32
        %eq3A_1047 = vector.broadcast %eq3A_1046 : i32 to vector<16xi32>
        %eq3A_1048 = arith.cmpi eq, %sub3A_1040, %eq3A_1047 : vector<16xi32>
        %and3A_1049 = arith.andi %eq3A_1048, %eq3A_1045 : vector<16xi1>
        %select_n3A_1050 = arith.select %and3A_1049, %get3A_1022, %broadcast_in_dim3A_1 : vector<16xi1>, vector<16xf32>
        %mul3A_1051 = arith.constant 2 : i32
        %mul3A_1052 = arith.muli %mul3A_1051, %scan3A_1007 : i32
        %add3A_1053 = arith.constant 0 : i32
        %add3A_1054 = arith.addi %mul3A_1052, %add3A_1053 : i32
        %mul3A_1055 = arith.constant 128 : i32
        %mul3A_1056 = arith.muli %add3A_1054, %mul3A_1055 : i32
        %add3A_1057 = arith.constant 28672 : i32
        %add3A_1058 = arith.addi %add3A_1057, %mul3A_1056 : i32
        %add3A_1059 = arith.constant 0 : i32
        %add3A_1060 = arith.addi %add3A_1058, %add3A_1059 : i32
        %swap3A = arith.index_cast %add3A_1060 : i32 to index
        %swap3A_1061 = tpu.vector_load %arg9[%swap3A] {strides = array<i32>} : memref<57344xf32, #tpu.memory_space<vmem>>, vector<16xf32>,
        tpu.vector_store %arg9[%swap3A], %select_n3A_1050 {strides = array<i32>} : memref<57344xf32, #tpu.memory_space<vmem>>, vector<16xf32>,
        %eq3A_1062 = arith.constant 1 : i32
        %eq3A_1063 = vector.broadcast %eq3A_1062 : i32 to vector<16xi32>
        %eq3A_1064 = arith.cmpi eq, %sub3A_1040, %eq3A_1063 : vector<16xi32>
        %and3A_1065 = arith.andi %eq3A_1064, %eq3A_1045 : vector<16xi1>
        %select_n3A_1066 = arith.select %and3A_1065, %get3A_1022, %broadcast_in_dim3A_1 : vector<16xi1>, vector<16xf32>
        %mul3A_1067 = arith.constant 2 : i32
        %mul3A_1068 = arith.muli %mul3A_1067, %scan3A_1007 : i32
        %add3A_1069 = arith.constant 1 : i32
        %add3A_1070 = arith.addi %mul3A_1068, %add3A_1069 : i32
        %mul3A_1071 = arith.constant 128 : i32
        %mul3A_1072 = arith.muli %add3A_1070, %mul3A_1071 : i32
        %add3A_1073 = arith.constant 28672 : i32
        %add3A_1074 = arith.addi %add3A_1073, %mul3A_1072 : i32
        %add3A_1075 = arith.constant 0 : i32
        %add3A_1076 = arith.addi %add3A_1074, %add3A_1075 : i32
        %swap3A_1077 = arith.index_cast %add3A_1076 : i32 to index
        %swap3A_1078 = tpu.vector_load %arg9[%swap3A_1077] {strides = array<i32>} : memref<57344xf32, #tpu.memory_space<vmem>>, vector<16xf32>,
        tpu.vector_store %arg9[%swap3A_1077], %select_n3A_1066 {strides = array<i32>} : memref<57344xf32, #tpu.memory_space<vmem>>, vector<16xf32>,
        %eq3A_1079 = arith.constant 56 : i32
        %eq3A_1080 = vector.broadcast %eq3A_1079 : i32 to vector<16xi32>
        %eq3A_1081 = arith.cmpi eq, %sub3A_1040, %eq3A_1080 : vector<16xi32>
        %and3A_1082 = arith.andi %eq3A_1081, %eq3A_1045 : vector<16xi1>
        %select_n3A_1083 = arith.select %and3A_1082, %get3A_1022, %broadcast_in_dim3A_1 : vector<16xi1>, vector<16xf32>
        %mul3A_1084 = arith.constant 2 : i32
        %mul3A_1085 = arith.muli %mul3A_1084, %scan3A_1007 : i32
        %add3A_1086 = arith.constant 0 : i32
        %add3A_1087 = arith.addi %mul3A_1085, %add3A_1086 : i32
        %mul3A_1088 = arith.constant 128 : i32
        %mul3A_1089 = arith.muli %add3A_1087, %mul3A_1088 : i32
        %add3A_1090 = arith.constant 35840 : i32
        %add3A_1091 = arith.addi %add3A_1090, %mul3A_1089 : i32
        %add3A_1092 = arith.constant 0 : i32
        %add3A_1093 = arith.addi %add3A_1091, %add3A_1092 : i32
        %swap3A_1094 = arith.index_cast %add3A_1093 : i32 to index
        %swap3A_1095 = tpu.vector_load %arg9[%swap3A_1094] {strides = array<i32>} : memref<57344xf32, #tpu.memory_space<vmem>>, vector<16xf32>,
        tpu.vector_store %arg9[%swap3A_1094], %select_n3A_1083 {strides = array<i32>} : memref<57344xf32, #tpu.memory_space<vmem>>, vector<16xf32>,
        %eq3A_1096 = arith.constant 57 : i32
        %eq3A_1097 = vector.broadcast %eq3A_1096 : i32 to vector<16xi32>
        %eq3A_1098 = arith.cmpi eq, %sub3A_1040, %eq3A_1097 : vector<16xi32>
        %and3A_1099 = arith.andi %eq3A_1098, %eq3A_1045 : vector<16xi1>
        %select_n3A_1100 = arith.select %and3A_1099, %get3A_1022, %broadcast_in_dim3A_1 : vector<16xi1>, vector<16xf32>
        %mul3A_1101 = arith.constant 2 : i32
        %mul3A_1102 = arith.muli %mul3A_1101, %scan3A_1007 : i32
        %add3A_1103 = arith.constant 1 : i32
        %add3A_1104 = arith.addi %mul3A_1102, %add3A_1103 : i32
        %mul3A_1105 = arith.constant 128 : i32
        %mul3A_1106 = arith.muli %add3A_1104, %mul3A_1105 : i32
        %add3A_1107 = arith.constant 35840 : i32
        %add3A_1108 = arith.addi %add3A_1107, %mul3A_1106 : i32
        %add3A_1109 = arith.constant 0 : i32
        %add3A_1110 = arith.addi %add3A_1108, %add3A_1109 : i32
        %swap3A_1111 = arith.index_cast %add3A_1110 : i32 to index
        %swap3A_1112 = tpu.vector_load %arg9[%swap3A_1111] {strides = array<i32>} : memref<57344xf32, #tpu.memory_space<vmem>>, vector<16xf32>,
        tpu.vector_store %arg9[%swap3A_1111], %select_n3A_1100 {strides = array<i32>} : memref<57344xf32, #tpu.memory_space<vmem>>, vector<16xf32>,
        %mul3A_1113 = arith.constant 96 : i32
        %mul3A_1114 = arith.muli %scan3A_1007, %mul3A_1113 : i32
        %add3A_1115 = arith.constant 2688 : i32
        %add3A_1116 = arith.addi %add3A_1115, %mul3A_1114 : i32
        %add3A_1117 = arith.constant 16 : i32
        %add3A_1118 = arith.addi %add3A_1116, %add3A_1117 : i32
        %get3A_1119 = arith.index_cast %add3A_1118 : i32 to index
        %get3A_1120 = tpu.vector_load %arg6[%get3A_1119] {strides = array<i32>} : memref<5376xf32, #tpu.memory_space<vmem>>, vector<16xf32>,
        %mul3A_1121 = arith.constant 96 : i32
        %mul3A_1122 = arith.muli %scan3A_1007, %mul3A_1121 : i32
        %add3A_1123 = arith.constant 2688 : i32
        %add3A_1124 = arith.addi %add3A_1123, %mul3A_1122 : i32
        %add3A_1125 = arith.constant 16 : i32
        %add3A_1126 = arith.addi %add3A_1124, %add3A_1125 : i32
        %get3A_1127 = arith.index_cast %add3A_1126 : i32 to index
        %get3A_1128 = tpu.vector_load %arg7[%get3A_1127] {strides = array<i32>} : memref<5376xi32, #tpu.memory_space<vmem>>, vector<16xi32>,
        %mul3A_1129 = arith.constant 96 : i32
        %mul3A_1130 = arith.muli %scan3A_1007, %mul3A_1129 : i32
        %add3A_1131 = arith.constant 5376 : i32
        %add3A_1132 = arith.addi %add3A_1131, %mul3A_1130 : i32
        %add3A_1133 = arith.constant 16 : i32
        %add3A_1134 = arith.addi %add3A_1132, %add3A_1133 : i32
        %get3A_1135 = arith.index_cast %add3A_1134 : i32 to index
        %get3A_1136 = tpu.vector_load %arg8[%get3A_1135] {strides = array<i32>} : memref<10752xi32, #tpu.memory_space<vmem>>, vector<16xi32>,
        %sub3A_1137 = vector.broadcast %add3A_1015 : i32 to vector<16xi32>
        %sub3A_1138 = arith.subi %get3A_1136, %sub3A_1137 : vector<16xi32>
        %mul3A_1139 = arith.constant 2 : i32
        %mul3A_1140 = arith.muli %mul3A_1139, %sub3A_911 : i32
        %add3A_1141 = arith.constant 0 : i32
        %add3A_1142 = arith.addi %mul3A_1140, %add3A_1141 : i32
        %eq3A_1143 = vector.broadcast %add3A_1142 : i32 to vector<16xi32>
        %eq3A_1144 = arith.cmpi eq, %get3A_1128, %eq3A_1143 : vector<16xi32>
        %eq3A_1145 = arith.constant 0 : i32
        %eq3A_1146 = vector.broadcast %eq3A_1145 : i32 to vector<16xi32>
        %eq3A_1147 = arith.cmpi eq, %sub3A_1138, %eq3A_1146 : vector<16xi32>
        %and3A_1148 = arith.andi %eq3A_1147, %eq3A_1144 : vector<16xi1>
        %select_n3A_1149 = arith.select %and3A_1148, %get3A_1120, %broadcast_in_dim3A_1 : vector<16xi1>, vector<16xf32>
        %mul3A_1150 = arith.constant 2 : i32
        %mul3A_1151 = arith.muli %mul3A_1150, %scan3A_1007 : i32
        %add3A_1152 = arith.constant 0 : i32
        %add3A_1153 = arith.addi %mul3A_1151, %add3A_1152 : i32
        %mul3A_1154 = arith.constant 128 : i32
        %mul3A_1155 = arith.muli %add3A_1153, %mul3A_1154 : i32
        %add3A_1156 = arith.constant 28672 : i32
        %add3A_1157 = arith.addi %add3A_1156, %mul3A_1155 : i32
        %add3A_1158 = arith.constant 16 : i32
        %add3A_1159 = arith.addi %add3A_1157, %add3A_1158 : i32
        %swap3A_1160 = arith.index_cast %add3A_1159 : i32 to index
        %swap3A_1161 = tpu.vector_load %arg9[%swap3A_1160] {strides = array<i32>} : memref<57344xf32, #tpu.memory_space<vmem>>, vector<16xf32>,
        tpu.vector_store %arg9[%swap3A_1160], %select_n3A_1149 {strides = array<i32>} : memref<57344xf32, #tpu.memory_space<vmem>>, vector<16xf32>,
        %eq3A_1162 = arith.constant 1 : i32
        %eq3A_1163 = vector.broadcast %eq3A_1162 : i32 to vector<16xi32>
        %eq3A_1164 = arith.cmpi eq, %sub3A_1138, %eq3A_1163 : vector<16xi32>
        %and3A_1165 = arith.andi %eq3A_1164, %eq3A_1144 : vector<16xi1>
        %select_n3A_1166 = arith.select %and3A_1165, %get3A_1120, %broadcast_in_dim3A_1 : vector<16xi1>, vector<16xf32>
        %mul3A_1167 = arith.constant 2 : i32
        %mul3A_1168 = arith.muli %mul3A_1167, %scan3A_1007 : i32
        %add3A_1169 = arith.constant 1 : i32
        %add3A_1170 = arith.addi %mul3A_1168, %add3A_1169 : i32
        %mul3A_1171 = arith.constant 128 : i32
        %mul3A_1172 = arith.muli %add3A_1170, %mul3A_1171 : i32
        %add3A_1173 = arith.constant 28672 : i32
        %add3A_1174 = arith.addi %add3A_1173, %mul3A_1172 : i32
        %add3A_1175 = arith.constant 16 : i32
        %add3A_1176 = arith.addi %add3A_1174, %add3A_1175 : i32
        %swap3A_1177 = arith.index_cast %add3A_1176 : i32 to index
        %swap3A_1178 = tpu.vector_load %arg9[%swap3A_1177] {strides = array<i32>} : memref<57344xf32, #tpu.memory_space<vmem>>, vector<16xf32>,
        tpu.vector_store %arg9[%swap3A_1177], %select_n3A_1166 {strides = array<i32>} : memref<57344xf32, #tpu.memory_space<vmem>>, vector<16xf32>,
        %eq3A_1179 = arith.constant 56 : i32
        %eq3A_1180 = vector.broadcast %eq3A_1179 : i32 to vector<16xi32>
        %eq3A_1181 = arith.cmpi eq, %sub3A_1138, %eq3A_1180 : vector<16xi32>
        %and3A_1182 = arith.andi %eq3A_1181, %eq3A_1144 : vector<16xi1>
        %select_n3A_1183 = arith.select %and3A_1182, %get3A_1120, %broadcast_in_dim3A_1 : vector<16xi1>, vector<16xf32>
        %mul3A_1184 = arith.constant 2 : i32
        %mul3A_1185 = arith.muli %mul3A_1184, %scan3A_1007 : i32
        %add3A_1186 = arith.constant 0 : i32
        %add3A_1187 = arith.addi %mul3A_1185, %add3A_1186 : i32
        %mul3A_1188 = arith.constant 128 : i32
        %mul3A_1189 = arith.muli %add3A_1187, %mul3A_1188 : i32
        %add3A_1190 = arith.constant 35840 : i32
        %add3A_1191 = arith.addi %add3A_1190, %mul3A_1189 : i32
        %add3A_1192 = arith.constant 16 : i32
        %add3A_1193 = arith.addi %add3A_1191, %add3A_1192 : i32
        %swap3A_1194 = arith.index_cast %add3A_1193 : i32 to index
        %swap3A_1195 = tpu.vector_load %arg9[%swap3A_1194] {strides = array<i32>} : memref<57344xf32, #tpu.memory_space<vmem>>, vector<16xf32>,
        tpu.vector_store %arg9[%swap3A_1194], %select_n3A_1183 {strides = array<i32>} : memref<57344xf32, #tpu.memory_space<vmem>>, vector<16xf32>,
        %eq3A_1196 = arith.constant 57 : i32
        %eq3A_1197 = vector.broadcast %eq3A_1196 : i32 to vector<16xi32>
        %eq3A_1198 = arith.cmpi eq, %sub3A_1138, %eq3A_1197 : vector<16xi32>
        %and3A_1199 = arith.andi %eq3A_1198, %eq3A_1144 : vector<16xi1>
        %select_n3A_1200 = arith.select %and3A_1199, %get3A_1120, %broadcast_in_dim3A_1 : vector<16xi1>, vector<16xf32>
        %mul3A_1201 = arith.constant 2 : i32
        %mul3A_1202 = arith.muli %mul3A_1201, %scan3A_1007 : i32
        %add3A_1203 = arith.constant 1 : i32
        %add3A_1204 = arith.addi %mul3A_1202, %add3A_1203 : i32
        %mul3A_1205 = arith.constant 128 : i32
        %mul3A_1206 = arith.muli %add3A_1204, %mul3A_1205 : i32
        %add3A_1207 = arith.constant 35840 : i32
        %add3A_1208 = arith.addi %add3A_1207, %mul3A_1206 : i32
        %add3A_1209 = arith.constant 16 : i32
        %add3A_1210 = arith.addi %add3A_1208, %add3A_1209 : i32
        %swap3A_1211 = arith.index_cast %add3A_1210 : i32 to index
        %swap3A_1212 = tpu.vector_load %arg9[%swap3A_1211] {strides = array<i32>} : memref<57344xf32, #tpu.memory_space<vmem>>, vector<16xf32>,
        tpu.vector_store %arg9[%swap3A_1211], %select_n3A_1200 {strides = array<i32>} : memref<57344xf32, #tpu.memory_space<vmem>>, vector<16xf32>,
        %mul3A_1213 = arith.constant 96 : i32
        %mul3A_1214 = arith.muli %scan3A_1007, %mul3A_1213 : i32
        %add3A_1215 = arith.constant 2688 : i32
        %add3A_1216 = arith.addi %add3A_1215, %mul3A_1214 : i32
        %add3A_1217 = arith.constant 32 : i32
        %add3A_1218 = arith.addi %add3A_1216, %add3A_1217 : i32
        %get3A_1219 = arith.index_cast %add3A_1218 : i32 to index
        %get3A_1220 = tpu.vector_load %arg6[%get3A_1219] {strides = array<i32>} : memref<5376xf32, #tpu.memory_space<vmem>>, vector<16xf32>,
        %mul3A_1221 = arith.constant 96 : i32
        %mul3A_1222 = arith.muli %scan3A_1007, %mul3A_1221 : i32
        %add3A_1223 = arith.constant 2688 : i32
        %add3A_1224 = arith.addi %add3A_1223, %mul3A_1222 : i32
        %add3A_1225 = arith.constant 32 : i32
        %add3A_1226 = arith.addi %add3A_1224, %add3A_1225 : i32
        %get3A_1227 = arith.index_cast %add3A_1226 : i32 to index
        %get3A_1228 = tpu.vector_load %arg7[%get3A_1227] {strides = array<i32>} : memref<5376xi32, #tpu.memory_space<vmem>>, vector<16xi32>,
        %mul3A_1229 = arith.constant 96 : i32
        %mul3A_1230 = arith.muli %scan3A_1007, %mul3A_1229 : i32
        %add3A_1231 = arith.constant 5376 : i32
        %add3A_1232 = arith.addi %add3A_1231, %mul3A_1230 : i32
        %add3A_1233 = arith.constant 32 : i32
        %add3A_1234 = arith.addi %add3A_1232, %add3A_1233 : i32
        %get3A_1235 = arith.index_cast %add3A_1234 : i32 to index
        %get3A_1236 = tpu.vector_load %arg8[%get3A_1235] {strides = array<i32>} : memref<10752xi32, #tpu.memory_space<vmem>>, vector<16xi32>,
        %sub3A_1237 = vector.broadcast %add3A_1015 : i32 to vector<16xi32>
        %sub3A_1238 = arith.subi %get3A_1236, %sub3A_1237 : vector<16xi32>
        %mul3A_1239 = arith.constant 2 : i32
        %mul3A_1240 = arith.muli %mul3A_1239, %sub3A_911 : i32
        %add3A_1241 = arith.constant 0 : i32
        %add3A_1242 = arith.addi %mul3A_1240, %add3A_1241 : i32
        %eq3A_1243 = vector.broadcast %add3A_1242 : i32 to vector<16xi32>
        %eq3A_1244 = arith.cmpi eq, %get3A_1228, %eq3A_1243 : vector<16xi32>
        %eq3A_1245 = arith.constant 0 : i32
        %eq3A_1246 = vector.broadcast %eq3A_1245 : i32 to vector<16xi32>
        %eq3A_1247 = arith.cmpi eq, %sub3A_1238, %eq3A_1246 : vector<16xi32>
        %and3A_1248 = arith.andi %eq3A_1247, %eq3A_1244 : vector<16xi1>
        %select_n3A_1249 = arith.select %and3A_1248, %get3A_1220, %broadcast_in_dim3A_1 : vector<16xi1>, vector<16xf32>
        %mul3A_1250 = arith.constant 2 : i32
        %mul3A_1251 = arith.muli %mul3A_1250, %scan3A_1007 : i32
        %add3A_1252 = arith.constant 0 : i32
        %add3A_1253 = arith.addi %mul3A_1251, %add3A_1252 : i32
        %mul3A_1254 = arith.constant 128 : i32
        %mul3A_1255 = arith.muli %add3A_1253, %mul3A_1254 : i32
        %add3A_1256 = arith.constant 28672 : i32
        %add3A_1257 = arith.addi %add3A_1256, %mul3A_1255 : i32
        %add3A_1258 = arith.constant 32 : i32
        %add3A_1259 = arith.addi %add3A_1257, %add3A_1258 : i32
        %swap3A_1260 = arith.index_cast %add3A_1259 : i32 to index
        %swap3A_1261 = tpu.vector_load %arg9[%swap3A_1260] {strides = array<i32>} : memref<57344xf32, #tpu.memory_space<vmem>>, vector<16xf32>,
        tpu.vector_store %arg9[%swap3A_1260], %select_n3A_1249 {strides = array<i32>} : memref<57344xf32, #tpu.memory_space<vmem>>, vector<16xf32>,
        %eq3A_1262 = arith.constant 1 : i32
        %eq3A_1263 = vector.broadcast %eq3A_1262 : i32 to vector<16xi32>
        %eq3A_1264 = arith.cmpi eq, %sub3A_1238, %eq3A_1263 : vector<16xi32>
        %and3A_1265 = arith.andi %eq3A_1264, %eq3A_1244 : vector<16xi1>
        %select_n3A_1266 = arith.select %and3A_1265, %get3A_1220, %broadcast_in_dim3A_1 : vector<16xi1>, vector<16xf32>
        %mul3A_1267 = arith.constant 2 : i32
        %mul3A_1268 = arith.muli %mul3A_1267, %scan3A_1007 : i32
        %add3A_1269 = arith.constant 1 : i32
        %add3A_1270 = arith.addi %mul3A_1268, %add3A_1269 : i32
        %mul3A_1271 = arith.constant 128 : i32
        %mul3A_1272 = arith.muli %add3A_1270, %mul3A_1271 : i32
        %add3A_1273 = arith.constant 28672 : i32
        %add3A_1274 = arith.addi %add3A_1273, %mul3A_1272 : i32
        %add3A_1275 = arith.constant 32 : i32
        %add3A_1276 = arith.addi %add3A_1274, %add3A_1275 : i32
        %swap3A_1277 = arith.index_cast %add3A_1276 : i32 to index
        %swap3A_1278 = tpu.vector_load %arg9[%swap3A_1277] {strides = array<i32>} : memref<57344xf32, #tpu.memory_space<vmem>>, vector<16xf32>,
        tpu.vector_store %arg9[%swap3A_1277], %select_n3A_1266 {strides = array<i32>} : memref<57344xf32, #tpu.memory_space<vmem>>, vector<16xf32>,
        %eq3A_1279 = arith.constant 56 : i32
        %eq3A_1280 = vector.broadcast %eq3A_1279 : i32 to vector<16xi32>
        %eq3A_1281 = arith.cmpi eq, %sub3A_1238, %eq3A_1280 : vector<16xi32>
        %and3A_1282 = arith.andi %eq3A_1281, %eq3A_1244 : vector<16xi1>
        %select_n3A_1283 = arith.select %and3A_1282, %get3A_1220, %broadcast_in_dim3A_1 : vector<16xi1>, vector<16xf32>
        %mul3A_1284 = arith.constant 2 : i32
        %mul3A_1285 = arith.muli %mul3A_1284, %scan3A_1007 : i32
        %add3A_1286 = arith.constant 0 : i32
        %add3A_1287 = arith.addi %mul3A_1285, %add3A_1286 : i32
        %mul3A_1288 = arith.constant 128 : i32
        %mul3A_1289 = arith.muli %add3A_1287, %mul3A_1288 : i32
        %add3A_1290 = arith.constant 35840 : i32
        %add3A_1291 = arith.addi %add3A_1290, %mul3A_1289 : i32
        %add3A_1292 = arith.constant 32 : i32
        %add3A_1293 = arith.addi %add3A_1291, %add3A_1292 : i32
        %swap3A_1294 = arith.index_cast %add3A_1293 : i32 to index
        %swap3A_1295 = tpu.vector_load %arg9[%swap3A_1294] {strides = array<i32>} : memref<57344xf32, #tpu.memory_space<vmem>>, vector<16xf32>,
        tpu.vector_store %arg9[%swap3A_1294], %select_n3A_1283 {strides = array<i32>} : memref<57344xf32, #tpu.memory_space<vmem>>, vector<16xf32>,
        %eq3A_1296 = arith.constant 57 : i32
        %eq3A_1297 = vector.broadcast %eq3A_1296 : i32 to vector<16xi32>
        %eq3A_1298 = arith.cmpi eq, %sub3A_1238, %eq3A_1297 : vector<16xi32>
        %and3A_1299 = arith.andi %eq3A_1298, %eq3A_1244 : vector<16xi1>
        %select_n3A_1300 = arith.select %and3A_1299, %get3A_1220, %broadcast_in_dim3A_1 : vector<16xi1>, vector<16xf32>
        %mul3A_1301 = arith.constant 2 : i32
        %mul3A_1302 = arith.muli %mul3A_1301, %scan3A_1007 : i32
        %add3A_1303 = arith.constant 1 : i32
        %add3A_1304 = arith.addi %mul3A_1302, %add3A_1303 : i32
        %mul3A_1305 = arith.constant 128 : i32
        %mul3A_1306 = arith.muli %add3A_1304, %mul3A_1305 : i32
        %add3A_1307 = arith.constant 35840 : i32
        %add3A_1308 = arith.addi %add3A_1307, %mul3A_1306 : i32
        %add3A_1309 = arith.constant 32 : i32
        %add3A_1310 = arith.addi %add3A_1308, %add3A_1309 : i32
        %swap3A_1311 = arith.index_cast %add3A_1310 : i32 to index
        %swap3A_1312 = tpu.vector_load %arg9[%swap3A_1311] {strides = array<i32>} : memref<57344xf32, #tpu.memory_space<vmem>>, vector<16xf32>,
        tpu.vector_store %arg9[%swap3A_1311], %select_n3A_1300 {strides = array<i32>} : memref<57344xf32, #tpu.memory_space<vmem>>, vector<16xf32>,
        %mul3A_1313 = arith.constant 96 : i32
        %mul3A_1314 = arith.muli %scan3A_1007, %mul3A_1313 : i32
        %add3A_1315 = arith.constant 2688 : i32
        %add3A_1316 = arith.addi %add3A_1315, %mul3A_1314 : i32
        %add3A_1317 = arith.constant 48 : i32
        %add3A_1318 = arith.addi %add3A_1316, %add3A_1317 : i32
        %get3A_1319 = arith.index_cast %add3A_1318 : i32 to index
        %get3A_1320 = tpu.vector_load %arg6[%get3A_1319] {strides = array<i32>} : memref<5376xf32, #tpu.memory_space<vmem>>, vector<16xf32>,
        %mul3A_1321 = arith.constant 96 : i32
        %mul3A_1322 = arith.muli %scan3A_1007, %mul3A_1321 : i32
        %add3A_1323 = arith.constant 2688 : i32
        %add3A_1324 = arith.addi %add3A_1323, %mul3A_1322 : i32
        %add3A_1325 = arith.constant 48 : i32
        %add3A_1326 = arith.addi %add3A_1324, %add3A_1325 : i32
        %get3A_1327 = arith.index_cast %add3A_1326 : i32 to index
        %get3A_1328 = tpu.vector_load %arg7[%get3A_1327] {strides = array<i32>} : memref<5376xi32, #tpu.memory_space<vmem>>, vector<16xi32>,
        %mul3A_1329 = arith.constant 96 : i32
        %mul3A_1330 = arith.muli %scan3A_1007, %mul3A_1329 : i32
        %add3A_1331 = arith.constant 5376 : i32
        %add3A_1332 = arith.addi %add3A_1331, %mul3A_1330 : i32
        %add3A_1333 = arith.constant 48 : i32
        %add3A_1334 = arith.addi %add3A_1332, %add3A_1333 : i32
        %get3A_1335 = arith.index_cast %add3A_1334 : i32 to index
        %get3A_1336 = tpu.vector_load %arg8[%get3A_1335] {strides = array<i32>} : memref<10752xi32, #tpu.memory_space<vmem>>, vector<16xi32>,
        %sub3A_1337 = vector.broadcast %add3A_1015 : i32 to vector<16xi32>
        %sub3A_1338 = arith.subi %get3A_1336, %sub3A_1337 : vector<16xi32>
        %mul3A_1339 = arith.constant 2 : i32
        %mul3A_1340 = arith.muli %mul3A_1339, %sub3A_911 : i32
        %add3A_1341 = arith.constant 0 : i32
        %add3A_1342 = arith.addi %mul3A_1340, %add3A_1341 : i32
        %eq3A_1343 = vector.broadcast %add3A_1342 : i32 to vector<16xi32>
        %eq3A_1344 = arith.cmpi eq, %get3A_1328, %eq3A_1343 : vector<16xi32>
        %eq3A_1345 = arith.constant 0 : i32
        %eq3A_1346 = vector.broadcast %eq3A_1345 : i32 to vector<16xi32>
        %eq3A_1347 = arith.cmpi eq, %sub3A_1338, %eq3A_1346 : vector<16xi32>
        %and3A_1348 = arith.andi %eq3A_1347, %eq3A_1344 : vector<16xi1>
        %select_n3A_1349 = arith.select %and3A_1348, %get3A_1320, %broadcast_in_dim3A_1 : vector<16xi1>, vector<16xf32>
        %mul3A_1350 = arith.constant 2 : i32
        %mul3A_1351 = arith.muli %mul3A_1350, %scan3A_1007 : i32
        %add3A_1352 = arith.constant 0 : i32
        %add3A_1353 = arith.addi %mul3A_1351, %add3A_1352 : i32
        %mul3A_1354 = arith.constant 128 : i32
        %mul3A_1355 = arith.muli %add3A_1353, %mul3A_1354 : i32
        %add3A_1356 = arith.constant 28672 : i32
        %add3A_1357 = arith.addi %add3A_1356, %mul3A_1355 : i32
        %add3A_1358 = arith.constant 48 : i32
        %add3A_1359 = arith.addi %add3A_1357, %add3A_1358 : i32
        %swap3A_1360 = arith.index_cast %add3A_1359 : i32 to index
        %swap3A_1361 = tpu.vector_load %arg9[%swap3A_1360] {strides = array<i32>} : memref<57344xf32, #tpu.memory_space<vmem>>, vector<16xf32>,
        tpu.vector_store %arg9[%swap3A_1360], %select_n3A_1349 {strides = array<i32>} : memref<57344xf32, #tpu.memory_space<vmem>>, vector<16xf32>,
        %eq3A_1362 = arith.constant 1 : i32
        %eq3A_1363 = vector.broadcast %eq3A_1362 : i32 to vector<16xi32>
        %eq3A_1364 = arith.cmpi eq, %sub3A_1338, %eq3A_1363 : vector<16xi32>
        %and3A_1365 = arith.andi %eq3A_1364, %eq3A_1344 : vector<16xi1>
        %select_n3A_1366 = arith.select %and3A_1365, %get3A_1320, %broadcast_in_dim3A_1 : vector<16xi1>, vector<16xf32>
        %mul3A_1367 = arith.constant 2 : i32
        %mul3A_1368 = arith.muli %mul3A_1367, %scan3A_1007 : i32
        %add3A_1369 = arith.constant 1 : i32
        %add3A_1370 = arith.addi %mul3A_1368, %add3A_1369 : i32
        %mul3A_1371 = arith.constant 128 : i32
        %mul3A_1372 = arith.muli %add3A_1370, %mul3A_1371 : i32
        %add3A_1373 = arith.constant 28672 : i32
        %add3A_1374 = arith.addi %add3A_1373, %mul3A_1372 : i32
        %add3A_1375 = arith.constant 48 : i32
        %add3A_1376 = arith.addi %add3A_1374, %add3A_1375 : i32
        %swap3A_1377 = arith.index_cast %add3A_1376 : i32 to index
        %swap3A_1378 = tpu.vector_load %arg9[%swap3A_1377] {strides = array<i32>} : memref<57344xf32, #tpu.memory_space<vmem>>, vector<16xf32>,
        tpu.vector_store %arg9[%swap3A_1377], %select_n3A_1366 {strides = array<i32>} : memref<57344xf32, #tpu.memory_space<vmem>>, vector<16xf32>,
        %eq3A_1379 = arith.constant 56 : i32
        %eq3A_1380 = vector.broadcast %eq3A_1379 : i32 to vector<16xi32>
        %eq3A_1381 = arith.cmpi eq, %sub3A_1338, %eq3A_1380 : vector<16xi32>
        %and3A_1382 = arith.andi %eq3A_1381, %eq3A_1344 : vector<16xi1>
        %select_n3A_1383 = arith.select %and3A_1382, %get3A_1320, %broadcast_in_dim3A_1 : vector<16xi1>, vector<16xf32>
        %mul3A_1384 = arith.constant 2 : i32
        %mul3A_1385 = arith.muli %mul3A_1384, %scan3A_1007 : i32
        %add3A_1386 = arith.constant 0 : i32
        %add3A_1387 = arith.addi %mul3A_1385, %add3A_1386 : i32
        %mul3A_1388 = arith.constant 128 : i32
        %mul3A_1389 = arith.muli %add3A_1387, %mul3A_1388 : i32
        %add3A_1390 = arith.constant 35840 : i32
        %add3A_1391 = arith.addi %add3A_1390, %mul3A_1389 : i32
        %add3A_1392 = arith.constant 48 : i32
        %add3A_1393 = arith.addi %add3A_1391, %add3A_1392 : i32
        %swap3A_1394 = arith.index_cast %add3A_1393 : i32 to index
        %swap3A_1395 = tpu.vector_load %arg9[%swap3A_1394] {strides = array<i32>} : memref<57344xf32, #tpu.memory_space<vmem>>, vector<16xf32>,
        tpu.vector_store %arg9[%swap3A_1394], %select_n3A_1383 {strides = array<i32>} : memref<57344xf32, #tpu.memory_space<vmem>>, vector<16xf32>,
        %eq3A_1396 = arith.constant 57 : i32
        %eq3A_1397 = vector.broadcast %eq3A_1396 : i32 to vector<16xi32>
        %eq3A_1398 = arith.cmpi eq, %sub3A_1338, %eq3A_1397 : vector<16xi32>
        %and3A_1399 = arith.andi %eq3A_1398, %eq3A_1344 : vector<16xi1>
        %select_n3A_1400 = arith.select %and3A_1399, %get3A_1320, %broadcast_in_dim3A_1 : vector<16xi1>, vector<16xf32>
        %mul3A_1401 = arith.constant 2 : i32
        %mul3A_1402 = arith.muli %mul3A_1401, %scan3A_1007 : i32
        %add3A_1403 = arith.constant 1 : i32
        %add3A_1404 = arith.addi %mul3A_1402, %add3A_1403 : i32
        %mul3A_1405 = arith.constant 128 : i32
        %mul3A_1406 = arith.muli %add3A_1404, %mul3A_1405 : i32
        %add3A_1407 = arith.constant 35840 : i32
        %add3A_1408 = arith.addi %add3A_1407, %mul3A_1406 : i32
        %add3A_1409 = arith.constant 48 : i32
        %add3A_1410 = arith.addi %add3A_1408, %add3A_1409 : i32
        %swap3A_1411 = arith.index_cast %add3A_1410 : i32 to index
        %swap3A_1412 = tpu.vector_load %arg9[%swap3A_1411] {strides = array<i32>} : memref<57344xf32, #tpu.memory_space<vmem>>, vector<16xf32>,
        tpu.vector_store %arg9[%swap3A_1411], %select_n3A_1400 {strides = array<i32>} : memref<57344xf32, #tpu.memory_space<vmem>>, vector<16xf32>,
        %mul3A_1413 = arith.constant 96 : i32
        %mul3A_1414 = arith.muli %scan3A_1007, %mul3A_1413 : i32
        %add3A_1415 = arith.constant 2688 : i32
        %add3A_1416 = arith.addi %add3A_1415, %mul3A_1414 : i32
        %add3A_1417 = arith.constant 64 : i32
        %add3A_1418 = arith.addi %add3A_1416, %add3A_1417 : i32
        %get3A_1419 = arith.index_cast %add3A_1418 : i32 to index
        %get3A_1420 = tpu.vector_load %arg6[%get3A_1419] {strides = array<i32>} : memref<5376xf32, #tpu.memory_space<vmem>>, vector<16xf32>,
        %mul3A_1421 = arith.constant 96 : i32
        %mul3A_1422 = arith.muli %scan3A_1007, %mul3A_1421 : i32
        %add3A_1423 = arith.constant 2688 : i32
        %add3A_1424 = arith.addi %add3A_1423, %mul3A_1422 : i32
        %add3A_1425 = arith.constant 64 : i32
        %add3A_1426 = arith.addi %add3A_1424, %add3A_1425 : i32
        %get3A_1427 = arith.index_cast %add3A_1426 : i32 to index
        %get3A_1428 = tpu.vector_load %arg7[%get3A_1427] {strides = array<i32>} : memref<5376xi32, #tpu.memory_space<vmem>>, vector<16xi32>,
        %mul3A_1429 = arith.constant 96 : i32
        %mul3A_1430 = arith.muli %scan3A_1007, %mul3A_1429 : i32
        %add3A_1431 = arith.constant 5376 : i32
        %add3A_1432 = arith.addi %add3A_1431, %mul3A_1430 : i32
        %add3A_1433 = arith.constant 64 : i32
        %add3A_1434 = arith.addi %add3A_1432, %add3A_1433 : i32
        %get3A_1435 = arith.index_cast %add3A_1434 : i32 to index
        %get3A_1436 = tpu.vector_load %arg8[%get3A_1435] {strides = array<i32>} : memref<10752xi32, #tpu.memory_space<vmem>>, vector<16xi32>,
        %sub3A_1437 = vector.broadcast %add3A_1015 : i32 to vector<16xi32>
        %sub3A_1438 = arith.subi %get3A_1436, %sub3A_1437 : vector<16xi32>
        %mul3A_1439 = arith.constant 2 : i32
        %mul3A_1440 = arith.muli %mul3A_1439, %sub3A_911 : i32
        %add3A_1441 = arith.constant 0 : i32
        %add3A_1442 = arith.addi %mul3A_1440, %add3A_1441 : i32
        %eq3A_1443 = vector.broadcast %add3A_1442 : i32 to vector<16xi32>
        %eq3A_1444 = arith.cmpi eq, %get3A_1428, %eq3A_1443 : vector<16xi32>
        %eq3A_1445 = arith.constant 0 : i32
        %eq3A_1446 = vector.broadcast %eq3A_1445 : i32 to vector<16xi32>
        %eq3A_1447 = arith.cmpi eq, %sub3A_1438, %eq3A_1446 : vector<16xi32>
        %and3A_1448 = arith.andi %eq3A_1447, %eq3A_1444 : vector<16xi1>
        %select_n3A_1449 = arith.select %and3A_1448, %get3A_1420, %broadcast_in_dim3A_1 : vector<16xi1>, vector<16xf32>
        %mul3A_1450 = arith.constant 2 : i32
        %mul3A_1451 = arith.muli %mul3A_1450, %scan3A_1007 : i32
        %add3A_1452 = arith.constant 0 : i32
        %add3A_1453 = arith.addi %mul3A_1451, %add3A_1452 : i32
        %mul3A_1454 = arith.constant 128 : i32
        %mul3A_1455 = arith.muli %add3A_1453, %mul3A_1454 : i32
        %add3A_1456 = arith.constant 28672 : i32
        %add3A_1457 = arith.addi %add3A_1456, %mul3A_1455 : i32
        %add3A_1458 = arith.constant 64 : i32
        %add3A_1459 = arith.addi %add3A_1457, %add3A_1458 : i32
        %swap3A_1460 = arith.index_cast %add3A_1459 : i32 to index
        %swap3A_1461 = tpu.vector_load %arg9[%swap3A_1460] {strides = array<i32>} : memref<57344xf32, #tpu.memory_space<vmem>>, vector<16xf32>,
        tpu.vector_store %arg9[%swap3A_1460], %select_n3A_1449 {strides = array<i32>} : memref<57344xf32, #tpu.memory_space<vmem>>, vector<16xf32>,
        %eq3A_1462 = arith.constant 1 : i32
        %eq3A_1463 = vector.broadcast %eq3A_1462 : i32 to vector<16xi32>
        %eq3A_1464 = arith.cmpi eq, %sub3A_1438, %eq3A_1463 : vector<16xi32>
        %and3A_1465 = arith.andi %eq3A_1464, %eq3A_1444 : vector<16xi1>
        %select_n3A_1466 = arith.select %and3A_1465, %get3A_1420, %broadcast_in_dim3A_1 : vector<16xi1>, vector<16xf32>
        %mul3A_1467 = arith.constant 2 : i32
        %mul3A_1468 = arith.muli %mul3A_1467, %scan3A_1007 : i32
        %add3A_1469 = arith.constant 1 : i32
        %add3A_1470 = arith.addi %mul3A_1468, %add3A_1469 : i32
        %mul3A_1471 = arith.constant 128 : i32
        %mul3A_1472 = arith.muli %add3A_1470, %mul3A_1471 : i32
        %add3A_1473 = arith.constant 28672 : i32
        %add3A_1474 = arith.addi %add3A_1473, %mul3A_1472 : i32
        %add3A_1475 = arith.constant 64 : i32
        %add3A_1476 = arith.addi %add3A_1474, %add3A_1475 : i32
        %swap3A_1477 = arith.index_cast %add3A_1476 : i32 to index
        %swap3A_1478 = tpu.vector_load %arg9[%swap3A_1477] {strides = array<i32>} : memref<57344xf32, #tpu.memory_space<vmem>>, vector<16xf32>,
        tpu.vector_store %arg9[%swap3A_1477], %select_n3A_1466 {strides = array<i32>} : memref<57344xf32, #tpu.memory_space<vmem>>, vector<16xf32>,
        %eq3A_1479 = arith.constant 56 : i32
        %eq3A_1480 = vector.broadcast %eq3A_1479 : i32 to vector<16xi32>
        %eq3A_1481 = arith.cmpi eq, %sub3A_1438, %eq3A_1480 : vector<16xi32>
        %and3A_1482 = arith.andi %eq3A_1481, %eq3A_1444 : vector<16xi1>
        %select_n3A_1483 = arith.select %and3A_1482, %get3A_1420, %broadcast_in_dim3A_1 : vector<16xi1>, vector<16xf32>
        %mul3A_1484 = arith.constant 2 : i32
        %mul3A_1485 = arith.muli %mul3A_1484, %scan3A_1007 : i32
        %add3A_1486 = arith.constant 0 : i32
        %add3A_1487 = arith.addi %mul3A_1485, %add3A_1486 : i32
        %mul3A_1488 = arith.constant 128 : i32
        %mul3A_1489 = arith.muli %add3A_1487, %mul3A_1488 : i32
        %add3A_1490 = arith.constant 35840 : i32
        %add3A_1491 = arith.addi %add3A_1490, %mul3A_1489 : i32
        %add3A_1492 = arith.constant 64 : i32
        %add3A_1493 = arith.addi %add3A_1491, %add3A_1492 : i32
        %swap3A_1494 = arith.index_cast %add3A_1493 : i32 to index
        %swap3A_1495 = tpu.vector_load %arg9[%swap3A_1494] {strides = array<i32>} : memref<57344xf32, #tpu.memory_space<vmem>>, vector<16xf32>,
        tpu.vector_store %arg9[%swap3A_1494], %select_n3A_1483 {strides = array<i32>} : memref<57344xf32, #tpu.memory_space<vmem>>, vector<16xf32>,
        %eq3A_1496 = arith.constant 57 : i32
        %eq3A_1497 = vector.broadcast %eq3A_1496 : i32 to vector<16xi32>
        %eq3A_1498 = arith.cmpi eq, %sub3A_1438, %eq3A_1497 : vector<16xi32>
        %and3A_1499 = arith.andi %eq3A_1498, %eq3A_1444 : vector<16xi1>
        %select_n3A_1500 = arith.select %and3A_1499, %get3A_1420, %broadcast_in_dim3A_1 : vector<16xi1>, vector<16xf32>
        %mul3A_1501 = arith.constant 2 : i32
        %mul3A_1502 = arith.muli %mul3A_1501, %scan3A_1007 : i32
        %add3A_1503 = arith.constant 1 : i32
        %add3A_1504 = arith.addi %mul3A_1502, %add3A_1503 : i32
        %mul3A_1505 = arith.constant 128 : i32
        %mul3A_1506 = arith.muli %add3A_1504, %mul3A_1505 : i32
        %add3A_1507 = arith.constant 35840 : i32
        %add3A_1508 = arith.addi %add3A_1507, %mul3A_1506 : i32
        %add3A_1509 = arith.constant 64 : i32
        %add3A_1510 = arith.addi %add3A_1508, %add3A_1509 : i32
        %swap3A_1511 = arith.index_cast %add3A_1510 : i32 to index
        %swap3A_1512 = tpu.vector_load %arg9[%swap3A_1511] {strides = array<i32>} : memref<57344xf32, #tpu.memory_space<vmem>>, vector<16xf32>,
        tpu.vector_store %arg9[%swap3A_1511], %select_n3A_1500 {strides = array<i32>} : memref<57344xf32, #tpu.memory_space<vmem>>, vector<16xf32>,
        %mul3A_1513 = arith.constant 96 : i32
        %mul3A_1514 = arith.muli %scan3A_1007, %mul3A_1513 : i32
        %add3A_1515 = arith.constant 2688 : i32
        %add3A_1516 = arith.addi %add3A_1515, %mul3A_1514 : i32
        %add3A_1517 = arith.constant 80 : i32
        %add3A_1518 = arith.addi %add3A_1516, %add3A_1517 : i32
        %get3A_1519 = arith.index_cast %add3A_1518 : i32 to index
        %get3A_1520 = tpu.vector_load %arg6[%get3A_1519] {strides = array<i32>} : memref<5376xf32, #tpu.memory_space<vmem>>, vector<16xf32>,
        %mul3A_1521 = arith.constant 96 : i32
        %mul3A_1522 = arith.muli %scan3A_1007, %mul3A_1521 : i32
        %add3A_1523 = arith.constant 2688 : i32
        %add3A_1524 = arith.addi %add3A_1523, %mul3A_1522 : i32
        %add3A_1525 = arith.constant 80 : i32
        %add3A_1526 = arith.addi %add3A_1524, %add3A_1525 : i32
        %get3A_1527 = arith.index_cast %add3A_1526 : i32 to index
        %get3A_1528 = tpu.vector_load %arg7[%get3A_1527] {strides = array<i32>} : memref<5376xi32, #tpu.memory_space<vmem>>, vector<16xi32>,
        %mul3A_1529 = arith.constant 96 : i32
        %mul3A_1530 = arith.muli %scan3A_1007, %mul3A_1529 : i32
        %add3A_1531 = arith.constant 5376 : i32
        %add3A_1532 = arith.addi %add3A_1531, %mul3A_1530 : i32
        %add3A_1533 = arith.constant 80 : i32
        %add3A_1534 = arith.addi %add3A_1532, %add3A_1533 : i32
        %get3A_1535 = arith.index_cast %add3A_1534 : i32 to index
        %get3A_1536 = tpu.vector_load %arg8[%get3A_1535] {strides = array<i32>} : memref<10752xi32, #tpu.memory_space<vmem>>, vector<16xi32>,
        %sub3A_1537 = vector.broadcast %add3A_1015 : i32 to vector<16xi32>
        %sub3A_1538 = arith.subi %get3A_1536, %sub3A_1537 : vector<16xi32>
        %mul3A_1539 = arith.constant 2 : i32
        %mul3A_1540 = arith.muli %mul3A_1539, %sub3A_911 : i32
        %add3A_1541 = arith.constant 0 : i32
        %add3A_1542 = arith.addi %mul3A_1540, %add3A_1541 : i32
        %eq3A_1543 = vector.broadcast %add3A_1542 : i32 to vector<16xi32>
        %eq3A_1544 = arith.cmpi eq, %get3A_1528, %eq3A_1543 : vector<16xi32>
        %eq3A_1545 = arith.constant 0 : i32
        %eq3A_1546 = vector.broadcast %eq3A_1545 : i32 to vector<16xi32>
        %eq3A_1547 = arith.cmpi eq, %sub3A_1538, %eq3A_1546 : vector<16xi32>
        %and3A_1548 = arith.andi %eq3A_1547, %eq3A_1544 : vector<16xi1>
        %select_n3A_1549 = arith.select %and3A_1548, %get3A_1520, %broadcast_in_dim3A_1 : vector<16xi1>, vector<16xf32>
        %mul3A_1550 = arith.constant 2 : i32
        %mul3A_1551 = arith.muli %mul3A_1550, %scan3A_1007 : i32
        %add3A_1552 = arith.constant 0 : i32
        %add3A_1553 = arith.addi %mul3A_1551, %add3A_1552 : i32
        %mul3A_1554 = arith.constant 128 : i32
        %mul3A_1555 = arith.muli %add3A_1553, %mul3A_1554 : i32
        %add3A_1556 = arith.constant 28672 : i32
        %add3A_1557 = arith.addi %add3A_1556, %mul3A_1555 : i32
        %add3A_1558 = arith.constant 80 : i32
        %add3A_1559 = arith.addi %add3A_1557, %add3A_1558 : i32
        %swap3A_1560 = arith.index_cast %add3A_1559 : i32 to index
        %swap3A_1561 = tpu.vector_load %arg9[%swap3A_1560] {strides = array<i32>} : memref<57344xf32, #tpu.memory_space<vmem>>, vector<16xf32>,
        tpu.vector_store %arg9[%swap3A_1560], %select_n3A_1549 {strides = array<i32>} : memref<57344xf32, #tpu.memory_space<vmem>>, vector<16xf32>,
        %eq3A_1562 = arith.constant 1 : i32
        %eq3A_1563 = vector.broadcast %eq3A_1562 : i32 to vector<16xi32>
        %eq3A_1564 = arith.cmpi eq, %sub3A_1538, %eq3A_1563 : vector<16xi32>
        %and3A_1565 = arith.andi %eq3A_1564, %eq3A_1544 : vector<16xi1>
        %select_n3A_1566 = arith.select %and3A_1565, %get3A_1520, %broadcast_in_dim3A_1 : vector<16xi1>, vector<16xf32>
        %mul3A_1567 = arith.constant 2 : i32
        %mul3A_1568 = arith.muli %mul3A_1567, %scan3A_1007 : i32
        %add3A_1569 = arith.constant 1 : i32
        %add3A_1570 = arith.addi %mul3A_1568, %add3A_1569 : i32
        %mul3A_1571 = arith.constant 128 : i32
        %mul3A_1572 = arith.muli %add3A_1570, %mul3A_1571 : i32
        %add3A_1573 = arith.constant 28672 : i32
        %add3A_1574 = arith.addi %add3A_1573, %mul3A_1572 : i32
        %add3A_1575 = arith.constant 80 : i32
        %add3A_1576 = arith.addi %add3A_1574, %add3A_1575 : i32
        %swap3A_1577 = arith.index_cast %add3A_1576 : i32 to index
        %swap3A_1578 = tpu.vector_load %arg9[%swap3A_1577] {strides = array<i32>} : memref<57344xf32, #tpu.memory_space<vmem>>, vector<16xf32>,
        tpu.vector_store %arg9[%swap3A_1577], %select_n3A_1566 {strides = array<i32>} : memref<57344xf32, #tpu.memory_space<vmem>>, vector<16xf32>,
        %eq3A_1579 = arith.constant 56 : i32
        %eq3A_1580 = vector.broadcast %eq3A_1579 : i32 to vector<16xi32>
        %eq3A_1581 = arith.cmpi eq, %sub3A_1538, %eq3A_1580 : vector<16xi32>
        %and3A_1582 = arith.andi %eq3A_1581, %eq3A_1544 : vector<16xi1>
        %select_n3A_1583 = arith.select %and3A_1582, %get3A_1520, %broadcast_in_dim3A_1 : vector<16xi1>, vector<16xf32>
        %mul3A_1584 = arith.constant 2 : i32
        %mul3A_1585 = arith.muli %mul3A_1584, %scan3A_1007 : i32
        %add3A_1586 = arith.constant 0 : i32
        %add3A_1587 = arith.addi %mul3A_1585, %add3A_1586 : i32
        %mul3A_1588 = arith.constant 128 : i32
        %mul3A_1589 = arith.muli %add3A_1587, %mul3A_1588 : i32
        %add3A_1590 = arith.constant 35840 : i32
        %add3A_1591 = arith.addi %add3A_1590, %mul3A_1589 : i32
        %add3A_1592 = arith.constant 80 : i32
        %add3A_1593 = arith.addi %add3A_1591, %add3A_1592 : i32
        %swap3A_1594 = arith.index_cast %add3A_1593 : i32 to index
        %swap3A_1595 = tpu.vector_load %arg9[%swap3A_1594] {strides = array<i32>} : memref<57344xf32, #tpu.memory_space<vmem>>, vector<16xf32>,
        tpu.vector_store %arg9[%swap3A_1594], %select_n3A_1583 {strides = array<i32>} : memref<57344xf32, #tpu.memory_space<vmem>>, vector<16xf32>,
        %eq3A_1596 = arith.constant 57 : i32
        %eq3A_1597 = vector.broadcast %eq3A_1596 : i32 to vector<16xi32>
        %eq3A_1598 = arith.cmpi eq, %sub3A_1538, %eq3A_1597 : vector<16xi32>
        %and3A_1599 = arith.andi %eq3A_1598, %eq3A_1544 : vector<16xi1>
        %select_n3A_1600 = arith.select %and3A_1599, %get3A_1520, %broadcast_in_dim3A_1 : vector<16xi1>, vector<16xf32>
        %mul3A_1601 = arith.constant 2 : i32
        %mul3A_1602 = arith.muli %mul3A_1601, %scan3A_1007 : i32
        %add3A_1603 = arith.constant 1 : i32
        %add3A_1604 = arith.addi %mul3A_1602, %add3A_1603 : i32
        %mul3A_1605 = arith.constant 128 : i32
        %mul3A_1606 = arith.muli %add3A_1604, %mul3A_1605 : i32
        %add3A_1607 = arith.constant 35840 : i32
        %add3A_1608 = arith.addi %add3A_1607, %mul3A_1606 : i32
        %add3A_1609 = arith.constant 80 : i32
        %add3A_1610 = arith.addi %add3A_1608, %add3A_1609 : i32
        %swap3A_1611 = arith.index_cast %add3A_1610 : i32 to index
        %swap3A_1612 = tpu.vector_load %arg9[%swap3A_1611] {strides = array<i32>} : memref<57344xf32, #tpu.memory_space<vmem>>, vector<16xf32>,
        tpu.vector_store %arg9[%swap3A_1611], %select_n3A_1600 {strides = array<i32>} : memref<57344xf32, #tpu.memory_space<vmem>>, vector<16xf32>,
        %scan3A_1613 = arith.constant 0 : i32
        scf.yield %scan3A_1613 : i32
      }
      %scan3A_918 = arith.constant 28 : i32
      %scan3A_919 = arith.constant 0 : i32
      %scan3A_920 = arith.constant 0 : i32
      %scan3A_921 = arith.constant 28 : i32
      %scan3A_922 = arith.addi %scan3A_920, %scan3A_921 : i32
      %scan3A_923 = arith.constant 1 : i32
      %scan3A_924 = scf.for %scan3A_1007 = %scan3A_920 to %scan3A_922 step %scan3A_923 iter_args(%scan3A_1008 = %scan3A_919) -> (i32)  : i32 {
        %mul3A_1009 = arith.constant 2 : i32
        %mul3A_1010 = arith.muli %mul3A_1009, %sub3A_884 : i32
        %mul3A_1011 = arith.constant 56 : i32
        %mul3A_1012 = arith.muli %mul3A_1010, %mul3A_1011 : i32
        %mul3A_1013 = arith.constant 2 : i32
        %mul3A_1014 = arith.muli %mul3A_1013, %scan3A_1007 : i32
        %add3A_1015 = arith.addi %mul3A_1012, %mul3A_1014 : i32
        %mul3A_1016 = arith.constant 96 : i32
        %mul3A_1017 = arith.muli %scan3A_1007, %mul3A_1016 : i32
        %add3A_1018 = arith.constant 2688 : i32
        %add3A_1019 = arith.addi %add3A_1018, %mul3A_1017 : i32
        %add3A_1020 = arith.constant 0 : i32
        %add3A_1021 = arith.addi %add3A_1019, %add3A_1020 : i32
        %get3A = arith.index_cast %add3A_1021 : i32 to index
        %get3A_1022 = tpu.vector_load %arg6[%get3A] {strides = array<i32>} : memref<5376xf32, #tpu.memory_space<vmem>>, vector<16xf32>,
        %mul3A_1023 = arith.constant 96 : i32
        %mul3A_1024 = arith.muli %scan3A_1007, %mul3A_1023 : i32
        %add3A_1025 = arith.constant 2688 : i32
        %add3A_1026 = arith.addi %add3A_1025, %mul3A_1024 : i32
        %add3A_1027 = arith.constant 0 : i32
        %add3A_1028 = arith.addi %add3A_1026, %add3A_1027 : i32
        %get3A_1029 = arith.index_cast %add3A_1028 : i32 to index
        %get3A_1030 = tpu.vector_load %arg7[%get3A_1029] {strides = array<i32>} : memref<5376xi32, #tpu.memory_space<vmem>>, vector<16xi32>,
        %mul3A_1031 = arith.constant 96 : i32
        %mul3A_1032 = arith.muli %scan3A_1007, %mul3A_1031 : i32
        %add3A_1033 = arith.constant 8064 : i32
        %add3A_1034 = arith.addi %add3A_1033, %mul3A_1032 : i32
        %add3A_1035 = arith.constant 0 : i32
        %add3A_1036 = arith.addi %add3A_1034, %add3A_1035 : i32
        %get3A_1037 = arith.index_cast %add3A_1036 : i32 to index
        %get3A_1038 = tpu.vector_load %arg8[%get3A_1037] {strides = array<i32>} : memref<10752xi32, #tpu.memory_space<vmem>>, vector<16xi32>,
        %sub3A_1039 = vector.broadcast %add3A_1015 : i32 to vector<16xi32>
        %sub3A_1040 = arith.subi %get3A_1038, %sub3A_1039 : vector<16xi32>
        %mul3A_1041 = arith.constant 2 : i32
        %mul3A_1042 = arith.muli %mul3A_1041, %sub3A_911 : i32
        %add3A_1043 = arith.constant 1 : i32
        %add3A_1044 = arith.addi %mul3A_1042, %add3A_1043 : i32
        %eq3A = vector.broadcast %add3A_1044 : i32 to vector<16xi32>
        %eq3A_1045 = arith.cmpi eq, %get3A_1030, %eq3A : vector<16xi32>
        %eq3A_1046 = arith.constant 0 : i32
        %eq3A_1047 = vector.broadcast %eq3A_1046 : i32 to vector<16xi32>
        %eq3A_1048 = arith.cmpi eq, %sub3A_1040, %eq3A_1047 : vector<16xi32>
        %and3A_1049 = arith.andi %eq3A_1048, %eq3A_1045 : vector<16xi1>
        %select_n3A_1050 = arith.select %and3A_1049, %get3A_1022, %broadcast_in_dim3A_1 : vector<16xi1>, vector<16xf32>
        %mul3A_1051 = arith.constant 2 : i32
        %mul3A_1052 = arith.muli %mul3A_1051, %scan3A_1007 : i32
        %add3A_1053 = arith.constant 0 : i32
        %add3A_1054 = arith.addi %mul3A_1052, %add3A_1053 : i32
        %mul3A_1055 = arith.constant 128 : i32
        %mul3A_1056 = arith.muli %add3A_1054, %mul3A_1055 : i32
        %add3A_1057 = arith.constant 43008 : i32
        %add3A_1058 = arith.addi %add3A_1057, %mul3A_1056 : i32
        %add3A_1059 = arith.constant 0 : i32
        %add3A_1060 = arith.addi %add3A_1058, %add3A_1059 : i32
        %swap3A = arith.index_cast %add3A_1060 : i32 to index
        %swap3A_1061 = tpu.vector_load %arg9[%swap3A] {strides = array<i32>} : memref<57344xf32, #tpu.memory_space<vmem>>, vector<16xf32>,
        tpu.vector_store %arg9[%swap3A], %select_n3A_1050 {strides = array<i32>} : memref<57344xf32, #tpu.memory_space<vmem>>, vector<16xf32>,
        %eq3A_1062 = arith.constant 1 : i32
        %eq3A_1063 = vector.broadcast %eq3A_1062 : i32 to vector<16xi32>
        %eq3A_1064 = arith.cmpi eq, %sub3A_1040, %eq3A_1063 : vector<16xi32>
        %and3A_1065 = arith.andi %eq3A_1064, %eq3A_1045 : vector<16xi1>
        %select_n3A_1066 = arith.select %and3A_1065, %get3A_1022, %broadcast_in_dim3A_1 : vector<16xi1>, vector<16xf32>
        %mul3A_1067 = arith.constant 2 : i32
        %mul3A_1068 = arith.muli %mul3A_1067, %scan3A_1007 : i32
        %add3A_1069 = arith.constant 1 : i32
        %add3A_1070 = arith.addi %mul3A_1068, %add3A_1069 : i32
        %mul3A_1071 = arith.constant 128 : i32
        %mul3A_1072 = arith.muli %add3A_1070, %mul3A_1071 : i32
        %add3A_1073 = arith.constant 43008 : i32
        %add3A_1074 = arith.addi %add3A_1073, %mul3A_1072 : i32
        %add3A_1075 = arith.constant 0 : i32
        %add3A_1076 = arith.addi %add3A_1074, %add3A_1075 : i32
        %swap3A_1077 = arith.index_cast %add3A_1076 : i32 to index
        %swap3A_1078 = tpu.vector_load %arg9[%swap3A_1077] {strides = array<i32>} : memref<57344xf32, #tpu.memory_space<vmem>>, vector<16xf32>,
        tpu.vector_store %arg9[%swap3A_1077], %select_n3A_1066 {strides = array<i32>} : memref<57344xf32, #tpu.memory_space<vmem>>, vector<16xf32>,
        %eq3A_1079 = arith.constant 56 : i32
        %eq3A_1080 = vector.broadcast %eq3A_1079 : i32 to vector<16xi32>
        %eq3A_1081 = arith.cmpi eq, %sub3A_1040, %eq3A_1080 : vector<16xi32>
        %and3A_1082 = arith.andi %eq3A_1081, %eq3A_1045 : vector<16xi1>
        %select_n3A_1083 = arith.select %and3A_1082, %get3A_1022, %broadcast_in_dim3A_1 : vector<16xi1>, vector<16xf32>
        %mul3A_1084 = arith.constant 2 : i32
        %mul3A_1085 = arith.muli %mul3A_1084, %scan3A_1007 : i32
        %add3A_1086 = arith.constant 0 : i32
        %add3A_1087 = arith.addi %mul3A_1085, %add3A_1086 : i32
        %mul3A_1088 = arith.constant 128 : i32
        %mul3A_1089 = arith.muli %add3A_1087, %mul3A_1088 : i32
        %add3A_1090 = arith.constant 50176 : i32
        %add3A_1091 = arith.addi %add3A_1090, %mul3A_1089 : i32
        %add3A_1092 = arith.constant 0 : i32
        %add3A_1093 = arith.addi %add3A_1091, %add3A_1092 : i32
        %swap3A_1094 = arith.index_cast %add3A_1093 : i32 to index
        %swap3A_1095 = tpu.vector_load %arg9[%swap3A_1094] {strides = array<i32>} : memref<57344xf32, #tpu.memory_space<vmem>>, vector<16xf32>,
        tpu.vector_store %arg9[%swap3A_1094], %select_n3A_1083 {strides = array<i32>} : memref<57344xf32, #tpu.memory_space<vmem>>, vector<16xf32>,
        %eq3A_1096 = arith.constant 57 : i32
        %eq3A_1097 = vector.broadcast %eq3A_1096 : i32 to vector<16xi32>
        %eq3A_1098 = arith.cmpi eq, %sub3A_1040, %eq3A_1097 : vector<16xi32>
        %and3A_1099 = arith.andi %eq3A_1098, %eq3A_1045 : vector<16xi1>
        %select_n3A_1100 = arith.select %and3A_1099, %get3A_1022, %broadcast_in_dim3A_1 : vector<16xi1>, vector<16xf32>
        %mul3A_1101 = arith.constant 2 : i32
        %mul3A_1102 = arith.muli %mul3A_1101, %scan3A_1007 : i32
        %add3A_1103 = arith.constant 1 : i32
        %add3A_1104 = arith.addi %mul3A_1102, %add3A_1103 : i32
        %mul3A_1105 = arith.constant 128 : i32
        %mul3A_1106 = arith.muli %add3A_1104, %mul3A_1105 : i32
        %add3A_1107 = arith.constant 50176 : i32
        %add3A_1108 = arith.addi %add3A_1107, %mul3A_1106 : i32
        %add3A_1109 = arith.constant 0 : i32
        %add3A_1110 = arith.addi %add3A_1108, %add3A_1109 : i32
        %swap3A_1111 = arith.index_cast %add3A_1110 : i32 to index
        %swap3A_1112 = tpu.vector_load %arg9[%swap3A_1111] {strides = array<i32>} : memref<57344xf32, #tpu.memory_space<vmem>>, vector<16xf32>,
        tpu.vector_store %arg9[%swap3A_1111], %select_n3A_1100 {strides = array<i32>} : memref<57344xf32, #tpu.memory_space<vmem>>, vector<16xf32>,
        %mul3A_1113 = arith.constant 96 : i32
        %mul3A_1114 = arith.muli %scan3A_1007, %mul3A_1113 : i32
        %add3A_1115 = arith.constant 2688 : i32
        %add3A_1116 = arith.addi %add3A_1115, %mul3A_1114 : i32
        %add3A_1117 = arith.constant 16 : i32
        %add3A_1118 = arith.addi %add3A_1116, %add3A_1117 : i32
        %get3A_1119 = arith.index_cast %add3A_1118 : i32 to index
        %get3A_1120 = tpu.vector_load %arg6[%get3A_1119] {strides = array<i32>} : memref<5376xf32, #tpu.memory_space<vmem>>, vector<16xf32>,
        %mul3A_1121 = arith.constant 96 : i32
        %mul3A_1122 = arith.muli %scan3A_1007, %mul3A_1121 : i32
        %add3A_1123 = arith.constant 2688 : i32
        %add3A_1124 = arith.addi %add3A_1123, %mul3A_1122 : i32
        %add3A_1125 = arith.constant 16 : i32
        %add3A_1126 = arith.addi %add3A_1124, %add3A_1125 : i32
        %get3A_1127 = arith.index_cast %add3A_1126 : i32 to index
        %get3A_1128 = tpu.vector_load %arg7[%get3A_1127] {strides = array<i32>} : memref<5376xi32, #tpu.memory_space<vmem>>, vector<16xi32>,
        %mul3A_1129 = arith.constant 96 : i32
        %mul3A_1130 = arith.muli %scan3A_1007, %mul3A_1129 : i32
        %add3A_1131 = arith.constant 8064 : i32
        %add3A_1132 = arith.addi %add3A_1131, %mul3A_1130 : i32
        %add3A_1133 = arith.constant 16 : i32
        %add3A_1134 = arith.addi %add3A_1132, %add3A_1133 : i32
        %get3A_1135 = arith.index_cast %add3A_1134 : i32 to index
        %get3A_1136 = tpu.vector_load %arg8[%get3A_1135] {strides = array<i32>} : memref<10752xi32, #tpu.memory_space<vmem>>, vector<16xi32>,
        %sub3A_1137 = vector.broadcast %add3A_1015 : i32 to vector<16xi32>
        %sub3A_1138 = arith.subi %get3A_1136, %sub3A_1137 : vector<16xi32>
        %mul3A_1139 = arith.constant 2 : i32
        %mul3A_1140 = arith.muli %mul3A_1139, %sub3A_911 : i32
        %add3A_1141 = arith.constant 1 : i32
        %add3A_1142 = arith.addi %mul3A_1140, %add3A_1141 : i32
        %eq3A_1143 = vector.broadcast %add3A_1142 : i32 to vector<16xi32>
        %eq3A_1144 = arith.cmpi eq, %get3A_1128, %eq3A_1143 : vector<16xi32>
        %eq3A_1145 = arith.constant 0 : i32
        %eq3A_1146 = vector.broadcast %eq3A_1145 : i32 to vector<16xi32>
        %eq3A_1147 = arith.cmpi eq, %sub3A_1138, %eq3A_1146 : vector<16xi32>
        %and3A_1148 = arith.andi %eq3A_1147, %eq3A_1144 : vector<16xi1>
        %select_n3A_1149 = arith.select %and3A_1148, %get3A_1120, %broadcast_in_dim3A_1 : vector<16xi1>, vector<16xf32>
        %mul3A_1150 = arith.constant 2 : i32
        %mul3A_1151 = arith.muli %mul3A_1150, %scan3A_1007 : i32
        %add3A_1152 = arith.constant 0 : i32
        %add3A_1153 = arith.addi %mul3A_1151, %add3A_1152 : i32
        %mul3A_1154 = arith.constant 128 : i32
        %mul3A_1155 = arith.muli %add3A_1153, %mul3A_1154 : i32
        %add3A_1156 = arith.constant 43008 : i32
        %add3A_1157 = arith.addi %add3A_1156, %mul3A_1155 : i32
        %add3A_1158 = arith.constant 16 : i32
        %add3A_1159 = arith.addi %add3A_1157, %add3A_1158 : i32
        %swap3A_1160 = arith.index_cast %add3A_1159 : i32 to index
        %swap3A_1161 = tpu.vector_load %arg9[%swap3A_1160] {strides = array<i32>} : memref<57344xf32, #tpu.memory_space<vmem>>, vector<16xf32>,
        tpu.vector_store %arg9[%swap3A_1160], %select_n3A_1149 {strides = array<i32>} : memref<57344xf32, #tpu.memory_space<vmem>>, vector<16xf32>,
        %eq3A_1162 = arith.constant 1 : i32
        %eq3A_1163 = vector.broadcast %eq3A_1162 : i32 to vector<16xi32>
        %eq3A_1164 = arith.cmpi eq, %sub3A_1138, %eq3A_1163 : vector<16xi32>
        %and3A_1165 = arith.andi %eq3A_1164, %eq3A_1144 : vector<16xi1>
        %select_n3A_1166 = arith.select %and3A_1165, %get3A_1120, %broadcast_in_dim3A_1 : vector<16xi1>, vector<16xf32>
        %mul3A_1167 = arith.constant 2 : i32
        %mul3A_1168 = arith.muli %mul3A_1167, %scan3A_1007 : i32
        %add3A_1169 = arith.constant 1 : i32
        %add3A_1170 = arith.addi %mul3A_1168, %add3A_1169 : i32
        %mul3A_1171 = arith.constant 128 : i32
        %mul3A_1172 = arith.muli %add3A_1170, %mul3A_1171 : i32
        %add3A_1173 = arith.constant 43008 : i32
        %add3A_1174 = arith.addi %add3A_1173, %mul3A_1172 : i32
        %add3A_1175 = arith.constant 16 : i32
        %add3A_1176 = arith.addi %add3A_1174, %add3A_1175 : i32
        %swap3A_1177 = arith.index_cast %add3A_1176 : i32 to index
        %swap3A_1178 = tpu.vector_load %arg9[%swap3A_1177] {strides = array<i32>} : memref<57344xf32, #tpu.memory_space<vmem>>, vector<16xf32>,
        tpu.vector_store %arg9[%swap3A_1177], %select_n3A_1166 {strides = array<i32>} : memref<57344xf32, #tpu.memory_space<vmem>>, vector<16xf32>,
        %eq3A_1179 = arith.constant 56 : i32
        %eq3A_1180 = vector.broadcast %eq3A_1179 : i32 to vector<16xi32>
        %eq3A_1181 = arith.cmpi eq, %sub3A_1138, %eq3A_1180 : vector<16xi32>
        %and3A_1182 = arith.andi %eq3A_1181, %eq3A_1144 : vector<16xi1>
        %select_n3A_1183 = arith.select %and3A_1182, %get3A_1120, %broadcast_in_dim3A_1 : vector<16xi1>, vector<16xf32>
        %mul3A_1184 = arith.constant 2 : i32
        %mul3A_1185 = arith.muli %mul3A_1184, %scan3A_1007 : i32
        %add3A_1186 = arith.constant 0 : i32
        %add3A_1187 = arith.addi %mul3A_1185, %add3A_1186 : i32
        %mul3A_1188 = arith.constant 128 : i32
        %mul3A_1189 = arith.muli %add3A_1187, %mul3A_1188 : i32
        %add3A_1190 = arith.constant 50176 : i32
        %add3A_1191 = arith.addi %add3A_1190, %mul3A_1189 : i32
        %add3A_1192 = arith.constant 16 : i32
        %add3A_1193 = arith.addi %add3A_1191, %add3A_1192 : i32
        %swap3A_1194 = arith.index_cast %add3A_1193 : i32 to index
        %swap3A_1195 = tpu.vector_load %arg9[%swap3A_1194] {strides = array<i32>} : memref<57344xf32, #tpu.memory_space<vmem>>, vector<16xf32>,
        tpu.vector_store %arg9[%swap3A_1194], %select_n3A_1183 {strides = array<i32>} : memref<57344xf32, #tpu.memory_space<vmem>>, vector<16xf32>,
        %eq3A_1196 = arith.constant 57 : i32
        %eq3A_1197 = vector.broadcast %eq3A_1196 : i32 to vector<16xi32>
        %eq3A_1198 = arith.cmpi eq, %sub3A_1138, %eq3A_1197 : vector<16xi32>
        %and3A_1199 = arith.andi %eq3A_1198, %eq3A_1144 : vector<16xi1>
        %select_n3A_1200 = arith.select %and3A_1199, %get3A_1120, %broadcast_in_dim3A_1 : vector<16xi1>, vector<16xf32>
        %mul3A_1201 = arith.constant 2 : i32
        %mul3A_1202 = arith.muli %mul3A_1201, %scan3A_1007 : i32
        %add3A_1203 = arith.constant 1 : i32
        %add3A_1204 = arith.addi %mul3A_1202, %add3A_1203 : i32
        %mul3A_1205 = arith.constant 128 : i32
        %mul3A_1206 = arith.muli %add3A_1204, %mul3A_1205 : i32
        %add3A_1207 = arith.constant 50176 : i32
        %add3A_1208 = arith.addi %add3A_1207, %mul3A_1206 : i32
        %add3A_1209 = arith.constant 16 : i32
        %add3A_1210 = arith.addi %add3A_1208, %add3A_1209 : i32
        %swap3A_1211 = arith.index_cast %add3A_1210 : i32 to index
        %swap3A_1212 = tpu.vector_load %arg9[%swap3A_1211] {strides = array<i32>} : memref<57344xf32, #tpu.memory_space<vmem>>, vector<16xf32>,
        tpu.vector_store %arg9[%swap3A_1211], %select_n3A_1200 {strides = array<i32>} : memref<57344xf32, #tpu.memory_space<vmem>>, vector<16xf32>,
        %mul3A_1213 = arith.constant 96 : i32
        %mul3A_1214 = arith.muli %scan3A_1007, %mul3A_1213 : i32
        %add3A_1215 = arith.constant 2688 : i32
        %add3A_1216 = arith.addi %add3A_1215, %mul3A_1214 : i32
        %add3A_1217 = arith.constant 32 : i32
        %add3A_1218 = arith.addi %add3A_1216, %add3A_1217 : i32
        %get3A_1219 = arith.index_cast %add3A_1218 : i32 to index
        %get3A_1220 = tpu.vector_load %arg6[%get3A_1219] {strides = array<i32>} : memref<5376xf32, #tpu.memory_space<vmem>>, vector<16xf32>,
        %mul3A_1221 = arith.constant 96 : i32
        %mul3A_1222 = arith.muli %scan3A_1007, %mul3A_1221 : i32
        %add3A_1223 = arith.constant 2688 : i32
        %add3A_1224 = arith.addi %add3A_1223, %mul3A_1222 : i32
        %add3A_1225 = arith.constant 32 : i32
        %add3A_1226 = arith.addi %add3A_1224, %add3A_1225 : i32
        %get3A_1227 = arith.index_cast %add3A_1226 : i32 to index
        %get3A_1228 = tpu.vector_load %arg7[%get3A_1227] {strides = array<i32>} : memref<5376xi32, #tpu.memory_space<vmem>>, vector<16xi32>,
        %mul3A_1229 = arith.constant 96 : i32
        %mul3A_1230 = arith.muli %scan3A_1007, %mul3A_1229 : i32
        %add3A_1231 = arith.constant 8064 : i32
        %add3A_1232 = arith.addi %add3A_1231, %mul3A_1230 : i32
        %add3A_1233 = arith.constant 32 : i32
        %add3A_1234 = arith.addi %add3A_1232, %add3A_1233 : i32
        %get3A_1235 = arith.index_cast %add3A_1234 : i32 to index
        %get3A_1236 = tpu.vector_load %arg8[%get3A_1235] {strides = array<i32>} : memref<10752xi32, #tpu.memory_space<vmem>>, vector<16xi32>,
        %sub3A_1237 = vector.broadcast %add3A_1015 : i32 to vector<16xi32>
        %sub3A_1238 = arith.subi %get3A_1236, %sub3A_1237 : vector<16xi32>
        %mul3A_1239 = arith.constant 2 : i32
        %mul3A_1240 = arith.muli %mul3A_1239, %sub3A_911 : i32
        %add3A_1241 = arith.constant 1 : i32
        %add3A_1242 = arith.addi %mul3A_1240, %add3A_1241 : i32
        %eq3A_1243 = vector.broadcast %add3A_1242 : i32 to vector<16xi32>
        %eq3A_1244 = arith.cmpi eq, %get3A_1228, %eq3A_1243 : vector<16xi32>
        %eq3A_1245 = arith.constant 0 : i32
        %eq3A_1246 = vector.broadcast %eq3A_1245 : i32 to vector<16xi32>
        %eq3A_1247 = arith.cmpi eq, %sub3A_1238, %eq3A_1246 : vector<16xi32>
        %and3A_1248 = arith.andi %eq3A_1247, %eq3A_1244 : vector<16xi1>
        %select_n3A_1249 = arith.select %and3A_1248, %get3A_1220, %broadcast_in_dim3A_1 : vector<16xi1>, vector<16xf32>
        %mul3A_1250 = arith.constant 2 : i32
        %mul3A_1251 = arith.muli %mul3A_1250, %scan3A_1007 : i32
        %add3A_1252 = arith.constant 0 : i32
        %add3A_1253 = arith.addi %mul3A_1251, %add3A_1252 : i32
        %mul3A_1254 = arith.constant 128 : i32
        %mul3A_1255 = arith.muli %add3A_1253, %mul3A_1254 : i32
        %add3A_1256 = arith.constant 43008 : i32
        %add3A_1257 = arith.addi %add3A_1256, %mul3A_1255 : i32
        %add3A_1258 = arith.constant 32 : i32
        %add3A_1259 = arith.addi %add3A_1257, %add3A_1258 : i32
        %swap3A_1260 = arith.index_cast %add3A_1259 : i32 to index
        %swap3A_1261 = tpu.vector_load %arg9[%swap3A_1260] {strides = array<i32>} : memref<57344xf32, #tpu.memory_space<vmem>>, vector<16xf32>,
        tpu.vector_store %arg9[%swap3A_1260], %select_n3A_1249 {strides = array<i32>} : memref<57344xf32, #tpu.memory_space<vmem>>, vector<16xf32>,
        %eq3A_1262 = arith.constant 1 : i32
        %eq3A_1263 = vector.broadcast %eq3A_1262 : i32 to vector<16xi32>
        %eq3A_1264 = arith.cmpi eq, %sub3A_1238, %eq3A_1263 : vector<16xi32>
        %and3A_1265 = arith.andi %eq3A_1264, %eq3A_1244 : vector<16xi1>
        %select_n3A_1266 = arith.select %and3A_1265, %get3A_1220, %broadcast_in_dim3A_1 : vector<16xi1>, vector<16xf32>
        %mul3A_1267 = arith.constant 2 : i32
        %mul3A_1268 = arith.muli %mul3A_1267, %scan3A_1007 : i32
        %add3A_1269 = arith.constant 1 : i32
        %add3A_1270 = arith.addi %mul3A_1268, %add3A_1269 : i32
        %mul3A_1271 = arith.constant 128 : i32
        %mul3A_1272 = arith.muli %add3A_1270, %mul3A_1271 : i32
        %add3A_1273 = arith.constant 43008 : i32
        %add3A_1274 = arith.addi %add3A_1273, %mul3A_1272 : i32
        %add3A_1275 = arith.constant 32 : i32
        %add3A_1276 = arith.addi %add3A_1274, %add3A_1275 : i32
        %swap3A_1277 = arith.index_cast %add3A_1276 : i32 to index
        %swap3A_1278 = tpu.vector_load %arg9[%swap3A_1277] {strides = array<i32>} : memref<57344xf32, #tpu.memory_space<vmem>>, vector<16xf32>,
        tpu.vector_store %arg9[%swap3A_1277], %select_n3A_1266 {strides = array<i32>} : memref<57344xf32, #tpu.memory_space<vmem>>, vector<16xf32>,
        %eq3A_1279 = arith.constant 56 : i32
        %eq3A_1280 = vector.broadcast %eq3A_1279 : i32 to vector<16xi32>
        %eq3A_1281 = arith.cmpi eq, %sub3A_1238, %eq3A_1280 : vector<16xi32>
        %and3A_1282 = arith.andi %eq3A_1281, %eq3A_1244 : vector<16xi1>
        %select_n3A_1283 = arith.select %and3A_1282, %get3A_1220, %broadcast_in_dim3A_1 : vector<16xi1>, vector<16xf32>
        %mul3A_1284 = arith.constant 2 : i32
        %mul3A_1285 = arith.muli %mul3A_1284, %scan3A_1007 : i32
        %add3A_1286 = arith.constant 0 : i32
        %add3A_1287 = arith.addi %mul3A_1285, %add3A_1286 : i32
        %mul3A_1288 = arith.constant 128 : i32
        %mul3A_1289 = arith.muli %add3A_1287, %mul3A_1288 : i32
        %add3A_1290 = arith.constant 50176 : i32
        %add3A_1291 = arith.addi %add3A_1290, %mul3A_1289 : i32
        %add3A_1292 = arith.constant 32 : i32
        %add3A_1293 = arith.addi %add3A_1291, %add3A_1292 : i32
        %swap3A_1294 = arith.index_cast %add3A_1293 : i32 to index
        %swap3A_1295 = tpu.vector_load %arg9[%swap3A_1294] {strides = array<i32>} : memref<57344xf32, #tpu.memory_space<vmem>>, vector<16xf32>,
        tpu.vector_store %arg9[%swap3A_1294], %select_n3A_1283 {strides = array<i32>} : memref<57344xf32, #tpu.memory_space<vmem>>, vector<16xf32>,
        %eq3A_1296 = arith.constant 57 : i32
        %eq3A_1297 = vector.broadcast %eq3A_1296 : i32 to vector<16xi32>
        %eq3A_1298 = arith.cmpi eq, %sub3A_1238, %eq3A_1297 : vector<16xi32>
        %and3A_1299 = arith.andi %eq3A_1298, %eq3A_1244 : vector<16xi1>
        %select_n3A_1300 = arith.select %and3A_1299, %get3A_1220, %broadcast_in_dim3A_1 : vector<16xi1>, vector<16xf32>
        %mul3A_1301 = arith.constant 2 : i32
        %mul3A_1302 = arith.muli %mul3A_1301, %scan3A_1007 : i32
        %add3A_1303 = arith.constant 1 : i32
        %add3A_1304 = arith.addi %mul3A_1302, %add3A_1303 : i32
        %mul3A_1305 = arith.constant 128 : i32
        %mul3A_1306 = arith.muli %add3A_1304, %mul3A_1305 : i32
        %add3A_1307 = arith.constant 50176 : i32
        %add3A_1308 = arith.addi %add3A_1307, %mul3A_1306 : i32
        %add3A_1309 = arith.constant 32 : i32
        %add3A_1310 = arith.addi %add3A_1308, %add3A_1309 : i32
        %swap3A_1311 = arith.index_cast %add3A_1310 : i32 to index
        %swap3A_1312 = tpu.vector_load %arg9[%swap3A_1311] {strides = array<i32>} : memref<57344xf32, #tpu.memory_space<vmem>>, vector<16xf32>,
        tpu.vector_store %arg9[%swap3A_1311], %select_n3A_1300 {strides = array<i32>} : memref<57344xf32, #tpu.memory_space<vmem>>, vector<16xf32>,
        %mul3A_1313 = arith.constant 96 : i32
        %mul3A_1314 = arith.muli %scan3A_1007, %mul3A_1313 : i32
        %add3A_1315 = arith.constant 2688 : i32
        %add3A_1316 = arith.addi %add3A_1315, %mul3A_1314 : i32
        %add3A_1317 = arith.constant 48 : i32
        %add3A_1318 = arith.addi %add3A_1316, %add3A_1317 : i32
        %get3A_1319 = arith.index_cast %add3A_1318 : i32 to index
        %get3A_1320 = tpu.vector_load %arg6[%get3A_1319] {strides = array<i32>} : memref<5376xf32, #tpu.memory_space<vmem>>, vector<16xf32>,
        %mul3A_1321 = arith.constant 96 : i32
        %mul3A_1322 = arith.muli %scan3A_1007, %mul3A_1321 : i32
        %add3A_1323 = arith.constant 2688 : i32
        %add3A_1324 = arith.addi %add3A_1323, %mul3A_1322 : i32
        %add3A_1325 = arith.constant 48 : i32
        %add3A_1326 = arith.addi %add3A_1324, %add3A_1325 : i32
        %get3A_1327 = arith.index_cast %add3A_1326 : i32 to index
        %get3A_1328 = tpu.vector_load %arg7[%get3A_1327] {strides = array<i32>} : memref<5376xi32, #tpu.memory_space<vmem>>, vector<16xi32>,
        %mul3A_1329 = arith.constant 96 : i32
        %mul3A_1330 = arith.muli %scan3A_1007, %mul3A_1329 : i32
        %add3A_1331 = arith.constant 8064 : i32
        %add3A_1332 = arith.addi %add3A_1331, %mul3A_1330 : i32
        %add3A_1333 = arith.constant 48 : i32
        %add3A_1334 = arith.addi %add3A_1332, %add3A_1333 : i32
        %get3A_1335 = arith.index_cast %add3A_1334 : i32 to index
        %get3A_1336 = tpu.vector_load %arg8[%get3A_1335] {strides = array<i32>} : memref<10752xi32, #tpu.memory_space<vmem>>, vector<16xi32>,
        %sub3A_1337 = vector.broadcast %add3A_1015 : i32 to vector<16xi32>
        %sub3A_1338 = arith.subi %get3A_1336, %sub3A_1337 : vector<16xi32>
        %mul3A_1339 = arith.constant 2 : i32
        %mul3A_1340 = arith.muli %mul3A_1339, %sub3A_911 : i32
        %add3A_1341 = arith.constant 1 : i32
        %add3A_1342 = arith.addi %mul3A_1340, %add3A_1341 : i32
        %eq3A_1343 = vector.broadcast %add3A_1342 : i32 to vector<16xi32>
        %eq3A_1344 = arith.cmpi eq, %get3A_1328, %eq3A_1343 : vector<16xi32>
        %eq3A_1345 = arith.constant 0 : i32
        %eq3A_1346 = vector.broadcast %eq3A_1345 : i32 to vector<16xi32>
        %eq3A_1347 = arith.cmpi eq, %sub3A_1338, %eq3A_1346 : vector<16xi32>
        %and3A_1348 = arith.andi %eq3A_1347, %eq3A_1344 : vector<16xi1>
        %select_n3A_1349 = arith.select %and3A_1348, %get3A_1320, %broadcast_in_dim3A_1 : vector<16xi1>, vector<16xf32>
        %mul3A_1350 = arith.constant 2 : i32
        %mul3A_1351 = arith.muli %mul3A_1350, %scan3A_1007 : i32
        %add3A_1352 = arith.constant 0 : i32
        %add3A_1353 = arith.addi %mul3A_1351, %add3A_1352 : i32
        %mul3A_1354 = arith.constant 128 : i32
        %mul3A_1355 = arith.muli %add3A_1353, %mul3A_1354 : i32
        %add3A_1356 = arith.constant 43008 : i32
        %add3A_1357 = arith.addi %add3A_1356, %mul3A_1355 : i32
        %add3A_1358 = arith.constant 48 : i32
        %add3A_1359 = arith.addi %add3A_1357, %add3A_1358 : i32
        %swap3A_1360 = arith.index_cast %add3A_1359 : i32 to index
        %swap3A_1361 = tpu.vector_load %arg9[%swap3A_1360] {strides = array<i32>} : memref<57344xf32, #tpu.memory_space<vmem>>, vector<16xf32>,
        tpu.vector_store %arg9[%swap3A_1360], %select_n3A_1349 {strides = array<i32>} : memref<57344xf32, #tpu.memory_space<vmem>>, vector<16xf32>,
        %eq3A_1362 = arith.constant 1 : i32
        %eq3A_1363 = vector.broadcast %eq3A_1362 : i32 to vector<16xi32>
        %eq3A_1364 = arith.cmpi eq, %sub3A_1338, %eq3A_1363 : vector<16xi32>
        %and3A_1365 = arith.andi %eq3A_1364, %eq3A_1344 : vector<16xi1>
        %select_n3A_1366 = arith.select %and3A_1365, %get3A_1320, %broadcast_in_dim3A_1 : vector<16xi1>, vector<16xf32>
        %mul3A_1367 = arith.constant 2 : i32
        %mul3A_1368 = arith.muli %mul3A_1367, %scan3A_1007 : i32
        %add3A_1369 = arith.constant 1 : i32
        %add3A_1370 = arith.addi %mul3A_1368, %add3A_1369 : i32
        %mul3A_1371 = arith.constant 128 : i32
        %mul3A_1372 = arith.muli %add3A_1370, %mul3A_1371 : i32
        %add3A_1373 = arith.constant 43008 : i32
        %add3A_1374 = arith.addi %add3A_1373, %mul3A_1372 : i32
        %add3A_1375 = arith.constant 48 : i32
        %add3A_1376 = arith.addi %add3A_1374, %add3A_1375 : i32
        %swap3A_1377 = arith.index_cast %add3A_1376 : i32 to index
        %swap3A_1378 = tpu.vector_load %arg9[%swap3A_1377] {strides = array<i32>} : memref<57344xf32, #tpu.memory_space<vmem>>, vector<16xf32>,
        tpu.vector_store %arg9[%swap3A_1377], %select_n3A_1366 {strides = array<i32>} : memref<57344xf32, #tpu.memory_space<vmem>>, vector<16xf32>,
        %eq3A_1379 = arith.constant 56 : i32
        %eq3A_1380 = vector.broadcast %eq3A_1379 : i32 to vector<16xi32>
        %eq3A_1381 = arith.cmpi eq, %sub3A_1338, %eq3A_1380 : vector<16xi32>
        %and3A_1382 = arith.andi %eq3A_1381, %eq3A_1344 : vector<16xi1>
        %select_n3A_1383 = arith.select %and3A_1382, %get3A_1320, %broadcast_in_dim3A_1 : vector<16xi1>, vector<16xf32>
        %mul3A_1384 = arith.constant 2 : i32
        %mul3A_1385 = arith.muli %mul3A_1384, %scan3A_1007 : i32
        %add3A_1386 = arith.constant 0 : i32
        %add3A_1387 = arith.addi %mul3A_1385, %add3A_1386 : i32
        %mul3A_1388 = arith.constant 128 : i32
        %mul3A_1389 = arith.muli %add3A_1387, %mul3A_1388 : i32
        %add3A_1390 = arith.constant 50176 : i32
        %add3A_1391 = arith.addi %add3A_1390, %mul3A_1389 : i32
        %add3A_1392 = arith.constant 48 : i32
        %add3A_1393 = arith.addi %add3A_1391, %add3A_1392 : i32
        %swap3A_1394 = arith.index_cast %add3A_1393 : i32 to index
        %swap3A_1395 = tpu.vector_load %arg9[%swap3A_1394] {strides = array<i32>} : memref<57344xf32, #tpu.memory_space<vmem>>, vector<16xf32>,
        tpu.vector_store %arg9[%swap3A_1394], %select_n3A_1383 {strides = array<i32>} : memref<57344xf32, #tpu.memory_space<vmem>>, vector<16xf32>,
        %eq3A_1396 = arith.constant 57 : i32
        %eq3A_1397 = vector.broadcast %eq3A_1396 : i32 to vector<16xi32>
        %eq3A_1398 = arith.cmpi eq, %sub3A_1338, %eq3A_1397 : vector<16xi32>
        %and3A_1399 = arith.andi %eq3A_1398, %eq3A_1344 : vector<16xi1>
        %select_n3A_1400 = arith.select %and3A_1399, %get3A_1320, %broadcast_in_dim3A_1 : vector<16xi1>, vector<16xf32>
        %mul3A_1401 = arith.constant 2 : i32
        %mul3A_1402 = arith.muli %mul3A_1401, %scan3A_1007 : i32
        %add3A_1403 = arith.constant 1 : i32
        %add3A_1404 = arith.addi %mul3A_1402, %add3A_1403 : i32
        %mul3A_1405 = arith.constant 128 : i32
        %mul3A_1406 = arith.muli %add3A_1404, %mul3A_1405 : i32
        %add3A_1407 = arith.constant 50176 : i32
        %add3A_1408 = arith.addi %add3A_1407, %mul3A_1406 : i32
        %add3A_1409 = arith.constant 48 : i32
        %add3A_1410 = arith.addi %add3A_1408, %add3A_1409 : i32
        %swap3A_1411 = arith.index_cast %add3A_1410 : i32 to index
        %swap3A_1412 = tpu.vector_load %arg9[%swap3A_1411] {strides = array<i32>} : memref<57344xf32, #tpu.memory_space<vmem>>, vector<16xf32>,
        tpu.vector_store %arg9[%swap3A_1411], %select_n3A_1400 {strides = array<i32>} : memref<57344xf32, #tpu.memory_space<vmem>>, vector<16xf32>,
        %mul3A_1413 = arith.constant 96 : i32
        %mul3A_1414 = arith.muli %scan3A_1007, %mul3A_1413 : i32
        %add3A_1415 = arith.constant 2688 : i32
        %add3A_1416 = arith.addi %add3A_1415, %mul3A_1414 : i32
        %add3A_1417 = arith.constant 64 : i32
        %add3A_1418 = arith.addi %add3A_1416, %add3A_1417 : i32
        %get3A_1419 = arith.index_cast %add3A_1418 : i32 to index
        %get3A_1420 = tpu.vector_load %arg6[%get3A_1419] {strides = array<i32>} : memref<5376xf32, #tpu.memory_space<vmem>>, vector<16xf32>,
        %mul3A_1421 = arith.constant 96 : i32
        %mul3A_1422 = arith.muli %scan3A_1007, %mul3A_1421 : i32
        %add3A_1423 = arith.constant 2688 : i32
        %add3A_1424 = arith.addi %add3A_1423, %mul3A_1422 : i32
        %add3A_1425 = arith.constant 64 : i32
        %add3A_1426 = arith.addi %add3A_1424, %add3A_1425 : i32
        %get3A_1427 = arith.index_cast %add3A_1426 : i32 to index
        %get3A_1428 = tpu.vector_load %arg7[%get3A_1427] {strides = array<i32>} : memref<5376xi32, #tpu.memory_space<vmem>>, vector<16xi32>,
        %mul3A_1429 = arith.constant 96 : i32
        %mul3A_1430 = arith.muli %scan3A_1007, %mul3A_1429 : i32
        %add3A_1431 = arith.constant 8064 : i32
        %add3A_1432 = arith.addi %add3A_1431, %mul3A_1430 : i32
        %add3A_1433 = arith.constant 64 : i32
        %add3A_1434 = arith.addi %add3A_1432, %add3A_1433 : i32
        %get3A_1435 = arith.index_cast %add3A_1434 : i32 to index
        %get3A_1436 = tpu.vector_load %arg8[%get3A_1435] {strides = array<i32>} : memref<10752xi32, #tpu.memory_space<vmem>>, vector<16xi32>,
        %sub3A_1437 = vector.broadcast %add3A_1015 : i32 to vector<16xi32>
        %sub3A_1438 = arith.subi %get3A_1436, %sub3A_1437 : vector<16xi32>
        %mul3A_1439 = arith.constant 2 : i32
        %mul3A_1440 = arith.muli %mul3A_1439, %sub3A_911 : i32
        %add3A_1441 = arith.constant 1 : i32
        %add3A_1442 = arith.addi %mul3A_1440, %add3A_1441 : i32
        %eq3A_1443 = vector.broadcast %add3A_1442 : i32 to vector<16xi32>
        %eq3A_1444 = arith.cmpi eq, %get3A_1428, %eq3A_1443 : vector<16xi32>
        %eq3A_1445 = arith.constant 0 : i32
        %eq3A_1446 = vector.broadcast %eq3A_1445 : i32 to vector<16xi32>
        %eq3A_1447 = arith.cmpi eq, %sub3A_1438, %eq3A_1446 : vector<16xi32>
        %and3A_1448 = arith.andi %eq3A_1447, %eq3A_1444 : vector<16xi1>
        %select_n3A_1449 = arith.select %and3A_1448, %get3A_1420, %broadcast_in_dim3A_1 : vector<16xi1>, vector<16xf32>
        %mul3A_1450 = arith.constant 2 : i32
        %mul3A_1451 = arith.muli %mul3A_1450, %scan3A_1007 : i32
        %add3A_1452 = arith.constant 0 : i32
        %add3A_1453 = arith.addi %mul3A_1451, %add3A_1452 : i32
        %mul3A_1454 = arith.constant 128 : i32
        %mul3A_1455 = arith.muli %add3A_1453, %mul3A_1454 : i32
        %add3A_1456 = arith.constant 43008 : i32
        %add3A_1457 = arith.addi %add3A_1456, %mul3A_1455 : i32
        %add3A_1458 = arith.constant 64 : i32
        %add3A_1459 = arith.addi %add3A_1457, %add3A_1458 : i32
        %swap3A_1460 = arith.index_cast %add3A_1459 : i32 to index
        %swap3A_1461 = tpu.vector_load %arg9[%swap3A_1460] {strides = array<i32>} : memref<57344xf32, #tpu.memory_space<vmem>>, vector<16xf32>,
        tpu.vector_store %arg9[%swap3A_1460], %select_n3A_1449 {strides = array<i32>} : memref<57344xf32, #tpu.memory_space<vmem>>, vector<16xf32>,
        %eq3A_1462 = arith.constant 1 : i32
        %eq3A_1463 = vector.broadcast %eq3A_1462 : i32 to vector<16xi32>
        %eq3A_1464 = arith.cmpi eq, %sub3A_1438, %eq3A_1463 : vector<16xi32>
        %and3A_1465 = arith.andi %eq3A_1464, %eq3A_1444 : vector<16xi1>
        %select_n3A_1466 = arith.select %and3A_1465, %get3A_1420, %broadcast_in_dim3A_1 : vector<16xi1>, vector<16xf32>
        %mul3A_1467 = arith.constant 2 : i32
        %mul3A_1468 = arith.muli %mul3A_1467, %scan3A_1007 : i32
        %add3A_1469 = arith.constant 1 : i32
        %add3A_1470 = arith.addi %mul3A_1468, %add3A_1469 : i32
        %mul3A_1471 = arith.constant 128 : i32
        %mul3A_1472 = arith.muli %add3A_1470, %mul3A_1471 : i32
        %add3A_1473 = arith.constant 43008 : i32
        %add3A_1474 = arith.addi %add3A_1473, %mul3A_1472 : i32
        %add3A_1475 = arith.constant 64 : i32
        %add3A_1476 = arith.addi %add3A_1474, %add3A_1475 : i32
        %swap3A_1477 = arith.index_cast %add3A_1476 : i32 to index
        %swap3A_1478 = tpu.vector_load %arg9[%swap3A_1477] {strides = array<i32>} : memref<57344xf32, #tpu.memory_space<vmem>>, vector<16xf32>,
        tpu.vector_store %arg9[%swap3A_1477], %select_n3A_1466 {strides = array<i32>} : memref<57344xf32, #tpu.memory_space<vmem>>, vector<16xf32>,
        %eq3A_1479 = arith.constant 56 : i32
        %eq3A_1480 = vector.broadcast %eq3A_1479 : i32 to vector<16xi32>
        %eq3A_1481 = arith.cmpi eq, %sub3A_1438, %eq3A_1480 : vector<16xi32>
        %and3A_1482 = arith.andi %eq3A_1481, %eq3A_1444 : vector<16xi1>
        %select_n3A_1483 = arith.select %and3A_1482, %get3A_1420, %broadcast_in_dim3A_1 : vector<16xi1>, vector<16xf32>
        %mul3A_1484 = arith.constant 2 : i32
        %mul3A_1485 = arith.muli %mul3A_1484, %scan3A_1007 : i32
        %add3A_1486 = arith.constant 0 : i32
        %add3A_1487 = arith.addi %mul3A_1485, %add3A_1486 : i32
        %mul3A_1488 = arith.constant 128 : i32
        %mul3A_1489 = arith.muli %add3A_1487, %mul3A_1488 : i32
        %add3A_1490 = arith.constant 50176 : i32
        %add3A_1491 = arith.addi %add3A_1490, %mul3A_1489 : i32
        %add3A_1492 = arith.constant 64 : i32
        %add3A_1493 = arith.addi %add3A_1491, %add3A_1492 : i32
        %swap3A_1494 = arith.index_cast %add3A_1493 : i32 to index
        %swap3A_1495 = tpu.vector_load %arg9[%swap3A_1494] {strides = array<i32>} : memref<57344xf32, #tpu.memory_space<vmem>>, vector<16xf32>,
        tpu.vector_store %arg9[%swap3A_1494], %select_n3A_1483 {strides = array<i32>} : memref<57344xf32, #tpu.memory_space<vmem>>, vector<16xf32>,
        %eq3A_1496 = arith.constant 57 : i32
        %eq3A_1497 = vector.broadcast %eq3A_1496 : i32 to vector<16xi32>
        %eq3A_1498 = arith.cmpi eq, %sub3A_1438, %eq3A_1497 : vector<16xi32>
        %and3A_1499 = arith.andi %eq3A_1498, %eq3A_1444 : vector<16xi1>
        %select_n3A_1500 = arith.select %and3A_1499, %get3A_1420, %broadcast_in_dim3A_1 : vector<16xi1>, vector<16xf32>
        %mul3A_1501 = arith.constant 2 : i32
        %mul3A_1502 = arith.muli %mul3A_1501, %scan3A_1007 : i32
        %add3A_1503 = arith.constant 1 : i32
        %add3A_1504 = arith.addi %mul3A_1502, %add3A_1503 : i32
        %mul3A_1505 = arith.constant 128 : i32
        %mul3A_1506 = arith.muli %add3A_1504, %mul3A_1505 : i32
        %add3A_1507 = arith.constant 50176 : i32
        %add3A_1508 = arith.addi %add3A_1507, %mul3A_1506 : i32
        %add3A_1509 = arith.constant 64 : i32
        %add3A_1510 = arith.addi %add3A_1508, %add3A_1509 : i32
        %swap3A_1511 = arith.index_cast %add3A_1510 : i32 to index
        %swap3A_1512 = tpu.vector_load %arg9[%swap3A_1511] {strides = array<i32>} : memref<57344xf32, #tpu.memory_space<vmem>>, vector<16xf32>,
        tpu.vector_store %arg9[%swap3A_1511], %select_n3A_1500 {strides = array<i32>} : memref<57344xf32, #tpu.memory_space<vmem>>, vector<16xf32>,
        %mul3A_1513 = arith.constant 96 : i32
        %mul3A_1514 = arith.muli %scan3A_1007, %mul3A_1513 : i32
        %add3A_1515 = arith.constant 2688 : i32
        %add3A_1516 = arith.addi %add3A_1515, %mul3A_1514 : i32
        %add3A_1517 = arith.constant 80 : i32
        %add3A_1518 = arith.addi %add3A_1516, %add3A_1517 : i32
        %get3A_1519 = arith.index_cast %add3A_1518 : i32 to index
        %get3A_1520 = tpu.vector_load %arg6[%get3A_1519] {strides = array<i32>} : memref<5376xf32, #tpu.memory_space<vmem>>, vector<16xf32>,
        %mul3A_1521 = arith.constant 96 : i32
        %mul3A_1522 = arith.muli %scan3A_1007, %mul3A_1521 : i32
        %add3A_1523 = arith.constant 2688 : i32
        %add3A_1524 = arith.addi %add3A_1523, %mul3A_1522 : i32
        %add3A_1525 = arith.constant 80 : i32
        %add3A_1526 = arith.addi %add3A_1524, %add3A_1525 : i32
        %get3A_1527 = arith.index_cast %add3A_1526 : i32 to index
        %get3A_1528 = tpu.vector_load %arg7[%get3A_1527] {strides = array<i32>} : memref<5376xi32, #tpu.memory_space<vmem>>, vector<16xi32>,
        %mul3A_1529 = arith.constant 96 : i32
        %mul3A_1530 = arith.muli %scan3A_1007, %mul3A_1529 : i32
        %add3A_1531 = arith.constant 8064 : i32
        %add3A_1532 = arith.addi %add3A_1531, %mul3A_1530 : i32
        %add3A_1533 = arith.constant 80 : i32
        %add3A_1534 = arith.addi %add3A_1532, %add3A_1533 : i32
        %get3A_1535 = arith.index_cast %add3A_1534 : i32 to index
        %get3A_1536 = tpu.vector_load %arg8[%get3A_1535] {strides = array<i32>} : memref<10752xi32, #tpu.memory_space<vmem>>, vector<16xi32>,
        %sub3A_1537 = vector.broadcast %add3A_1015 : i32 to vector<16xi32>
        %sub3A_1538 = arith.subi %get3A_1536, %sub3A_1537 : vector<16xi32>
        %mul3A_1539 = arith.constant 2 : i32
        %mul3A_1540 = arith.muli %mul3A_1539, %sub3A_911 : i32
        %add3A_1541 = arith.constant 1 : i32
        %add3A_1542 = arith.addi %mul3A_1540, %add3A_1541 : i32
        %eq3A_1543 = vector.broadcast %add3A_1542 : i32 to vector<16xi32>
        %eq3A_1544 = arith.cmpi eq, %get3A_1528, %eq3A_1543 : vector<16xi32>
        %eq3A_1545 = arith.constant 0 : i32
        %eq3A_1546 = vector.broadcast %eq3A_1545 : i32 to vector<16xi32>
        %eq3A_1547 = arith.cmpi eq, %sub3A_1538, %eq3A_1546 : vector<16xi32>
        %and3A_1548 = arith.andi %eq3A_1547, %eq3A_1544 : vector<16xi1>
        %select_n3A_1549 = arith.select %and3A_1548, %get3A_1520, %broadcast_in_dim3A_1 : vector<16xi1>, vector<16xf32>
        %mul3A_1550 = arith.constant 2 : i32
        %mul3A_1551 = arith.muli %mul3A_1550, %scan3A_1007 : i32
        %add3A_1552 = arith.constant 0 : i32
        %add3A_1553 = arith.addi %mul3A_1551, %add3A_1552 : i32
        %mul3A_1554 = arith.constant 128 : i32
        %mul3A_1555 = arith.muli %add3A_1553, %mul3A_1554 : i32
        %add3A_1556 = arith.constant 43008 : i32
        %add3A_1557 = arith.addi %add3A_1556, %mul3A_1555 : i32
        %add3A_1558 = arith.constant 80 : i32
        %add3A_1559 = arith.addi %add3A_1557, %add3A_1558 : i32
        %swap3A_1560 = arith.index_cast %add3A_1559 : i32 to index
        %swap3A_1561 = tpu.vector_load %arg9[%swap3A_1560] {strides = array<i32>} : memref<57344xf32, #tpu.memory_space<vmem>>, vector<16xf32>,
        tpu.vector_store %arg9[%swap3A_1560], %select_n3A_1549 {strides = array<i32>} : memref<57344xf32, #tpu.memory_space<vmem>>, vector<16xf32>,
        %eq3A_1562 = arith.constant 1 : i32
        %eq3A_1563 = vector.broadcast %eq3A_1562 : i32 to vector<16xi32>
        %eq3A_1564 = arith.cmpi eq, %sub3A_1538, %eq3A_1563 : vector<16xi32>
        %and3A_1565 = arith.andi %eq3A_1564, %eq3A_1544 : vector<16xi1>
        %select_n3A_1566 = arith.select %and3A_1565, %get3A_1520, %broadcast_in_dim3A_1 : vector<16xi1>, vector<16xf32>
        %mul3A_1567 = arith.constant 2 : i32
        %mul3A_1568 = arith.muli %mul3A_1567, %scan3A_1007 : i32
        %add3A_1569 = arith.constant 1 : i32
        %add3A_1570 = arith.addi %mul3A_1568, %add3A_1569 : i32
        %mul3A_1571 = arith.constant 128 : i32
        %mul3A_1572 = arith.muli %add3A_1570, %mul3A_1571 : i32
        %add3A_1573 = arith.constant 43008 : i32
        %add3A_1574 = arith.addi %add3A_1573, %mul3A_1572 : i32
        %add3A_1575 = arith.constant 80 : i32
        %add3A_1576 = arith.addi %add3A_1574, %add3A_1575 : i32
        %swap3A_1577 = arith.index_cast %add3A_1576 : i32 to index
        %swap3A_1578 = tpu.vector_load %arg9[%swap3A_1577] {strides = array<i32>} : memref<57344xf32, #tpu.memory_space<vmem>>, vector<16xf32>,
        tpu.vector_store %arg9[%swap3A_1577], %select_n3A_1566 {strides = array<i32>} : memref<57344xf32, #tpu.memory_space<vmem>>, vector<16xf32>,
        %eq3A_1579 = arith.constant 56 : i32
        %eq3A_1580 = vector.broadcast %eq3A_1579 : i32 to vector<16xi32>
        %eq3A_1581 = arith.cmpi eq, %sub3A_1538, %eq3A_1580 : vector<16xi32>
        %and3A_1582 = arith.andi %eq3A_1581, %eq3A_1544 : vector<16xi1>
        %select_n3A_1583 = arith.select %and3A_1582, %get3A_1520, %broadcast_in_dim3A_1 : vector<16xi1>, vector<16xf32>
        %mul3A_1584 = arith.constant 2 : i32
        %mul3A_1585 = arith.muli %mul3A_1584, %scan3A_1007 : i32
        %add3A_1586 = arith.constant 0 : i32
        %add3A_1587 = arith.addi %mul3A_1585, %add3A_1586 : i32
        %mul3A_1588 = arith.constant 128 : i32
        %mul3A_1589 = arith.muli %add3A_1587, %mul3A_1588 : i32
        %add3A_1590 = arith.constant 50176 : i32
        %add3A_1591 = arith.addi %add3A_1590, %mul3A_1589 : i32
        %add3A_1592 = arith.constant 80 : i32
        %add3A_1593 = arith.addi %add3A_1591, %add3A_1592 : i32
        %swap3A_1594 = arith.index_cast %add3A_1593 : i32 to index
        %swap3A_1595 = tpu.vector_load %arg9[%swap3A_1594] {strides = array<i32>} : memref<57344xf32, #tpu.memory_space<vmem>>, vector<16xf32>,
        tpu.vector_store %arg9[%swap3A_1594], %select_n3A_1583 {strides = array<i32>} : memref<57344xf32, #tpu.memory_space<vmem>>, vector<16xf32>,
        %eq3A_1596 = arith.constant 57 : i32
        %eq3A_1597 = vector.broadcast %eq3A_1596 : i32 to vector<16xi32>
        %eq3A_1598 = arith.cmpi eq, %sub3A_1538, %eq3A_1597 : vector<16xi32>
        %and3A_1599 = arith.andi %eq3A_1598, %eq3A_1544 : vector<16xi1>
        %select_n3A_1600 = arith.select %and3A_1599, %get3A_1520, %broadcast_in_dim3A_1 : vector<16xi1>, vector<16xf32>
        %mul3A_1601 = arith.constant 2 : i32
        %mul3A_1602 = arith.muli %mul3A_1601, %scan3A_1007 : i32
        %add3A_1603 = arith.constant 1 : i32
        %add3A_1604 = arith.addi %mul3A_1602, %add3A_1603 : i32
        %mul3A_1605 = arith.constant 128 : i32
        %mul3A_1606 = arith.muli %add3A_1604, %mul3A_1605 : i32
        %add3A_1607 = arith.constant 50176 : i32
        %add3A_1608 = arith.addi %add3A_1607, %mul3A_1606 : i32
        %add3A_1609 = arith.constant 80 : i32
        %add3A_1610 = arith.addi %add3A_1608, %add3A_1609 : i32
        %swap3A_1611 = arith.index_cast %add3A_1610 : i32 to index
        %swap3A_1612 = tpu.vector_load %arg9[%swap3A_1611] {strides = array<i32>} : memref<57344xf32, #tpu.memory_space<vmem>>, vector<16xf32>,
        tpu.vector_store %arg9[%swap3A_1611], %select_n3A_1600 {strides = array<i32>} : memref<57344xf32, #tpu.memory_space<vmem>>, vector<16xf32>,
        %scan3A_1613 = arith.constant 0 : i32
        scf.yield %scan3A_1613 : i32
      }
      %scan3A_925 = arith.constant 28 : i32
      %add3A_926 = arith.constant 1 : i32
      %add3A_927 = arith.addi %add3A_256, %add3A_926 : i32
      %jit3A_928 = arith.constant 28 : i32
      %div3A_929 = arith.divsi %add3A_927, %jit3A_928 : i32
      %sign3A_930 = arith.constant 0 : i32
      %sign3A_931 = arith.cmpi sgt, %add3A_927, %sign3A_930 : i32
      %sign3A_932 = arith.extui %sign3A_931 : i1 to i32
      %sign3A_933 = arith.constant 0 : i32
      %sign3A_934 = arith.cmpi slt, %add3A_927, %sign3A_933 : i32
      %sign3A_935 = arith.extui %sign3A_934 : i1 to i32
      %sign3A_936 = arith.subi %sign3A_932, %sign3A_935 : i32
      %sign3A_937 = arith.constant 0 : i32
      %sign3A_938 = arith.cmpi sgt, %jit3A_928, %sign3A_937 : i32
      %sign3A_939 = arith.extui %sign3A_938 : i1 to i32
      %sign3A_940 = arith.constant 0 : i32
      %sign3A_941 = arith.cmpi slt, %jit3A_928, %sign3A_940 : i32
      %sign3A_942 = arith.extui %sign3A_941 : i1 to i32
      %sign3A_943 = arith.subi %sign3A_939, %sign3A_942 : i32
      %ne3A_944 = arith.cmpi ne, %sign3A_936, %sign3A_943 : i32
      %rem3A_945 = arith.remsi %add3A_927, %jit3A_928 : i32
      %ne3A_946 = arith.constant 0 : i32
      %ne3A_947 = arith.cmpi ne, %rem3A_945, %ne3A_946 : i32
      %and3A_948 = arith.andi %ne3A_944, %ne3A_947 : i1
      %sub3A_949 = arith.constant 1 : i32
      %sub3A_950 = arith.subi %div3A_929, %sub3A_949 : i32
      %select_n3A_951 = arith.select %and3A_948, %sub3A_950, %div3A_929 : i32
      %mul3A_952 = arith.constant 28 : i32
      %mul3A_953 = arith.muli %select_n3A_951, %mul3A_952 : i32
      %sub3A_954 = arith.subi %add3A_927, %mul3A_953 : i32
      %jit3A_955 = arith.constant 8 : i32
      %div3A_956 = arith.divsi %select_n3A_951, %jit3A_955 : i32
      %sign3A_957 = arith.constant 0 : i32
      %sign3A_958 = arith.cmpi sgt, %select_n3A_951, %sign3A_957 : i32
      %sign3A_959 = arith.extui %sign3A_958 : i1 to i32
      %sign3A_960 = arith.constant 0 : i32
      %sign3A_961 = arith.cmpi slt, %select_n3A_951, %sign3A_960 : i32
      %sign3A_962 = arith.extui %sign3A_961 : i1 to i32
      %sign3A_963 = arith.subi %sign3A_959, %sign3A_962 : i32
      %sign3A_964 = arith.constant 0 : i32
      %sign3A_965 = arith.cmpi sgt, %jit3A_955, %sign3A_964 : i32
      %sign3A_966 = arith.extui %sign3A_965 : i1 to i32
      %sign3A_967 = arith.constant 0 : i32
      %sign3A_968 = arith.cmpi slt, %jit3A_955, %sign3A_967 : i32
      %sign3A_969 = arith.extui %sign3A_968 : i1 to i32
      %sign3A_970 = arith.subi %sign3A_966, %sign3A_969 : i32
      %ne3A_971 = arith.cmpi ne, %sign3A_963, %sign3A_970 : i32
      %rem3A_972 = arith.remsi %select_n3A_951, %jit3A_955 : i32
      %ne3A_973 = arith.constant 0 : i32
      %ne3A_974 = arith.cmpi ne, %rem3A_972, %ne3A_973 : i32
      %and3A_975 = arith.andi %ne3A_971, %ne3A_974 : i1
      %sub3A_976 = arith.constant 1 : i32
      %sub3A_977 = arith.subi %div3A_956, %sub3A_976 : i32
      %select_n3A_978 = arith.select %and3A_975, %sub3A_977, %div3A_956 : i32
      %mul3A_979 = arith.constant 8 : i32
      %mul3A_980 = arith.muli %select_n3A_978, %mul3A_979 : i32
      %sub3A_981 = arith.subi %select_n3A_951, %mul3A_980 : i32
      %mul3A_982 = arith.constant 16 : i32
      %mul3A_983 = arith.muli %select_n3A_978, %mul3A_982 : i32
      %mul3A_984 = arith.constant 2 : i32
      %mul3A_985 = arith.muli %mul3A_984, %sub3A_981 : i32
      %add3A_986 = arith.addi %mul3A_983, %mul3A_985 : i32
      %mul3A_987 = arith.constant 28 : i32
      %mul3A_988 = arith.muli %add3A_986, %mul3A_987 : i32
      %add3A_989 = arith.addi %mul3A_988, %sub3A_954 : i32
      %mul3A_990 = arith.constant 14336 : i32
      %mul3A_991 = arith.muli %add3A_989, %mul3A_990 : i32
      %add3A_992 = arith.constant 401408 : i32
      %add3A_993 = arith.addi %mul3A_991, %add3A_992 : i32
      %dma_start3A_994 = arith.constant 28672 : i32
      %dma_start3A_995 = tpu.memref_slice %arg9[%dma_start3A_994] : memref<57344xf32, #tpu.memory_space<vmem>> -> memref<14336xf32, #tpu.memory_space<vmem>>
      %dma_start3A_996 = tpu.memref_slice %arg5[%mul3A_991] : memref<12845056xf32, #tpu.memory_space<hbm>> -> memref<14336xf32, #tpu.memory_space<hbm>>
      %dma_start3A_997 = tpu.memref_slice %arg5[%mul3A_991] : memref<12845056xf32, #tpu.memory_space<hbm>> -> memref<14336xf32, #tpu.memory_space<hbm>>
      %dma_start3A_998 = arith.constant 28672 : i32
      %dma_start3A_999 = tpu.memref_slice %arg9[%dma_start3A_998] : memref<57344xf32, #tpu.memory_space<vmem>> -> memref<14336xf32, #tpu.memory_space<vmem>>
      tpu.enqueue_dma source(%dma_start3A_999 : memref<14336xf32, #tpu.memory_space<vmem>>) target(%dma_start3A_997 : memref<14336xf32, #tpu.memory_space<hbm>>) target_semaphore(%arg13 : memref<!tpu.dma_semaphore, #tpu.memory_space<semaphore_mem>>)
      %dma_start3A_1000 = arith.constant 43008 : i32
      %dma_start3A_1001 = tpu.memref_slice %arg9[%dma_start3A_1000] : memref<57344xf32, #tpu.memory_space<vmem>> -> memref<14336xf32, #tpu.memory_space<vmem>>
      %dma_start3A_1002 = tpu.memref_slice %arg5[%add3A_993] : memref<12845056xf32, #tpu.memory_space<hbm>> -> memref<14336xf32, #tpu.memory_space<hbm>>
      %dma_start3A_1003 = tpu.memref_slice %arg5[%add3A_993] : memref<12845056xf32, #tpu.memory_space<hbm>> -> memref<14336xf32, #tpu.memory_space<hbm>>
      %dma_start3A_1004 = arith.constant 43008 : i32
      %dma_start3A_1005 = tpu.memref_slice %arg9[%dma_start3A_1004] : memref<57344xf32, #tpu.memory_space<vmem>> -> memref<14336xf32, #tpu.memory_space<vmem>>
      tpu.enqueue_dma source(%dma_start3A_1005 : memref<14336xf32, #tpu.memory_space<vmem>>) target(%dma_start3A_1003 : memref<14336xf32, #tpu.memory_space<hbm>>) target_semaphore(%arg13 : memref<!tpu.dma_semaphore, #tpu.memory_space<semaphore_mem>>)
      %scan3A_1006 = arith.constant 0 : i32
      scf.yield %scan3A_1006 : i32
    }
    %scan3A_109 = arith.constant 7 : i32
    %dma_wait3A = arith.constant 0 : i32
    %dma_wait3A_110 = tpu.memref_slice %arg9[%dma_wait3A] : memref<57344xf32, #tpu.memory_space<vmem>> -> memref<14336xf32, #tpu.memory_space<vmem>>
    %dma_wait3A_111 = arith.constant 0 : i32
    %dma_wait3A_112 = tpu.memref_slice %arg5[%dma_wait3A_111] : memref<12845056xf32, #tpu.memory_space<hbm>> -> memref<14336xf32, #tpu.memory_space<hbm>>
    %dma_wait3A_113 = arith.constant 0 : i32
    %dma_wait3A_114 = tpu.memref_slice %arg5[%dma_wait3A_113] : memref<12845056xf32, #tpu.memory_space<hbm>> -> memref<14336xf32, #tpu.memory_space<hbm>>
    %dma_wait3A_115 = arith.constant 0 : i32
    %dma_wait3A_116 = tpu.memref_slice %arg9[%dma_wait3A_115] : memref<57344xf32, #tpu.memory_space<vmem>> -> memref<14336xf32, #tpu.memory_space<vmem>>
    tpu.wait_dma2 semaphore(%arg12 : memref<!tpu.dma_semaphore, #tpu.memory_space<semaphore_mem>>) src(%dma_wait3A_116 : memref<14336xf32, #tpu.memory_space<vmem>>) dst(%dma_wait3A_114 : memref<14336xf32, #tpu.memory_space<hbm>>)
    %dma_wait3A_117 = arith.constant 14336 : i32
    %dma_wait3A_118 = tpu.memref_slice %arg9[%dma_wait3A_117] : memref<57344xf32, #tpu.memory_space<vmem>> -> memref<14336xf32, #tpu.memory_space<vmem>>
    %dma_wait3A_119 = arith.constant 401408 : i32
    %dma_wait3A_120 = tpu.memref_slice %arg5[%dma_wait3A_119] : memref<12845056xf32, #tpu.memory_space<hbm>> -> memref<14336xf32, #tpu.memory_space<hbm>>
    %dma_wait3A_121 = arith.constant 401408 : i32
    %dma_wait3A_122 = tpu.memref_slice %arg5[%dma_wait3A_121] : memref<12845056xf32, #tpu.memory_space<hbm>> -> memref<14336xf32, #tpu.memory_space<hbm>>
    %dma_wait3A_123 = arith.constant 14336 : i32
    %dma_wait3A_124 = tpu.memref_slice %arg9[%dma_wait3A_123] : memref<57344xf32, #tpu.memory_space<vmem>> -> memref<14336xf32, #tpu.memory_space<vmem>>
    tpu.wait_dma2 semaphore(%arg12 : memref<!tpu.dma_semaphore, #tpu.memory_space<semaphore_mem>>) src(%dma_wait3A_124 : memref<14336xf32, #tpu.memory_space<vmem>>) dst(%dma_wait3A_122 : memref<14336xf32, #tpu.memory_space<hbm>>)
    %dma_wait3A_125 = arith.constant 28672 : i32
    %dma_wait3A_126 = tpu.memref_slice %arg9[%dma_wait3A_125] : memref<57344xf32, #tpu.memory_space<vmem>> -> memref<14336xf32, #tpu.memory_space<vmem>>
    %dma_wait3A_127 = arith.constant 0 : i32
    %dma_wait3A_128 = tpu.memref_slice %arg5[%dma_wait3A_127] : memref<12845056xf32, #tpu.memory_space<hbm>> -> memref<14336xf32, #tpu.memory_space<hbm>>
    %dma_wait3A_129 = arith.constant 0 : i32
    %dma_wait3A_130 = tpu.memref_slice %arg5[%dma_wait3A_129] : memref<12845056xf32, #tpu.memory_space<hbm>> -> memref<14336xf32, #tpu.memory_space<hbm>>
    %dma_wait3A_131 = arith.constant 28672 : i32
    %dma_wait3A_132 = tpu.memref_slice %arg9[%dma_wait3A_131] : memref<57344xf32, #tpu.memory_space<vmem>> -> memref<14336xf32, #tpu.memory_space<vmem>>
    tpu.wait_dma2 semaphore(%arg13 : memref<!tpu.dma_semaphore, #tpu.memory_space<semaphore_mem>>) src(%dma_wait3A_132 : memref<14336xf32, #tpu.memory_space<vmem>>) dst(%dma_wait3A_130 : memref<14336xf32, #tpu.memory_space<hbm>>)
    %dma_wait3A_133 = arith.constant 43008 : i32
    %dma_wait3A_134 = tpu.memref_slice %arg9[%dma_wait3A_133] : memref<57344xf32, #tpu.memory_space<vmem>> -> memref<14336xf32, #tpu.memory_space<vmem>>
    %dma_wait3A_135 = arith.constant 401408 : i32
    %dma_wait3A_136 = tpu.memref_slice %arg5[%dma_wait3A_135] : memref<12845056xf32, #tpu.memory_space<hbm>> -> memref<14336xf32, #tpu.memory_space<hbm>>
    %dma_wait3A_137 = arith.constant 401408 : i32
    %dma_wait3A_138 = tpu.memref_slice %arg5[%dma_wait3A_137] : memref<12845056xf32, #tpu.memory_space<hbm>> -> memref<14336xf32, #tpu.memory_space<hbm>>
    %dma_wait3A_139 = arith.constant 43008 : i32
    %dma_wait3A_140 = tpu.memref_slice %arg9[%dma_wait3A_139] : memref<57344xf32, #tpu.memory_space<vmem>> -> memref<14336xf32, #tpu.memory_space<vmem>>
    tpu.wait_dma2 semaphore(%arg13 : memref<!tpu.dma_semaphore, #tpu.memory_space<semaphore_mem>>) src(%dma_wait3A_140 : memref<14336xf32, #tpu.memory_space<vmem>>) dst(%dma_wait3A_138 : memref<14336xf32, #tpu.memory_space<hbm>>)
    %min3A_141 = arith.constant 0 : i32
    %min3A_142 = arith.constant 447 : i32
    %min3A_143 = arith.minsi %min3A_141, %min3A_142 : i32
    %jit3A_144 = arith.constant 28 : i32
    %div3A_145 = arith.divsi %min3A_143, %jit3A_144 : i32
    %sign3A_146 = arith.constant 0 : i32
    %sign3A_147 = arith.cmpi sgt, %min3A_143, %sign3A_146 : i32
    %sign3A_148 = arith.extui %sign3A_147 : i1 to i32
    %sign3A_149 = arith.constant 0 : i32
    %sign3A_150 = arith.cmpi slt, %min3A_143, %sign3A_149 : i32
    %sign3A_151 = arith.extui %sign3A_150 : i1 to i32
    %sign3A_152 = arith.subi %sign3A_148, %sign3A_151 : i32
    %sign3A_153 = arith.constant 0 : i32
    %sign3A_154 = arith.cmpi sgt, %jit3A_144, %sign3A_153 : i32
    %sign3A_155 = arith.extui %sign3A_154 : i1 to i32
    %sign3A_156 = arith.constant 0 : i32
    %sign3A_157 = arith.cmpi slt, %jit3A_144, %sign3A_156 : i32
    %sign3A_158 = arith.extui %sign3A_157 : i1 to i32
    %sign3A_159 = arith.subi %sign3A_155, %sign3A_158 : i32
    %ne3A_160 = arith.cmpi ne, %sign3A_152, %sign3A_159 : i32
    %rem3A_161 = arith.remsi %min3A_143, %jit3A_144 : i32
    %ne3A_162 = arith.constant 0 : i32
    %ne3A_163 = arith.cmpi ne, %rem3A_161, %ne3A_162 : i32
    %and3A_164 = arith.andi %ne3A_160, %ne3A_163 : i1
    %sub3A_165 = arith.constant 1 : i32
    %sub3A_166 = arith.subi %div3A_145, %sub3A_165 : i32
    %select_n3A_167 = arith.select %and3A_164, %sub3A_166, %div3A_145 : i32
    %mul3A_168 = arith.constant 28 : i32
    %mul3A_169 = arith.muli %select_n3A_167, %mul3A_168 : i32
    %sub3A_170 = arith.subi %min3A_143, %mul3A_169 : i32
    %jit3A_171 = arith.constant 8 : i32
    %div3A_172 = arith.divsi %select_n3A_167, %jit3A_171 : i32
    %sign3A_173 = arith.constant 0 : i32
    %sign3A_174 = arith.cmpi sgt, %select_n3A_167, %sign3A_173 : i32
    %sign3A_175 = arith.extui %sign3A_174 : i1 to i32
    %sign3A_176 = arith.constant 0 : i32
    %sign3A_177 = arith.cmpi slt, %select_n3A_167, %sign3A_176 : i32
    %sign3A_178 = arith.extui %sign3A_177 : i1 to i32
    %sign3A_179 = arith.subi %sign3A_175, %sign3A_178 : i32
    %sign3A_180 = arith.constant 0 : i32
    %sign3A_181 = arith.cmpi sgt, %jit3A_171, %sign3A_180 : i32
    %sign3A_182 = arith.extui %sign3A_181 : i1 to i32
    %sign3A_183 = arith.constant 0 : i32
    %sign3A_184 = arith.cmpi slt, %jit3A_171, %sign3A_183 : i32
    %sign3A_185 = arith.extui %sign3A_184 : i1 to i32
    %sign3A_186 = arith.subi %sign3A_182, %sign3A_185 : i32
    %ne3A_187 = arith.cmpi ne, %sign3A_179, %sign3A_186 : i32
    %rem3A_188 = arith.remsi %select_n3A_167, %jit3A_171 : i32
    %ne3A_189 = arith.constant 0 : i32
    %ne3A_190 = arith.cmpi ne, %rem3A_188, %ne3A_189 : i32
    %and3A_191 = arith.andi %ne3A_187, %ne3A_190 : i1
    %sub3A_192 = arith.constant 1 : i32
    %sub3A_193 = arith.subi %div3A_172, %sub3A_192 : i32
    %select_n3A_194 = arith.select %and3A_191, %sub3A_193, %div3A_172 : i32
    %mul3A_195 = arith.constant 8 : i32
    %mul3A_196 = arith.muli %select_n3A_194, %mul3A_195 : i32
    %sub3A_197 = arith.subi %select_n3A_167, %mul3A_196 : i32
    %mul3A_198 = arith.constant 28 : i32
    %mul3A_199 = arith.muli %select_n3A_194, %mul3A_198 : i32
    %add3A_200 = arith.addi %mul3A_199, %sub3A_170 : i32
    %mul3A_201 = arith.constant 8 : i32
    %mul3A_202 = arith.muli %add3A_200, %mul3A_201 : i32
    %add3A_203 = arith.addi %mul3A_202, %sub3A_197 : i32
    %mul3A_204 = arith.constant 2688 : i32
    %mul3A_205 = arith.muli %add3A_203, %mul3A_204 : i32
    %mul3A_206 = arith.constant 8 : i32
    %mul3A_207 = arith.muli %select_n3A_194, %mul3A_206 : i32
    %add3A_208 = arith.addi %mul3A_207, %sub3A_197 : i32
    %mul3A_209 = arith.constant 784 : i32
    %mul3A_210 = arith.muli %add3A_208, %mul3A_209 : i32
    %mul3A_211 = arith.constant 28 : i32
    %mul3A_212 = arith.muli %sub3A_170, %mul3A_211 : i32
    %add3A_213 = arith.addi %mul3A_210, %mul3A_212 : i32
    %mul3A_214 = arith.constant 96 : i32
    %mul3A_215 = arith.muli %add3A_213, %mul3A_214 : i32
    %mul3A_216 = arith.constant 2 : i32
    %mul3A_217 = arith.muli %mul3A_216, %sub3A_197 : i32
    %mul3A_218 = arith.constant 2 : i32
    %mul3A_219 = arith.muli %mul3A_217, %mul3A_218 : i32
    %add3A_220 = arith.addi %mul3A_219, %select_n3A_194 : i32
    %mul3A_221 = arith.constant 28 : i32
    %mul3A_222 = arith.muli %add3A_220, %mul3A_221 : i32
    %add3A_223 = arith.addi %mul3A_222, %sub3A_170 : i32
    %mul3A_224 = arith.constant 2688 : i32
    %mul3A_225 = arith.muli %add3A_223, %mul3A_224 : i32
    %add3A_226 = arith.constant 150528 : i32
    %add3A_227 = arith.addi %mul3A_225, %add3A_226 : i32
    %dma_wait3A_228 = arith.constant 0 : i32
    %dma_wait3A_229 = tpu.memref_slice %arg6[%dma_wait3A_228] : memref<5376xf32, #tpu.memory_space<vmem>> -> memref<2688xf32, #tpu.memory_space<vmem>>
    %dma_wait3A_230 = tpu.memref_slice %arg2[%mul3A_205] : memref<1204224xf32, #tpu.memory_space<hbm>> -> memref<2688xf32, #tpu.memory_space<hbm>>
    %dma_wait3A_231 = arith.constant 0 : i32
    %dma_wait3A_232 = tpu.memref_slice %arg6[%dma_wait3A_231] : memref<5376xf32, #tpu.memory_space<vmem>> -> memref<2688xf32, #tpu.memory_space<vmem>>
    %dma_wait3A_233 = tpu.memref_slice %arg2[%mul3A_205] : memref<1204224xf32, #tpu.memory_space<hbm>> -> memref<2688xf32, #tpu.memory_space<hbm>>
    tpu.wait_dma2 semaphore(%arg10 : memref<!tpu.dma_semaphore, #tpu.memory_space<semaphore_mem>>) src(%dma_wait3A_233 : memref<2688xf32, #tpu.memory_space<hbm>>) dst(%dma_wait3A_232 : memref<2688xf32, #tpu.memory_space<vmem>>)
    %dma_wait3A_234 = arith.constant 0 : i32
    %dma_wait3A_235 = tpu.memref_slice %arg7[%dma_wait3A_234] : memref<5376xi32, #tpu.memory_space<vmem>> -> memref<2688xi32, #tpu.memory_space<vmem>>
    %dma_wait3A_236 = tpu.memref_slice %arg3[%mul3A_215] : memref<1204224xi32, #tpu.memory_space<hbm>> -> memref<2688xi32, #tpu.memory_space<hbm>>
    %dma_wait3A_237 = arith.constant 0 : i32
    %dma_wait3A_238 = tpu.memref_slice %arg7[%dma_wait3A_237] : memref<5376xi32, #tpu.memory_space<vmem>> -> memref<2688xi32, #tpu.memory_space<vmem>>
    %dma_wait3A_239 = tpu.memref_slice %arg3[%mul3A_215] : memref<1204224xi32, #tpu.memory_space<hbm>> -> memref<2688xi32, #tpu.memory_space<hbm>>
    tpu.wait_dma2 semaphore(%arg10 : memref<!tpu.dma_semaphore, #tpu.memory_space<semaphore_mem>>) src(%dma_wait3A_239 : memref<2688xi32, #tpu.memory_space<hbm>>) dst(%dma_wait3A_238 : memref<2688xi32, #tpu.memory_space<vmem>>)
    %dma_wait3A_240 = arith.constant 0 : i32
    %dma_wait3A_241 = tpu.memref_slice %arg8[%dma_wait3A_240] : memref<10752xi32, #tpu.memory_space<vmem>> -> memref<2688xi32, #tpu.memory_space<vmem>>
    %dma_wait3A_242 = tpu.memref_slice %arg4[%mul3A_225] : memref<2408448xi32, #tpu.memory_space<hbm>> -> memref<2688xi32, #tpu.memory_space<hbm>>
    %dma_wait3A_243 = arith.constant 0 : i32
    %dma_wait3A_244 = tpu.memref_slice %arg8[%dma_wait3A_243] : memref<10752xi32, #tpu.memory_space<vmem>> -> memref<2688xi32, #tpu.memory_space<vmem>>
    %dma_wait3A_245 = tpu.memref_slice %arg4[%mul3A_225] : memref<2408448xi32, #tpu.memory_space<hbm>> -> memref<2688xi32, #tpu.memory_space<hbm>>
    tpu.wait_dma2 semaphore(%arg10 : memref<!tpu.dma_semaphore, #tpu.memory_space<semaphore_mem>>) src(%dma_wait3A_245 : memref<2688xi32, #tpu.memory_space<hbm>>) dst(%dma_wait3A_244 : memref<2688xi32, #tpu.memory_space<vmem>>)
    %dma_wait3A_246 = arith.constant 2688 : i32
    %dma_wait3A_247 = tpu.memref_slice %arg8[%dma_wait3A_246] : memref<10752xi32, #tpu.memory_space<vmem>> -> memref<2688xi32, #tpu.memory_space<vmem>>
    %dma_wait3A_248 = tpu.memref_slice %arg4[%add3A_227] : memref<2408448xi32, #tpu.memory_space<hbm>> -> memref<2688xi32, #tpu.memory_space<hbm>>
    %dma_wait3A_249 = arith.constant 2688 : i32
    %dma_wait3A_250 = tpu.memref_slice %arg8[%dma_wait3A_249] : memref<10752xi32, #tpu.memory_space<vmem>> -> memref<2688xi32, #tpu.memory_space<vmem>>
    %dma_wait3A_251 = tpu.memref_slice %arg4[%add3A_227] : memref<2408448xi32, #tpu.memory_space<hbm>> -> memref<2688xi32, #tpu.memory_space<hbm>>
    tpu.wait_dma2 semaphore(%arg10 : memref<!tpu.dma_semaphore, #tpu.memory_space<semaphore_mem>>) src(%dma_wait3A_251 : memref<2688xi32, #tpu.memory_space<hbm>>) dst(%dma_wait3A_250 : memref<2688xi32, #tpu.memory_space<vmem>>)
    return
  }
}

</mosaic_0001>

<sc_bundles>
// kernel: kernel.3.cloned.1.call-start
scs
__scs_entry_jumppad:
0x0: {  	(pc) =	sbr.rel $0x88, $3  }
0x1: {  	(tag) =	ssettag $0x0;
	lr =	simm.s32 $0x1  }
0x2: {  	[smem:$0x3F9E] =	sst lr;
	_ =	strace $0xD0000000  }
0x3: {  	_ = 	snop  }
0x4: {  	_ = 	snop  }
0x5: {  	_ = 	snop  }
0x6: {  	_ = 	snop  }
0x7: {  	_ = 	snop  }
__scs_overlays_trampoline_lowered:
0x8: {  	[smem:$0x3FAD] =	sst s0  }
0x9: {  	[smem:$0x3FAE] =	sst s1  }
0xa: {  	[smem:$0x3FAF] =	sst s2  }
0xb: {  	[smem:$0x3FB0] =	sst s3  }
0xc: {  	[smem:$0x3FB1] =	sst s4  }
0xd: {  	[smem:$0x3FB2] =	sst s5  }
0xe: {  	[smem:$0x3FB3] =	sst s6  }
0xf: {  	[smem:$0x3FB4] =	sst s7  }
0x10: {  	[smem:$0x3FB5] =	sst s8  }
0x11: {  	[smem:$0x3FB6] =	sst s9;
	s0 =	simm.s32 @!p0 $0x0  }
0x12: {  	s1 =	sld [smem:$0x3F9C];
	s0 =	simm.s32 @p0 $0x1  }
0x13: {  	[smem:$0x3FB7] =	sst s0;
	s0 =	simm.s32 @!p1 $0x0  }
0x14: {  	s2 =	sld [smem:$0x3F9B];
	s0 =	simm.s32 @p1 $0x1  }
0x15: {  	[smem:$0x3FB8] =	sst s0;
	s0 =	simm.s32 @!p2 $0x0  }
0x16: {  	s3 =	sld [smem:$0x3FDB];
	s0 =	simm.s32 @p2 $0x1  }
0x17: {  	s4 =	simm.s32 $0x1BF5;
	[smem:$0x3FBA] =	sst s0  }
0x18: {  	s0 =	sld [smem:$0x3F9D];
	_ =	swait.ge [sflag:s4], $0x0  }
0x19: {  	s7 =	sld [smem:$0x3F9E]  }
0x1a: {  	s8 =	sadd.s32 $0xFFFFE003, lr  }
0x1b: {  	s9 =	sadd.s32 $0xFFFFFEF7, lr;
	s5 =	simm.s32 $0xFFFFFFFF;
	p2 =	slt.u32 s8, $0xFFFFF086  }
0x1c: {  	p1 =	slt.u32 s9, $0xF7A;
	s5 =	simm.s32 @!p2 $0x0  }
0x1d: {  	s5 =	simm.s32 @p1 $0x1;
	p0 =	seq.s32 s7, s2  }
0x1e: {  	s7 =	smul.u32 @!p0 $0xF7A, s2;
	p2 =	seq.s32 @!p0 s5, $0x0  }
0x1f: {  	s9 =	smul.u32 $0xF7A, s1;
	s8 =	simm.s32 @!p0 $0x1BF5;
	p2 =	por !p2, p0  }
0x20: {  	[sflag:s8] =	ssyncset.s32 @!p0 $0xFFFFF086;
	s6 =	sadd.s32 @!p0 s3, s7;
	s7 =	simm.s32 @!p0 $0x108  }
0x21: {  	s3 =	sadd.s32 s3, s9;
	s6 =	sadd.s32 @!p0 $0x88, s6;
	s7 =	simm.s32 @p2 $0x1082  }
0x22: {  	[simem:s7], [sflag:s8] =	dma.local @!p0 [hbm:s6], $0xF7A  }
0x23: {  	s9 =	sor.u32 $0xD0000000, s2;
	s6 =	simm.s32 $0x108;
	_ =	swait.ge @!p0 [sflag:s8], $0x0  }
0x24: {  	s3 =	sadd.s32 $0x88, s3;
	s6 =	simm.s32 @!p1 $0x1082;
	[sflag:s4] =	ssyncset.s32 $0xFFFFF086  }
0x25: {  	[simem:s6], [sflag:s4] =	dma.local [hbm:s3], $0xF7A  }
0x26: {  	[smem:$0x3F9E] =	sst s1;
	(tag) =	ssettag s2;
	_ =	strace s9  }
0x27: {  	s1 =	sld [smem:$0x3FAE]  }
0x28: {  	s2 =	sld [smem:$0x3FAF]  }
0x29: {  	s4 =	sld [smem:$0x3FB1]  }
0x2a: {  	p0 =	seq.s32 s5, $0x0;
	s5 =	sld [smem:$0x3FB2]  }
0x2b: {  	s6 =	sld [smem:$0x3FB3]  }
0x2c: {  	s7 =	sld [smem:$0x3FB4]  }
0x2d: {  	s3 =	simm.s32 $0x108;
	s8 =	sld [smem:$0x3FB5]  }
0x2e: {  	s3 =	simm.s32 @!p0 $0x1082;
	s9 =	sld [smem:$0x3FB6]  }
0x2f: {  	lr =	sadd.s32 s0, s3;
	s0 =	sld [smem:$0x3FAD]  }
0x30: {  	s3 =	sld [smem:$0x3FB0]  }
0x31: {  	[smem:$0x3FB9] =	sst s10  }
0x32: {  	s10 =	sld [smem:$0x3FB7];
	_ =	sdelay $0x3  }
0x33: {  	p0 =	seq.s32 s10, $0x1;
	s10 =	sld [smem:$0x3FB9];
	_ =	sdelay $0x3  }
0x34: {  	[smem:$0x3FB9] =	sst s10  }
0x35: {  	s10 =	sld [smem:$0x3FB8];
	_ =	sdelay $0x3  }
0x36: {  	p1 =	seq.s32 s10, $0x1;
	s10 =	sld [smem:$0x3FB9];
	_ =	sdelay $0x3  }
0x37: {  	[smem:$0x3FB9] =	sst s10  }
0x38: {  	s10 =	sld [smem:$0x3FBA]  }
0x39: {  	_ = 	snop;
	(pc) =	sbr.ind lr, $3  }
0x3a: {  	_ = 	snop  }
0x3b: {  	_ = 	snop  }
0x3c: {  	p2 =	seq.s32 s10, $0x1;
	s10 =	sld [smem:$0x3FB9]  }
0x3d: {  	_ =	shalt  }
0x3e: {  	_ =	shalt  }
0x3f: {  	_ =	shalt  }
0x40: {  	_ =	shalt  }
0x41: {  	_ =	shalt  }
0x42: {  	_ =	shalt  }
0x43: {  	_ =	shalt  }
0x44: {  	_ =	shalt  }
0x45: {  	_ =	shalt  }
0x46: {  	_ =	shalt  }
0x47: {  	_ =	shalt  }
0x48: {  	_ =	shalt  }
0x49: {  	_ =	shalt  }
0x4a: {  	_ =	shalt  }
0x4b: {  	_ =	shalt  }
0x4c: {  	_ =	shalt  }
0x4d: {  	_ =	shalt  }
0x4e: {  	_ =	shalt  }
0x4f: {  	_ =	shalt  }
0x50: {  	_ =	shalt  }
0x51: {  	_ =	shalt  }
0x52: {  	_ =	shalt  }
0x53: {  	_ =	shalt  }
0x54: {  	_ =	shalt  }
0x55: {  	_ =	shalt  }
0x56: {  	_ =	shalt  }
0x57: {  	_ =	shalt  }
0x58: {  	_ =	shalt  }
0x59: {  	_ =	shalt  }
0x5a: {  	_ =	shalt  }
0x5b: {  	_ =	shalt  }
0x5c: {  	_ =	shalt  }
0x5d: {  	_ =	shalt  }
0x5e: {  	_ =	shalt  }
0x5f: {  	_ =	shalt  }
0x60: {  	_ =	shalt  }
0x61: {  	_ =	shalt  }
0x62: {  	_ =	shalt  }
0x63: {  	_ =	shalt  }
0x64: {  	_ =	shalt  }
0x65: {  	_ =	shalt  }
0x66: {  	_ =	shalt  }
0x67: {  	_ =	shalt  }
0x68: {  	_ =	shalt  }
0x69: {  	_ =	shalt  }
0x6a: {  	_ =	shalt  }
0x6b: {  	_ =	shalt  }
0x6c: {  	_ =	shalt  }
0x6d: {  	_ =	shalt  }
0x6e: {  	_ =	shalt  }
0x6f: {  	_ =	shalt  }
0x70: {  	_ =	shalt  }
0x71: {  	_ =	shalt  }
0x72: {  	_ =	shalt  }
0x73: {  	_ =	shalt  }
0x74: {  	_ =	shalt  }
0x75: {  	_ =	shalt  }
0x76: {  	_ =	shalt  }
0x77: {  	_ =	shalt  }
0x78: {  	_ =	shalt  }
0x79: {  	_ =	shalt  }
0x7a: {  	_ =	shalt  }
0x7b: {  	_ =	shalt  }
0x7c: {  	_ =	shalt  }
0x7d: {  	_ =	shalt  }
0x7e: {  	_ =	shalt  }
0x7f: {  	_ =	shalt  }
0x80: {  	_ =	shalt  }
0x81: {  	_ =	shalt  }
0x82: {  	_ =	shalt  }
0x83: {  	_ =	shalt  }
0x84: {  	_ =	shalt  }
0x85: {  	_ =	shalt  }
0x86: {  	_ =	shalt  }
0x87: {  	_ =	shalt  }
.Lfunc_end0:
.L_simem_size_0:
called_computation_lowered:
.L_overlay_start_0:
0x88: {  	s2 =	sld [smem:$0x3FD9]  }
0x89: {  	s3 =	sld [smem:$0x3FFE];
	_ =	sdelay $0x1  }
0x8a: {  	s1 =	srdreg.scid  }
0x8b: {  	s0 =	sand.u32 $0x1, s1  }
0x8c: {  	s17 =	sshll.u32 s0, $0xA;
	s2 =	sadd.s32 s3, s2  }
0x8d: {  	s2 =	sadd.s32 s2, s17  }
0x8e: {  	[smem:$0x3FC5] =	sst s2  }
0x8f: {  	_ = 	snop  }
0x90: {  	s2 =	sld [smem:$0x3FD0];
	(tm) =	ssettm $0x1  }
0x91: {  	s18 =	sld [smem:$0x3FFB];
	_ =	sdelay $0x3  }
0x92: {  	_ =	strace s18  }
0x93: {  	s3 =	sld [smem:$0x3FFC];
	_ =	sdelay $0x3  }
0x94: {  	_ =	strace s3  }
0x95: {  	s3 =	sld [smem:$0x3FFD];
	_ =	sdelay $0x3  }
0x96: {  	_ =	strace s3  }
0x97: {  	_ =	strace $0x8FFFFFFF  }
0x98: {  	s19 =	sld [smem:$0x3FDB];
	_ =	sdelay $0x1  }
0x99: {  	s4 =	simm.s32 $_scs_section_size  }
0x9a: {  	s5 =	simm.s32 $_size__tile_overlayer_lowered;
	s6 =	simm.s32 $_tile_overlayer_lowered  }
0x9b: {  	s22 =	simm.s32 $0x1BFF;
	s21 =	sshll.u32 s6, $0x1;
	s3 =	sadd.s32 s4, s19  }
0x9c: {  	s7 =	simm.s32 $0x0;
	s20 =	sshll.u32 s5, $0x1;
	s5 =	sadd.s32 s21, s3  }
0x9d: {  	[timem:s7], [sflag:s22] =	dma.local [hbm:s5], s20  }
0x9e: {  	_ =	swait.ge [sflag:s22], s20  }
0x9f: {  	s4 =	ssub.s32 $0x0, s20;
	[sflag:s22] =	ssyncset.done $0x0  }
0xa0: {  	[sflag:s22] =	ssyncadd.s32 s4;
	_ =	sdelay $0x1  }
0xa1: {  	s23 =	simm.s32 $0x1B8B  }
0xa2: {  	_ =	swait.ge [sflag:s23], $0x1  }
0xa3: {  	[sflag:s23] =	ssyncset.done $0x0  }
0xa4: {  	s25 =	simm.s32 $0x1B8E;
	s24 =	sld [smem:$0x3FFE];
	[sflag:s23] =	ssyncadd.s32 $0xFFFFFFFF  }
0xa5: {  	s26 =	simm.s32 $execute0_lowered;
	[smem:$0x3FD2] =	sst s25  }
0xa6: {  	s5 =	sshll.u32 s26, $0x1;
	_ =	strace $0x80000046;
	[dreg:$0x1] =	wrdreg $0xFFFFFFFF  }
0xa7: {  	s28 =	simm.s32 $_size_execute0_lowered;
	s3 =	sadd.s32 s3, s5;
	[dreg:$0x0] =	wrdreg $0x0  }
0xa8: {  	s5 =	sshll.u32 s28, $0x1;
	[dreg:$0x2] =	wrdreg s3  }
0xa9: {  	[dreg:$0x3] =	wrdreg s5  }
0xaa: {  	[dreg:$0x4] =	wrdreg $0xC0  }
0xab: {  	_ =	task [dreg:s7], $0x5FFFF  }
0xac: {  	[dreg:$0x1] =	wrdreg $0xFFFFFFFF  }
0xad: {  	[dreg:$0x0] =	wrdreg $0x60  }
0xae: {  	[dreg:$0x2] =	wrdreg s24  }
0xaf: {  	[dreg:$0x3] =	wrdreg s2  }
0xb0: {  	[dreg:$0x4] =	wrdreg $0x9  }
0xb1: {  	_ =	task.clear_ibuf [dreg:s7], $0x5FFFF;
	_ =	strace $0x90000046  }
0xb2: {  	s29 =	simm.s32 $0x9;
	_ =	strace $0x80000048  }
0xb3: {  	_ =	swait.ge [sflag:s29], $0x1  }
0xb4: {  	[sflag:s29] =	ssyncadd.s32 $0xFFFFFFFF  }
0xb5: {  	_ =	strace $0x90000048  }
0xb6: {  	_ =	sfence  }
0xb7: {  	s30 =	sld [smem:$0x0];
	_ =	sdelay $0x2  }
0xb8: {  	s31 =	sshll.u32 s1, $0xD;
	s1 =	sshrl.u32 s1, $0x2  }
0xb9: {  	s3 =	sand.u32 $0x4000, s31;
	s1 =	sadd.s32 s1, s30  }
0xba: {  	s0 =	sor.u32 s3, s0;
	s1 =	sshll.u32 s1, $0x11  }
0xbb: {  	s0 =	sor.u32 s1, s0  }
0xbc: {  	s0 =	sadd.s32 $0x8F2B, s0  }
0xbd: {  	[sflag:s0] =	ssyncadd.remote.s32 $0x1  }
0xbe: {  	_ =	sfence.sel $0xFFFF  }
0xbf: {  	[dreg:$0x0] =	wrdreg $0xFFFFFFFF;
	(pc) =	sbr.abs _section_cstart, $3  }
0xc0: {  	[dreg:$0x1] =	wrdreg $0xFFFFFFFF  }
0xc1: {  	_ =	task.clear_ibuf [dreg:s7], $0x2FFFF;
	_ =	strace $0x9FFFFFFF  }
0xc2: {  	(tm) =	ssettm $0x7FFFFFFF  }
0xc3: {  	_ =	shalt  }
tec
execute0_lowered:
.L_overlay_start_1:
0x0: {  	(tag) =	ssettag $0x1  }
0x1: {  	s0 =	srdreg.scid;
	s15 =	stileid.u32  }
0x2: {  	s0 =	sand.u32 $0x1, s0;
	s1 =	sshll.u32 s15, $0x1  }
0x3: {  	s1 =	sor.u32 s0, s1  }
0x4: {  	s2 =	smul.u32 $0x60002, s1;
	_ =	sdelay $0x1  }
0x5: {  	s3 =	sand.u32 $0xFFFC, s2  }
0x6: {  	s2 =	sshll.u32 s2, $0xE;
	s3 =	sshrl.u32 s3, $0x2  }
0x7: {  	s2 =	sor.u32 s2, s3  }
0x8: {  	s8 =	rddreg [dreg:$0x0];
	s2 =	sand.u32 $0xBFFF, s2  }
0x9: {  	s13 =	smul.u32 $0x1C, s15;
	p0 =	seq.s32 s1, $0x0;
	p1 =	sgt.u32 s2, $0x924  }
0xa: {  	s29 =	simm.s32 $0xFC00;
	s17 =	smul.u32 $0x8006, s1;
	p0 =	por !p0, !p1  }
0xb: {  	s25 =	smul.u32 $0xC40, s15;
	s3 =	simm.s32 $0x1;
	p0 =	por !p0, !p0  }
0xc: {  	s24 =	smul.u32 $0xE, s0;
	s2 =	sshrl.u32 s17, $0x10;
	s3 =	simm.s32 @!p0 $0x0  }
0xd: {  	s22 =	ssub.s32 $0x2, s0;
	s0 =	smul.u32 $0x620, s0;
	s7 =	ssub.s32 s2, s3  }
0xe: {  	s23 =	sshrl.u32 s22, $0x1;
	s13 =	sadd.s32 s24, s13;
	s2 =	sshrl.u32 s7, $0xC  }
0xf: {  	s0 =	sadd.s32 s0, s25;
	s3 =	sand.u32 $0x7, s7;
	s2 =	sand.u32 $0x7, s2  }
0x10: {  	p5 =	slt.s32 s7, $0x1;
	p6 =	sne.s32 s3, $0x0;
	s2 =	sadd.s32 s2, s7  }
0x11: {  	s17 =	simm.s32 $0x1500;
	p0 =	por !p5, !p6;
	s2 =	sshll.u32 s2, $0x18  }
0x12: {  	s3 =	simm.s32 $0x1;
	p0 =	por !p0, !p0;
	s2 =	sshra.s32 s2, $0x1B  }
0x13: {  	s19 =	smul.u32 $0xFFFFFFE4, s7;
	s3 =	simm.s32 @!p0 $0x0;
	s4 =	sand.u32 $0xFF, s2  }
0x14: {  	s12 =	smul.u32 $0x12600, s7;
	s2 =	rddreg [dreg:$0x1];
	s5 =	ssub.s32 s4, s3  }
0x15: {  	s3 =	simm.s32 $0x0;
	s4 =	smul.u32 $0xE, s1;
	s6 =	sshll.u32 s5, $0x3  }
0x16: {  	[smem:$0x7FF] =	sst s3;
	s10 =	smul.u32 $0x1C, s5;
	s18 =	ssub.s32 s7, s6  }
0x17: {  	_ =	strace $0x80000047;
	s11 =	sadd.s32 s4, s19;
	[dreg:$0x4] =	wrdreg s13  }
0x18: {  	s6 =	sadd.s32 $0x1600, s8;
	s13 =	smul.u32 $0x70, s13;
	[dreg:$0x9] =	wrdreg s0  }
0x19: {  	s19 =	simm.s32 $0x3480;
	s9 =	sshll.u32 s18, $0x2;
	s20 =	sadd.s32 s11, s10  }
0x1a: {  	s21 =	smul.u32 $0xA80, s11;
	s9 =	sadd.s32 s5, s9;
	s5 =	sadd.s32 $0x26200, s8  }
0x1b: {  	s7 =	sshll.u32 s20, $0x3;
	s31 =	sadd.s32 $0x70, s13;
	s9 =	smul.u32 $0x1C, s9  }
0x1c: {  	s1 =	sadd.s32 s18, s7;
	s7 =	sadd.s32 $0x4AE00, s8;
	s8 =	simm.s32 $0x1  }
0x1d: {  	s10 =	sadd.s32 s12, s21;
	[dreg:$0xa] =	wrdreg s31;
	s1 =	smul.u32 $0xA80, s1  }
0x1e: {  	s10 =	sshrl.u32 s10, $0x3;
	s9 =	sadd.s32 s11, s9;
	s11 =	ssub.s32 s22, s23  }
0x1f: {  	s10 =	sadd.s32 s6, s10;
	s9 =	smul.u32 $0xA80, s9;
	s1 =	sshrl.u32 s1, $0x3  }
0x20: {  	[dreg:$0x5] =	wrdreg s10;
	s30 =	smax.u32 s11, $0x1;
	s1 =	sadd.s32 s5, s1  }
0x21: {  	[dreg:$0x8] =	wrdreg s30;
	s14 =	sadd.s32 $0x24C00, s9;
	s9 =	sshrl.u32 s9, $0x3  }
0x22: {  	[dreg:$0x3] =	wrdreg s1;
	s26 =	sshrl.u32 s14, $0x3;
	s9 =	sadd.s32 s7, s9  }
0x23: {  	s18 =	simm.s32 $0x2A00;
	[dreg:$0x6] =	wrdreg s9;
	s28 =	sadd.s32 s7, s26  }
0x24: {  	s1 =	simm.s32 $0x0;
	s26 =	simm.s32 $0x2;
	[dreg:$0x7] =	wrdreg s28  }
.LBB2_1:
0x25: {  	[dreg:$0xb] =	wrdreg s1  }
0x26: {  	s0 =	rddreg [dreg:$0x3]  }
0x27: {  	s28 =	rddreg [dreg:$0x5]  }
0x28: {  	s30 =	rddreg [dreg:$0x6]  }
0x29: {  	s31 =	rddreg [dreg:$0x7]  }
0x2a: {  	[tilespmem:s3], [sflag:$0x1] =	stream.linear.gather [hbm4b:s0+s3], $0xA80, $0x38;
	[tilespmem:$0x13400] =	vst v63  }
0x2b: {  	s16 =	rddreg [dreg:$0xa]  }
0x2c: {  	[tilespmem:s17], [sflag:$0x1] =	stream.linear.gather [hbm4b:s28+s3], $0xA80, $0x38;
	[tilespmem:$0x13400] =	vst v63  }
0x2d: {  	s10 =	rddreg [dreg:$0x4]  }
0x2e: {  	[tilespmem:s18], [sflag:$0x1] =	stream.linear.gather [hbm4b:s30+s3], $0xA80, $0x38;
	[tilespmem:$0x13400] =	vst v63  }
0x2f: {  	s15 =	rddreg [dreg:$0x9];
	s12 =	simm.s32 $0x0  }
0x30: {  	[tilespmem:s19], [sflag:$0x1] =	stream.linear.gather [hbm4b:s31+s3], $0xA80, $0x38;
	[tilespmem:$0x13400] =	vst v63  }
.LBB2_2:
0x31: {  	s0 =	sshll.u32 s12, $0x1  }
0x32: {  	s11 =	sadd.s32 s4, s0  }
0x33: {  	s1 =	smulhi.u32 $0x92492493, s11;
	_ =	sdelay $0x1  }
0x34: {  	s0 =	sshrl.u32 s1, $0x4  }
0x35: {  	s9 =	sand.u32 $0x7, s0  }
0x36: {  	p0 =	slt.u32 s11, $0x1C;
	p1 =	sne.s32 s9, $0x0  }
0x37: {  	p0 =	por !p0, !p1  }
0x38: {  	s9 =	simm.s32 $0x1;
	p0 =	por !p0, !p0  }
0x39: {  	s1 =	sshrl.u32 s1, $0x7;
	s13 =	smul.u32 $0xFFFFFFE4, s0;
	s9 =	simm.s32 @!p0 $0x0  }
0x3a: {  	s1 =	ssub.s32 s1, s9  }
0x3b: {  	s9 =	sadd.s32 s11, s13;
	s14 =	smul.u32 $0x1C, s1  }
0x3c: {  	s13 =	sadd.s32 $0x1, s9  }
0x3d: {  	s20 =	sshll.u32 s1, $0x3;
	s14 =	sadd.s32 s13, s14  }
0x3e: {  	s21 =	smul.u32 $0x12600, s0;
	s20 =	ssub.s32 s0, s20;
	s14 =	sshll.u32 s14, $0x3  }
0x3f: {  	s22 =	smul.u32 $0xA80, s13;
	s14 =	sadd.s32 s20, s14;
	s20 =	sshll.u32 s20, $0x2  }
0x40: {  	s14 =	smul.u32 $0xA80, s14;
	s20 =	sadd.s32 s1, s20  }
0x41: {  	s20 =	smul.u32 $0x1C, s20  }
0x42: {  	s23 =	simm.s32 $0xA80;
	s21 =	sadd.s32 s21, s22;
	s14 =	sshrl.u32 s14, $0x3  }
0x43: {  	s25 =	sshrl.u32 s21, $0x3;
	s14 =	sadd.s32 s5, s14;
	s24 =	sadd.s32 s13, s20  }
0x44: {  	[tilespmem:s23], [sflag:$0x2] =	stream.linear.gather [hbm4b:s14+s3], $0xA80, $0x38;
	[tilespmem:$0x13400] =	vst v63  }
0x45: {  	s28 =	simm.s32 $0x1F80;
	s20 =	sadd.s32 s6, s25;
	s14 =	smul.u32 $0xA80, s24  }
0x46: {  	[tilespmem:s28], [sflag:$0x2] =	stream.linear.gather [hbm4b:s20+s3], $0xA80, $0x38;
	[tilespmem:$0x13400] =	vst v63  }
0x47: {  	s21 =	sshrl.u32 s14, $0x3;
	s14 =	sadd.s32 $0x24C00, s14  }
0x48: {  	s22 =	simm.s32 $0x3F00;
	s20 =	sadd.s32 s7, s21;
	s14 =	sshrl.u32 s14, $0x3  }
0x49: {  	[tilespmem:s22], [sflag:$0x2] =	stream.linear.gather [hbm4b:s20+s3], $0xA80, $0x38;
	[tilespmem:$0x13400] =	vst v63  }
0x4a: {  	s23 =	simm.s32 $0x4980;
	s14 =	sadd.s32 s7, s14  }
0x4b: {  	[tilespmem:s23], [sflag:$0x2] =	stream.linear.gather [hbm4b:s14+s3], $0xA80, $0x38;
	[tilespmem:$0x13400] =	vst v63  }
0x4c: {  	_ =	swait.ge [sflag:s8], $0xA80  }
0x4d: {  	[sflag:s8] =	ssyncset.done $0x0  }
0x4e: {  	[sflag:s8] =	ssyncadd.s32 $0xFFFFF580  }
0x4f: {  	_ =	swait.ge [sflag:s8], $0xA80  }
0x50: {  	[sflag:s8] =	ssyncset.done $0x0  }
0x51: {  	[sflag:s8] =	ssyncadd.s32 $0xFFFFF580  }
0x52: {  	_ =	swait.ge [sflag:s8], $0xA80  }
0x53: {  	[sflag:s8] =	ssyncset.done $0x0  }
0x54: {  	[sflag:s8] =	ssyncadd.s32 $0xFFFFF580  }
0x55: {  	_ =	swait.ge [sflag:s8], $0xA80  }
0x56: {  	p0 =	seq.s32 s12, $0x0;
	[sflag:s8] =	ssyncset.done $0x0  }
0x57: {  	s20 =	simm.s32 @!p0 $0x3;
	[sflag:s8] =	ssyncadd.s32 $0xFFFFF580  }
0x58: {  	_ =	swait.ge @!p0 [sflag:s20], $0x3800  }
0x59: {  	[sflag:s20] =	ssyncset.done @!p0 $0x0  }
0x5a: {  	[sflag:s20] =	ssyncadd.s32 @!p0 $0xFFFFC800  }
0x5b: {  	_ =	swait.ge @!p0 [sflag:s20], $0x3800  }
0x5c: {  	[sflag:s20] =	ssyncset.done @!p0 $0x0  }
0x5d: {  	s24 =	sshrl.u32 s10, $0x2;
	[sflag:s20] =	ssyncadd.s32 @!p0 $0xFFFFC800;
	s20 =	simm.s32 $0x0  }
0x5e: {  	s14 =	smulhi.u32 $0x24924925, s24;
	v2 =	vld [tilespmem:s20+$0x2A00]  }
0x5f: {  	v3 =	vld [tilespmem:s20+$0x1500]  }
0x60: {  	s25 =	smul.u32 $0xC40, s14  }
0x61: {  	s1 =	sshll.u32 s1, $0x4;
	s28 =	sshll.u32 s0, $0x1;
	v4 =	vld [tilespmem:s20+$0x0]  }
0x62: {  	s31 =	ssub.s32 s28, s1;
	s22 =	ssub.s32 s15, s25  }
0x63: {  	v0 =	vmov s31;
	v1 =	vmov s22  }
0x64: {  	v5 =	vsub.s32 v2, v1;
	vm0 =	veq.s32 v3, v0;
	vm1 =	veq.s32 v2, s22  }
0x65: {  	vm2 =	veq.s32 v5, $0x1;
	vm1 =	vmand vm0, vm1  }
0x66: {  	s1 =	simm.s32 $0x70D0;
	vm3 =	veq.s32 v5, $0x39;
	vm2 =	vmand vm0, vm2;
	v2 =	vnsel vm1, $0x0, v4  }
0x67: {  	vm8 =	veq.s32 v5, $0x38;
	vm9 =	vmand vm0, vm3;
	v3 =	vnsel vm2, $0x0, v4;
	[tilespmem:s1+$0xFFFFE330] =	vst v2  }
0x68: {  	vm0 =	vmand vm0, vm8;
	v2 =	vnsel vm9, $0x0, v4;
	[tilespmem:s1+$0xFFFFE3B0] =	vst v3  }
0x69: {  	v3 =	vnsel vm0, $0x0, v4;
	[tilespmem:s1+$0xFFFFFFB0] =	vst v2  }
0x6a: {  	[tilespmem:s1+$0xFFFFFF30] =	vst v3  }
0x6b: {  	v2 =	vld [tilespmem:s20+$0x2A10]  }
0x6c: {  	v3 =	vld [tilespmem:s20+$0x1510];
	_ =	sdelay $0x1  }
0x6d: {  	v4 =	vld [tilespmem:s20+$0x10];
	_ =	sdelay $0x2  }
0x6e: {  	v5 =	vsub.s32 v2, v1;
	vm11 =	veq.s32 v3, v0;
	vm12 =	veq.s32 v2, s22  }
0x6f: {  	vm10 =	veq.s32 v5, $0x1;
	vm2 =	vmand vm11, vm12  }
0x70: {  	vm13 =	veq.s32 v5, $0x38;
	vm0 =	vmand vm11, vm10;
	v3 =	vnsel vm2, $0x0, v4  }
0x71: {  	vm14 =	veq.s32 v5, $0x39;
	vm3 =	vmand vm11, vm13;
	v2 =	vnsel vm0, $0x0, v4;
	[tilespmem:s1+$0xFFFFE340] =	vst v3  }
0x72: {  	vm0 =	vmand vm11, vm14;
	[tilespmem:s1+$0xFFFFE3C0] =	vst v2;
	v2 =	vnsel vm3, $0x0, v4  }
0x73: {  	v3 =	vnsel vm0, $0x0, v4;
	[tilespmem:s1+$0xFFFFFF40] =	vst v2  }
0x74: {  	[tilespmem:s1+$0xFFFFFFC0] =	vst v3  }
0x75: {  	v2 =	vld [tilespmem:s20+$0x2A20]  }
0x76: {  	v3 =	vld [tilespmem:s20+$0x1520];
	_ =	sdelay $0x1  }
0x77: {  	v4 =	vld [tilespmem:s20+$0x20];
	_ =	sdelay $0x2  }
0x78: {  	v5 =	vsub.s32 v2, v1;
	vm15 =	veq.s32 v3, v0;
	vm6 =	veq.s32 v2, s22  }
0x79: {  	vm7 =	veq.s32 v5, $0x38;
	vm1 =	vmand vm15, vm6  }
0x7a: {  	vm8 =	veq.s32 v5, $0x39;
	vm2 =	vmand vm15, vm7;
	v2 =	vnsel vm1, $0x0, v4  }
0x7b: {  	vm9 =	veq.s32 v5, $0x1;
	vm10 =	vmand vm15, vm8;
	v3 =	vnsel vm2, $0x0, v4;
	[tilespmem:s1+$0xFFFFE350] =	vst v2  }
0x7c: {  	vm0 =	vmand vm15, vm9;
	v2 =	vnsel vm10, $0x0, v4;
	[tilespmem:s1+$0xFFFFFF50] =	vst v3  }
0x7d: {  	v3 =	vnsel vm0, $0x0, v4;
	[tilespmem:s1+$0xFFFFFFD0] =	vst v2  }
0x7e: {  	[tilespmem:s1+$0xFFFFE3D0] =	vst v3  }
0x7f: {  	v2 =	vld [tilespmem:s20+$0x2A30]  }
0x80: {  	v3 =	vld [tilespmem:s20+$0x1530];
	_ =	sdelay $0x1  }
0x81: {  	v4 =	vld [tilespmem:s20+$0x30];
	_ =	sdelay $0x2  }
0x82: {  	v5 =	vsub.s32 v2, v1;
	vm11 =	veq.s32 v3, v0;
	vm12 =	veq.s32 v2, s22  }
0x83: {  	vm13 =	veq.s32 v5, $0x1;
	vm1 =	vmand vm11, vm12  }
0x84: {  	vm14 =	veq.s32 v5, $0x38;
	vm2 =	vmand vm11, vm13;
	v2 =	vnsel vm1, $0x0, v4  }
0x85: {  	vm15 =	veq.s32 v5, $0x39;
	vm3 =	vmand vm11, vm14;
	v3 =	vnsel vm2, $0x0, v4;
	[tilespmem:s1+$0xFFFFE360] =	vst v2  }
0x86: {  	vm0 =	vmand vm11, vm15;
	v2 =	vnsel vm3, $0x0, v4;
	[tilespmem:s1+$0xFFFFE3E0] =	vst v3  }
0x87: {  	v3 =	vnsel vm0, $0x0, v4;
	[tilespmem:s1+$0xFFFFFF60] =	vst v2  }
0x88: {  	[tilespmem:s1+$0xFFFFFFE0] =	vst v3  }
0x89: {  	v3 =	vld [tilespmem:s20+$0x2A40]  }
0x8a: {  	s21 =	simm.s32 $0x70D0;
	s23 =	simm.s32 $0x180;
	v4 =	vld [tilespmem:s20+$0x1540]  }
0x8b: {  	s14 =	ssub.s32 s16, s25;
	s24 =	smov.u32 s22;
	s30 =	smov.u32 s22;
	v2 =	vld [tilespmem:s20+$0x40]  }
.LBB2_3:
0x8c: {  	p1 =	seq.s32 s23, $0x2880;
	s24 =	sadd.s32 $0x2, s24;
	s1 =	sadd.s32 $0x100, s1  }
0x8d: {  	s25 =	smov.u32 s23;
	s23 =	sadd.s32 $0x180, s23  }
0x8e: {  	v5 =	vsub.s32 v3, v1;
	vm0 =	veq.s32 v3, s30  }
0x8f: {  	vm1 =	veq.s32 v4, v0;
	vm2 =	veq.s32 v5, $0x1;
	vm3 =	veq.s32 v5, $0x38  }
0x90: {  	vm0 =	vmand vm1, vm0;
	vm2 =	vmand vm1, vm2;
	vm3 =	vmand vm1, vm3  }
0x91: {  	v3 =	vnsel vm0, $0x0, v2;
	v4 =	vnsel vm2, $0x0, v2;
	v6 =	vnsel vm3, $0x0, v2  }
0x92: {  	vm0 =	veq.s32 v5, $0x39;
	[tilespmem:s21+$0xFFFFE370] =	vst v3  }
0x93: {  	vm0 =	vmand vm1, vm0;
	[tilespmem:s21+$0xFFFFFF70] =	vst v6  }
0x94: {  	v2 =	vnsel vm0, $0x0, v2;
	[tilespmem:s21+$0xFFFFE3F0] =	vst v4  }
0x95: {  	[tilespmem:s21+$0xFFFFFFF0] =	vst v2  }
0x96: {  	v2 =	vld [tilespmem:s20+$0x2A50]  }
0x97: {  	v3 =	vld [tilespmem:s20+$0x1550]  }
0x98: {  	v4 =	vld [tilespmem:s20+$0x50];
	_ =	sdelay $0x2  }
0x99: {  	v1 =	vsub.s32 v2, v1  }
0x9a: {  	vm0 =	veq.s32 v1, $0x1;
	vm1 =	veq.s32 v1, $0x38;
	vm2 =	veq.s32 v1, $0x39  }
0x9b: {  	vm4 =	veq.s32 v2, s30;
	s30 =	smov.u32 s24;
	vm3 =	veq.s32 v3, v0  }
0x9c: {  	vm4 =	vmand vm3, vm4;
	vm0 =	vmand vm3, vm0;
	vm1 =	vmand vm3, vm1  }
0x9d: {  	v1 =	vnsel vm4, $0x0, v4;
	v2 =	vnsel vm0, $0x0, v4;
	vm0 =	vmand vm3, vm2  }
0x9e: {  	v3 =	vnsel vm0, $0x0, v4;
	[tilespmem:s21+$0xFFFFE380] =	vst v1;
	v1 =	vnsel vm1, $0x0, v4  }
0x9f: {  	[tilespmem:s21+$0xFFFFE400] =	vst v2  }
0xa0: {  	[tilespmem:s21+$0xFFFFFF80] =	vst v1  }
0xa1: {  	s20 =	sshra.s32 s25, $0x2;
	[tilespmem:s21+$0x0] =	vst v3;
	s21 =	smov.u32 s1  }
0xa2: {  	v2 =	vld [tilespmem:s20+$0x2A00]  }
0xa3: {  	v3 =	vld [tilespmem:s20+$0x1500];
	_ =	sdelay $0x2  }
0xa4: {  	v1 =	vmov s24;
	v4 =	vld [tilespmem:s20+$0x0]  }
0xa5: {  	v5 =	vsub.s32 v2, v1  }
0xa6: {  	vm0 =	veq.s32 v5, $0x1;
	vm1 =	veq.s32 v5, $0x38;
	vm2 =	veq.s32 v5, $0x39  }
0xa7: {  	vm4 =	veq.s32 v2, s24;
	vm3 =	veq.s32 v3, v0  }
0xa8: {  	vm4 =	vmand vm3, vm4;
	vm0 =	vmand vm3, vm0;
	vm1 =	vmand vm3, vm1  }
0xa9: {  	v2 =	vnsel vm4, $0x0, v4;
	v3 =	vnsel vm0, $0x0, v4;
	vm0 =	vmand vm3, vm2  }
0xaa: {  	[tilespmem:s1+$0xFFFFE330] =	vst v2;
	v2 =	vnsel vm1, $0x0, v4;
	v4 =	vnsel vm0, $0x0, v4  }
0xab: {  	[tilespmem:s1+$0xFFFFE3B0] =	vst v3  }
0xac: {  	[tilespmem:s1+$0xFFFFFFB0] =	vst v4  }
0xad: {  	[tilespmem:s1+$0xFFFFFF30] =	vst v2  }
0xae: {  	v2 =	vld [tilespmem:s20+$0x2A10]  }
0xaf: {  	v3 =	vld [tilespmem:s20+$0x1510];
	_ =	sdelay $0x2  }
0xb0: {  	v4 =	vld [tilespmem:s20+$0x10]  }
0xb1: {  	v5 =	vsub.s32 v2, v1  }
0xb2: {  	vm0 =	veq.s32 v5, $0x1;
	vm1 =	veq.s32 v5, $0x38;
	vm2 =	veq.s32 v5, $0x39  }
0xb3: {  	vm4 =	veq.s32 v2, s24;
	vm3 =	veq.s32 v3, v0  }
0xb4: {  	vm4 =	vmand vm3, vm4;
	vm0 =	vmand vm3, vm0;
	vm1 =	vmand vm3, vm1  }
0xb5: {  	v2 =	vnsel vm4, $0x0, v4;
	v3 =	vnsel vm0, $0x0, v4;
	vm0 =	vmand vm3, vm2  }
0xb6: {  	[tilespmem:s1+$0xFFFFE3C0] =	vst v3;
	v3 =	vnsel vm1, $0x0, v4;
	v4 =	vnsel vm0, $0x0, v4  }
0xb7: {  	[tilespmem:s1+$0xFFFFE340] =	vst v2  }
0xb8: {  	[tilespmem:s1+$0xFFFFFF40] =	vst v3  }
0xb9: {  	[tilespmem:s1+$0xFFFFFFC0] =	vst v4  }
0xba: {  	v2 =	vld [tilespmem:s20+$0x2A20]  }
0xbb: {  	v3 =	vld [tilespmem:s20+$0x1520];
	_ =	sdelay $0x2  }
0xbc: {  	v4 =	vld [tilespmem:s20+$0x20]  }
0xbd: {  	v5 =	vsub.s32 v2, v1  }
0xbe: {  	vm0 =	veq.s32 v5, $0x1;
	vm1 =	veq.s32 v5, $0x38;
	vm2 =	veq.s32 v5, $0x39  }
0xbf: {  	vm4 =	veq.s32 v2, s24;
	vm3 =	veq.s32 v3, v0  }
0xc0: {  	vm4 =	vmand vm3, vm4;
	vm0 =	vmand vm3, vm0;
	vm1 =	vmand vm3, vm1  }
0xc1: {  	v2 =	vnsel vm4, $0x0, v4;
	v3 =	vnsel vm1, $0x0, v4;
	vm1 =	vmand vm3, vm2  }
0xc2: {  	[tilespmem:s1+$0xFFFFE350] =	vst v2;
	v2 =	vnsel vm0, $0x0, v4;
	v4 =	vnsel vm1, $0x0, v4  }
0xc3: {  	[tilespmem:s1+$0xFFFFFF50] =	vst v3  }
0xc4: {  	[tilespmem:s1+$0xFFFFFFD0] =	vst v4  }
0xc5: {  	[tilespmem:s1+$0xFFFFE3D0] =	vst v2  }
0xc6: {  	v2 =	vld [tilespmem:s20+$0x2A30]  }
0xc7: {  	v3 =	vld [tilespmem:s20+$0x1530]  }
0xc8: {  	v4 =	vld [tilespmem:s20+$0x30];
	_ =	sdelay $0x2  }
0xc9: {  	v5 =	vsub.s32 v2, v1  }
0xca: {  	vm0 =	veq.s32 v5, $0x1;
	vm1 =	veq.s32 v5, $0x38;
	vm2 =	veq.s32 v5, $0x39  }
0xcb: {  	vm4 =	veq.s32 v2, s24;
	vm3 =	veq.s32 v3, v0  }
0xcc: {  	vm4 =	vmand vm3, vm4;
	vm0 =	vmand vm3, vm0;
	vm1 =	vmand vm3, vm1  }
0xcd: {  	v2 =	vnsel vm4, $0x0, v4;
	v3 =	vnsel vm0, $0x0, v4;
	vm0 =	vmand vm3, vm2  }
0xce: {  	[tilespmem:s1+$0xFFFFE360] =	vst v2;
	v2 =	vnsel vm1, $0x0, v4;
	v4 =	vnsel vm0, $0x0, v4  }
0xcf: {  	[tilespmem:s1+$0xFFFFE3E0] =	vst v3  }
.Ltmp0:
0xd0: {  	[tilespmem:s1+$0xFFFFFF60] =	vst v2;
	(pc) =	sbr.rel @!p1 .LBB2_3-.Ltmp0, $4  }
0xd1: {  	[tilespmem:s1+$0xFFFFFFE0] =	vst v4  }
0xd2: {  	v3 =	vld [tilespmem:s20+$0x2A40]  }
0xd3: {  	v4 =	vld [tilespmem:s20+$0x1540]  }
0xd4: {  	v2 =	vld [tilespmem:s20+$0x40]  }
0xd5: {  	_ =	sdelay $0x2  }
0xd6: {  	v5 =	vsub.s32 v3, v1;
	vm0 =	veq.s32 v3, s30;
	vm1 =	veq.s32 v4, v0  }
0xd7: {  	vm2 =	veq.s32 v5, $0x38;
	vm0 =	vmand vm1, vm0  }
0xd8: {  	vm3 =	veq.s32 v5, $0x1;
	vm2 =	vmand vm1, vm2;
	v3 =	vnsel vm0, $0x0, v2  }
0xd9: {  	vm9 =	veq.s32 v5, $0x39;
	vm8 =	vmand vm1, vm3;
	v63 =	vnsel vm2, $0x0, v2;
	[tilespmem:s21+$0xFFFFE370] =	vst v3  }
0xda: {  	vm10 =	vmand vm1, vm9;
	v3 =	vnsel vm8, $0x0, v2;
	[tilespmem:s21+$0xFFFFFF70] =	vst v63  }
0xdb: {  	v2 =	vnsel vm10, $0x0, v2;
	[tilespmem:s21+$0xFFFFE3F0] =	vst v3  }
0xdc: {  	[tilespmem:s21+$0xFFFFFFF0] =	vst v2  }
0xdd: {  	v2 =	vld [tilespmem:s20+$0x2A50]  }
0xde: {  	v3 =	vld [tilespmem:s20+$0x1550];
	_ =	sdelay $0x1  }
0xdf: {  	v4 =	vld [tilespmem:s20+$0x50];
	_ =	sdelay $0x2  }
0xe0: {  	v1 =	vsub.s32 v2, v1;
	vm11 =	veq.s32 v3, v0;
	vm12 =	veq.s32 v2, s30  }
0xe1: {  	vm13 =	veq.s32 v1, $0x1;
	vm1 =	vmand vm11, vm12  }
0xe2: {  	vm14 =	veq.s32 v1, $0x38;
	vm2 =	vmand vm11, vm13;
	v2 =	vnsel vm1, $0x0, v4  }
0xe3: {  	vm15 =	veq.s32 v1, $0x39;
	vm3 =	vmand vm11, vm14;
	v1 =	vnsel vm2, $0x0, v4;
	[tilespmem:s21+$0xFFFFE380] =	vst v2  }
0xe4: {  	vm0 =	vmand vm11, vm15;
	v2 =	vnsel vm3, $0x0, v4;
	[tilespmem:s21+$0xFFFFE400] =	vst v1  }
0xe5: {  	s31 =	sor.u32 $0x1, s31;
	s1 =	simm.s32 $0x34D0;
	s23 =	simm.s32 $0x1530;
	v1 =	vnsel vm0, $0x0, v4;
	[tilespmem:s21+$0xFFFFFF80] =	vst v2  }
0xe6: {  	s24 =	simm.s32 $0x0;
	s20 =	simm.s32 $0x0;
	[tilespmem:s21+$0x0] =	vst v1;
	v1 =	vmov s31;
	s21 =	simm.s32 $0x30  }
.LBB2_5:
0xe7: {  	v2 =	vld [tilespmem:s23+$0xFFFFFFD0];
	s25 =	sand.u32 $0xFE0, s20  }
0xe8: {  	v3 =	vld [tilespmem:s25+$0x3480];
	_ =	sdelay $0x1  }
0xe9: {  	v4 =	vld [tilespmem:s21+$0xFFFFFFD0];
	_ =	sdelay $0x1  }
0xea: {  	v5 =	vmov s22  }
0xeb: {  	vm0 =	veq.s32 v2, v1;
	v6 =	vsub.s32 v3, v5;
	vm1 =	veq.s32 v3, s22  }
0xec: {  	vm1 =	vmand vm0, vm1;
	vm2 =	veq.s32 v6, $0x1  }
0xed: {  	s30 =	sshra.s32 s24, $0x2;
	vm14 =	veq.s32 v6, $0x38;
	v2 =	vnsel vm1, $0x0, v4;
	vm13 =	vmand vm0, vm2  }
0xee: {  	vm4 =	veq.s32 v6, $0x39;
	vm15 =	vmand vm0, vm14;
	[tilespmem:s30+$0x8C00] =	vst v2;
	v2 =	vnsel vm13, $0x0, v4  }
0xef: {  	vm0 =	vmand vm0, vm4;
	[tilespmem:s30+$0x8C80] =	vst v2;
	v2 =	vnsel vm15, $0x0, v4  }
0xf0: {  	[tilespmem:s30+$0xA800] =	vst v2;
	v2 =	vnsel vm0, $0x0, v4  }
0xf1: {  	[tilespmem:s30+$0xA880] =	vst v2  }
0xf2: {  	v2 =	vld [tilespmem:s23+$0xFFFFFFE0]  }
0xf3: {  	v3 =	vld [tilespmem:s1+$0xFFFFFFC0];
	_ =	sdelay $0x1  }
0xf4: {  	v55 =	vld [tilespmem:s21+$0xFFFFFFE0];
	_ =	sdelay $0x2  }
0xf5: {  	v56 =	vsub.s32 v3, v5;
	vm5 =	veq.s32 v2, v1;
	vm6 =	veq.s32 v3, s22  }
0xf6: {  	vm1 =	vmand vm5, vm6;
	vm7 =	veq.s32 v56, $0x1  }
0xf7: {  	vm9 =	veq.s32 v56, $0x38;
	v2 =	vnsel vm1, $0x0, v55;
	vm8 =	vmand vm5, vm7  }
0xf8: {  	vm11 =	veq.s32 v56, $0x39;
	vm10 =	vmand vm5, vm9;
	[tilespmem:s30+$0x8C10] =	vst v2;
	v2 =	vnsel vm8, $0x0, v55  }
0xf9: {  	vm0 =	vmand vm5, vm11;
	[tilespmem:s30+$0x8C90] =	vst v2;
	v2 =	vnsel vm10, $0x0, v55  }
0xfa: {  	[tilespmem:s30+$0xA810] =	vst v2;
	v2 =	vnsel vm0, $0x0, v55  }
0xfb: {  	[tilespmem:s30+$0xA890] =	vst v2  }
0xfc: {  	v2 =	vld [tilespmem:s23+$0xFFFFFFF0]  }
0xfd: {  	v3 =	vld [tilespmem:s1+$0xFFFFFFD0];
	_ =	sdelay $0x1  }
0xfe: {  	v57 =	vld [tilespmem:s21+$0xFFFFFFF0];
	_ =	sdelay $0x2  }
0xff: {  	v58 =	vsub.s32 v3, v5;
	vm12 =	veq.s32 v2, v1;
	vm13 =	veq.s32 v3, s22  }
0x100: {  	vm1 =	vmand vm12, vm13;
	vm14 =	veq.s32 v58, $0x1  }
0x101: {  	vm4 =	veq.s32 v58, $0x38;
	v2 =	vnsel vm1, $0x0, v57;
	vm15 =	vmand vm12, vm14  }
0x102: {  	vm6 =	veq.s32 v58, $0x39;
	vm5 =	vmand vm12, vm4;
	[tilespmem:s30+$0x8C20] =	vst v2;
	v2 =	vnsel vm15, $0x0, v57  }
0x103: {  	vm0 =	vmand vm12, vm6;
	[tilespmem:s30+$0x8CA0] =	vst v2;
	v2 =	vnsel vm5, $0x0, v57  }
0x104: {  	[tilespmem:s30+$0xA820] =	vst v2;
	v2 =	vnsel vm0, $0x0, v57  }
0x105: {  	[tilespmem:s30+$0xA8A0] =	vst v2  }
0x106: {  	v2 =	vld [tilespmem:s23+$0x0]  }
0x107: {  	v3 =	vld [tilespmem:s1+$0xFFFFFFE0];
	_ =	sdelay $0x1  }
0x108: {  	v59 =	vld [tilespmem:s21+$0x0];
	_ =	sdelay $0x2  }
0x109: {  	v60 =	vsub.s32 v3, v5;
	vm7 =	veq.s32 v2, v1;
	vm8 =	veq.s32 v3, s22  }
0x10a: {  	vm1 =	vmand vm7, vm8;
	vm9 =	veq.s32 v60, $0x1  }
0x10b: {  	vm11 =	veq.s32 v60, $0x38;
	v2 =	vnsel vm1, $0x0, v59;
	vm10 =	vmand vm7, vm9  }
0x10c: {  	vm13 =	veq.s32 v60, $0x39;
	vm12 =	vmand vm7, vm11;
	[tilespmem:s30+$0x8C30] =	vst v2;
	v2 =	vnsel vm10, $0x0, v59  }
0x10d: {  	vm0 =	vmand vm7, vm13;
	[tilespmem:s30+$0x8CB0] =	vst v2;
	v2 =	vnsel vm12, $0x0, v59  }
0x10e: {  	[tilespmem:s30+$0xA830] =	vst v2;
	v2 =	vnsel vm0, $0x0, v59  }
0x10f: {  	[tilespmem:s30+$0xA8B0] =	vst v2  }
0x110: {  	v2 =	vld [tilespmem:s23+$0x10]  }
0x111: {  	v3 =	vld [tilespmem:s1+$0xFFFFFFF0];
	_ =	sdelay $0x1  }
0x112: {  	v61 =	vld [tilespmem:s21+$0x10];
	_ =	sdelay $0x2  }
0x113: {  	v62 =	vsub.s32 v3, v5;
	vm14 =	veq.s32 v2, v1;
	vm15 =	veq.s32 v3, s22  }
0x114: {  	vm1 =	vmand vm14, vm15;
	vm4 =	veq.s32 v62, $0x1  }
0x115: {  	vm6 =	veq.s32 v62, $0x38;
	v2 =	vnsel vm1, $0x0, v61;
	vm5 =	vmand vm14, vm4  }
0x116: {  	vm8 =	veq.s32 v62, $0x39;
	vm7 =	vmand vm14, vm6;
	[tilespmem:s30+$0x8C40] =	vst v2;
	v2 =	vnsel vm5, $0x0, v61  }
0x117: {  	vm0 =	vmand vm14, vm8;
	[tilespmem:s30+$0x8CC0] =	vst v2;
	v2 =	vnsel vm7, $0x0, v61  }
0x118: {  	[tilespmem:s30+$0xA840] =	vst v2;
	v2 =	vnsel vm0, $0x0, v61  }
0x119: {  	[tilespmem:s30+$0xA8C0] =	vst v2  }
0x11a: {  	v2 =	vld [tilespmem:s23+$0x20]  }
0x11b: {  	v3 =	vld [tilespmem:s1+$0x0];
	_ =	sdelay $0x1  }
0x11c: {  	v63 =	vld [tilespmem:s21+$0x20];
	_ =	sdelay $0x2  }
0x11d: {  	v5 =	vsub.s32 v3, v5;
	vm9 =	veq.s32 v2, v1;
	vm10 =	veq.s32 v3, s22  }
0x11e: {  	p1 =	sne.s32 s24, $0x6C00;
	vm1 =	vmand vm9, vm10;
	vm11 =	veq.s32 v5, $0x1  }
.Ltmp1:
0x11f: {  	vm13 =	veq.s32 v5, $0x38;
	v2 =	vnsel vm1, $0x0, v63;
	vm12 =	vmand vm9, vm11;
	(pc) =	sbr.rel @p1 .LBB2_5-.Ltmp1, $4  }
0x120: {  	vm15 =	veq.s32 v5, $0x39;
	vm14 =	vmand vm9, vm13;
	[tilespmem:s30+$0x8C50] =	vst v2;
	v2 =	vnsel vm12, $0x0, v63  }
0x121: {  	vm0 =	vmand vm9, vm15;
	v3 =	vnsel vm14, $0x0, v63;
	[tilespmem:s30+$0x8CD0] =	vst v2  }
0x122: {  	s20 =	sadd.s32 $0x60, s20;
	s24 =	sadd.s32 $0x400, s24;
	s1 =	sadd.s32 $0x60, s1;
	[tilespmem:s30+$0xA850] =	vst v3;
	v2 =	vnsel vm0, $0x0, v63  }
0x123: {  	s21 =	sadd.s32 $0x60, s21;
	s23 =	sadd.s32 $0x60, s23;
	s22 =	sadd.s32 $0x2, s22;
	[tilespmem:s30+$0xA8D0] =	vst v2  }
0x124: {  	s0 =	smul.u32 $0x38, s0;
	_ =	sdelay $0x1  }
0x125: {  	s1 =	sadd.s32 s9, s0  }
0x126: {  	s1 =	smul.u32 $0x3800, s1;
	_ =	sdelay $0x1  }
0x127: {  	s20 =	simm.s32 $0x5400;
	s25 =	sshrl.u32 s1, $0x3  }
0x128: {  	s28 =	smin.u32 s11, $0x1BD;
	s1 =	sadd.s32 $0x62000, s1;
	s9 =	sadd.s32 s2, s25  }
0x129: {  	[hbm4b:s9+s3] =	stream.linear.scatter [tilespmem:s20], [sflag:$0x3], $0x3800, $0x38;
	[tilespmem:$0x13400] =	vst v63  }
0x12a: {  	s1 =	sshrl.u32 s1, $0x3;
	s9 =	sadd.s32 $0x2, s28  }
0x12b: {  	s21 =	simm.s32 $0x8C00;
	s1 =	sadd.s32 s2, s1;
	s31 =	smulhi.u32 $0x924924A, s9  }
0x12c: {  	[hbm4b:s1+s3] =	stream.linear.scatter [tilespmem:s21], [sflag:$0x3], $0x3800, $0x38;
	[tilespmem:$0x13400] =	vst v63  }
0x12d: {  	s22 =	sand.u32 $0x7, s31  }
0x12e: {  	p1 =	slt.u32 s11, $0x1A;
	p2 =	sne.s32 s22, $0x0  }
0x12f: {  	p1 =	por !p1, !p2  }
0x130: {  	s11 =	simm.s32 $0x1;
	s23 =	smulhi.u32 $0x124924A, s9;
	p1 =	por !p1, !p1  }
0x131: {  	s11 =	simm.s32 @!p1 $0x0  }
0x132: {  	s24 =	smul.u32 $0xFFFFFFE4, s31;
	s1 =	ssub.s32 s23, s11  }
0x133: {  	s11 =	smul.u32 $0x1C, s1  }
0x134: {  	s9 =	sadd.s32 s9, s24  }
0x135: {  	s25 =	sshll.u32 s1, $0x3;
	s11 =	sadd.s32 s9, s11  }
0x136: {  	s20 =	smul.u32 $0x12600, s31;
	s21 =	ssub.s32 s31, s25;
	s11 =	sshll.u32 s11, $0x3  }
0x137: {  	s22 =	smul.u32 $0xA80, s9;
	s11 =	sadd.s32 s21, s11;
	s21 =	sshll.u32 s21, $0x2  }
0x138: {  	s11 =	smul.u32 $0xA80, s11;
	s1 =	sadd.s32 s1, s21  }
0x139: {  	s1 =	smul.u32 $0x1C, s1  }
0x13a: {  	s20 =	sadd.s32 s20, s22;
	s11 =	sshrl.u32 s11, $0x3  }
0x13b: {  	s28 =	sshrl.u32 s20, $0x3;
	s11 =	sadd.s32 s5, s11;
	s1 =	sadd.s32 s9, s1  }
0x13c: {  	[tilespmem:s3], [sflag:$0x1] =	stream.linear.gather [hbm4b:s11+s3], $0xA80, $0x38;
	[tilespmem:$0x13400] =	vst v63  }
0x13d: {  	s9 =	sadd.s32 s6, s28;
	s1 =	smul.u32 $0xA80, s1  }
0x13e: {  	[tilespmem:s17], [sflag:$0x1] =	stream.linear.gather [hbm4b:s9+s3], $0xA80, $0x38;
	[tilespmem:$0x13400] =	vst v63  }
0x13f: {  	s31 =	sshrl.u32 s1, $0x3;
	s1 =	sadd.s32 $0x24C00, s1  }
0x140: {  	s9 =	sadd.s32 s7, s31;
	s1 =	sshrl.u32 s1, $0x3  }
0x141: {  	[tilespmem:s18], [sflag:$0x1] =	stream.linear.gather [hbm4b:s9+s3], $0xA80, $0x38;
	[tilespmem:$0x13400] =	vst v63  }
0x142: {  	s1 =	sadd.s32 s7, s1  }
0x143: {  	[tilespmem:s19], [sflag:$0x1] =	stream.linear.gather [hbm4b:s1+s3], $0xA80, $0x38;
	[tilespmem:$0x13400] =	vst v63  }
0x144: {  	_ =	swait.ge [sflag:s26], $0xA80  }
0x145: {  	[sflag:s26] =	ssyncset.done $0x0  }
0x146: {  	[sflag:s26] =	ssyncadd.s32 $0xFFFFF580  }
0x147: {  	_ =	swait.ge [sflag:s26], $0xA80  }
0x148: {  	[sflag:s26] =	ssyncset.done $0x0  }
0x149: {  	[sflag:s26] =	ssyncadd.s32 $0xFFFFF580  }
0x14a: {  	_ =	swait.ge [sflag:s26], $0xA80  }
0x14b: {  	[sflag:s26] =	ssyncset.done $0x0  }
0x14c: {  	[sflag:s26] =	ssyncadd.s32 $0xFFFFF580  }
0x14d: {  	_ =	swait.ge [sflag:s26], $0xA80  }
0x14e: {  	[sflag:s26] =	ssyncset.done $0x0  }
0x14f: {  	s1 =	simm.s32 @!p0 $0x4;
	[sflag:s26] =	ssyncadd.s32 $0xFFFFF580  }
0x150: {  	_ =	swait.ge @!p0 [sflag:s1], $0x3800  }
0x151: {  	s30 =	simm.s32 $0x0;
	[sflag:s1] =	ssyncset.done @!p0 $0x0  }
0x152: {  	s24 =	smov.u32 s14;
	s22 =	simm.s32 $0x0;
	[sflag:s1] =	ssyncadd.s32 @!p0 $0xFFFFC800  }
0x153: {  	s23 =	simm.s32 $0x0;
	s20 =	simm.s32 $0x1FD0;
	_ =	swait.ge @!p0 [sflag:s1], $0x3800  }
0x154: {  	s21 =	simm.s32 $0xAD0;
	s11 =	simm.s32 $0x1FD0;
	[sflag:s1] =	ssyncset.done @!p0 $0x0  }
0x155: {  	s9 =	simm.s32 $0xAD0;
	[sflag:s1] =	ssyncadd.s32 @!p0 $0xFFFFC800;
	s1 =	simm.s32 $0x3F50  }
.LBB2_7:
0x156: {  	s25 =	sand.u32 $0xFE0, s22  }
0x157: {  	v2 =	vld [tilespmem:s25+$0x1F80]  }
0x158: {  	v3 =	vld [tilespmem:s25+$0x3F00];
	_ =	sdelay $0x1  }
0x159: {  	v4 =	vld [tilespmem:s25+$0xA80];
	_ =	sdelay $0x1  }
0x15a: {  	v5 =	vmov s24  }
0x15b: {  	v6 =	vsub.s32 v3, v5;
	vm0 =	veq.s32 v2, v0;
	vm1 =	veq.s32 v3, s24  }
0x15c: {  	vm1 =	vmand vm0, vm1;
	vm2 =	veq.s32 v6, $0x1  }
0x15d: {  	s31 =	sshra.s32 s23, $0x2;
	vm14 =	veq.s32 v6, $0x38;
	v2 =	vnsel vm1, $0x0, v4;
	vm13 =	vmand vm0, vm2  }
0x15e: {  	vm4 =	veq.s32 v6, $0x39;
	vm15 =	vmand vm0, vm14;
	[tilespmem:s31+$0xC400] =	vst v2;
	v2 =	vnsel vm13, $0x0, v4  }
0x15f: {  	vm0 =	vmand vm0, vm4;
	[tilespmem:s31+$0xC480] =	vst v2;
	v2 =	vnsel vm15, $0x0, v4  }
0x160: {  	[tilespmem:s31+$0xE000] =	vst v2;
	v2 =	vnsel vm0, $0x0, v4  }
0x161: {  	[tilespmem:s31+$0xE080] =	vst v2  }
0x162: {  	v2 =	vld [tilespmem:s20+$0xFFFFFFC0]  }
0x163: {  	v3 =	vld [tilespmem:s1+$0xFFFFFFC0];
	_ =	sdelay $0x1  }
0x164: {  	v55 =	vld [tilespmem:s21+$0xFFFFFFC0];
	_ =	sdelay $0x2  }
0x165: {  	v56 =	vsub.s32 v3, v5;
	vm5 =	veq.s32 v2, v0;
	vm6 =	veq.s32 v3, s24  }
0x166: {  	vm1 =	vmand vm5, vm6;
	vm7 =	veq.s32 v56, $0x1  }
0x167: {  	vm9 =	veq.s32 v56, $0x38;
	v2 =	vnsel vm1, $0x0, v55;
	vm8 =	vmand vm5, vm7  }
0x168: {  	vm11 =	veq.s32 v56, $0x39;
	vm10 =	vmand vm5, vm9;
	[tilespmem:s31+$0xC410] =	vst v2;
	v2 =	vnsel vm8, $0x0, v55  }
0x169: {  	vm0 =	vmand vm5, vm11;
	[tilespmem:s31+$0xC490] =	vst v2;
	v2 =	vnsel vm10, $0x0, v55  }
0x16a: {  	[tilespmem:s31+$0xE010] =	vst v2;
	v2 =	vnsel vm0, $0x0, v55  }
0x16b: {  	[tilespmem:s31+$0xE090] =	vst v2  }
0x16c: {  	v2 =	vld [tilespmem:s20+$0xFFFFFFD0]  }
0x16d: {  	v3 =	vld [tilespmem:s1+$0xFFFFFFD0];
	_ =	sdelay $0x1  }
0x16e: {  	v57 =	vld [tilespmem:s21+$0xFFFFFFD0];
	_ =	sdelay $0x2  }
0x16f: {  	v58 =	vsub.s32 v3, v5;
	vm12 =	veq.s32 v2, v0;
	vm13 =	veq.s32 v3, s24  }
0x170: {  	vm1 =	vmand vm12, vm13;
	vm14 =	veq.s32 v58, $0x1  }
0x171: {  	vm4 =	veq.s32 v58, $0x38;
	v2 =	vnsel vm1, $0x0, v57;
	vm15 =	vmand vm12, vm14  }
0x172: {  	vm6 =	veq.s32 v58, $0x39;
	vm5 =	vmand vm12, vm4;
	[tilespmem:s31+$0xC420] =	vst v2;
	v2 =	vnsel vm15, $0x0, v57  }
0x173: {  	vm0 =	vmand vm12, vm6;
	[tilespmem:s31+$0xC4A0] =	vst v2;
	v2 =	vnsel vm5, $0x0, v57  }
0x174: {  	[tilespmem:s31+$0xE020] =	vst v2;
	v2 =	vnsel vm0, $0x0, v57  }
0x175: {  	[tilespmem:s31+$0xE0A0] =	vst v2  }
0x176: {  	v2 =	vld [tilespmem:s20+$0xFFFFFFE0]  }
0x177: {  	v3 =	vld [tilespmem:s1+$0xFFFFFFE0];
	_ =	sdelay $0x1  }
0x178: {  	v59 =	vld [tilespmem:s21+$0xFFFFFFE0];
	_ =	sdelay $0x2  }
0x179: {  	v60 =	vsub.s32 v3, v5;
	vm7 =	veq.s32 v2, v0;
	vm8 =	veq.s32 v3, s24  }
0x17a: {  	vm1 =	vmand vm7, vm8;
	vm9 =	veq.s32 v60, $0x1  }
0x17b: {  	vm11 =	veq.s32 v60, $0x38;
	v2 =	vnsel vm1, $0x0, v59;
	vm10 =	vmand vm7, vm9  }
0x17c: {  	vm13 =	veq.s32 v60, $0x39;
	vm12 =	vmand vm7, vm11;
	[tilespmem:s31+$0xC430] =	vst v2;
	v2 =	vnsel vm10, $0x0, v59  }
0x17d: {  	vm0 =	vmand vm7, vm13;
	[tilespmem:s31+$0xC4B0] =	vst v2;
	v2 =	vnsel vm12, $0x0, v59  }
0x17e: {  	[tilespmem:s31+$0xE030] =	vst v2;
	v2 =	vnsel vm0, $0x0, v59  }
0x17f: {  	[tilespmem:s31+$0xE0B0] =	vst v2  }
0x180: {  	v2 =	vld [tilespmem:s20+$0xFFFFFFF0]  }
0x181: {  	v3 =	vld [tilespmem:s1+$0xFFFFFFF0];
	_ =	sdelay $0x1  }
0x182: {  	v61 =	vld [tilespmem:s21+$0xFFFFFFF0];
	_ =	sdelay $0x2  }
0x183: {  	v62 =	vsub.s32 v3, v5;
	vm14 =	veq.s32 v2, v0;
	vm15 =	veq.s32 v3, s24  }
0x184: {  	vm1 =	vmand vm14, vm15;
	vm4 =	veq.s32 v62, $0x1  }
0x185: {  	vm6 =	veq.s32 v62, $0x38;
	v2 =	vnsel vm1, $0x0, v61;
	vm5 =	vmand vm14, vm4  }
0x186: {  	vm8 =	veq.s32 v62, $0x39;
	vm7 =	vmand vm14, vm6;
	[tilespmem:s31+$0xC440] =	vst v2;
	v2 =	vnsel vm5, $0x0, v61  }
0x187: {  	vm0 =	vmand vm14, vm8;
	[tilespmem:s31+$0xC4C0] =	vst v2;
	v2 =	vnsel vm7, $0x0, v61  }
0x188: {  	[tilespmem:s31+$0xE040] =	vst v2;
	v2 =	vnsel vm0, $0x0, v61  }
0x189: {  	[tilespmem:s31+$0xE0C0] =	vst v2  }
0x18a: {  	v2 =	vld [tilespmem:s20+$0x0]  }
0x18b: {  	v3 =	vld [tilespmem:s1+$0x0];
	_ =	sdelay $0x1  }
0x18c: {  	v63 =	vld [tilespmem:s21+$0x0];
	_ =	sdelay $0x2  }
0x18d: {  	v5 =	vsub.s32 v3, v5;
	vm9 =	veq.s32 v2, v0;
	vm10 =	veq.s32 v3, s24  }
0x18e: {  	p0 =	sne.s32 s23, $0x6C00;
	vm1 =	vmand vm9, vm10;
	vm11 =	veq.s32 v5, $0x1  }
.Ltmp2:
0x18f: {  	vm13 =	veq.s32 v5, $0x38;
	v2 =	vnsel vm1, $0x0, v63;
	vm12 =	vmand vm9, vm11;
	(pc) =	sbr.rel @p0 .LBB2_7-.Ltmp2, $4  }
0x190: {  	vm15 =	veq.s32 v5, $0x39;
	vm14 =	vmand vm9, vm13;
	[tilespmem:s31+$0xC450] =	vst v2;
	v2 =	vnsel vm12, $0x0, v63  }
0x191: {  	vm0 =	vmand vm9, vm15;
	v3 =	vnsel vm14, $0x0, v63;
	[tilespmem:s31+$0xC4D0] =	vst v2  }
0x192: {  	s22 =	sadd.s32 $0x60, s22;
	s23 =	sadd.s32 $0x400, s23;
	s1 =	sadd.s32 $0x60, s1;
	[tilespmem:s31+$0xE050] =	vst v3;
	v2 =	vnsel vm0, $0x0, v63  }
0x193: {  	s21 =	sadd.s32 $0x60, s21;
	s20 =	sadd.s32 $0x60, s20;
	s24 =	sadd.s32 $0x2, s24;
	[tilespmem:s31+$0xE0D0] =	vst v2  }
0x194: {  	s1 =	sand.u32 $0xFE0, s30  }
0x195: {  	v2 =	vld [tilespmem:s1+$0x4980]  }
0x196: {  	v3 =	vld [tilespmem:s1+$0x1F80];
	_ =	sdelay $0x1  }
0x197: {  	v4 =	vld [tilespmem:s1+$0xA80];
	_ =	sdelay $0x1  }
0x198: {  	v0 =	vmov s14  }
0x199: {  	v5 =	vsub.s32 v2, v0;
	vm0 =	veq.s32 v3, v1;
	vm1 =	veq.s32 v2, s14  }
0x19a: {  	vm2 =	veq.s32 v5, $0x1;
	vm1 =	vmand vm0, vm1  }
0x19b: {  	s31 =	simm.s32 $0x0;
	vm3 =	veq.s32 v5, $0x39;
	vm2 =	vmand vm0, vm2;
	v2 =	vnsel vm1, $0x0, v4  }
0x19c: {  	vm9 =	veq.s32 v5, $0x38;
	vm10 =	vmand vm0, vm3;
	v3 =	vnsel vm2, $0x0, v4;
	[tilespmem:s31+$0xFC00] =	vst v2  }
0x19d: {  	vm0 =	vmand vm0, vm9;
	v2 =	vnsel vm10, $0x0, v4;
	[tilespmem:s31+$0xFC80] =	vst v3  }
0x19e: {  	v3 =	vnsel vm0, $0x0, v4;
	[tilespmem:s31+$0x11880] =	vst v2  }
0x19f: {  	s1 =	simm.s32 $0x49D0;
	[tilespmem:s31+$0x11800] =	vst v3  }
0x1a0: {  	v2 =	vld [tilespmem:s1+$0xFFFFFFC0]  }
0x1a1: {  	v3 =	vld [tilespmem:s11+$0xFFFFFFC0];
	_ =	sdelay $0x1  }
0x1a2: {  	v4 =	vld [tilespmem:s9+$0xFFFFFFC0];
	_ =	sdelay $0x1  }
0x1a3: {  	v5 =	vsub.s32 v2, v0  }
0x1a4: {  	vm11 =	veq.s32 v3, v1;
	vm12 =	veq.s32 v5, $0x1  }
0x1a5: {  	vm13 =	veq.s32 v5, $0x38;
	vm1 =	vmand vm11, vm12  }
0x1a6: {  	vm14 =	veq.s32 v2, s14;
	vm2 =	vmand vm11, vm13;
	v2 =	vnsel vm1, $0x0, v4  }
0x1a7: {  	vm15 =	veq.s32 v5, $0x39;
	vm4 =	vmand vm11, vm14;
	v3 =	vnsel vm2, $0x0, v4;
	[tilespmem:s31+$0xFC90] =	vst v2  }
0x1a8: {  	vm0 =	vmand vm11, vm15;
	v2 =	vnsel vm4, $0x0, v4;
	[tilespmem:s31+$0x11810] =	vst v3  }
0x1a9: {  	v3 =	vnsel vm0, $0x0, v4;
	[tilespmem:s31+$0xFC10] =	vst v2  }
0x1aa: {  	[tilespmem:s31+$0x11890] =	vst v3  }
0x1ab: {  	v2 =	vld [tilespmem:s1+$0xFFFFFFD0]  }
0x1ac: {  	v3 =	vld [tilespmem:s11+$0xFFFFFFD0];
	_ =	sdelay $0x1  }
0x1ad: {  	v4 =	vld [tilespmem:s9+$0xFFFFFFD0];
	_ =	sdelay $0x2  }
0x1ae: {  	v5 =	vsub.s32 v2, v0;
	vm6 =	veq.s32 v3, v1;
	vm7 =	veq.s32 v2, s14  }
0x1af: {  	vm5 =	veq.s32 v5, $0x1;
	vm2 =	vmand vm6, vm7  }
0x1b0: {  	vm8 =	veq.s32 v5, $0x38;
	vm0 =	vmand vm6, vm5;
	v3 =	vnsel vm2, $0x0, v4  }
0x1b1: {  	vm9 =	veq.s32 v5, $0x39;
	vm3 =	vmand vm6, vm8;
	v2 =	vnsel vm0, $0x0, v4;
	[tilespmem:s31+$0xFC20] =	vst v3  }
0x1b2: {  	vm0 =	vmand vm6, vm9;
	[tilespmem:s31+$0xFCA0] =	vst v2;
	v2 =	vnsel vm3, $0x0, v4  }
0x1b3: {  	v3 =	vnsel vm0, $0x0, v4;
	[tilespmem:s31+$0x11820] =	vst v2  }
0x1b4: {  	[tilespmem:s31+$0x118A0] =	vst v3  }
0x1b5: {  	v2 =	vld [tilespmem:s1+$0xFFFFFFE0]  }
0x1b6: {  	v3 =	vld [tilespmem:s11+$0xFFFFFFE0];
	_ =	sdelay $0x1  }
0x1b7: {  	v4 =	vld [tilespmem:s9+$0xFFFFFFE0];
	_ =	sdelay $0x2  }
0x1b8: {  	v5 =	vsub.s32 v2, v0;
	vm10 =	veq.s32 v3, v1;
	vm11 =	veq.s32 v2, s14  }
0x1b9: {  	vm12 =	veq.s32 v5, $0x1;
	vm1 =	vmand vm10, vm11  }
0x1ba: {  	vm13 =	veq.s32 v5, $0x39;
	vm2 =	vmand vm10, vm12;
	v2 =	vnsel vm1, $0x0, v4  }
0x1bb: {  	vm14 =	veq.s32 v5, $0x38;
	vm15 =	vmand vm10, vm13;
	v3 =	vnsel vm2, $0x0, v4;
	[tilespmem:s31+$0xFC30] =	vst v2  }
0x1bc: {  	vm0 =	vmand vm10, vm14;
	v2 =	vnsel vm15, $0x0, v4;
	[tilespmem:s31+$0xFCB0] =	vst v3  }
0x1bd: {  	v3 =	vnsel vm0, $0x0, v4;
	[tilespmem:s31+$0x118B0] =	vst v2  }
0x1be: {  	[tilespmem:s31+$0x11830] =	vst v3  }
0x1bf: {  	v3 =	vld [tilespmem:s1+$0xFFFFFFF0];
	_ =	sdelay $0x1  }
0x1c0: {  	s22 =	simm.s32 $0x400;
	s23 =	simm.s32 $0xB30;
	v4 =	vld [tilespmem:s11+$0xFFFFFFF0]  }
0x1c1: {  	s24 =	simm.s32 $0x2030;
	s20 =	smov.u32 s14;
	s21 =	simm.s32 $0x49D0;
	v2 =	vld [tilespmem:s9+$0xFFFFFFF0]  }
.LBB2_9:
0x1c2: {  	s14 =	sadd.s32 $0x2, s14;
	s1 =	sadd.s32 $0x60, s1;
	s30 =	sadd.s32 $0x60, s30  }
0x1c3: {  	p0 =	sne.s32 s22, $0x6C00;
	s25 =	smov.u32 s22;
	s22 =	sadd.s32 $0x400, s22;
	v5 =	vsub.s32 v3, v0  }
0x1c4: {  	vm0 =	veq.s32 v5, $0x1;
	vm1 =	veq.s32 v5, $0x38;
	vm2 =	veq.s32 v5, $0x39  }
0x1c5: {  	vm4 =	veq.s32 v3, s20;
	vm3 =	veq.s32 v4, v1  }
0x1c6: {  	vm4 =	vmand vm3, vm4;
	vm0 =	vmand vm3, vm0;
	vm1 =	vmand vm3, vm1  }
0x1c7: {  	v3 =	vnsel vm4, $0x0, v2;
	v4 =	vnsel vm0, $0x0, v2;
	vm0 =	vmand vm3, vm2  }
0x1c8: {  	[tilespmem:s31+$0xFC40] =	vst v3;
	v3 =	vnsel vm1, $0x0, v2;
	v2 =	vnsel vm0, $0x0, v2  }
0x1c9: {  	[tilespmem:s31+$0xFCC0] =	vst v4  }
0x1ca: {  	[tilespmem:s31+$0x11840] =	vst v3  }
0x1cb: {  	[tilespmem:s31+$0x118C0] =	vst v2  }
0x1cc: {  	v2 =	vld [tilespmem:s21+$0x0];
	s21 =	smov.u32 s1  }
0x1cd: {  	v3 =	vld [tilespmem:s11+$0x0];
	s11 =	smov.u32 s24  }
0x1ce: {  	v4 =	vld [tilespmem:s9+$0x0];
	s9 =	smov.u32 s23;
	_ =	sdelay $0x2  }
0x1cf: {  	v0 =	vsub.s32 v2, v0;
	vm0 =	veq.s32 v2, s20;
	s20 =	smov.u32 s14  }
0x1d0: {  	vm1 =	veq.s32 v3, v1;
	vm2 =	veq.s32 v0, $0x1;
	vm3 =	veq.s32 v0, $0x38  }
0x1d1: {  	vm0 =	vmand vm1, vm0;
	vm2 =	vmand vm1, vm2;
	vm3 =	vmand vm1, vm3  }
0x1d2: {  	v2 =	vnsel vm2, $0x0, v4;
	v3 =	vnsel vm3, $0x0, v4;
	vm2 =	veq.s32 v0, $0x39  }
0x1d3: {  	v0 =	vnsel vm0, $0x0, v4;
	[tilespmem:s31+$0xFCD0] =	vst v2;
	vm0 =	vmand vm1, vm2  }
0x1d4: {  	[tilespmem:s31+$0xFC50] =	vst v0;
	v0 =	vnsel vm0, $0x0, v4  }
0x1d5: {  	[tilespmem:s31+$0x11850] =	vst v3  }
0x1d6: {  	s28 =	sand.u32 $0xFE0, s30;
	[tilespmem:s31+$0x118D0] =	vst v0  }
0x1d7: {  	v2 =	vld [tilespmem:s28+$0x4980]  }
0x1d8: {  	v3 =	vld [tilespmem:s28+$0x1F80];
	_ =	sdelay $0x2  }
0x1d9: {  	v0 =	vmov s14;
	v4 =	vld [tilespmem:s28+$0xA80]  }
0x1da: {  	v5 =	vsub.s32 v2, v0  }
0x1db: {  	vm0 =	veq.s32 v5, $0x1;
	vm1 =	veq.s32 v5, $0x38;
	vm2 =	veq.s32 v5, $0x39  }
0x1dc: {  	vm4 =	veq.s32 v2, s14;
	vm3 =	veq.s32 v3, v1  }
0x1dd: {  	vm4 =	vmand vm3, vm4;
	vm0 =	vmand vm3, vm0;
	vm1 =	vmand vm3, vm1  }
0x1de: {  	s31 =	sshra.s32 s25, $0x2;
	v2 =	vnsel vm4, $0x0, v4;
	v3 =	vnsel vm0, $0x0, v4;
	vm0 =	vmand vm3, vm2  }
0x1df: {  	[tilespmem:s31+$0xFC00] =	vst v2;
	v2 =	vnsel vm1, $0x0, v4;
	v4 =	vnsel vm0, $0x0, v4  }
0x1e0: {  	[tilespmem:s31+$0xFC80] =	vst v3  }
0x1e1: {  	[tilespmem:s31+$0x11880] =	vst v4  }
0x1e2: {  	[tilespmem:s31+$0x11800] =	vst v2  }
0x1e3: {  	v2 =	vld [tilespmem:s1+$0xFFFFFFC0]  }
0x1e4: {  	v3 =	vld [tilespmem:s24+$0xFFFFFFC0];
	_ =	sdelay $0x1  }
0x1e5: {  	v4 =	vld [tilespmem:s23+$0xFFFFFFC0];
	_ =	sdelay $0x1  }
0x1e6: {  	v5 =	vsub.s32 v2, v0;
	vm0 =	veq.s32 v2, s14  }
0x1e7: {  	vm1 =	veq.s32 v3, v1;
	vm2 =	veq.s32 v5, $0x1;
	vm3 =	veq.s32 v5, $0x38  }
0x1e8: {  	vm4 =	veq.s32 v5, $0x39;
	vm2 =	vmand vm1, vm2;
	vm3 =	vmand vm1, vm3  }
0x1e9: {  	v2 =	vnsel vm2, $0x0, v4;
	v3 =	vnsel vm3, $0x0, v4;
	vm2 =	vmand vm1, vm4  }
0x1ea: {  	vm0 =	vmand vm1, vm0;
	[tilespmem:s31+$0xFC90] =	vst v2;
	v2 =	vnsel vm2, $0x0, v4  }
0x1eb: {  	v4 =	vnsel vm0, $0x0, v4;
	[tilespmem:s31+$0x11810] =	vst v3  }
0x1ec: {  	[tilespmem:s31+$0xFC10] =	vst v4  }
0x1ed: {  	[tilespmem:s31+$0x11890] =	vst v2  }
0x1ee: {  	v2 =	vld [tilespmem:s1+$0xFFFFFFD0]  }
0x1ef: {  	v3 =	vld [tilespmem:s24+$0xFFFFFFD0]  }
0x1f0: {  	v4 =	vld [tilespmem:s23+$0xFFFFFFD0];
	_ =	sdelay $0x2  }
0x1f1: {  	v5 =	vsub.s32 v2, v0  }
0x1f2: {  	vm0 =	veq.s32 v5, $0x1;
	vm1 =	veq.s32 v5, $0x38;
	vm2 =	veq.s32 v5, $0x39  }
0x1f3: {  	vm4 =	veq.s32 v2, s14;
	vm3 =	veq.s32 v3, v1  }
0x1f4: {  	vm4 =	vmand vm3, vm4;
	vm0 =	vmand vm3, vm0;
	vm1 =	vmand vm3, vm1  }
0x1f5: {  	v2 =	vnsel vm4, $0x0, v4;
	v3 =	vnsel vm0, $0x0, v4;
	vm0 =	vmand vm3, vm2  }
0x1f6: {  	[tilespmem:s31+$0xFCA0] =	vst v3;
	v3 =	vnsel vm1, $0x0, v4;
	v4 =	vnsel vm0, $0x0, v4  }
0x1f7: {  	[tilespmem:s31+$0xFC20] =	vst v2  }
0x1f8: {  	[tilespmem:s31+$0x11820] =	vst v3  }
0x1f9: {  	[tilespmem:s31+$0x118A0] =	vst v4  }
0x1fa: {  	v2 =	vld [tilespmem:s1+$0xFFFFFFE0]  }
0x1fb: {  	v3 =	vld [tilespmem:s24+$0xFFFFFFE0];
	_ =	sdelay $0x2  }
0x1fc: {  	v4 =	vld [tilespmem:s23+$0xFFFFFFE0]  }
0x1fd: {  	v5 =	vsub.s32 v2, v0  }
0x1fe: {  	vm0 =	veq.s32 v5, $0x1;
	vm1 =	veq.s32 v5, $0x38;
	vm2 =	veq.s32 v5, $0x39  }
0x1ff: {  	vm4 =	veq.s32 v2, s14;
	vm3 =	veq.s32 v3, v1  }
0x200: {  	vm4 =	vmand vm3, vm4;
	vm0 =	vmand vm3, vm0;
	vm1 =	vmand vm3, vm1  }
0x201: {  	v2 =	vnsel vm4, $0x0, v4;
	v3 =	vnsel vm0, $0x0, v4;
	vm0 =	vmand vm3, vm2  }
0x202: {  	[tilespmem:s31+$0xFC30] =	vst v2;
	v2 =	vnsel vm1, $0x0, v4;
	v4 =	vnsel vm0, $0x0, v4  }
0x203: {  	[tilespmem:s31+$0xFCB0] =	vst v3  }
0x204: {  	[tilespmem:s31+$0x118B0] =	vst v4  }
.Ltmp3:
0x205: {  	[tilespmem:s31+$0x11830] =	vst v2;
	(pc) =	sbr.rel @p0 .LBB2_9-.Ltmp3, $4  }
0x206: {  	v3 =	vld [tilespmem:s1+$0xFFFFFFF0]  }
0x207: {  	v4 =	vld [tilespmem:s24+$0xFFFFFFF0]  }
0x208: {  	v2 =	vld [tilespmem:s23+$0xFFFFFFF0]  }
0x209: {  	s24 =	sadd.s32 $0x60, s24;
	s23 =	sadd.s32 $0x60, s23  }
0x20a: {  	_ =	sdelay $0x1  }
0x20b: {  	v5 =	vsub.s32 v3, v0;
	vm1 =	veq.s32 v3, s20;
	vm0 =	veq.s32 v4, v1  }
0x20c: {  	vm2 =	veq.s32 v5, $0x1;
	vm1 =	vmand vm0, vm1  }
0x20d: {  	vm3 =	veq.s32 v5, $0x38;
	vm2 =	vmand vm0, vm2;
	v55 =	vnsel vm1, $0x0, v2  }
0x20e: {  	vm9 =	veq.s32 v5, $0x39;
	vm3 =	vmand vm0, vm3;
	v56 =	vnsel vm2, $0x0, v2;
	[tilespmem:s31+$0xFC40] =	vst v55  }
0x20f: {  	vm0 =	vmand vm0, vm9;
	v57 =	vnsel vm3, $0x0, v2;
	[tilespmem:s31+$0xFCC0] =	vst v56  }
0x210: {  	v58 =	vnsel vm0, $0x0, v2;
	[tilespmem:s31+$0x11840] =	vst v57  }
0x211: {  	[tilespmem:s31+$0x118C0] =	vst v58  }
0x212: {  	v2 =	vld [tilespmem:s21+$0x0]  }
0x213: {  	v3 =	vld [tilespmem:s11+$0x0];
	_ =	sdelay $0x1  }
0x214: {  	v4 =	vld [tilespmem:s9+$0x0];
	_ =	sdelay $0x2  }
0x215: {  	v59 =	vsub.s32 v2, v0;
	vm10 =	veq.s32 v3, v1;
	vm12 =	veq.s32 v2, s20  }
0x216: {  	vm11 =	veq.s32 v59, $0x1;
	vm2 =	vmand vm10, vm12  }
0x217: {  	s0 =	sadd.s32 s13, s0;
	vm13 =	veq.s32 v59, $0x38;
	vm1 =	vmand vm10, vm11;
	v61 =	vnsel vm2, $0x0, v4  }
0x218: {  	s12 =	sadd.s32 $0x1, s12;
	s0 =	smul.u32 $0x3800, s0;
	vm15 =	veq.s32 v59, $0x39;
	vm14 =	vmand vm10, vm13;
	v60 =	vnsel vm1, $0x0, v4;
	[tilespmem:s31+$0xFC50] =	vst v61  }
0x219: {  	s15 =	sadd.s32 $0xE0, s15;
	p0 =	sne.s32 s12, $0x7;
	vm0 =	vmand vm10, vm15;
	v62 =	vnsel vm14, $0x0, v4;
	[tilespmem:s31+$0xFCD0] =	vst v60  }
.Ltmp4:
0x21a: {  	s1 =	sshrl.u32 s0, $0x3;
	s0 =	sadd.s32 $0x62000, s0;
	v63 =	vnsel vm0, $0x0, v4;
	[tilespmem:s31+$0x11850] =	vst v62;
	(pc) =	sbr.rel @p0 .LBB2_2-.Ltmp4, $4  }
0x21b: {  	s1 =	sadd.s32 s2, s1;
	s0 =	sshrl.u32 s0, $0x3;
	[tilespmem:s31+$0x118D0] =	vst v63;
	s31 =	simm.s32 $0xC400  }
0x21c: {  	[hbm4b:s1+s3] =	stream.linear.scatter [tilespmem:s31], [sflag:$0x4], $0x3800, $0x38;
	[tilespmem:$0x13400] =	vst v63  }
0x21d: {  	s10 =	sadd.s32 $0x2, s10;
	s16 =	sadd.s32 $0xE0, s16;
	s0 =	sadd.s32 s2, s0  }
0x21e: {  	[hbm4b:s0+s3] =	stream.linear.scatter [tilespmem:s29], [sflag:$0x4], $0x3800, $0x38;
	[tilespmem:$0x13400] =	vst v63  }
0x21f: {  	s0 =	simm.s32 $0x3  }
0x220: {  	_ =	swait.ge [sflag:s0], $0x3800  }
0x221: {  	[sflag:s0] =	ssyncset.done $0x0  }
0x222: {  	[sflag:s0] =	ssyncadd.s32 $0xFFFFC800  }
0x223: {  	_ =	swait.ge [sflag:s0], $0x3800  }
0x224: {  	[sflag:s0] =	ssyncset.done $0x0  }
0x225: {  	s30 =	simm.s32 $0x4;
	[sflag:s0] =	ssyncadd.s32 $0xFFFFC800  }
0x226: {  	_ =	swait.ge [sflag:s30], $0x3800  }
0x227: {  	[sflag:s30] =	ssyncset.done $0x0  }
0x228: {  	[sflag:s30] =	ssyncadd.s32 $0xFFFFC800  }
0x229: {  	_ =	swait.ge [sflag:s30], $0x3800  }
0x22a: {  	[sflag:s30] =	ssyncset.done $0x0  }
0x22b: {  	[sflag:s30] =	ssyncadd.s32 $0xFFFFC800  }
0x22c: {  	_ =	swait.ge [sflag:s8], $0xA80  }
0x22d: {  	[sflag:s8] =	ssyncset.done $0x0  }
0x22e: {  	[sflag:s8] =	ssyncadd.s32 $0xFFFFF580  }
0x22f: {  	_ =	swait.ge [sflag:s8], $0xA80  }
0x230: {  	[sflag:s8] =	ssyncset.done $0x0  }
0x231: {  	[sflag:s8] =	ssyncadd.s32 $0xFFFFF580  }
0x232: {  	_ =	swait.ge [sflag:s8], $0xA80  }
0x233: {  	[sflag:s8] =	ssyncset.done $0x0  }
0x234: {  	[sflag:s8] =	ssyncadd.s32 $0xFFFFF580  }
0x235: {  	_ =	swait.ge [sflag:s8], $0xA80  }
0x236: {  	s1 =	rddreg [dreg:$0xb]  }
0x237: {  	s31 =	rddreg [dreg:$0x8];
	s1 =	sadd.s32 $0x1, s1  }
0x238: {  	p0 =	sne.s32 s1, s31  }
.Ltmp5:
0x239: {  	_ = 	snop;
	(pc) =	sbr.rel @p0 .LBB2_1-.Ltmp5, $3  }
0x23a: {  	_ =	sdelay $0x1  }
0x23b: {  	[sflag:s8] =	ssyncset.done $0x0  }
0x23c: {  	[sflag:s8] =	ssyncadd.s32 $0xFFFFF580  }
0x23d: {  	_ =	sfence.sel $0x180000  }
0x23e: {  	[bflag:$0x0] =	sbarrier.arrive $0xFFFF  }
0x23f: {  	_ =	strace $0x90000047  }
0x240: {  	s0 =	stileid.u32;
	[bflag:$0x2] =	sbarrier.arrive $0xFFFF  }
0x241: {  	p0 =	sne.s32 s0, $0x0;
	s0 =	rddreg [dreg:$0x2]  }
0x242: {  	s0 =	sadd.s32 @!p0 $0x100000, s0  }
0x243: {  	[sflag:s0] =	ssyncadd.tile.s32 @!p0 $0x1;
	_ =	shalt  }
.Lfunc_end2:
_tile_overlayer_lowered:
.L_overlay_start_2:
0x244: {  	(tag) =	ssettag $0x2  }
0x245: {  	s0 =	rddreg [dreg:$0x0];
	s2 =	stileid.u32  }
0x246: {  	s1 =	rddreg [dreg:$0x1];
	p0 =	sne.s32 s2, $0x0  }
0x247: {  	s3 =	rddreg [dreg:$0x2];
	[bflag:$0x3] =	sbarrier.arrive $0xFFFF;
	s2 =	simm.s32 @!p0 $0x1C05  }
0x248: {  	[timem:s3], [sflag:s2] =	dma.local @!p0 [hbm:s0], s1  }
0x249: {  	s0 =	simm.s32 @!p0 $0x5  }
0x24a: {  	_ =	swait.ge @!p0 [sflag:s0], s1  }
0x24b: {  	s1 =	ssub.s32 @!p0 $0x0, s1;
	[sflag:s0] =	ssyncset.done @!p0 $0x0  }
0x24c: {  	[sflag:s0] =	ssyncadd.s32 @!p0 s1  }
0x24d: {  	[bflag:$0x3] =	sbarrier.arrive $0xFFFF  }
0x24e: {  	_ =	shalt  }

</sc_bundles>
